<compile_context>
chip_gen: v7x
topology: tpu7x:2x2x1
jax: 0.10.2.dev20260603
libtpu: 0.0.44.dev20260713+nightly
codegen_flags: <defaults>
</compile_context>

<pallas_src>
import functools

import jax
import jax.numpy as jnp
from jax import lax
from jax.experimental import pallas as pl
from jax.experimental.pallas import tpu as pltpu
from jax.experimental.pallas import tpu_sc as plsc

VOCAB = 1000000
D = 64
B = 1024
S = 200

NC = 2
NS = 16
NW = NC * NS
ROWS_PER_W = (B * S) // NW
CHUNK = 128
NCHUNK = ROWS_PER_W // CHUNK
NG = CHUNK // 16


def _pos_encoding() -> jax.Array:
    depth = D // 2
    positions = jnp.arange(S)[:, None].astype(jnp.float32)
    depths = jnp.arange(depth, dtype=jnp.float32)[None, :] / depth
    angle_rates = 1.0 / (10000.0 ** depths)
    angle_rads = positions * angle_rates
    pos = jnp.concatenate([jnp.sin(angle_rads), jnp.cos(angle_rads)], axis=-1)
    return pos.astype(jnp.float32)


def _sc_body(table_hbm, idx_hbm, pos_hbm, out_hbm,
             idx_v, pos_v, g0, g1, s0, s1,
             gsem0, gsem1, ssem0, ssem1):
    w = lax.axis_index("s") * NC + lax.axis_index("c")
    pltpu.sync_copy(idx_hbm.at[w], idx_v)
    pltpu.sync_copy(pos_hbm, pos_v)

    gbuf = (g0, g1)
    sbuf = (s0, s1)
    gsem = (gsem0, gsem1)
    ssem = (ssem0, ssem1)
    lane = lax.iota(jnp.int32, 16)

    def gather(c, j):
        @plsc.parallel_loop(0, NG, 1, unroll=2)
        def group(g):
            vec = idx_v[c, pl.ds(g * 16, 16)]
            vs = []
            for l in range(16):
                sel = jnp.where(lane == l, vec, 0)
                vs.append(lax.reduce_max(sel, axes=(0,)))
            for l in range(16):
                t = g * 16 + l
                pltpu.async_copy(table_hbm.at[pl.ds(vs[l], 1)],
                                 gbuf[j].at[pl.ds(t, 1)], gsem[j])

    def gather_wait(j):
        pltpu.make_async_copy(table_hbm.at[pl.ds(0, CHUNK)], gbuf[j],
                              gsem[j]).wait()

    def scatter(c, j):
        pltpu.async_copy(
            sbuf[j], out_hbm.at[pl.ds(w * ROWS_PER_W + c * CHUNK, CHUNK)],
            ssem[j])

    def scatter_wait(c, j):
        pltpu.make_async_copy(
            sbuf[j], out_hbm.at[pl.ds(w * ROWS_PER_W + c * CHUNK, CHUNK)],
            ssem[j]).wait()

    def compute(c, j):
        off = lax.rem(c * CHUNK, S)
        gb, sb = gbuf[j], sbuf[j]

        def row_body(s2, _):
            for u in range(2):
                s = s2 * 2 + u
                p = lax.rem(off + s, S)
                for d in range(D // 16):
                    sl = pl.ds(16 * d, 16)
                    sb[s, sl] = gb[s, sl] * 8.0 + pos_v[p, sl]
            return 0

        lax.fori_loop(0, CHUNK // 2, row_body, 0)

    gather(0, 0)
    gather(1, 1)

    def step(c2, _):
        for j in range(2):
            c = c2 * 2 + j
            gather_wait(j)

            @pl.when(c >= 2)
            def _():
                scatter_wait(c - 2, j)

            compute(c, j)

            @pl.when(c + 2 < NCHUNK)
            def _():
                gather(c + 2, j)

            scatter(c, j)
        return 0

    lax.fori_loop(0, NCHUNK // 2, step, 0)

    for j in range(2):
        scatter_wait(NCHUNK - 2 + j, j)


@jax.jit
def _embed(table, idx, pos):
    mesh = plsc.VectorSubcoreMesh(core_axis_name="c", subcore_axis_name="s")
    k = functools.partial(
        pl.kernel,
        out_type=jax.ShapeDtypeStruct((B * S, D), jnp.float32),
        mesh=mesh,
        scratch_types=[
            pltpu.VMEM((NCHUNK, CHUNK), jnp.int32),
            pltpu.VMEM((S, D), jnp.float32),
            pltpu.VMEM((CHUNK, D), jnp.float32),
            pltpu.VMEM((CHUNK, D), jnp.float32),
            pltpu.VMEM((CHUNK, D), jnp.float32),
            pltpu.VMEM((CHUNK, D), jnp.float32),
            pltpu.SemaphoreType.DMA,
            pltpu.SemaphoreType.DMA,
            pltpu.SemaphoreType.DMA,
            pltpu.SemaphoreType.DMA,
        ],
        compiler_params=pltpu.CompilerParams(needs_layout_passes=False),
    )(_sc_body)
    return k(table, idx, pos)


def kernel(sequences, table):
    idx = sequences.astype(jnp.int32).reshape(NW, NCHUNK, CHUNK)
    pos = _pos_encoding()
    out = _embed(table, idx, pos)
    return out.reshape(B, S, D)

# --- scband reference (transcript-rebuilt; emitter-appended) ---
"""Pipeline reference for scband-embedding-layer-72000831750653 (READ-ONLY COPY).

The authoritative reference and input builder live on the scoring server;
editing this copy changes nothing except your own understanding.
"""

import jax, jax.numpy as jnp
import numpy as np

VOCAB_SIZE = 1000000
D_MODEL = 64
BATCH = 1024
SEQ_LEN = 200


def positional_encoding(max_len, d_model):
    depth = d_model // 2
    positions = jnp.arange(max_len)[:, None].astype(jnp.float32)
    depths = (jnp.arange(depth, dtype=jnp.float32)[None, :]) / depth
    angle_rates = 1.0 / (10000.0 ** depths)
    angle_rads = positions * angle_rates
    pos_encoding = jnp.concatenate([jnp.sin(angle_rads), jnp.cos(angle_rads)], axis=-1)
    return pos_encoding.astype(jnp.float32)


def setup_inputs(seed: int = 0) -> dict:
    key = jax.random.key(seed)
    k1, k2 = jax.random.split(key)
    sequences = jax.random.randint(k1, (BATCH, SEQ_LEN), 0, VOCAB_SIZE, dtype=jnp.int64 if jax.config.jax_enable_x64 else jnp.int32)
    # nn.Embedding default init: N(0, 1)
    table = jax.random.normal(k2, (VOCAB_SIZE, D_MODEL), dtype=jnp.float32)
    return {"sequences": sequences, "table": table}


def reference(sequences, table):
    max_sequence_len = sequences.shape[1]
    output = jnp.take(table, sequences, axis=0)
    output = output * jnp.sqrt(jnp.asarray(D_MODEL, dtype=jnp.float32))
    pos = positional_encoding(max_sequence_len, D_MODEL)
    output = output + pos
    # axis == -1: no transpose
    return output

if __name__ == "__main__":
    import jax
    _d = setup_inputs()
    print(jax.jit(kernel)(*tuple(_d.values())))

</pallas_src>

<mosaic_0001>
#map = affine_map<(d0, d1) -> (0, 0)>
#map1 = affine_map<(d0, d1) -> (0, 0, 0)>
module attributes {stable_mosaic.version = 14 : i64} {
  func.func @_sc_body(%arg0: i32, %arg1: i32, %arg2: memref<1000000x64xf32, #tpu.memory_space<hbm>>, %arg3: memref<32x50x128xi32, #tpu.memory_space<hbm>>, %arg4: memref<200x64xf32, #tpu.memory_space<hbm>>, %arg5: memref<204800x64xf32, #tpu.memory_space<hbm>>, %arg6: memref<50x128xi32, #tpu.memory_space<vmem>>, %arg7: memref<200x64xf32, #tpu.memory_space<vmem>>, %arg8: memref<128x64xf32, #tpu.memory_space<vmem>>, %arg9: memref<128x64xf32, #tpu.memory_space<vmem>>, %arg10: memref<128x64xf32, #tpu.memory_space<vmem>>, %arg11: memref<128x64xf32, #tpu.memory_space<vmem>>, %arg12: memref<!tpu.dma_semaphore, #tpu.memory_space<semaphore_mem>>, %arg13: memref<!tpu.dma_semaphore, #tpu.memory_space<semaphore_mem>>, %arg14: memref<!tpu.dma_semaphore, #tpu.memory_space<semaphore_mem>>, %arg15: memref<!tpu.dma_semaphore, #tpu.memory_space<semaphore_mem>>) attributes {dimension_semantics = [#tpu.dimension_semantics<core_parallel>, #tpu.dimension_semantics<subcore_parallel>], iteration_bounds = array<i64: 2, 16>, scalar_prefetch = 0 : i64, scratch_operands = 10 : i64, tpu.core_type = #tpu.core_type<sc_vector_subcore>, window_params = [{transform_indices = #map}, {transform_indices = #map1}, {transform_indices = #map}, {transform_indices = #map}]} {
    %mul3A = arith.constant 2 : i32
    %mul3A_0 = arith.muli %arg1, %mul3A : i32
    %add3A = arith.addi %mul3A_0, %arg0 : i32
    "tpu.region"() ({
      %run_scoped3A = tpu.sem_alloc : memref<!tpu.dma_semaphore, #tpu.memory_space<semaphore_mem>>
      %dma_start3A = arith.constant 0 : i32
      %dma_start3A_27 = arith.constant 0 : i32
      %dma_start3A_28 = tpu.memref_slice %arg3[%add3A, %dma_start3A, %dma_start3A_27] : memref<32x50x128xi32, #tpu.memory_space<hbm>> -> memref<1x50x128xi32, #tpu.memory_space<hbm>>
      %dma_start3A_29 = tpu.memref_squeeze %dma_start3A_28 : memref<1x50x128xi32, #tpu.memory_space<hbm>> -> memref<50x128xi32, #tpu.memory_space<hbm>>
      %dma_start3A_30 = arith.constant 0 : i32
      %dma_start3A_31 = arith.constant 0 : i32
      %dma_start3A_32 = tpu.memref_slice %arg3[%add3A, %dma_start3A_30, %dma_start3A_31] : memref<32x50x128xi32, #tpu.memory_space<hbm>> -> memref<1x50x128xi32, #tpu.memory_space<hbm>>
      %dma_start3A_33 = tpu.memref_squeeze %dma_start3A_32 : memref<1x50x128xi32, #tpu.memory_space<hbm>> -> memref<50x128xi32, #tpu.memory_space<hbm>>
      tpu.enqueue_dma source(%dma_start3A_33 : memref<50x128xi32, #tpu.memory_space<hbm>>) target(%arg6 : memref<50x128xi32, #tpu.memory_space<vmem>>) target_semaphore(%run_scoped3A : memref<!tpu.dma_semaphore, #tpu.memory_space<semaphore_mem>>)
      %dma_wait3A_34 = arith.constant 0 : i32
      %dma_wait3A_35 = arith.constant 0 : i32
      %dma_wait3A_36 = tpu.memref_slice %arg3[%add3A, %dma_wait3A_34, %dma_wait3A_35] : memref<32x50x128xi32, #tpu.memory_space<hbm>> -> memref<1x50x128xi32, #tpu.memory_space<hbm>>
      %dma_wait3A_37 = tpu.memref_squeeze %dma_wait3A_36 : memref<1x50x128xi32, #tpu.memory_space<hbm>> -> memref<50x128xi32, #tpu.memory_space<hbm>>
      %dma_wait3A_38 = arith.constant 0 : i32
      %dma_wait3A_39 = arith.constant 0 : i32
      %dma_wait3A_40 = tpu.memref_slice %arg3[%add3A, %dma_wait3A_38, %dma_wait3A_39] : memref<32x50x128xi32, #tpu.memory_space<hbm>> -> memref<1x50x128xi32, #tpu.memory_space<hbm>>
      %dma_wait3A_41 = tpu.memref_squeeze %dma_wait3A_40 : memref<1x50x128xi32, #tpu.memory_space<hbm>> -> memref<50x128xi32, #tpu.memory_space<hbm>>
      tpu.wait_dma2 semaphore(%run_scoped3A : memref<!tpu.dma_semaphore, #tpu.memory_space<semaphore_mem>>) src(%dma_wait3A_41 : memref<50x128xi32, #tpu.memory_space<hbm>>) dst(%arg6 : memref<50x128xi32, #tpu.memory_space<vmem>>)
      tpu.yield
    }) : () -> ()
    "tpu.region"() ({
      %run_scoped3A = tpu.sem_alloc : memref<!tpu.dma_semaphore, #tpu.memory_space<semaphore_mem>>
      tpu.enqueue_dma source(%arg4 : memref<200x64xf32, #tpu.memory_space<hbm>>) target(%arg7 : memref<200x64xf32, #tpu.memory_space<vmem>>) target_semaphore(%run_scoped3A : memref<!tpu.dma_semaphore, #tpu.memory_space<semaphore_mem>>)
      tpu.wait_dma2 semaphore(%run_scoped3A : memref<!tpu.dma_semaphore, #tpu.memory_space<semaphore_mem>>) src(%arg4 : memref<200x64xf32, #tpu.memory_space<hbm>>) dst(%arg7 : memref<200x64xf32, #tpu.memory_space<vmem>>)
      tpu.yield
    }) : () -> ()
    %iota3A = tpu.iota {dimensions = array<i32: 0>} : vector<16xi32>
    %parallel_loop3A = arith.constant 0 : i32
    %parallel_loop3A_1 = arith.constant 8 : i32
    %parallel_loop3A_2 = arith.constant 1 : i32
    scf.for %parallel_loop3A_27 = %parallel_loop3A to %parallel_loop3A_1 step %parallel_loop3A_2  : i32 {
      %parallel_loop3A_28 = arith.constant 16 : i32
      %parallel_loop3A_29 = arith.muli %parallel_loop3A_27, %parallel_loop3A_28 : i32
      %parallel_loop3A_30 = arith.constant 0 : i32
      %parallel_loop3A_31 = arith.index_cast %parallel_loop3A_30 : i32 to index
      %parallel_loop3A_32 = arith.index_cast %parallel_loop3A_29 : i32 to index
      %parallel_loop3A_33 = tpu.vector_load %arg6[%parallel_loop3A_31, %parallel_loop3A_32] {strides = array<i32>} : memref<50x128xi32, #tpu.memory_space<vmem>>, vector<16xi32>,
      %parallel_loop3A_34 = arith.constant 0 : i32
      %parallel_loop3A_35 = vector.broadcast %parallel_loop3A_34 : i32 to vector<16xi32>
      %parallel_loop3A_36 = arith.cmpi eq, %iota3A, %parallel_loop3A_35 : vector<16xi32>
      %parallel_loop3A_37 = arith.constant 0 : i32
      %parallel_loop3A_38 = vector.broadcast %parallel_loop3A_37 : i32 to vector<16xi32>
      %parallel_loop3A_39 = arith.select %parallel_loop3A_36, %parallel_loop3A_33, %parallel_loop3A_38 : vector<16xi1>, vector<16xi32>
      %parallel_loop3A_40 = arith.constant true
      %parallel_loop3A_41 = vector.broadcast %parallel_loop3A_40 : i1 to vector<16xi1>
      %parallel_loop3A_42 = arith.constant -2147483648 : i32
      %parallel_loop3A_43 = vector.broadcast %parallel_loop3A_42 : i32 to vector<16xi32>
      %parallel_loop3A_44 = arith.xori %parallel_loop3A_39, %parallel_loop3A_43 : vector<16xi32>
      %parallel_loop3A_45 = tpu.scan <max>, %parallel_loop3A_44 masked %parallel_loop3A_41 : vector<16xi32>, vector<16xi1> -> vector<16xi32>
      %parallel_loop3A_46 = arith.xori %parallel_loop3A_45, %parallel_loop3A_43 : vector<16xi32>
      %parallel_loop3A_47 = vector.extract %parallel_loop3A_46[15] : i32 from vector<16xi32>
      %parallel_loop3A_48 = arith.constant 1 : i32
      %parallel_loop3A_49 = vector.broadcast %parallel_loop3A_48 : i32 to vector<16xi32>
      %parallel_loop3A_50 = arith.cmpi eq, %iota3A, %parallel_loop3A_49 : vector<16xi32>
      %parallel_loop3A_51 = arith.constant 0 : i32
      %parallel_loop3A_52 = vector.broadcast %parallel_loop3A_51 : i32 to vector<16xi32>
      %parallel_loop3A_53 = arith.select %parallel_loop3A_50, %parallel_loop3A_33, %parallel_loop3A_52 : vector<16xi1>, vector<16xi32>
      %parallel_loop3A_54 = arith.constant true
      %parallel_loop3A_55 = vector.broadcast %parallel_loop3A_54 : i1 to vector<16xi1>
      %parallel_loop3A_56 = arith.constant -2147483648 : i32
      %parallel_loop3A_57 = vector.broadcast %parallel_loop3A_56 : i32 to vector<16xi32>
      %parallel_loop3A_58 = arith.xori %parallel_loop3A_53, %parallel_loop3A_57 : vector<16xi32>
      %parallel_loop3A_59 = tpu.scan <max>, %parallel_loop3A_58 masked %parallel_loop3A_55 : vector<16xi32>, vector<16xi1> -> vector<16xi32>
      %parallel_loop3A_60 = arith.xori %parallel_loop3A_59, %parallel_loop3A_57 : vector<16xi32>
      %parallel_loop3A_61 = vector.extract %parallel_loop3A_60[15] : i32 from vector<16xi32>
      %parallel_loop3A_62 = arith.constant 2 : i32
      %parallel_loop3A_63 = vector.broadcast %parallel_loop3A_62 : i32 to vector<16xi32>
      %parallel_loop3A_64 = arith.cmpi eq, %iota3A, %parallel_loop3A_63 : vector<16xi32>
      %parallel_loop3A_65 = arith.constant 0 : i32
      %parallel_loop3A_66 = vector.broadcast %parallel_loop3A_65 : i32 to vector<16xi32>
      %parallel_loop3A_67 = arith.select %parallel_loop3A_64, %parallel_loop3A_33, %parallel_loop3A_66 : vector<16xi1>, vector<16xi32>
      %parallel_loop3A_68 = arith.constant true
      %parallel_loop3A_69 = vector.broadcast %parallel_loop3A_68 : i1 to vector<16xi1>
      %parallel_loop3A_70 = arith.constant -2147483648 : i32
      %parallel_loop3A_71 = vector.broadcast %parallel_loop3A_70 : i32 to vector<16xi32>
      %parallel_loop3A_72 = arith.xori %parallel_loop3A_67, %parallel_loop3A_71 : vector<16xi32>
      %parallel_loop3A_73 = tpu.scan <max>, %parallel_loop3A_72 masked %parallel_loop3A_69 : vector<16xi32>, vector<16xi1> -> vector<16xi32>
      %parallel_loop3A_74 = arith.xori %parallel_loop3A_73, %parallel_loop3A_71 : vector<16xi32>
      %parallel_loop3A_75 = vector.extract %parallel_loop3A_74[15] : i32 from vector<16xi32>
      %parallel_loop3A_76 = arith.constant 3 : i32
      %parallel_loop3A_77 = vector.broadcast %parallel_loop3A_76 : i32 to vector<16xi32>
      %parallel_loop3A_78 = arith.cmpi eq, %iota3A, %parallel_loop3A_77 : vector<16xi32>
      %parallel_loop3A_79 = arith.constant 0 : i32
      %parallel_loop3A_80 = vector.broadcast %parallel_loop3A_79 : i32 to vector<16xi32>
      %parallel_loop3A_81 = arith.select %parallel_loop3A_78, %parallel_loop3A_33, %parallel_loop3A_80 : vector<16xi1>, vector<16xi32>
      %parallel_loop3A_82 = arith.constant true
      %parallel_loop3A_83 = vector.broadcast %parallel_loop3A_82 : i1 to vector<16xi1>
      %parallel_loop3A_84 = arith.constant -2147483648 : i32
      %parallel_loop3A_85 = vector.broadcast %parallel_loop3A_84 : i32 to vector<16xi32>
      %parallel_loop3A_86 = arith.xori %parallel_loop3A_81, %parallel_loop3A_85 : vector<16xi32>
      %parallel_loop3A_87 = tpu.scan <max>, %parallel_loop3A_86 masked %parallel_loop3A_83 : vector<16xi32>, vector<16xi1> -> vector<16xi32>
      %parallel_loop3A_88 = arith.xori %parallel_loop3A_87, %parallel_loop3A_85 : vector<16xi32>
      %parallel_loop3A_89 = vector.extract %parallel_loop3A_88[15] : i32 from vector<16xi32>
      %parallel_loop3A_90 = arith.constant 4 : i32
      %parallel_loop3A_91 = vector.broadcast %parallel_loop3A_90 : i32 to vector<16xi32>
      %parallel_loop3A_92 = arith.cmpi eq, %iota3A, %parallel_loop3A_91 : vector<16xi32>
      %parallel_loop3A_93 = arith.constant 0 : i32
      %parallel_loop3A_94 = vector.broadcast %parallel_loop3A_93 : i32 to vector<16xi32>
      %parallel_loop3A_95 = arith.select %parallel_loop3A_92, %parallel_loop3A_33, %parallel_loop3A_94 : vector<16xi1>, vector<16xi32>
      %parallel_loop3A_96 = arith.constant true
      %parallel_loop3A_97 = vector.broadcast %parallel_loop3A_96 : i1 to vector<16xi1>
      %parallel_loop3A_98 = arith.constant -2147483648 : i32
      %parallel_loop3A_99 = vector.broadcast %parallel_loop3A_98 : i32 to vector<16xi32>
      %parallel_loop3A_100 = arith.xori %parallel_loop3A_95, %parallel_loop3A_99 : vector<16xi32>
      %parallel_loop3A_101 = tpu.scan <max>, %parallel_loop3A_100 masked %parallel_loop3A_97 : vector<16xi32>, vector<16xi1> -> vector<16xi32>
      %parallel_loop3A_102 = arith.xori %parallel_loop3A_101, %parallel_loop3A_99 : vector<16xi32>
      %parallel_loop3A_103 = vector.extract %parallel_loop3A_102[15] : i32 from vector<16xi32>
      %parallel_loop3A_104 = arith.constant 5 : i32
      %parallel_loop3A_105 = vector.broadcast %parallel_loop3A_104 : i32 to vector<16xi32>
      %parallel_loop3A_106 = arith.cmpi eq, %iota3A, %parallel_loop3A_105 : vector<16xi32>
      %parallel_loop3A_107 = arith.constant 0 : i32
      %parallel_loop3A_108 = vector.broadcast %parallel_loop3A_107 : i32 to vector<16xi32>
      %parallel_loop3A_109 = arith.select %parallel_loop3A_106, %parallel_loop3A_33, %parallel_loop3A_108 : vector<16xi1>, vector<16xi32>
      %parallel_loop3A_110 = arith.constant true
      %parallel_loop3A_111 = vector.broadcast %parallel_loop3A_110 : i1 to vector<16xi1>
      %parallel_loop3A_112 = arith.constant -2147483648 : i32
      %parallel_loop3A_113 = vector.broadcast %parallel_loop3A_112 : i32 to vector<16xi32>
      %parallel_loop3A_114 = arith.xori %parallel_loop3A_109, %parallel_loop3A_113 : vector<16xi32>
      %parallel_loop3A_115 = tpu.scan <max>, %parallel_loop3A_114 masked %parallel_loop3A_111 : vector<16xi32>, vector<16xi1> -> vector<16xi32>
      %parallel_loop3A_116 = arith.xori %parallel_loop3A_115, %parallel_loop3A_113 : vector<16xi32>
      %parallel_loop3A_117 = vector.extract %parallel_loop3A_116[15] : i32 from vector<16xi32>
      %parallel_loop3A_118 = arith.constant 6 : i32
      %parallel_loop3A_119 = vector.broadcast %parallel_loop3A_118 : i32 to vector<16xi32>
      %parallel_loop3A_120 = arith.cmpi eq, %iota3A, %parallel_loop3A_119 : vector<16xi32>
      %parallel_loop3A_121 = arith.constant 0 : i32
      %parallel_loop3A_122 = vector.broadcast %parallel_loop3A_121 : i32 to vector<16xi32>
      %parallel_loop3A_123 = arith.select %parallel_loop3A_120, %parallel_loop3A_33, %parallel_loop3A_122 : vector<16xi1>, vector<16xi32>
      %parallel_loop3A_124 = arith.constant true
      %parallel_loop3A_125 = vector.broadcast %parallel_loop3A_124 : i1 to vector<16xi1>
      %parallel_loop3A_126 = arith.constant -2147483648 : i32
      %parallel_loop3A_127 = vector.broadcast %parallel_loop3A_126 : i32 to vector<16xi32>
      %parallel_loop3A_128 = arith.xori %parallel_loop3A_123, %parallel_loop3A_127 : vector<16xi32>
      %parallel_loop3A_129 = tpu.scan <max>, %parallel_loop3A_128 masked %parallel_loop3A_125 : vector<16xi32>, vector<16xi1> -> vector<16xi32>
      %parallel_loop3A_130 = arith.xori %parallel_loop3A_129, %parallel_loop3A_127 : vector<16xi32>
      %parallel_loop3A_131 = vector.extract %parallel_loop3A_130[15] : i32 from vector<16xi32>
      %parallel_loop3A_132 = arith.constant 7 : i32
      %parallel_loop3A_133 = vector.broadcast %parallel_loop3A_132 : i32 to vector<16xi32>
      %parallel_loop3A_134 = arith.cmpi eq, %iota3A, %parallel_loop3A_133 : vector<16xi32>
      %parallel_loop3A_135 = arith.constant 0 : i32
      %parallel_loop3A_136 = vector.broadcast %parallel_loop3A_135 : i32 to vector<16xi32>
      %parallel_loop3A_137 = arith.select %parallel_loop3A_134, %parallel_loop3A_33, %parallel_loop3A_136 : vector<16xi1>, vector<16xi32>
      %parallel_loop3A_138 = arith.constant true
      %parallel_loop3A_139 = vector.broadcast %parallel_loop3A_138 : i1 to vector<16xi1>
      %parallel_loop3A_140 = arith.constant -2147483648 : i32
      %parallel_loop3A_141 = vector.broadcast %parallel_loop3A_140 : i32 to vector<16xi32>
      %parallel_loop3A_142 = arith.xori %parallel_loop3A_137, %parallel_loop3A_141 : vector<16xi32>
      %parallel_loop3A_143 = tpu.scan <max>, %parallel_loop3A_142 masked %parallel_loop3A_139 : vector<16xi32>, vector<16xi1> -> vector<16xi32>
      %parallel_loop3A_144 = arith.xori %parallel_loop3A_143, %parallel_loop3A_141 : vector<16xi32>
      %parallel_loop3A_145 = vector.extract %parallel_loop3A_144[15] : i32 from vector<16xi32>
      %parallel_loop3A_146 = arith.constant 8 : i32
      %parallel_loop3A_147 = vector.broadcast %parallel_loop3A_146 : i32 to vector<16xi32>
      %parallel_loop3A_148 = arith.cmpi eq, %iota3A, %parallel_loop3A_147 : vector<16xi32>
      %parallel_loop3A_149 = arith.constant 0 : i32
      %parallel_loop3A_150 = vector.broadcast %parallel_loop3A_149 : i32 to vector<16xi32>
      %parallel_loop3A_151 = arith.select %parallel_loop3A_148, %parallel_loop3A_33, %parallel_loop3A_150 : vector<16xi1>, vector<16xi32>
      %parallel_loop3A_152 = arith.constant true
      %parallel_loop3A_153 = vector.broadcast %parallel_loop3A_152 : i1 to vector<16xi1>
      %parallel_loop3A_154 = arith.constant -2147483648 : i32
      %parallel_loop3A_155 = vector.broadcast %parallel_loop3A_154 : i32 to vector<16xi32>
      %parallel_loop3A_156 = arith.xori %parallel_loop3A_151, %parallel_loop3A_155 : vector<16xi32>
      %parallel_loop3A_157 = tpu.scan <max>, %parallel_loop3A_156 masked %parallel_loop3A_153 : vector<16xi32>, vector<16xi1> -> vector<16xi32>
      %parallel_loop3A_158 = arith.xori %parallel_loop3A_157, %parallel_loop3A_155 : vector<16xi32>
      %parallel_loop3A_159 = vector.extract %parallel_loop3A_158[15] : i32 from vector<16xi32>
      %parallel_loop3A_160 = arith.constant 9 : i32
      %parallel_loop3A_161 = vector.broadcast %parallel_loop3A_160 : i32 to vector<16xi32>
      %parallel_loop3A_162 = arith.cmpi eq, %iota3A, %parallel_loop3A_161 : vector<16xi32>
      %parallel_loop3A_163 = arith.constant 0 : i32
      %parallel_loop3A_164 = vector.broadcast %parallel_loop3A_163 : i32 to vector<16xi32>
      %parallel_loop3A_165 = arith.select %parallel_loop3A_162, %parallel_loop3A_33, %parallel_loop3A_164 : vector<16xi1>, vector<16xi32>
      %parallel_loop3A_166 = arith.constant true
      %parallel_loop3A_167 = vector.broadcast %parallel_loop3A_166 : i1 to vector<16xi1>
      %parallel_loop3A_168 = arith.constant -2147483648 : i32
      %parallel_loop3A_169 = vector.broadcast %parallel_loop3A_168 : i32 to vector<16xi32>
      %parallel_loop3A_170 = arith.xori %parallel_loop3A_165, %parallel_loop3A_169 : vector<16xi32>
      %parallel_loop3A_171 = tpu.scan <max>, %parallel_loop3A_170 masked %parallel_loop3A_167 : vector<16xi32>, vector<16xi1> -> vector<16xi32>
      %parallel_loop3A_172 = arith.xori %parallel_loop3A_171, %parallel_loop3A_169 : vector<16xi32>
      %parallel_loop3A_173 = vector.extract %parallel_loop3A_172[15] : i32 from vector<16xi32>
      %parallel_loop3A_174 = arith.constant 10 : i32
      %parallel_loop3A_175 = vector.broadcast %parallel_loop3A_174 : i32 to vector<16xi32>
      %parallel_loop3A_176 = arith.cmpi eq, %iota3A, %parallel_loop3A_175 : vector<16xi32>
      %parallel_loop3A_177 = arith.constant 0 : i32
      %parallel_loop3A_178 = vector.broadcast %parallel_loop3A_177 : i32 to vector<16xi32>
      %parallel_loop3A_179 = arith.select %parallel_loop3A_176, %parallel_loop3A_33, %parallel_loop3A_178 : vector<16xi1>, vector<16xi32>
      %parallel_loop3A_180 = arith.constant true
      %parallel_loop3A_181 = vector.broadcast %parallel_loop3A_180 : i1 to vector<16xi1>
      %parallel_loop3A_182 = arith.constant -2147483648 : i32
      %parallel_loop3A_183 = vector.broadcast %parallel_loop3A_182 : i32 to vector<16xi32>
      %parallel_loop3A_184 = arith.xori %parallel_loop3A_179, %parallel_loop3A_183 : vector<16xi32>
      %parallel_loop3A_185 = tpu.scan <max>, %parallel_loop3A_184 masked %parallel_loop3A_181 : vector<16xi32>, vector<16xi1> -> vector<16xi32>
      %parallel_loop3A_186 = arith.xori %parallel_loop3A_185, %parallel_loop3A_183 : vector<16xi32>
      %parallel_loop3A_187 = vector.extract %parallel_loop3A_186[15] : i32 from vector<16xi32>
      %parallel_loop3A_188 = arith.constant 11 : i32
      %parallel_loop3A_189 = vector.broadcast %parallel_loop3A_188 : i32 to vector<16xi32>
      %parallel_loop3A_190 = arith.cmpi eq, %iota3A, %parallel_loop3A_189 : vector<16xi32>
      %parallel_loop3A_191 = arith.constant 0 : i32
      %parallel_loop3A_192 = vector.broadcast %parallel_loop3A_191 : i32 to vector<16xi32>
      %parallel_loop3A_193 = arith.select %parallel_loop3A_190, %parallel_loop3A_33, %parallel_loop3A_192 : vector<16xi1>, vector<16xi32>
      %parallel_loop3A_194 = arith.constant true
      %parallel_loop3A_195 = vector.broadcast %parallel_loop3A_194 : i1 to vector<16xi1>
      %parallel_loop3A_196 = arith.constant -2147483648 : i32
      %parallel_loop3A_197 = vector.broadcast %parallel_loop3A_196 : i32 to vector<16xi32>
      %parallel_loop3A_198 = arith.xori %parallel_loop3A_193, %parallel_loop3A_197 : vector<16xi32>
      %parallel_loop3A_199 = tpu.scan <max>, %parallel_loop3A_198 masked %parallel_loop3A_195 : vector<16xi32>, vector<16xi1> -> vector<16xi32>
      %parallel_loop3A_200 = arith.xori %parallel_loop3A_199, %parallel_loop3A_197 : vector<16xi32>
      %parallel_loop3A_201 = vector.extract %parallel_loop3A_200[15] : i32 from vector<16xi32>
      %parallel_loop3A_202 = arith.constant 12 : i32
      %parallel_loop3A_203 = vector.broadcast %parallel_loop3A_202 : i32 to vector<16xi32>
      %parallel_loop3A_204 = arith.cmpi eq, %iota3A, %parallel_loop3A_203 : vector<16xi32>
      %parallel_loop3A_205 = arith.constant 0 : i32
      %parallel_loop3A_206 = vector.broadcast %parallel_loop3A_205 : i32 to vector<16xi32>
      %parallel_loop3A_207 = arith.select %parallel_loop3A_204, %parallel_loop3A_33, %parallel_loop3A_206 : vector<16xi1>, vector<16xi32>
      %parallel_loop3A_208 = arith.constant true
      %parallel_loop3A_209 = vector.broadcast %parallel_loop3A_208 : i1 to vector<16xi1>
      %parallel_loop3A_210 = arith.constant -2147483648 : i32
      %parallel_loop3A_211 = vector.broadcast %parallel_loop3A_210 : i32 to vector<16xi32>
      %parallel_loop3A_212 = arith.xori %parallel_loop3A_207, %parallel_loop3A_211 : vector<16xi32>
      %parallel_loop3A_213 = tpu.scan <max>, %parallel_loop3A_212 masked %parallel_loop3A_209 : vector<16xi32>, vector<16xi1> -> vector<16xi32>
      %parallel_loop3A_214 = arith.xori %parallel_loop3A_213, %parallel_loop3A_211 : vector<16xi32>
      %parallel_loop3A_215 = vector.extract %parallel_loop3A_214[15] : i32 from vector<16xi32>
      %parallel_loop3A_216 = arith.constant 13 : i32
      %parallel_loop3A_217 = vector.broadcast %parallel_loop3A_216 : i32 to vector<16xi32>
      %parallel_loop3A_218 = arith.cmpi eq, %iota3A, %parallel_loop3A_217 : vector<16xi32>
      %parallel_loop3A_219 = arith.constant 0 : i32
      %parallel_loop3A_220 = vector.broadcast %parallel_loop3A_219 : i32 to vector<16xi32>
      %parallel_loop3A_221 = arith.select %parallel_loop3A_218, %parallel_loop3A_33, %parallel_loop3A_220 : vector<16xi1>, vector<16xi32>
      %parallel_loop3A_222 = arith.constant true
      %parallel_loop3A_223 = vector.broadcast %parallel_loop3A_222 : i1 to vector<16xi1>
      %parallel_loop3A_224 = arith.constant -2147483648 : i32
      %parallel_loop3A_225 = vector.broadcast %parallel_loop3A_224 : i32 to vector<16xi32>
      %parallel_loop3A_226 = arith.xori %parallel_loop3A_221, %parallel_loop3A_225 : vector<16xi32>
      %parallel_loop3A_227 = tpu.scan <max>, %parallel_loop3A_226 masked %parallel_loop3A_223 : vector<16xi32>, vector<16xi1> -> vector<16xi32>
      %parallel_loop3A_228 = arith.xori %parallel_loop3A_227, %parallel_loop3A_225 : vector<16xi32>
      %parallel_loop3A_229 = vector.extract %parallel_loop3A_228[15] : i32 from vector<16xi32>
      %parallel_loop3A_230 = arith.constant 14 : i32
      %parallel_loop3A_231 = vector.broadcast %parallel_loop3A_230 : i32 to vector<16xi32>
      %parallel_loop3A_232 = arith.cmpi eq, %iota3A, %parallel_loop3A_231 : vector<16xi32>
      %parallel_loop3A_233 = arith.constant 0 : i32
      %parallel_loop3A_234 = vector.broadcast %parallel_loop3A_233 : i32 to vector<16xi32>
      %parallel_loop3A_235 = arith.select %parallel_loop3A_232, %parallel_loop3A_33, %parallel_loop3A_234 : vector<16xi1>, vector<16xi32>
      %parallel_loop3A_236 = arith.constant true
      %parallel_loop3A_237 = vector.broadcast %parallel_loop3A_236 : i1 to vector<16xi1>
      %parallel_loop3A_238 = arith.constant -2147483648 : i32
      %parallel_loop3A_239 = vector.broadcast %parallel_loop3A_238 : i32 to vector<16xi32>
      %parallel_loop3A_240 = arith.xori %parallel_loop3A_235, %parallel_loop3A_239 : vector<16xi32>
      %parallel_loop3A_241 = tpu.scan <max>, %parallel_loop3A_240 masked %parallel_loop3A_237 : vector<16xi32>, vector<16xi1> -> vector<16xi32>
      %parallel_loop3A_242 = arith.xori %parallel_loop3A_241, %parallel_loop3A_239 : vector<16xi32>
      %parallel_loop3A_243 = vector.extract %parallel_loop3A_242[15] : i32 from vector<16xi32>
      %parallel_loop3A_244 = arith.constant 15 : i32
      %parallel_loop3A_245 = vector.broadcast %parallel_loop3A_244 : i32 to vector<16xi32>
      %parallel_loop3A_246 = arith.cmpi eq, %iota3A, %parallel_loop3A_245 : vector<16xi32>
      %parallel_loop3A_247 = arith.constant 0 : i32
      %parallel_loop3A_248 = vector.broadcast %parallel_loop3A_247 : i32 to vector<16xi32>
      %parallel_loop3A_249 = arith.select %parallel_loop3A_246, %parallel_loop3A_33, %parallel_loop3A_248 : vector<16xi1>, vector<16xi32>
      %parallel_loop3A_250 = arith.constant true
      %parallel_loop3A_251 = vector.broadcast %parallel_loop3A_250 : i1 to vector<16xi1>
      %parallel_loop3A_252 = arith.constant -2147483648 : i32
      %parallel_loop3A_253 = vector.broadcast %parallel_loop3A_252 : i32 to vector<16xi32>
      %parallel_loop3A_254 = arith.xori %parallel_loop3A_249, %parallel_loop3A_253 : vector<16xi32>
      %parallel_loop3A_255 = tpu.scan <max>, %parallel_loop3A_254 masked %parallel_loop3A_251 : vector<16xi32>, vector<16xi1> -> vector<16xi32>
      %parallel_loop3A_256 = arith.xori %parallel_loop3A_255, %parallel_loop3A_253 : vector<16xi32>
      %parallel_loop3A_257 = vector.extract %parallel_loop3A_256[15] : i32 from vector<16xi32>
      %parallel_loop3A_258 = arith.constant 16 : i32
      %parallel_loop3A_259 = arith.muli %parallel_loop3A_27, %parallel_loop3A_258 : i32
      %parallel_loop3A_260 = arith.constant 0 : i32
      %parallel_loop3A_261 = arith.addi %parallel_loop3A_259, %parallel_loop3A_260 : i32
      %parallel_loop3A_262 = arith.constant 0 : i32
      %parallel_loop3A_263 = tpu.memref_slice %arg8[%parallel_loop3A_261, %parallel_loop3A_262] : memref<128x64xf32, #tpu.memory_space<vmem>> -> memref<1x64xf32, #tpu.memory_space<vmem>>
      %parallel_loop3A_264 = arith.constant 0 : i32
      %parallel_loop3A_265 = tpu.memref_slice %arg2[%parallel_loop3A_47, %parallel_loop3A_264] : memref<1000000x64xf32, #tpu.memory_space<hbm>> -> memref<1x64xf32, #tpu.memory_space<hbm>>
      %parallel_loop3A_266 = arith.constant 0 : i32
      %parallel_loop3A_267 = tpu.memref_slice %arg8[%parallel_loop3A_261, %parallel_loop3A_266] : memref<128x64xf32, #tpu.memory_space<vmem>> -> memref<1x64xf32, #tpu.memory_space<vmem>>
      %parallel_loop3A_268 = arith.constant 0 : i32
      %parallel_loop3A_269 = tpu.memref_slice %arg2[%parallel_loop3A_47, %parallel_loop3A_268] : memref<1000000x64xf32, #tpu.memory_space<hbm>> -> memref<1x64xf32, #tpu.memory_space<hbm>>
      tpu.enqueue_dma source(%parallel_loop3A_269 : memref<1x64xf32, #tpu.memory_space<hbm>>) target(%parallel_loop3A_267 : memref<1x64xf32, #tpu.memory_space<vmem>>) target_semaphore(%arg12 : memref<!tpu.dma_semaphore, #tpu.memory_space<semaphore_mem>>)
      %parallel_loop3A_270 = arith.constant 16 : i32
      %parallel_loop3A_271 = arith.muli %parallel_loop3A_27, %parallel_loop3A_270 : i32
      %parallel_loop3A_272 = arith.constant 1 : i32
      %parallel_loop3A_273 = arith.addi %parallel_loop3A_271, %parallel_loop3A_272 : i32
      %parallel_loop3A_274 = arith.constant 0 : i32
      %parallel_loop3A_275 = tpu.memref_slice %arg8[%parallel_loop3A_273, %parallel_loop3A_274] : memref<128x64xf32, #tpu.memory_space<vmem>> -> memref<1x64xf32, #tpu.memory_space<vmem>>
      %parallel_loop3A_276 = arith.constant 0 : i32
      %parallel_loop3A_277 = tpu.memref_slice %arg2[%parallel_loop3A_61, %parallel_loop3A_276] : memref<1000000x64xf32, #tpu.memory_space<hbm>> -> memref<1x64xf32, #tpu.memory_space<hbm>>
      %parallel_loop3A_278 = arith.constant 0 : i32
      %parallel_loop3A_279 = tpu.memref_slice %arg8[%parallel_loop3A_273, %parallel_loop3A_278] : memref<128x64xf32, #tpu.memory_space<vmem>> -> memref<1x64xf32, #tpu.memory_space<vmem>>
      %parallel_loop3A_280 = arith.constant 0 : i32
      %parallel_loop3A_281 = tpu.memref_slice %arg2[%parallel_loop3A_61, %parallel_loop3A_280] : memref<1000000x64xf32, #tpu.memory_space<hbm>> -> memref<1x64xf32, #tpu.memory_space<hbm>>
      tpu.enqueue_dma source(%parallel_loop3A_281 : memref<1x64xf32, #tpu.memory_space<hbm>>) target(%parallel_loop3A_279 : memref<1x64xf32, #tpu.memory_space<vmem>>) target_semaphore(%arg12 : memref<!tpu.dma_semaphore, #tpu.memory_space<semaphore_mem>>)
      %parallel_loop3A_282 = arith.constant 16 : i32
      %parallel_loop3A_283 = arith.muli %parallel_loop3A_27, %parallel_loop3A_282 : i32
      %parallel_loop3A_284 = arith.constant 2 : i32
      %parallel_loop3A_285 = arith.addi %parallel_loop3A_283, %parallel_loop3A_284 : i32
      %parallel_loop3A_286 = arith.constant 0 : i32
      %parallel_loop3A_287 = tpu.memref_slice %arg8[%parallel_loop3A_285, %parallel_loop3A_286] : memref<128x64xf32, #tpu.memory_space<vmem>> -> memref<1x64xf32, #tpu.memory_space<vmem>>
      %parallel_loop3A_288 = arith.constant 0 : i32
      %parallel_loop3A_289 = tpu.memref_slice %arg2[%parallel_loop3A_75, %parallel_loop3A_288] : memref<1000000x64xf32, #tpu.memory_space<hbm>> -> memref<1x64xf32, #tpu.memory_space<hbm>>
      %parallel_loop3A_290 = arith.constant 0 : i32
      %parallel_loop3A_291 = tpu.memref_slice %arg8[%parallel_loop3A_285, %parallel_loop3A_290] : memref<128x64xf32, #tpu.memory_space<vmem>> -> memref<1x64xf32, #tpu.memory_space<vmem>>
      %parallel_loop3A_292 = arith.constant 0 : i32
      %parallel_loop3A_293 = tpu.memref_slice %arg2[%parallel_loop3A_75, %parallel_loop3A_292] : memref<1000000x64xf32, #tpu.memory_space<hbm>> -> memref<1x64xf32, #tpu.memory_space<hbm>>
      tpu.enqueue_dma source(%parallel_loop3A_293 : memref<1x64xf32, #tpu.memory_space<hbm>>) target(%parallel_loop3A_291 : memref<1x64xf32, #tpu.memory_space<vmem>>) target_semaphore(%arg12 : memref<!tpu.dma_semaphore, #tpu.memory_space<semaphore_mem>>)
      %parallel_loop3A_294 = arith.constant 16 : i32
      %parallel_loop3A_295 = arith.muli %parallel_loop3A_27, %parallel_loop3A_294 : i32
      %parallel_loop3A_296 = arith.constant 3 : i32
      %parallel_loop3A_297 = arith.addi %parallel_loop3A_295, %parallel_loop3A_296 : i32
      %parallel_loop3A_298 = arith.constant 0 : i32
      %parallel_loop3A_299 = tpu.memref_slice %arg8[%parallel_loop3A_297, %parallel_loop3A_298] : memref<128x64xf32, #tpu.memory_space<vmem>> -> memref<1x64xf32, #tpu.memory_space<vmem>>
      %parallel_loop3A_300 = arith.constant 0 : i32
      %parallel_loop3A_301 = tpu.memref_slice %arg2[%parallel_loop3A_89, %parallel_loop3A_300] : memref<1000000x64xf32, #tpu.memory_space<hbm>> -> memref<1x64xf32, #tpu.memory_space<hbm>>
      %parallel_loop3A_302 = arith.constant 0 : i32
      %parallel_loop3A_303 = tpu.memref_slice %arg8[%parallel_loop3A_297, %parallel_loop3A_302] : memref<128x64xf32, #tpu.memory_space<vmem>> -> memref<1x64xf32, #tpu.memory_space<vmem>>
      %parallel_loop3A_304 = arith.constant 0 : i32
      %parallel_loop3A_305 = tpu.memref_slice %arg2[%parallel_loop3A_89, %parallel_loop3A_304] : memref<1000000x64xf32, #tpu.memory_space<hbm>> -> memref<1x64xf32, #tpu.memory_space<hbm>>
      tpu.enqueue_dma source(%parallel_loop3A_305 : memref<1x64xf32, #tpu.memory_space<hbm>>) target(%parallel_loop3A_303 : memref<1x64xf32, #tpu.memory_space<vmem>>) target_semaphore(%arg12 : memref<!tpu.dma_semaphore, #tpu.memory_space<semaphore_mem>>)
      %parallel_loop3A_306 = arith.constant 16 : i32
      %parallel_loop3A_307 = arith.muli %parallel_loop3A_27, %parallel_loop3A_306 : i32
      %parallel_loop3A_308 = arith.constant 4 : i32
      %parallel_loop3A_309 = arith.addi %parallel_loop3A_307, %parallel_loop3A_308 : i32
      %parallel_loop3A_310 = arith.constant 0 : i32
      %parallel_loop3A_311 = tpu.memref_slice %arg8[%parallel_loop3A_309, %parallel_loop3A_310] : memref<128x64xf32, #tpu.memory_space<vmem>> -> memref<1x64xf32, #tpu.memory_space<vmem>>
      %parallel_loop3A_312 = arith.constant 0 : i32
      %parallel_loop3A_313 = tpu.memref_slice %arg2[%parallel_loop3A_103, %parallel_loop3A_312] : memref<1000000x64xf32, #tpu.memory_space<hbm>> -> memref<1x64xf32, #tpu.memory_space<hbm>>
      %parallel_loop3A_314 = arith.constant 0 : i32
      %parallel_loop3A_315 = tpu.memref_slice %arg8[%parallel_loop3A_309, %parallel_loop3A_314] : memref<128x64xf32, #tpu.memory_space<vmem>> -> memref<1x64xf32, #tpu.memory_space<vmem>>
      %parallel_loop3A_316 = arith.constant 0 : i32
      %parallel_loop3A_317 = tpu.memref_slice %arg2[%parallel_loop3A_103, %parallel_loop3A_316] : memref<1000000x64xf32, #tpu.memory_space<hbm>> -> memref<1x64xf32, #tpu.memory_space<hbm>>
      tpu.enqueue_dma source(%parallel_loop3A_317 : memref<1x64xf32, #tpu.memory_space<hbm>>) target(%parallel_loop3A_315 : memref<1x64xf32, #tpu.memory_space<vmem>>) target_semaphore(%arg12 : memref<!tpu.dma_semaphore, #tpu.memory_space<semaphore_mem>>)
      %parallel_loop3A_318 = arith.constant 16 : i32
      %parallel_loop3A_319 = arith.muli %parallel_loop3A_27, %parallel_loop3A_318 : i32
      %parallel_loop3A_320 = arith.constant 5 : i32
      %parallel_loop3A_321 = arith.addi %parallel_loop3A_319, %parallel_loop3A_320 : i32
      %parallel_loop3A_322 = arith.constant 0 : i32
      %parallel_loop3A_323 = tpu.memref_slice %arg8[%parallel_loop3A_321, %parallel_loop3A_322] : memref<128x64xf32, #tpu.memory_space<vmem>> -> memref<1x64xf32, #tpu.memory_space<vmem>>
      %parallel_loop3A_324 = arith.constant 0 : i32
      %parallel_loop3A_325 = tpu.memref_slice %arg2[%parallel_loop3A_117, %parallel_loop3A_324] : memref<1000000x64xf32, #tpu.memory_space<hbm>> -> memref<1x64xf32, #tpu.memory_space<hbm>>
      %parallel_loop3A_326 = arith.constant 0 : i32
      %parallel_loop3A_327 = tpu.memref_slice %arg8[%parallel_loop3A_321, %parallel_loop3A_326] : memref<128x64xf32, #tpu.memory_space<vmem>> -> memref<1x64xf32, #tpu.memory_space<vmem>>
      %parallel_loop3A_328 = arith.constant 0 : i32
      %parallel_loop3A_329 = tpu.memref_slice %arg2[%parallel_loop3A_117, %parallel_loop3A_328] : memref<1000000x64xf32, #tpu.memory_space<hbm>> -> memref<1x64xf32, #tpu.memory_space<hbm>>
      tpu.enqueue_dma source(%parallel_loop3A_329 : memref<1x64xf32, #tpu.memory_space<hbm>>) target(%parallel_loop3A_327 : memref<1x64xf32, #tpu.memory_space<vmem>>) target_semaphore(%arg12 : memref<!tpu.dma_semaphore, #tpu.memory_space<semaphore_mem>>)
      %parallel_loop3A_330 = arith.constant 16 : i32
      %parallel_loop3A_331 = arith.muli %parallel_loop3A_27, %parallel_loop3A_330 : i32
      %parallel_loop3A_332 = arith.constant 6 : i32
      %parallel_loop3A_333 = arith.addi %parallel_loop3A_331, %parallel_loop3A_332 : i32
      %parallel_loop3A_334 = arith.constant 0 : i32
      %parallel_loop3A_335 = tpu.memref_slice %arg8[%parallel_loop3A_333, %parallel_loop3A_334] : memref<128x64xf32, #tpu.memory_space<vmem>> -> memref<1x64xf32, #tpu.memory_space<vmem>>
      %parallel_loop3A_336 = arith.constant 0 : i32
      %parallel_loop3A_337 = tpu.memref_slice %arg2[%parallel_loop3A_131, %parallel_loop3A_336] : memref<1000000x64xf32, #tpu.memory_space<hbm>> -> memref<1x64xf32, #tpu.memory_space<hbm>>
      %parallel_loop3A_338 = arith.constant 0 : i32
      %parallel_loop3A_339 = tpu.memref_slice %arg8[%parallel_loop3A_333, %parallel_loop3A_338] : memref<128x64xf32, #tpu.memory_space<vmem>> -> memref<1x64xf32, #tpu.memory_space<vmem>>
      %parallel_loop3A_340 = arith.constant 0 : i32
      %parallel_loop3A_341 = tpu.memref_slice %arg2[%parallel_loop3A_131, %parallel_loop3A_340] : memref<1000000x64xf32, #tpu.memory_space<hbm>> -> memref<1x64xf32, #tpu.memory_space<hbm>>
      tpu.enqueue_dma source(%parallel_loop3A_341 : memref<1x64xf32, #tpu.memory_space<hbm>>) target(%parallel_loop3A_339 : memref<1x64xf32, #tpu.memory_space<vmem>>) target_semaphore(%arg12 : memref<!tpu.dma_semaphore, #tpu.memory_space<semaphore_mem>>)
      %parallel_loop3A_342 = arith.constant 16 : i32
      %parallel_loop3A_343 = arith.muli %parallel_loop3A_27, %parallel_loop3A_342 : i32
      %parallel_loop3A_344 = arith.constant 7 : i32
      %parallel_loop3A_345 = arith.addi %parallel_loop3A_343, %parallel_loop3A_344 : i32
      %parallel_loop3A_346 = arith.constant 0 : i32
      %parallel_loop3A_347 = tpu.memref_slice %arg8[%parallel_loop3A_345, %parallel_loop3A_346] : memref<128x64xf32, #tpu.memory_space<vmem>> -> memref<1x64xf32, #tpu.memory_space<vmem>>
      %parallel_loop3A_348 = arith.constant 0 : i32
      %parallel_loop3A_349 = tpu.memref_slice %arg2[%parallel_loop3A_145, %parallel_loop3A_348] : memref<1000000x64xf32, #tpu.memory_space<hbm>> -> memref<1x64xf32, #tpu.memory_space<hbm>>
      %parallel_loop3A_350 = arith.constant 0 : i32
      %parallel_loop3A_351 = tpu.memref_slice %arg8[%parallel_loop3A_345, %parallel_loop3A_350] : memref<128x64xf32, #tpu.memory_space<vmem>> -> memref<1x64xf32, #tpu.memory_space<vmem>>
      %parallel_loop3A_352 = arith.constant 0 : i32
      %parallel_loop3A_353 = tpu.memref_slice %arg2[%parallel_loop3A_145, %parallel_loop3A_352] : memref<1000000x64xf32, #tpu.memory_space<hbm>> -> memref<1x64xf32, #tpu.memory_space<hbm>>
      tpu.enqueue_dma source(%parallel_loop3A_353 : memref<1x64xf32, #tpu.memory_space<hbm>>) target(%parallel_loop3A_351 : memref<1x64xf32, #tpu.memory_space<vmem>>) target_semaphore(%arg12 : memref<!tpu.dma_semaphore, #tpu.memory_space<semaphore_mem>>)
      %parallel_loop3A_354 = arith.constant 16 : i32
      %parallel_loop3A_355 = arith.muli %parallel_loop3A_27, %parallel_loop3A_354 : i32
      %parallel_loop3A_356 = arith.constant 8 : i32
      %parallel_loop3A_357 = arith.addi %parallel_loop3A_355, %parallel_loop3A_356 : i32
      %parallel_loop3A_358 = arith.constant 0 : i32
      %parallel_loop3A_359 = tpu.memref_slice %arg8[%parallel_loop3A_357, %parallel_loop3A_358] : memref<128x64xf32, #tpu.memory_space<vmem>> -> memref<1x64xf32, #tpu.memory_space<vmem>>
      %parallel_loop3A_360 = arith.constant 0 : i32
      %parallel_loop3A_361 = tpu.memref_slice %arg2[%parallel_loop3A_159, %parallel_loop3A_360] : memref<1000000x64xf32, #tpu.memory_space<hbm>> -> memref<1x64xf32, #tpu.memory_space<hbm>>
      %parallel_loop3A_362 = arith.constant 0 : i32
      %parallel_loop3A_363 = tpu.memref_slice %arg8[%parallel_loop3A_357, %parallel_loop3A_362] : memref<128x64xf32, #tpu.memory_space<vmem>> -> memref<1x64xf32, #tpu.memory_space<vmem>>
      %parallel_loop3A_364 = arith.constant 0 : i32
      %parallel_loop3A_365 = tpu.memref_slice %arg2[%parallel_loop3A_159, %parallel_loop3A_364] : memref<1000000x64xf32, #tpu.memory_space<hbm>> -> memref<1x64xf32, #tpu.memory_space<hbm>>
      tpu.enqueue_dma source(%parallel_loop3A_365 : memref<1x64xf32, #tpu.memory_space<hbm>>) target(%parallel_loop3A_363 : memref<1x64xf32, #tpu.memory_space<vmem>>) target_semaphore(%arg12 : memref<!tpu.dma_semaphore, #tpu.memory_space<semaphore_mem>>)
      %parallel_loop3A_366 = arith.constant 16 : i32
      %parallel_loop3A_367 = arith.muli %parallel_loop3A_27, %parallel_loop3A_366 : i32
      %parallel_loop3A_368 = arith.constant 9 : i32
      %parallel_loop3A_369 = arith.addi %parallel_loop3A_367, %parallel_loop3A_368 : i32
      %parallel_loop3A_370 = arith.constant 0 : i32
      %parallel_loop3A_371 = tpu.memref_slice %arg8[%parallel_loop3A_369, %parallel_loop3A_370] : memref<128x64xf32, #tpu.memory_space<vmem>> -> memref<1x64xf32, #tpu.memory_space<vmem>>
      %parallel_loop3A_372 = arith.constant 0 : i32
      %parallel_loop3A_373 = tpu.memref_slice %arg2[%parallel_loop3A_173, %parallel_loop3A_372] : memref<1000000x64xf32, #tpu.memory_space<hbm>> -> memref<1x64xf32, #tpu.memory_space<hbm>>
      %parallel_loop3A_374 = arith.constant 0 : i32
      %parallel_loop3A_375 = tpu.memref_slice %arg8[%parallel_loop3A_369, %parallel_loop3A_374] : memref<128x64xf32, #tpu.memory_space<vmem>> -> memref<1x64xf32, #tpu.memory_space<vmem>>
      %parallel_loop3A_376 = arith.constant 0 : i32
      %parallel_loop3A_377 = tpu.memref_slice %arg2[%parallel_loop3A_173, %parallel_loop3A_376] : memref<1000000x64xf32, #tpu.memory_space<hbm>> -> memref<1x64xf32, #tpu.memory_space<hbm>>
      tpu.enqueue_dma source(%parallel_loop3A_377 : memref<1x64xf32, #tpu.memory_space<hbm>>) target(%parallel_loop3A_375 : memref<1x64xf32, #tpu.memory_space<vmem>>) target_semaphore(%arg12 : memref<!tpu.dma_semaphore, #tpu.memory_space<semaphore_mem>>)
      %parallel_loop3A_378 = arith.constant 16 : i32
      %parallel_loop3A_379 = arith.muli %parallel_loop3A_27, %parallel_loop3A_378 : i32
      %parallel_loop3A_380 = arith.constant 10 : i32
      %parallel_loop3A_381 = arith.addi %parallel_loop3A_379, %parallel_loop3A_380 : i32
      %parallel_loop3A_382 = arith.constant 0 : i32
      %parallel_loop3A_383 = tpu.memref_slice %arg8[%parallel_loop3A_381, %parallel_loop3A_382] : memref<128x64xf32, #tpu.memory_space<vmem>> -> memref<1x64xf32, #tpu.memory_space<vmem>>
      %parallel_loop3A_384 = arith.constant 0 : i32
      %parallel_loop3A_385 = tpu.memref_slice %arg2[%parallel_loop3A_187, %parallel_loop3A_384] : memref<1000000x64xf32, #tpu.memory_space<hbm>> -> memref<1x64xf32, #tpu.memory_space<hbm>>
      %parallel_loop3A_386 = arith.constant 0 : i32
      %parallel_loop3A_387 = tpu.memref_slice %arg8[%parallel_loop3A_381, %parallel_loop3A_386] : memref<128x64xf32, #tpu.memory_space<vmem>> -> memref<1x64xf32, #tpu.memory_space<vmem>>
      %parallel_loop3A_388 = arith.constant 0 : i32
      %parallel_loop3A_389 = tpu.memref_slice %arg2[%parallel_loop3A_187, %parallel_loop3A_388] : memref<1000000x64xf32, #tpu.memory_space<hbm>> -> memref<1x64xf32, #tpu.memory_space<hbm>>
      tpu.enqueue_dma source(%parallel_loop3A_389 : memref<1x64xf32, #tpu.memory_space<hbm>>) target(%parallel_loop3A_387 : memref<1x64xf32, #tpu.memory_space<vmem>>) target_semaphore(%arg12 : memref<!tpu.dma_semaphore, #tpu.memory_space<semaphore_mem>>)
      %parallel_loop3A_390 = arith.constant 16 : i32
      %parallel_loop3A_391 = arith.muli %parallel_loop3A_27, %parallel_loop3A_390 : i32
      %parallel_loop3A_392 = arith.constant 11 : i32
      %parallel_loop3A_393 = arith.addi %parallel_loop3A_391, %parallel_loop3A_392 : i32
      %parallel_loop3A_394 = arith.constant 0 : i32
      %parallel_loop3A_395 = tpu.memref_slice %arg8[%parallel_loop3A_393, %parallel_loop3A_394] : memref<128x64xf32, #tpu.memory_space<vmem>> -> memref<1x64xf32, #tpu.memory_space<vmem>>
      %parallel_loop3A_396 = arith.constant 0 : i32
      %parallel_loop3A_397 = tpu.memref_slice %arg2[%parallel_loop3A_201, %parallel_loop3A_396] : memref<1000000x64xf32, #tpu.memory_space<hbm>> -> memref<1x64xf32, #tpu.memory_space<hbm>>
      %parallel_loop3A_398 = arith.constant 0 : i32
      %parallel_loop3A_399 = tpu.memref_slice %arg8[%parallel_loop3A_393, %parallel_loop3A_398] : memref<128x64xf32, #tpu.memory_space<vmem>> -> memref<1x64xf32, #tpu.memory_space<vmem>>
      %parallel_loop3A_400 = arith.constant 0 : i32
      %parallel_loop3A_401 = tpu.memref_slice %arg2[%parallel_loop3A_201, %parallel_loop3A_400] : memref<1000000x64xf32, #tpu.memory_space<hbm>> -> memref<1x64xf32, #tpu.memory_space<hbm>>
      tpu.enqueue_dma source(%parallel_loop3A_401 : memref<1x64xf32, #tpu.memory_space<hbm>>) target(%parallel_loop3A_399 : memref<1x64xf32, #tpu.memory_space<vmem>>) target_semaphore(%arg12 : memref<!tpu.dma_semaphore, #tpu.memory_space<semaphore_mem>>)
      %parallel_loop3A_402 = arith.constant 16 : i32
      %parallel_loop3A_403 = arith.muli %parallel_loop3A_27, %parallel_loop3A_402 : i32
      %parallel_loop3A_404 = arith.constant 12 : i32
      %parallel_loop3A_405 = arith.addi %parallel_loop3A_403, %parallel_loop3A_404 : i32
      %parallel_loop3A_406 = arith.constant 0 : i32
      %parallel_loop3A_407 = tpu.memref_slice %arg8[%parallel_loop3A_405, %parallel_loop3A_406] : memref<128x64xf32, #tpu.memory_space<vmem>> -> memref<1x64xf32, #tpu.memory_space<vmem>>
      %parallel_loop3A_408 = arith.constant 0 : i32
      %parallel_loop3A_409 = tpu.memref_slice %arg2[%parallel_loop3A_215, %parallel_loop3A_408] : memref<1000000x64xf32, #tpu.memory_space<hbm>> -> memref<1x64xf32, #tpu.memory_space<hbm>>
      %parallel_loop3A_410 = arith.constant 0 : i32
      %parallel_loop3A_411 = tpu.memref_slice %arg8[%parallel_loop3A_405, %parallel_loop3A_410] : memref<128x64xf32, #tpu.memory_space<vmem>> -> memref<1x64xf32, #tpu.memory_space<vmem>>
      %parallel_loop3A_412 = arith.constant 0 : i32
      %parallel_loop3A_413 = tpu.memref_slice %arg2[%parallel_loop3A_215, %parallel_loop3A_412] : memref<1000000x64xf32, #tpu.memory_space<hbm>> -> memref<1x64xf32, #tpu.memory_space<hbm>>
      tpu.enqueue_dma source(%parallel_loop3A_413 : memref<1x64xf32, #tpu.memory_space<hbm>>) target(%parallel_loop3A_411 : memref<1x64xf32, #tpu.memory_space<vmem>>) target_semaphore(%arg12 : memref<!tpu.dma_semaphore, #tpu.memory_space<semaphore_mem>>)
      %parallel_loop3A_414 = arith.constant 16 : i32
      %parallel_loop3A_415 = arith.muli %parallel_loop3A_27, %parallel_loop3A_414 : i32
      %parallel_loop3A_416 = arith.constant 13 : i32
      %parallel_loop3A_417 = arith.addi %parallel_loop3A_415, %parallel_loop3A_416 : i32
      %parallel_loop3A_418 = arith.constant 0 : i32
      %parallel_loop3A_419 = tpu.memref_slice %arg8[%parallel_loop3A_417, %parallel_loop3A_418] : memref<128x64xf32, #tpu.memory_space<vmem>> -> memref<1x64xf32, #tpu.memory_space<vmem>>
      %parallel_loop3A_420 = arith.constant 0 : i32
      %parallel_loop3A_421 = tpu.memref_slice %arg2[%parallel_loop3A_229, %parallel_loop3A_420] : memref<1000000x64xf32, #tpu.memory_space<hbm>> -> memref<1x64xf32, #tpu.memory_space<hbm>>
      %parallel_loop3A_422 = arith.constant 0 : i32
      %parallel_loop3A_423 = tpu.memref_slice %arg8[%parallel_loop3A_417, %parallel_loop3A_422] : memref<128x64xf32, #tpu.memory_space<vmem>> -> memref<1x64xf32, #tpu.memory_space<vmem>>
      %parallel_loop3A_424 = arith.constant 0 : i32
      %parallel_loop3A_425 = tpu.memref_slice %arg2[%parallel_loop3A_229, %parallel_loop3A_424] : memref<1000000x64xf32, #tpu.memory_space<hbm>> -> memref<1x64xf32, #tpu.memory_space<hbm>>
      tpu.enqueue_dma source(%parallel_loop3A_425 : memref<1x64xf32, #tpu.memory_space<hbm>>) target(%parallel_loop3A_423 : memref<1x64xf32, #tpu.memory_space<vmem>>) target_semaphore(%arg12 : memref<!tpu.dma_semaphore, #tpu.memory_space<semaphore_mem>>)
      %parallel_loop3A_426 = arith.constant 16 : i32
      %parallel_loop3A_427 = arith.muli %parallel_loop3A_27, %parallel_loop3A_426 : i32
      %parallel_loop3A_428 = arith.constant 14 : i32
      %parallel_loop3A_429 = arith.addi %parallel_loop3A_427, %parallel_loop3A_428 : i32
      %parallel_loop3A_430 = arith.constant 0 : i32
      %parallel_loop3A_431 = tpu.memref_slice %arg8[%parallel_loop3A_429, %parallel_loop3A_430] : memref<128x64xf32, #tpu.memory_space<vmem>> -> memref<1x64xf32, #tpu.memory_space<vmem>>
      %parallel_loop3A_432 = arith.constant 0 : i32
      %parallel_loop3A_433 = tpu.memref_slice %arg2[%parallel_loop3A_243, %parallel_loop3A_432] : memref<1000000x64xf32, #tpu.memory_space<hbm>> -> memref<1x64xf32, #tpu.memory_space<hbm>>
      %parallel_loop3A_434 = arith.constant 0 : i32
      %parallel_loop3A_435 = tpu.memref_slice %arg8[%parallel_loop3A_429, %parallel_loop3A_434] : memref<128x64xf32, #tpu.memory_space<vmem>> -> memref<1x64xf32, #tpu.memory_space<vmem>>
      %parallel_loop3A_436 = arith.constant 0 : i32
      %parallel_loop3A_437 = tpu.memref_slice %arg2[%parallel_loop3A_243, %parallel_loop3A_436] : memref<1000000x64xf32, #tpu.memory_space<hbm>> -> memref<1x64xf32, #tpu.memory_space<hbm>>
      tpu.enqueue_dma source(%parallel_loop3A_437 : memref<1x64xf32, #tpu.memory_space<hbm>>) target(%parallel_loop3A_435 : memref<1x64xf32, #tpu.memory_space<vmem>>) target_semaphore(%arg12 : memref<!tpu.dma_semaphore, #tpu.memory_space<semaphore_mem>>)
      %parallel_loop3A_438 = arith.constant 16 : i32
      %parallel_loop3A_439 = arith.muli %parallel_loop3A_27, %parallel_loop3A_438 : i32
      %parallel_loop3A_440 = arith.constant 15 : i32
      %parallel_loop3A_441 = arith.addi %parallel_loop3A_439, %parallel_loop3A_440 : i32
      %parallel_loop3A_442 = arith.constant 0 : i32
      %parallel_loop3A_443 = tpu.memref_slice %arg8[%parallel_loop3A_441, %parallel_loop3A_442] : memref<128x64xf32, #tpu.memory_space<vmem>> -> memref<1x64xf32, #tpu.memory_space<vmem>>
      %parallel_loop3A_444 = arith.constant 0 : i32
      %parallel_loop3A_445 = tpu.memref_slice %arg2[%parallel_loop3A_257, %parallel_loop3A_444] : memref<1000000x64xf32, #tpu.memory_space<hbm>> -> memref<1x64xf32, #tpu.memory_space<hbm>>
      %parallel_loop3A_446 = arith.constant 0 : i32
      %parallel_loop3A_447 = tpu.memref_slice %arg8[%parallel_loop3A_441, %parallel_loop3A_446] : memref<128x64xf32, #tpu.memory_space<vmem>> -> memref<1x64xf32, #tpu.memory_space<vmem>>
      %parallel_loop3A_448 = arith.constant 0 : i32
      %parallel_loop3A_449 = tpu.memref_slice %arg2[%parallel_loop3A_257, %parallel_loop3A_448] : memref<1000000x64xf32, #tpu.memory_space<hbm>> -> memref<1x64xf32, #tpu.memory_space<hbm>>
      tpu.enqueue_dma source(%parallel_loop3A_449 : memref<1x64xf32, #tpu.memory_space<hbm>>) target(%parallel_loop3A_447 : memref<1x64xf32, #tpu.memory_space<vmem>>) target_semaphore(%arg12 : memref<!tpu.dma_semaphore, #tpu.memory_space<semaphore_mem>>)
    } {sc.loop_unroll_factor = 2 : i64, sc.parallel_access}
    %parallel_loop3A_3 = arith.constant 0 : i32
    %parallel_loop3A_4 = arith.constant 8 : i32
    %parallel_loop3A_5 = arith.constant 1 : i32
    scf.for %parallel_loop3A_27 = %parallel_loop3A_3 to %parallel_loop3A_4 step %parallel_loop3A_5  : i32 {
      %parallel_loop3A_28 = arith.constant 16 : i32
      %parallel_loop3A_29 = arith.muli %parallel_loop3A_27, %parallel_loop3A_28 : i32
      %parallel_loop3A_30 = arith.constant 1 : i32
      %parallel_loop3A_31 = arith.index_cast %parallel_loop3A_30 : i32 to index
      %parallel_loop3A_32 = arith.index_cast %parallel_loop3A_29 : i32 to index
      %parallel_loop3A_33 = tpu.vector_load %arg6[%parallel_loop3A_31, %parallel_loop3A_32] {strides = array<i32>} : memref<50x128xi32, #tpu.memory_space<vmem>>, vector<16xi32>,
      %parallel_loop3A_34 = arith.constant 0 : i32
      %parallel_loop3A_35 = vector.broadcast %parallel_loop3A_34 : i32 to vector<16xi32>
      %parallel_loop3A_36 = arith.cmpi eq, %iota3A, %parallel_loop3A_35 : vector<16xi32>
      %parallel_loop3A_37 = arith.constant 0 : i32
      %parallel_loop3A_38 = vector.broadcast %parallel_loop3A_37 : i32 to vector<16xi32>
      %parallel_loop3A_39 = arith.select %parallel_loop3A_36, %parallel_loop3A_33, %parallel_loop3A_38 : vector<16xi1>, vector<16xi32>
      %parallel_loop3A_40 = arith.constant true
      %parallel_loop3A_41 = vector.broadcast %parallel_loop3A_40 : i1 to vector<16xi1>
      %parallel_loop3A_42 = arith.constant -2147483648 : i32
      %parallel_loop3A_43 = vector.broadcast %parallel_loop3A_42 : i32 to vector<16xi32>
      %parallel_loop3A_44 = arith.xori %parallel_loop3A_39, %parallel_loop3A_43 : vector<16xi32>
      %parallel_loop3A_45 = tpu.scan <max>, %parallel_loop3A_44 masked %parallel_loop3A_41 : vector<16xi32>, vector<16xi1> -> vector<16xi32>
      %parallel_loop3A_46 = arith.xori %parallel_loop3A_45, %parallel_loop3A_43 : vector<16xi32>
      %parallel_loop3A_47 = vector.extract %parallel_loop3A_46[15] : i32 from vector<16xi32>
      %parallel_loop3A_48 = arith.constant 1 : i32
      %parallel_loop3A_49 = vector.broadcast %parallel_loop3A_48 : i32 to vector<16xi32>
      %parallel_loop3A_50 = arith.cmpi eq, %iota3A, %parallel_loop3A_49 : vector<16xi32>
      %parallel_loop3A_51 = arith.constant 0 : i32
      %parallel_loop3A_52 = vector.broadcast %parallel_loop3A_51 : i32 to vector<16xi32>
      %parallel_loop3A_53 = arith.select %parallel_loop3A_50, %parallel_loop3A_33, %parallel_loop3A_52 : vector<16xi1>, vector<16xi32>
      %parallel_loop3A_54 = arith.constant true
      %parallel_loop3A_55 = vector.broadcast %parallel_loop3A_54 : i1 to vector<16xi1>
      %parallel_loop3A_56 = arith.constant -2147483648 : i32
      %parallel_loop3A_57 = vector.broadcast %parallel_loop3A_56 : i32 to vector<16xi32>
      %parallel_loop3A_58 = arith.xori %parallel_loop3A_53, %parallel_loop3A_57 : vector<16xi32>
      %parallel_loop3A_59 = tpu.scan <max>, %parallel_loop3A_58 masked %parallel_loop3A_55 : vector<16xi32>, vector<16xi1> -> vector<16xi32>
      %parallel_loop3A_60 = arith.xori %parallel_loop3A_59, %parallel_loop3A_57 : vector<16xi32>
      %parallel_loop3A_61 = vector.extract %parallel_loop3A_60[15] : i32 from vector<16xi32>
      %parallel_loop3A_62 = arith.constant 2 : i32
      %parallel_loop3A_63 = vector.broadcast %parallel_loop3A_62 : i32 to vector<16xi32>
      %parallel_loop3A_64 = arith.cmpi eq, %iota3A, %parallel_loop3A_63 : vector<16xi32>
      %parallel_loop3A_65 = arith.constant 0 : i32
      %parallel_loop3A_66 = vector.broadcast %parallel_loop3A_65 : i32 to vector<16xi32>
      %parallel_loop3A_67 = arith.select %parallel_loop3A_64, %parallel_loop3A_33, %parallel_loop3A_66 : vector<16xi1>, vector<16xi32>
      %parallel_loop3A_68 = arith.constant true
      %parallel_loop3A_69 = vector.broadcast %parallel_loop3A_68 : i1 to vector<16xi1>
      %parallel_loop3A_70 = arith.constant -2147483648 : i32
      %parallel_loop3A_71 = vector.broadcast %parallel_loop3A_70 : i32 to vector<16xi32>
      %parallel_loop3A_72 = arith.xori %parallel_loop3A_67, %parallel_loop3A_71 : vector<16xi32>
      %parallel_loop3A_73 = tpu.scan <max>, %parallel_loop3A_72 masked %parallel_loop3A_69 : vector<16xi32>, vector<16xi1> -> vector<16xi32>
      %parallel_loop3A_74 = arith.xori %parallel_loop3A_73, %parallel_loop3A_71 : vector<16xi32>
      %parallel_loop3A_75 = vector.extract %parallel_loop3A_74[15] : i32 from vector<16xi32>
      %parallel_loop3A_76 = arith.constant 3 : i32
      %parallel_loop3A_77 = vector.broadcast %parallel_loop3A_76 : i32 to vector<16xi32>
      %parallel_loop3A_78 = arith.cmpi eq, %iota3A, %parallel_loop3A_77 : vector<16xi32>
      %parallel_loop3A_79 = arith.constant 0 : i32
      %parallel_loop3A_80 = vector.broadcast %parallel_loop3A_79 : i32 to vector<16xi32>
      %parallel_loop3A_81 = arith.select %parallel_loop3A_78, %parallel_loop3A_33, %parallel_loop3A_80 : vector<16xi1>, vector<16xi32>
      %parallel_loop3A_82 = arith.constant true
      %parallel_loop3A_83 = vector.broadcast %parallel_loop3A_82 : i1 to vector<16xi1>
      %parallel_loop3A_84 = arith.constant -2147483648 : i32
      %parallel_loop3A_85 = vector.broadcast %parallel_loop3A_84 : i32 to vector<16xi32>
      %parallel_loop3A_86 = arith.xori %parallel_loop3A_81, %parallel_loop3A_85 : vector<16xi32>
      %parallel_loop3A_87 = tpu.scan <max>, %parallel_loop3A_86 masked %parallel_loop3A_83 : vector<16xi32>, vector<16xi1> -> vector<16xi32>
      %parallel_loop3A_88 = arith.xori %parallel_loop3A_87, %parallel_loop3A_85 : vector<16xi32>
      %parallel_loop3A_89 = vector.extract %parallel_loop3A_88[15] : i32 from vector<16xi32>
      %parallel_loop3A_90 = arith.constant 4 : i32
      %parallel_loop3A_91 = vector.broadcast %parallel_loop3A_90 : i32 to vector<16xi32>
      %parallel_loop3A_92 = arith.cmpi eq, %iota3A, %parallel_loop3A_91 : vector<16xi32>
      %parallel_loop3A_93 = arith.constant 0 : i32
      %parallel_loop3A_94 = vector.broadcast %parallel_loop3A_93 : i32 to vector<16xi32>
      %parallel_loop3A_95 = arith.select %parallel_loop3A_92, %parallel_loop3A_33, %parallel_loop3A_94 : vector<16xi1>, vector<16xi32>
      %parallel_loop3A_96 = arith.constant true
      %parallel_loop3A_97 = vector.broadcast %parallel_loop3A_96 : i1 to vector<16xi1>
      %parallel_loop3A_98 = arith.constant -2147483648 : i32
      %parallel_loop3A_99 = vector.broadcast %parallel_loop3A_98 : i32 to vector<16xi32>
      %parallel_loop3A_100 = arith.xori %parallel_loop3A_95, %parallel_loop3A_99 : vector<16xi32>
      %parallel_loop3A_101 = tpu.scan <max>, %parallel_loop3A_100 masked %parallel_loop3A_97 : vector<16xi32>, vector<16xi1> -> vector<16xi32>
      %parallel_loop3A_102 = arith.xori %parallel_loop3A_101, %parallel_loop3A_99 : vector<16xi32>
      %parallel_loop3A_103 = vector.extract %parallel_loop3A_102[15] : i32 from vector<16xi32>
      %parallel_loop3A_104 = arith.constant 5 : i32
      %parallel_loop3A_105 = vector.broadcast %parallel_loop3A_104 : i32 to vector<16xi32>
      %parallel_loop3A_106 = arith.cmpi eq, %iota3A, %parallel_loop3A_105 : vector<16xi32>
      %parallel_loop3A_107 = arith.constant 0 : i32
      %parallel_loop3A_108 = vector.broadcast %parallel_loop3A_107 : i32 to vector<16xi32>
      %parallel_loop3A_109 = arith.select %parallel_loop3A_106, %parallel_loop3A_33, %parallel_loop3A_108 : vector<16xi1>, vector<16xi32>
      %parallel_loop3A_110 = arith.constant true
      %parallel_loop3A_111 = vector.broadcast %parallel_loop3A_110 : i1 to vector<16xi1>
      %parallel_loop3A_112 = arith.constant -2147483648 : i32
      %parallel_loop3A_113 = vector.broadcast %parallel_loop3A_112 : i32 to vector<16xi32>
      %parallel_loop3A_114 = arith.xori %parallel_loop3A_109, %parallel_loop3A_113 : vector<16xi32>
      %parallel_loop3A_115 = tpu.scan <max>, %parallel_loop3A_114 masked %parallel_loop3A_111 : vector<16xi32>, vector<16xi1> -> vector<16xi32>
      %parallel_loop3A_116 = arith.xori %parallel_loop3A_115, %parallel_loop3A_113 : vector<16xi32>
      %parallel_loop3A_117 = vector.extract %parallel_loop3A_116[15] : i32 from vector<16xi32>
      %parallel_loop3A_118 = arith.constant 6 : i32
      %parallel_loop3A_119 = vector.broadcast %parallel_loop3A_118 : i32 to vector<16xi32>
      %parallel_loop3A_120 = arith.cmpi eq, %iota3A, %parallel_loop3A_119 : vector<16xi32>
      %parallel_loop3A_121 = arith.constant 0 : i32
      %parallel_loop3A_122 = vector.broadcast %parallel_loop3A_121 : i32 to vector<16xi32>
      %parallel_loop3A_123 = arith.select %parallel_loop3A_120, %parallel_loop3A_33, %parallel_loop3A_122 : vector<16xi1>, vector<16xi32>
      %parallel_loop3A_124 = arith.constant true
      %parallel_loop3A_125 = vector.broadcast %parallel_loop3A_124 : i1 to vector<16xi1>
      %parallel_loop3A_126 = arith.constant -2147483648 : i32
      %parallel_loop3A_127 = vector.broadcast %parallel_loop3A_126 : i32 to vector<16xi32>
      %parallel_loop3A_128 = arith.xori %parallel_loop3A_123, %parallel_loop3A_127 : vector<16xi32>
      %parallel_loop3A_129 = tpu.scan <max>, %parallel_loop3A_128 masked %parallel_loop3A_125 : vector<16xi32>, vector<16xi1> -> vector<16xi32>
      %parallel_loop3A_130 = arith.xori %parallel_loop3A_129, %parallel_loop3A_127 : vector<16xi32>
      %parallel_loop3A_131 = vector.extract %parallel_loop3A_130[15] : i32 from vector<16xi32>
      %parallel_loop3A_132 = arith.constant 7 : i32
      %parallel_loop3A_133 = vector.broadcast %parallel_loop3A_132 : i32 to vector<16xi32>
      %parallel_loop3A_134 = arith.cmpi eq, %iota3A, %parallel_loop3A_133 : vector<16xi32>
      %parallel_loop3A_135 = arith.constant 0 : i32
      %parallel_loop3A_136 = vector.broadcast %parallel_loop3A_135 : i32 to vector<16xi32>
      %parallel_loop3A_137 = arith.select %parallel_loop3A_134, %parallel_loop3A_33, %parallel_loop3A_136 : vector<16xi1>, vector<16xi32>
      %parallel_loop3A_138 = arith.constant true
      %parallel_loop3A_139 = vector.broadcast %parallel_loop3A_138 : i1 to vector<16xi1>
      %parallel_loop3A_140 = arith.constant -2147483648 : i32
      %parallel_loop3A_141 = vector.broadcast %parallel_loop3A_140 : i32 to vector<16xi32>
      %parallel_loop3A_142 = arith.xori %parallel_loop3A_137, %parallel_loop3A_141 : vector<16xi32>
      %parallel_loop3A_143 = tpu.scan <max>, %parallel_loop3A_142 masked %parallel_loop3A_139 : vector<16xi32>, vector<16xi1> -> vector<16xi32>
      %parallel_loop3A_144 = arith.xori %parallel_loop3A_143, %parallel_loop3A_141 : vector<16xi32>
      %parallel_loop3A_145 = vector.extract %parallel_loop3A_144[15] : i32 from vector<16xi32>
      %parallel_loop3A_146 = arith.constant 8 : i32
      %parallel_loop3A_147 = vector.broadcast %parallel_loop3A_146 : i32 to vector<16xi32>
      %parallel_loop3A_148 = arith.cmpi eq, %iota3A, %parallel_loop3A_147 : vector<16xi32>
      %parallel_loop3A_149 = arith.constant 0 : i32
      %parallel_loop3A_150 = vector.broadcast %parallel_loop3A_149 : i32 to vector<16xi32>
      %parallel_loop3A_151 = arith.select %parallel_loop3A_148, %parallel_loop3A_33, %parallel_loop3A_150 : vector<16xi1>, vector<16xi32>
      %parallel_loop3A_152 = arith.constant true
      %parallel_loop3A_153 = vector.broadcast %parallel_loop3A_152 : i1 to vector<16xi1>
      %parallel_loop3A_154 = arith.constant -2147483648 : i32
      %parallel_loop3A_155 = vector.broadcast %parallel_loop3A_154 : i32 to vector<16xi32>
      %parallel_loop3A_156 = arith.xori %parallel_loop3A_151, %parallel_loop3A_155 : vector<16xi32>
      %parallel_loop3A_157 = tpu.scan <max>, %parallel_loop3A_156 masked %parallel_loop3A_153 : vector<16xi32>, vector<16xi1> -> vector<16xi32>
      %parallel_loop3A_158 = arith.xori %parallel_loop3A_157, %parallel_loop3A_155 : vector<16xi32>
      %parallel_loop3A_159 = vector.extract %parallel_loop3A_158[15] : i32 from vector<16xi32>
      %parallel_loop3A_160 = arith.constant 9 : i32
      %parallel_loop3A_161 = vector.broadcast %parallel_loop3A_160 : i32 to vector<16xi32>
      %parallel_loop3A_162 = arith.cmpi eq, %iota3A, %parallel_loop3A_161 : vector<16xi32>
      %parallel_loop3A_163 = arith.constant 0 : i32
      %parallel_loop3A_164 = vector.broadcast %parallel_loop3A_163 : i32 to vector<16xi32>
      %parallel_loop3A_165 = arith.select %parallel_loop3A_162, %parallel_loop3A_33, %parallel_loop3A_164 : vector<16xi1>, vector<16xi32>
      %parallel_loop3A_166 = arith.constant true
      %parallel_loop3A_167 = vector.broadcast %parallel_loop3A_166 : i1 to vector<16xi1>
      %parallel_loop3A_168 = arith.constant -2147483648 : i32
      %parallel_loop3A_169 = vector.broadcast %parallel_loop3A_168 : i32 to vector<16xi32>
      %parallel_loop3A_170 = arith.xori %parallel_loop3A_165, %parallel_loop3A_169 : vector<16xi32>
      %parallel_loop3A_171 = tpu.scan <max>, %parallel_loop3A_170 masked %parallel_loop3A_167 : vector<16xi32>, vector<16xi1> -> vector<16xi32>
      %parallel_loop3A_172 = arith.xori %parallel_loop3A_171, %parallel_loop3A_169 : vector<16xi32>
      %parallel_loop3A_173 = vector.extract %parallel_loop3A_172[15] : i32 from vector<16xi32>
      %parallel_loop3A_174 = arith.constant 10 : i32
      %parallel_loop3A_175 = vector.broadcast %parallel_loop3A_174 : i32 to vector<16xi32>
      %parallel_loop3A_176 = arith.cmpi eq, %iota3A, %parallel_loop3A_175 : vector<16xi32>
      %parallel_loop3A_177 = arith.constant 0 : i32
      %parallel_loop3A_178 = vector.broadcast %parallel_loop3A_177 : i32 to vector<16xi32>
      %parallel_loop3A_179 = arith.select %parallel_loop3A_176, %parallel_loop3A_33, %parallel_loop3A_178 : vector<16xi1>, vector<16xi32>
      %parallel_loop3A_180 = arith.constant true
      %parallel_loop3A_181 = vector.broadcast %parallel_loop3A_180 : i1 to vector<16xi1>
      %parallel_loop3A_182 = arith.constant -2147483648 : i32
      %parallel_loop3A_183 = vector.broadcast %parallel_loop3A_182 : i32 to vector<16xi32>
      %parallel_loop3A_184 = arith.xori %parallel_loop3A_179, %parallel_loop3A_183 : vector<16xi32>
      %parallel_loop3A_185 = tpu.scan <max>, %parallel_loop3A_184 masked %parallel_loop3A_181 : vector<16xi32>, vector<16xi1> -> vector<16xi32>
      %parallel_loop3A_186 = arith.xori %parallel_loop3A_185, %parallel_loop3A_183 : vector<16xi32>
      %parallel_loop3A_187 = vector.extract %parallel_loop3A_186[15] : i32 from vector<16xi32>
      %parallel_loop3A_188 = arith.constant 11 : i32
      %parallel_loop3A_189 = vector.broadcast %parallel_loop3A_188 : i32 to vector<16xi32>
      %parallel_loop3A_190 = arith.cmpi eq, %iota3A, %parallel_loop3A_189 : vector<16xi32>
      %parallel_loop3A_191 = arith.constant 0 : i32
      %parallel_loop3A_192 = vector.broadcast %parallel_loop3A_191 : i32 to vector<16xi32>
      %parallel_loop3A_193 = arith.select %parallel_loop3A_190, %parallel_loop3A_33, %parallel_loop3A_192 : vector<16xi1>, vector<16xi32>
      %parallel_loop3A_194 = arith.constant true
      %parallel_loop3A_195 = vector.broadcast %parallel_loop3A_194 : i1 to vector<16xi1>
      %parallel_loop3A_196 = arith.constant -2147483648 : i32
      %parallel_loop3A_197 = vector.broadcast %parallel_loop3A_196 : i32 to vector<16xi32>
      %parallel_loop3A_198 = arith.xori %parallel_loop3A_193, %parallel_loop3A_197 : vector<16xi32>
      %parallel_loop3A_199 = tpu.scan <max>, %parallel_loop3A_198 masked %parallel_loop3A_195 : vector<16xi32>, vector<16xi1> -> vector<16xi32>
      %parallel_loop3A_200 = arith.xori %parallel_loop3A_199, %parallel_loop3A_197 : vector<16xi32>
      %parallel_loop3A_201 = vector.extract %parallel_loop3A_200[15] : i32 from vector<16xi32>
      %parallel_loop3A_202 = arith.constant 12 : i32
      %parallel_loop3A_203 = vector.broadcast %parallel_loop3A_202 : i32 to vector<16xi32>
      %parallel_loop3A_204 = arith.cmpi eq, %iota3A, %parallel_loop3A_203 : vector<16xi32>
      %parallel_loop3A_205 = arith.constant 0 : i32
      %parallel_loop3A_206 = vector.broadcast %parallel_loop3A_205 : i32 to vector<16xi32>
      %parallel_loop3A_207 = arith.select %parallel_loop3A_204, %parallel_loop3A_33, %parallel_loop3A_206 : vector<16xi1>, vector<16xi32>
      %parallel_loop3A_208 = arith.constant true
      %parallel_loop3A_209 = vector.broadcast %parallel_loop3A_208 : i1 to vector<16xi1>
      %parallel_loop3A_210 = arith.constant -2147483648 : i32
      %parallel_loop3A_211 = vector.broadcast %parallel_loop3A_210 : i32 to vector<16xi32>
      %parallel_loop3A_212 = arith.xori %parallel_loop3A_207, %parallel_loop3A_211 : vector<16xi32>
      %parallel_loop3A_213 = tpu.scan <max>, %parallel_loop3A_212 masked %parallel_loop3A_209 : vector<16xi32>, vector<16xi1> -> vector<16xi32>
      %parallel_loop3A_214 = arith.xori %parallel_loop3A_213, %parallel_loop3A_211 : vector<16xi32>
      %parallel_loop3A_215 = vector.extract %parallel_loop3A_214[15] : i32 from vector<16xi32>
      %parallel_loop3A_216 = arith.constant 13 : i32
      %parallel_loop3A_217 = vector.broadcast %parallel_loop3A_216 : i32 to vector<16xi32>
      %parallel_loop3A_218 = arith.cmpi eq, %iota3A, %parallel_loop3A_217 : vector<16xi32>
      %parallel_loop3A_219 = arith.constant 0 : i32
      %parallel_loop3A_220 = vector.broadcast %parallel_loop3A_219 : i32 to vector<16xi32>
      %parallel_loop3A_221 = arith.select %parallel_loop3A_218, %parallel_loop3A_33, %parallel_loop3A_220 : vector<16xi1>, vector<16xi32>
      %parallel_loop3A_222 = arith.constant true
      %parallel_loop3A_223 = vector.broadcast %parallel_loop3A_222 : i1 to vector<16xi1>
      %parallel_loop3A_224 = arith.constant -2147483648 : i32
      %parallel_loop3A_225 = vector.broadcast %parallel_loop3A_224 : i32 to vector<16xi32>
      %parallel_loop3A_226 = arith.xori %parallel_loop3A_221, %parallel_loop3A_225 : vector<16xi32>
      %parallel_loop3A_227 = tpu.scan <max>, %parallel_loop3A_226 masked %parallel_loop3A_223 : vector<16xi32>, vector<16xi1> -> vector<16xi32>
      %parallel_loop3A_228 = arith.xori %parallel_loop3A_227, %parallel_loop3A_225 : vector<16xi32>
      %parallel_loop3A_229 = vector.extract %parallel_loop3A_228[15] : i32 from vector<16xi32>
      %parallel_loop3A_230 = arith.constant 14 : i32
      %parallel_loop3A_231 = vector.broadcast %parallel_loop3A_230 : i32 to vector<16xi32>
      %parallel_loop3A_232 = arith.cmpi eq, %iota3A, %parallel_loop3A_231 : vector<16xi32>
      %parallel_loop3A_233 = arith.constant 0 : i32
      %parallel_loop3A_234 = vector.broadcast %parallel_loop3A_233 : i32 to vector<16xi32>
      %parallel_loop3A_235 = arith.select %parallel_loop3A_232, %parallel_loop3A_33, %parallel_loop3A_234 : vector<16xi1>, vector<16xi32>
      %parallel_loop3A_236 = arith.constant true
      %parallel_loop3A_237 = vector.broadcast %parallel_loop3A_236 : i1 to vector<16xi1>
      %parallel_loop3A_238 = arith.constant -2147483648 : i32
      %parallel_loop3A_239 = vector.broadcast %parallel_loop3A_238 : i32 to vector<16xi32>
      %parallel_loop3A_240 = arith.xori %parallel_loop3A_235, %parallel_loop3A_239 : vector<16xi32>
      %parallel_loop3A_241 = tpu.scan <max>, %parallel_loop3A_240 masked %parallel_loop3A_237 : vector<16xi32>, vector<16xi1> -> vector<16xi32>
      %parallel_loop3A_242 = arith.xori %parallel_loop3A_241, %parallel_loop3A_239 : vector<16xi32>
      %parallel_loop3A_243 = vector.extract %parallel_loop3A_242[15] : i32 from vector<16xi32>
      %parallel_loop3A_244 = arith.constant 15 : i32
      %parallel_loop3A_245 = vector.broadcast %parallel_loop3A_244 : i32 to vector<16xi32>
      %parallel_loop3A_246 = arith.cmpi eq, %iota3A, %parallel_loop3A_245 : vector<16xi32>
      %parallel_loop3A_247 = arith.constant 0 : i32
      %parallel_loop3A_248 = vector.broadcast %parallel_loop3A_247 : i32 to vector<16xi32>
      %parallel_loop3A_249 = arith.select %parallel_loop3A_246, %parallel_loop3A_33, %parallel_loop3A_248 : vector<16xi1>, vector<16xi32>
      %parallel_loop3A_250 = arith.constant true
      %parallel_loop3A_251 = vector.broadcast %parallel_loop3A_250 : i1 to vector<16xi1>
      %parallel_loop3A_252 = arith.constant -2147483648 : i32
      %parallel_loop3A_253 = vector.broadcast %parallel_loop3A_252 : i32 to vector<16xi32>
      %parallel_loop3A_254 = arith.xori %parallel_loop3A_249, %parallel_loop3A_253 : vector<16xi32>
      %parallel_loop3A_255 = tpu.scan <max>, %parallel_loop3A_254 masked %parallel_loop3A_251 : vector<16xi32>, vector<16xi1> -> vector<16xi32>
      %parallel_loop3A_256 = arith.xori %parallel_loop3A_255, %parallel_loop3A_253 : vector<16xi32>
      %parallel_loop3A_257 = vector.extract %parallel_loop3A_256[15] : i32 from vector<16xi32>
      %parallel_loop3A_258 = arith.constant 16 : i32
      %parallel_loop3A_259 = arith.muli %parallel_loop3A_27, %parallel_loop3A_258 : i32
      %parallel_loop3A_260 = arith.constant 0 : i32
      %parallel_loop3A_261 = arith.addi %parallel_loop3A_259, %parallel_loop3A_260 : i32
      %parallel_loop3A_262 = arith.constant 0 : i32
      %parallel_loop3A_263 = tpu.memref_slice %arg9[%parallel_loop3A_261, %parallel_loop3A_262] : memref<128x64xf32, #tpu.memory_space<vmem>> -> memref<1x64xf32, #tpu.memory_space<vmem>>
      %parallel_loop3A_264 = arith.constant 0 : i32
      %parallel_loop3A_265 = tpu.memref_slice %arg2[%parallel_loop3A_47, %parallel_loop3A_264] : memref<1000000x64xf32, #tpu.memory_space<hbm>> -> memref<1x64xf32, #tpu.memory_space<hbm>>
      %parallel_loop3A_266 = arith.constant 0 : i32
      %parallel_loop3A_267 = tpu.memref_slice %arg9[%parallel_loop3A_261, %parallel_loop3A_266] : memref<128x64xf32, #tpu.memory_space<vmem>> -> memref<1x64xf32, #tpu.memory_space<vmem>>
      %parallel_loop3A_268 = arith.constant 0 : i32
      %parallel_loop3A_269 = tpu.memref_slice %arg2[%parallel_loop3A_47, %parallel_loop3A_268] : memref<1000000x64xf32, #tpu.memory_space<hbm>> -> memref<1x64xf32, #tpu.memory_space<hbm>>
      tpu.enqueue_dma source(%parallel_loop3A_269 : memref<1x64xf32, #tpu.memory_space<hbm>>) target(%parallel_loop3A_267 : memref<1x64xf32, #tpu.memory_space<vmem>>) target_semaphore(%arg13 : memref<!tpu.dma_semaphore, #tpu.memory_space<semaphore_mem>>)
      %parallel_loop3A_270 = arith.constant 16 : i32
      %parallel_loop3A_271 = arith.muli %parallel_loop3A_27, %parallel_loop3A_270 : i32
      %parallel_loop3A_272 = arith.constant 1 : i32
      %parallel_loop3A_273 = arith.addi %parallel_loop3A_271, %parallel_loop3A_272 : i32
      %parallel_loop3A_274 = arith.constant 0 : i32
      %parallel_loop3A_275 = tpu.memref_slice %arg9[%parallel_loop3A_273, %parallel_loop3A_274] : memref<128x64xf32, #tpu.memory_space<vmem>> -> memref<1x64xf32, #tpu.memory_space<vmem>>
      %parallel_loop3A_276 = arith.constant 0 : i32
      %parallel_loop3A_277 = tpu.memref_slice %arg2[%parallel_loop3A_61, %parallel_loop3A_276] : memref<1000000x64xf32, #tpu.memory_space<hbm>> -> memref<1x64xf32, #tpu.memory_space<hbm>>
      %parallel_loop3A_278 = arith.constant 0 : i32
      %parallel_loop3A_279 = tpu.memref_slice %arg9[%parallel_loop3A_273, %parallel_loop3A_278] : memref<128x64xf32, #tpu.memory_space<vmem>> -> memref<1x64xf32, #tpu.memory_space<vmem>>
      %parallel_loop3A_280 = arith.constant 0 : i32
      %parallel_loop3A_281 = tpu.memref_slice %arg2[%parallel_loop3A_61, %parallel_loop3A_280] : memref<1000000x64xf32, #tpu.memory_space<hbm>> -> memref<1x64xf32, #tpu.memory_space<hbm>>
      tpu.enqueue_dma source(%parallel_loop3A_281 : memref<1x64xf32, #tpu.memory_space<hbm>>) target(%parallel_loop3A_279 : memref<1x64xf32, #tpu.memory_space<vmem>>) target_semaphore(%arg13 : memref<!tpu.dma_semaphore, #tpu.memory_space<semaphore_mem>>)
      %parallel_loop3A_282 = arith.constant 16 : i32
      %parallel_loop3A_283 = arith.muli %parallel_loop3A_27, %parallel_loop3A_282 : i32
      %parallel_loop3A_284 = arith.constant 2 : i32
      %parallel_loop3A_285 = arith.addi %parallel_loop3A_283, %parallel_loop3A_284 : i32
      %parallel_loop3A_286 = arith.constant 0 : i32
      %parallel_loop3A_287 = tpu.memref_slice %arg9[%parallel_loop3A_285, %parallel_loop3A_286] : memref<128x64xf32, #tpu.memory_space<vmem>> -> memref<1x64xf32, #tpu.memory_space<vmem>>
      %parallel_loop3A_288 = arith.constant 0 : i32
      %parallel_loop3A_289 = tpu.memref_slice %arg2[%parallel_loop3A_75, %parallel_loop3A_288] : memref<1000000x64xf32, #tpu.memory_space<hbm>> -> memref<1x64xf32, #tpu.memory_space<hbm>>
      %parallel_loop3A_290 = arith.constant 0 : i32
      %parallel_loop3A_291 = tpu.memref_slice %arg9[%parallel_loop3A_285, %parallel_loop3A_290] : memref<128x64xf32, #tpu.memory_space<vmem>> -> memref<1x64xf32, #tpu.memory_space<vmem>>
      %parallel_loop3A_292 = arith.constant 0 : i32
      %parallel_loop3A_293 = tpu.memref_slice %arg2[%parallel_loop3A_75, %parallel_loop3A_292] : memref<1000000x64xf32, #tpu.memory_space<hbm>> -> memref<1x64xf32, #tpu.memory_space<hbm>>
      tpu.enqueue_dma source(%parallel_loop3A_293 : memref<1x64xf32, #tpu.memory_space<hbm>>) target(%parallel_loop3A_291 : memref<1x64xf32, #tpu.memory_space<vmem>>) target_semaphore(%arg13 : memref<!tpu.dma_semaphore, #tpu.memory_space<semaphore_mem>>)
      %parallel_loop3A_294 = arith.constant 16 : i32
      %parallel_loop3A_295 = arith.muli %parallel_loop3A_27, %parallel_loop3A_294 : i32
      %parallel_loop3A_296 = arith.constant 3 : i32
      %parallel_loop3A_297 = arith.addi %parallel_loop3A_295, %parallel_loop3A_296 : i32
      %parallel_loop3A_298 = arith.constant 0 : i32
      %parallel_loop3A_299 = tpu.memref_slice %arg9[%parallel_loop3A_297, %parallel_loop3A_298] : memref<128x64xf32, #tpu.memory_space<vmem>> -> memref<1x64xf32, #tpu.memory_space<vmem>>
      %parallel_loop3A_300 = arith.constant 0 : i32
      %parallel_loop3A_301 = tpu.memref_slice %arg2[%parallel_loop3A_89, %parallel_loop3A_300] : memref<1000000x64xf32, #tpu.memory_space<hbm>> -> memref<1x64xf32, #tpu.memory_space<hbm>>
      %parallel_loop3A_302 = arith.constant 0 : i32
      %parallel_loop3A_303 = tpu.memref_slice %arg9[%parallel_loop3A_297, %parallel_loop3A_302] : memref<128x64xf32, #tpu.memory_space<vmem>> -> memref<1x64xf32, #tpu.memory_space<vmem>>
      %parallel_loop3A_304 = arith.constant 0 : i32
      %parallel_loop3A_305 = tpu.memref_slice %arg2[%parallel_loop3A_89, %parallel_loop3A_304] : memref<1000000x64xf32, #tpu.memory_space<hbm>> -> memref<1x64xf32, #tpu.memory_space<hbm>>
      tpu.enqueue_dma source(%parallel_loop3A_305 : memref<1x64xf32, #tpu.memory_space<hbm>>) target(%parallel_loop3A_303 : memref<1x64xf32, #tpu.memory_space<vmem>>) target_semaphore(%arg13 : memref<!tpu.dma_semaphore, #tpu.memory_space<semaphore_mem>>)
      %parallel_loop3A_306 = arith.constant 16 : i32
      %parallel_loop3A_307 = arith.muli %parallel_loop3A_27, %parallel_loop3A_306 : i32
      %parallel_loop3A_308 = arith.constant 4 : i32
      %parallel_loop3A_309 = arith.addi %parallel_loop3A_307, %parallel_loop3A_308 : i32
      %parallel_loop3A_310 = arith.constant 0 : i32
      %parallel_loop3A_311 = tpu.memref_slice %arg9[%parallel_loop3A_309, %parallel_loop3A_310] : memref<128x64xf32, #tpu.memory_space<vmem>> -> memref<1x64xf32, #tpu.memory_space<vmem>>
      %parallel_loop3A_312 = arith.constant 0 : i32
      %parallel_loop3A_313 = tpu.memref_slice %arg2[%parallel_loop3A_103, %parallel_loop3A_312] : memref<1000000x64xf32, #tpu.memory_space<hbm>> -> memref<1x64xf32, #tpu.memory_space<hbm>>
      %parallel_loop3A_314 = arith.constant 0 : i32
      %parallel_loop3A_315 = tpu.memref_slice %arg9[%parallel_loop3A_309, %parallel_loop3A_314] : memref<128x64xf32, #tpu.memory_space<vmem>> -> memref<1x64xf32, #tpu.memory_space<vmem>>
      %parallel_loop3A_316 = arith.constant 0 : i32
      %parallel_loop3A_317 = tpu.memref_slice %arg2[%parallel_loop3A_103, %parallel_loop3A_316] : memref<1000000x64xf32, #tpu.memory_space<hbm>> -> memref<1x64xf32, #tpu.memory_space<hbm>>
      tpu.enqueue_dma source(%parallel_loop3A_317 : memref<1x64xf32, #tpu.memory_space<hbm>>) target(%parallel_loop3A_315 : memref<1x64xf32, #tpu.memory_space<vmem>>) target_semaphore(%arg13 : memref<!tpu.dma_semaphore, #tpu.memory_space<semaphore_mem>>)
      %parallel_loop3A_318 = arith.constant 16 : i32
      %parallel_loop3A_319 = arith.muli %parallel_loop3A_27, %parallel_loop3A_318 : i32
      %parallel_loop3A_320 = arith.constant 5 : i32
      %parallel_loop3A_321 = arith.addi %parallel_loop3A_319, %parallel_loop3A_320 : i32
      %parallel_loop3A_322 = arith.constant 0 : i32
      %parallel_loop3A_323 = tpu.memref_slice %arg9[%parallel_loop3A_321, %parallel_loop3A_322] : memref<128x64xf32, #tpu.memory_space<vmem>> -> memref<1x64xf32, #tpu.memory_space<vmem>>
      %parallel_loop3A_324 = arith.constant 0 : i32
      %parallel_loop3A_325 = tpu.memref_slice %arg2[%parallel_loop3A_117, %parallel_loop3A_324] : memref<1000000x64xf32, #tpu.memory_space<hbm>> -> memref<1x64xf32, #tpu.memory_space<hbm>>
      %parallel_loop3A_326 = arith.constant 0 : i32
      %parallel_loop3A_327 = tpu.memref_slice %arg9[%parallel_loop3A_321, %parallel_loop3A_326] : memref<128x64xf32, #tpu.memory_space<vmem>> -> memref<1x64xf32, #tpu.memory_space<vmem>>
      %parallel_loop3A_328 = arith.constant 0 : i32
      %parallel_loop3A_329 = tpu.memref_slice %arg2[%parallel_loop3A_117, %parallel_loop3A_328] : memref<1000000x64xf32, #tpu.memory_space<hbm>> -> memref<1x64xf32, #tpu.memory_space<hbm>>
      tpu.enqueue_dma source(%parallel_loop3A_329 : memref<1x64xf32, #tpu.memory_space<hbm>>) target(%parallel_loop3A_327 : memref<1x64xf32, #tpu.memory_space<vmem>>) target_semaphore(%arg13 : memref<!tpu.dma_semaphore, #tpu.memory_space<semaphore_mem>>)
      %parallel_loop3A_330 = arith.constant 16 : i32
      %parallel_loop3A_331 = arith.muli %parallel_loop3A_27, %parallel_loop3A_330 : i32
      %parallel_loop3A_332 = arith.constant 6 : i32
      %parallel_loop3A_333 = arith.addi %parallel_loop3A_331, %parallel_loop3A_332 : i32
      %parallel_loop3A_334 = arith.constant 0 : i32
      %parallel_loop3A_335 = tpu.memref_slice %arg9[%parallel_loop3A_333, %parallel_loop3A_334] : memref<128x64xf32, #tpu.memory_space<vmem>> -> memref<1x64xf32, #tpu.memory_space<vmem>>
      %parallel_loop3A_336 = arith.constant 0 : i32
      %parallel_loop3A_337 = tpu.memref_slice %arg2[%parallel_loop3A_131, %parallel_loop3A_336] : memref<1000000x64xf32, #tpu.memory_space<hbm>> -> memref<1x64xf32, #tpu.memory_space<hbm>>
      %parallel_loop3A_338 = arith.constant 0 : i32
      %parallel_loop3A_339 = tpu.memref_slice %arg9[%parallel_loop3A_333, %parallel_loop3A_338] : memref<128x64xf32, #tpu.memory_space<vmem>> -> memref<1x64xf32, #tpu.memory_space<vmem>>
      %parallel_loop3A_340 = arith.constant 0 : i32
      %parallel_loop3A_341 = tpu.memref_slice %arg2[%parallel_loop3A_131, %parallel_loop3A_340] : memref<1000000x64xf32, #tpu.memory_space<hbm>> -> memref<1x64xf32, #tpu.memory_space<hbm>>
      tpu.enqueue_dma source(%parallel_loop3A_341 : memref<1x64xf32, #tpu.memory_space<hbm>>) target(%parallel_loop3A_339 : memref<1x64xf32, #tpu.memory_space<vmem>>) target_semaphore(%arg13 : memref<!tpu.dma_semaphore, #tpu.memory_space<semaphore_mem>>)
      %parallel_loop3A_342 = arith.constant 16 : i32
      %parallel_loop3A_343 = arith.muli %parallel_loop3A_27, %parallel_loop3A_342 : i32
      %parallel_loop3A_344 = arith.constant 7 : i32
      %parallel_loop3A_345 = arith.addi %parallel_loop3A_343, %parallel_loop3A_344 : i32
      %parallel_loop3A_346 = arith.constant 0 : i32
      %parallel_loop3A_347 = tpu.memref_slice %arg9[%parallel_loop3A_345, %parallel_loop3A_346] : memref<128x64xf32, #tpu.memory_space<vmem>> -> memref<1x64xf32, #tpu.memory_space<vmem>>
      %parallel_loop3A_348 = arith.constant 0 : i32
      %parallel_loop3A_349 = tpu.memref_slice %arg2[%parallel_loop3A_145, %parallel_loop3A_348] : memref<1000000x64xf32, #tpu.memory_space<hbm>> -> memref<1x64xf32, #tpu.memory_space<hbm>>
      %parallel_loop3A_350 = arith.constant 0 : i32
      %parallel_loop3A_351 = tpu.memref_slice %arg9[%parallel_loop3A_345, %parallel_loop3A_350] : memref<128x64xf32, #tpu.memory_space<vmem>> -> memref<1x64xf32, #tpu.memory_space<vmem>>
      %parallel_loop3A_352 = arith.constant 0 : i32
      %parallel_loop3A_353 = tpu.memref_slice %arg2[%parallel_loop3A_145, %parallel_loop3A_352] : memref<1000000x64xf32, #tpu.memory_space<hbm>> -> memref<1x64xf32, #tpu.memory_space<hbm>>
      tpu.enqueue_dma source(%parallel_loop3A_353 : memref<1x64xf32, #tpu.memory_space<hbm>>) target(%parallel_loop3A_351 : memref<1x64xf32, #tpu.memory_space<vmem>>) target_semaphore(%arg13 : memref<!tpu.dma_semaphore, #tpu.memory_space<semaphore_mem>>)
      %parallel_loop3A_354 = arith.constant 16 : i32
      %parallel_loop3A_355 = arith.muli %parallel_loop3A_27, %parallel_loop3A_354 : i32
      %parallel_loop3A_356 = arith.constant 8 : i32
      %parallel_loop3A_357 = arith.addi %parallel_loop3A_355, %parallel_loop3A_356 : i32
      %parallel_loop3A_358 = arith.constant 0 : i32
      %parallel_loop3A_359 = tpu.memref_slice %arg9[%parallel_loop3A_357, %parallel_loop3A_358] : memref<128x64xf32, #tpu.memory_space<vmem>> -> memref<1x64xf32, #tpu.memory_space<vmem>>
      %parallel_loop3A_360 = arith.constant 0 : i32
      %parallel_loop3A_361 = tpu.memref_slice %arg2[%parallel_loop3A_159, %parallel_loop3A_360] : memref<1000000x64xf32, #tpu.memory_space<hbm>> -> memref<1x64xf32, #tpu.memory_space<hbm>>
      %parallel_loop3A_362 = arith.constant 0 : i32
      %parallel_loop3A_363 = tpu.memref_slice %arg9[%parallel_loop3A_357, %parallel_loop3A_362] : memref<128x64xf32, #tpu.memory_space<vmem>> -> memref<1x64xf32, #tpu.memory_space<vmem>>
      %parallel_loop3A_364 = arith.constant 0 : i32
      %parallel_loop3A_365 = tpu.memref_slice %arg2[%parallel_loop3A_159, %parallel_loop3A_364] : memref<1000000x64xf32, #tpu.memory_space<hbm>> -> memref<1x64xf32, #tpu.memory_space<hbm>>
      tpu.enqueue_dma source(%parallel_loop3A_365 : memref<1x64xf32, #tpu.memory_space<hbm>>) target(%parallel_loop3A_363 : memref<1x64xf32, #tpu.memory_space<vmem>>) target_semaphore(%arg13 : memref<!tpu.dma_semaphore, #tpu.memory_space<semaphore_mem>>)
      %parallel_loop3A_366 = arith.constant 16 : i32
      %parallel_loop3A_367 = arith.muli %parallel_loop3A_27, %parallel_loop3A_366 : i32
      %parallel_loop3A_368 = arith.constant 9 : i32
      %parallel_loop3A_369 = arith.addi %parallel_loop3A_367, %parallel_loop3A_368 : i32
      %parallel_loop3A_370 = arith.constant 0 : i32
      %parallel_loop3A_371 = tpu.memref_slice %arg9[%parallel_loop3A_369, %parallel_loop3A_370] : memref<128x64xf32, #tpu.memory_space<vmem>> -> memref<1x64xf32, #tpu.memory_space<vmem>>
      %parallel_loop3A_372 = arith.constant 0 : i32
      %parallel_loop3A_373 = tpu.memref_slice %arg2[%parallel_loop3A_173, %parallel_loop3A_372] : memref<1000000x64xf32, #tpu.memory_space<hbm>> -> memref<1x64xf32, #tpu.memory_space<hbm>>
      %parallel_loop3A_374 = arith.constant 0 : i32
      %parallel_loop3A_375 = tpu.memref_slice %arg9[%parallel_loop3A_369, %parallel_loop3A_374] : memref<128x64xf32, #tpu.memory_space<vmem>> -> memref<1x64xf32, #tpu.memory_space<vmem>>
      %parallel_loop3A_376 = arith.constant 0 : i32
      %parallel_loop3A_377 = tpu.memref_slice %arg2[%parallel_loop3A_173, %parallel_loop3A_376] : memref<1000000x64xf32, #tpu.memory_space<hbm>> -> memref<1x64xf32, #tpu.memory_space<hbm>>
      tpu.enqueue_dma source(%parallel_loop3A_377 : memref<1x64xf32, #tpu.memory_space<hbm>>) target(%parallel_loop3A_375 : memref<1x64xf32, #tpu.memory_space<vmem>>) target_semaphore(%arg13 : memref<!tpu.dma_semaphore, #tpu.memory_space<semaphore_mem>>)
      %parallel_loop3A_378 = arith.constant 16 : i32
      %parallel_loop3A_379 = arith.muli %parallel_loop3A_27, %parallel_loop3A_378 : i32
      %parallel_loop3A_380 = arith.constant 10 : i32
      %parallel_loop3A_381 = arith.addi %parallel_loop3A_379, %parallel_loop3A_380 : i32
      %parallel_loop3A_382 = arith.constant 0 : i32
      %parallel_loop3A_383 = tpu.memref_slice %arg9[%parallel_loop3A_381, %parallel_loop3A_382] : memref<128x64xf32, #tpu.memory_space<vmem>> -> memref<1x64xf32, #tpu.memory_space<vmem>>
      %parallel_loop3A_384 = arith.constant 0 : i32
      %parallel_loop3A_385 = tpu.memref_slice %arg2[%parallel_loop3A_187, %parallel_loop3A_384] : memref<1000000x64xf32, #tpu.memory_space<hbm>> -> memref<1x64xf32, #tpu.memory_space<hbm>>
      %parallel_loop3A_386 = arith.constant 0 : i32
      %parallel_loop3A_387 = tpu.memref_slice %arg9[%parallel_loop3A_381, %parallel_loop3A_386] : memref<128x64xf32, #tpu.memory_space<vmem>> -> memref<1x64xf32, #tpu.memory_space<vmem>>
      %parallel_loop3A_388 = arith.constant 0 : i32
      %parallel_loop3A_389 = tpu.memref_slice %arg2[%parallel_loop3A_187, %parallel_loop3A_388] : memref<1000000x64xf32, #tpu.memory_space<hbm>> -> memref<1x64xf32, #tpu.memory_space<hbm>>
      tpu.enqueue_dma source(%parallel_loop3A_389 : memref<1x64xf32, #tpu.memory_space<hbm>>) target(%parallel_loop3A_387 : memref<1x64xf32, #tpu.memory_space<vmem>>) target_semaphore(%arg13 : memref<!tpu.dma_semaphore, #tpu.memory_space<semaphore_mem>>)
      %parallel_loop3A_390 = arith.constant 16 : i32
      %parallel_loop3A_391 = arith.muli %parallel_loop3A_27, %parallel_loop3A_390 : i32
      %parallel_loop3A_392 = arith.constant 11 : i32
      %parallel_loop3A_393 = arith.addi %parallel_loop3A_391, %parallel_loop3A_392 : i32
      %parallel_loop3A_394 = arith.constant 0 : i32
      %parallel_loop3A_395 = tpu.memref_slice %arg9[%parallel_loop3A_393, %parallel_loop3A_394] : memref<128x64xf32, #tpu.memory_space<vmem>> -> memref<1x64xf32, #tpu.memory_space<vmem>>
      %parallel_loop3A_396 = arith.constant 0 : i32
      %parallel_loop3A_397 = tpu.memref_slice %arg2[%parallel_loop3A_201, %parallel_loop3A_396] : memref<1000000x64xf32, #tpu.memory_space<hbm>> -> memref<1x64xf32, #tpu.memory_space<hbm>>
      %parallel_loop3A_398 = arith.constant 0 : i32
      %parallel_loop3A_399 = tpu.memref_slice %arg9[%parallel_loop3A_393, %parallel_loop3A_398] : memref<128x64xf32, #tpu.memory_space<vmem>> -> memref<1x64xf32, #tpu.memory_space<vmem>>
      %parallel_loop3A_400 = arith.constant 0 : i32
      %parallel_loop3A_401 = tpu.memref_slice %arg2[%parallel_loop3A_201, %parallel_loop3A_400] : memref<1000000x64xf32, #tpu.memory_space<hbm>> -> memref<1x64xf32, #tpu.memory_space<hbm>>
      tpu.enqueue_dma source(%parallel_loop3A_401 : memref<1x64xf32, #tpu.memory_space<hbm>>) target(%parallel_loop3A_399 : memref<1x64xf32, #tpu.memory_space<vmem>>) target_semaphore(%arg13 : memref<!tpu.dma_semaphore, #tpu.memory_space<semaphore_mem>>)
      %parallel_loop3A_402 = arith.constant 16 : i32
      %parallel_loop3A_403 = arith.muli %parallel_loop3A_27, %parallel_loop3A_402 : i32
      %parallel_loop3A_404 = arith.constant 12 : i32
      %parallel_loop3A_405 = arith.addi %parallel_loop3A_403, %parallel_loop3A_404 : i32
      %parallel_loop3A_406 = arith.constant 0 : i32
      %parallel_loop3A_407 = tpu.memref_slice %arg9[%parallel_loop3A_405, %parallel_loop3A_406] : memref<128x64xf32, #tpu.memory_space<vmem>> -> memref<1x64xf32, #tpu.memory_space<vmem>>
      %parallel_loop3A_408 = arith.constant 0 : i32
      %parallel_loop3A_409 = tpu.memref_slice %arg2[%parallel_loop3A_215, %parallel_loop3A_408] : memref<1000000x64xf32, #tpu.memory_space<hbm>> -> memref<1x64xf32, #tpu.memory_space<hbm>>
      %parallel_loop3A_410 = arith.constant 0 : i32
      %parallel_loop3A_411 = tpu.memref_slice %arg9[%parallel_loop3A_405, %parallel_loop3A_410] : memref<128x64xf32, #tpu.memory_space<vmem>> -> memref<1x64xf32, #tpu.memory_space<vmem>>
      %parallel_loop3A_412 = arith.constant 0 : i32
      %parallel_loop3A_413 = tpu.memref_slice %arg2[%parallel_loop3A_215, %parallel_loop3A_412] : memref<1000000x64xf32, #tpu.memory_space<hbm>> -> memref<1x64xf32, #tpu.memory_space<hbm>>
      tpu.enqueue_dma source(%parallel_loop3A_413 : memref<1x64xf32, #tpu.memory_space<hbm>>) target(%parallel_loop3A_411 : memref<1x64xf32, #tpu.memory_space<vmem>>) target_semaphore(%arg13 : memref<!tpu.dma_semaphore, #tpu.memory_space<semaphore_mem>>)
      %parallel_loop3A_414 = arith.constant 16 : i32
      %parallel_loop3A_415 = arith.muli %parallel_loop3A_27, %parallel_loop3A_414 : i32
      %parallel_loop3A_416 = arith.constant 13 : i32
      %parallel_loop3A_417 = arith.addi %parallel_loop3A_415, %parallel_loop3A_416 : i32
      %parallel_loop3A_418 = arith.constant 0 : i32
      %parallel_loop3A_419 = tpu.memref_slice %arg9[%parallel_loop3A_417, %parallel_loop3A_418] : memref<128x64xf32, #tpu.memory_space<vmem>> -> memref<1x64xf32, #tpu.memory_space<vmem>>
      %parallel_loop3A_420 = arith.constant 0 : i32
      %parallel_loop3A_421 = tpu.memref_slice %arg2[%parallel_loop3A_229, %parallel_loop3A_420] : memref<1000000x64xf32, #tpu.memory_space<hbm>> -> memref<1x64xf32, #tpu.memory_space<hbm>>
      %parallel_loop3A_422 = arith.constant 0 : i32
      %parallel_loop3A_423 = tpu.memref_slice %arg9[%parallel_loop3A_417, %parallel_loop3A_422] : memref<128x64xf32, #tpu.memory_space<vmem>> -> memref<1x64xf32, #tpu.memory_space<vmem>>
      %parallel_loop3A_424 = arith.constant 0 : i32
      %parallel_loop3A_425 = tpu.memref_slice %arg2[%parallel_loop3A_229, %parallel_loop3A_424] : memref<1000000x64xf32, #tpu.memory_space<hbm>> -> memref<1x64xf32, #tpu.memory_space<hbm>>
      tpu.enqueue_dma source(%parallel_loop3A_425 : memref<1x64xf32, #tpu.memory_space<hbm>>) target(%parallel_loop3A_423 : memref<1x64xf32, #tpu.memory_space<vmem>>) target_semaphore(%arg13 : memref<!tpu.dma_semaphore, #tpu.memory_space<semaphore_mem>>)
      %parallel_loop3A_426 = arith.constant 16 : i32
      %parallel_loop3A_427 = arith.muli %parallel_loop3A_27, %parallel_loop3A_426 : i32
      %parallel_loop3A_428 = arith.constant 14 : i32
      %parallel_loop3A_429 = arith.addi %parallel_loop3A_427, %parallel_loop3A_428 : i32
      %parallel_loop3A_430 = arith.constant 0 : i32
      %parallel_loop3A_431 = tpu.memref_slice %arg9[%parallel_loop3A_429, %parallel_loop3A_430] : memref<128x64xf32, #tpu.memory_space<vmem>> -> memref<1x64xf32, #tpu.memory_space<vmem>>
      %parallel_loop3A_432 = arith.constant 0 : i32
      %parallel_loop3A_433 = tpu.memref_slice %arg2[%parallel_loop3A_243, %parallel_loop3A_432] : memref<1000000x64xf32, #tpu.memory_space<hbm>> -> memref<1x64xf32, #tpu.memory_space<hbm>>
      %parallel_loop3A_434 = arith.constant 0 : i32
      %parallel_loop3A_435 = tpu.memref_slice %arg9[%parallel_loop3A_429, %parallel_loop3A_434] : memref<128x64xf32, #tpu.memory_space<vmem>> -> memref<1x64xf32, #tpu.memory_space<vmem>>
      %parallel_loop3A_436 = arith.constant 0 : i32
      %parallel_loop3A_437 = tpu.memref_slice %arg2[%parallel_loop3A_243, %parallel_loop3A_436] : memref<1000000x64xf32, #tpu.memory_space<hbm>> -> memref<1x64xf32, #tpu.memory_space<hbm>>
      tpu.enqueue_dma source(%parallel_loop3A_437 : memref<1x64xf32, #tpu.memory_space<hbm>>) target(%parallel_loop3A_435 : memref<1x64xf32, #tpu.memory_space<vmem>>) target_semaphore(%arg13 : memref<!tpu.dma_semaphore, #tpu.memory_space<semaphore_mem>>)
      %parallel_loop3A_438 = arith.constant 16 : i32
      %parallel_loop3A_439 = arith.muli %parallel_loop3A_27, %parallel_loop3A_438 : i32
      %parallel_loop3A_440 = arith.constant 15 : i32
      %parallel_loop3A_441 = arith.addi %parallel_loop3A_439, %parallel_loop3A_440 : i32
      %parallel_loop3A_442 = arith.constant 0 : i32
      %parallel_loop3A_443 = tpu.memref_slice %arg9[%parallel_loop3A_441, %parallel_loop3A_442] : memref<128x64xf32, #tpu.memory_space<vmem>> -> memref<1x64xf32, #tpu.memory_space<vmem>>
      %parallel_loop3A_444 = arith.constant 0 : i32
      %parallel_loop3A_445 = tpu.memref_slice %arg2[%parallel_loop3A_257, %parallel_loop3A_444] : memref<1000000x64xf32, #tpu.memory_space<hbm>> -> memref<1x64xf32, #tpu.memory_space<hbm>>
      %parallel_loop3A_446 = arith.constant 0 : i32
      %parallel_loop3A_447 = tpu.memref_slice %arg9[%parallel_loop3A_441, %parallel_loop3A_446] : memref<128x64xf32, #tpu.memory_space<vmem>> -> memref<1x64xf32, #tpu.memory_space<vmem>>
      %parallel_loop3A_448 = arith.constant 0 : i32
      %parallel_loop3A_449 = tpu.memref_slice %arg2[%parallel_loop3A_257, %parallel_loop3A_448] : memref<1000000x64xf32, #tpu.memory_space<hbm>> -> memref<1x64xf32, #tpu.memory_space<hbm>>
      tpu.enqueue_dma source(%parallel_loop3A_449 : memref<1x64xf32, #tpu.memory_space<hbm>>) target(%parallel_loop3A_447 : memref<1x64xf32, #tpu.memory_space<vmem>>) target_semaphore(%arg13 : memref<!tpu.dma_semaphore, #tpu.memory_space<semaphore_mem>>)
    } {sc.loop_unroll_factor = 2 : i64, sc.parallel_access}
    %scan3A = arith.constant 0 : i32
    %scan3A_6 = arith.constant 0 : i32
    %scan3A_7 = arith.constant 25 : i32
    %scan3A_8 = arith.addi %scan3A_6, %scan3A_7 : i32
    %scan3A_9 = arith.constant 1 : i32
    %scan3A_10 = scf.for %scan3A_27 = %scan3A_6 to %scan3A_8 step %scan3A_9 iter_args(%scan3A_28 = %scan3A) -> (i32)  : i32 {
      %mul3A_29 = arith.constant 2 : i32
      %mul3A_30 = arith.muli %scan3A_27, %mul3A_29 : i32
      %add3A_31 = arith.constant 0 : i32
      %add3A_32 = arith.addi %mul3A_30, %add3A_31 : i32
      %dma_wait3A_33 = arith.constant 0 : i32
      %dma_wait3A_34 = arith.constant 0 : i32
      %dma_wait3A_35 = tpu.memref_slice %arg2[%dma_wait3A_33, %dma_wait3A_34] : memref<1000000x64xf32, #tpu.memory_space<hbm>> -> memref<128x64xf32, #tpu.memory_space<hbm>>
      %dma_wait3A_36 = arith.constant 0 : i32
      %dma_wait3A_37 = arith.constant 0 : i32
      %dma_wait3A_38 = tpu.memref_slice %arg2[%dma_wait3A_36, %dma_wait3A_37] : memref<1000000x64xf32, #tpu.memory_space<hbm>> -> memref<128x64xf32, #tpu.memory_space<hbm>>
      tpu.wait_dma2 semaphore(%arg12 : memref<!tpu.dma_semaphore, #tpu.memory_space<semaphore_mem>>) src(%dma_wait3A_38 : memref<128x64xf32, #tpu.memory_space<hbm>>) dst(%arg8 : memref<128x64xf32, #tpu.memory_space<vmem>>)
      %ge3A = arith.constant 2 : i32
      %ge3A_39 = arith.cmpi sge, %add3A_32, %ge3A : i32
      %convert_element_type3A = arith.extui %ge3A_39 : i1 to i32
      %cond3A = arith.constant 0 : i32
      %cond3A_40 = arith.cmpi ne, %convert_element_type3A, %cond3A : i32
      scf.if %cond3A_40 {
        %sub3A = arith.constant 2 : i32
        %sub3A_108 = arith.subi %add3A_32, %sub3A : i32
        %mul3A_109 = arith.constant 6400 : i32
        %mul3A_110 = arith.muli %add3A, %mul3A_109 : i32
        %mul3A_111 = arith.constant 128 : i32
        %mul3A_112 = arith.muli %sub3A_108, %mul3A_111 : i32
        %add3A_113 = arith.addi %mul3A_110, %mul3A_112 : i32
        %dma_wait3A_114 = arith.constant 0 : i32
        %dma_wait3A_115 = tpu.memref_slice %arg5[%add3A_113, %dma_wait3A_114] : memref<204800x64xf32, #tpu.memory_space<hbm>> -> memref<128x64xf32, #tpu.memory_space<hbm>>
        %dma_wait3A_116 = arith.constant 0 : i32
        %dma_wait3A_117 = tpu.memref_slice %arg5[%add3A_113, %dma_wait3A_116] : memref<204800x64xf32, #tpu.memory_space<hbm>> -> memref<128x64xf32, #tpu.memory_space<hbm>>
        tpu.wait_dma2 semaphore(%arg14 : memref<!tpu.dma_semaphore, #tpu.memory_space<semaphore_mem>>) src(%arg10 : memref<128x64xf32, #tpu.memory_space<vmem>>) dst(%dma_wait3A_117 : memref<128x64xf32, #tpu.memory_space<hbm>>)
      } else {
      }
      %mul3A_41 = arith.constant 128 : i32
      %mul3A_42 = arith.muli %add3A_32, %mul3A_41 : i32
      %rem3A = arith.constant 200 : i32
      %rem3A_43 = arith.remsi %mul3A_42, %rem3A : i32
      %scan3A_44 = arith.constant 0 : i32
      %scan3A_45 = arith.constant 0 : i32
      %scan3A_46 = arith.constant 64 : i32
      %scan3A_47 = arith.addi %scan3A_45, %scan3A_46 : i32
      %scan3A_48 = arith.constant 1 : i32
      %scan3A_49 = scf.for %scan3A_108 = %scan3A_45 to %scan3A_47 step %scan3A_48 iter_args(%scan3A_109 = %scan3A_44) -> (i32)  : i32 {
        %mul3A_110 = arith.constant 2 : i32
        %mul3A_111 = arith.muli %scan3A_108, %mul3A_110 : i32
        %add3A_112 = arith.constant 0 : i32
        %add3A_113 = arith.addi %mul3A_111, %add3A_112 : i32
        %add3A_114 = arith.addi %rem3A_43, %add3A_113 : i32
        %rem3A_115 = arith.constant 200 : i32
        %rem3A_116 = arith.remsi %add3A_114, %rem3A_115 : i32
        %get3A = arith.index_cast %add3A_113 : i32 to index
        %get3A_117 = arith.constant 0 : index
        %get3A_118 = tpu.vector_load %arg8[%get3A, %get3A_117] {strides = array<i32>} : memref<128x64xf32, #tpu.memory_space<vmem>>, vector<16xf32>,
        %mul3A_119 = arith.constant 8.000000e+00 : f32
        %mul3A_120 = vector.broadcast %mul3A_119 : f32 to vector<16xf32>
        %mul3A_121 = arith.mulf %get3A_118, %mul3A_120 : vector<16xf32>
        %get3A_122 = arith.index_cast %rem3A_116 : i32 to index
        %get3A_123 = arith.constant 0 : index
        %get3A_124 = tpu.vector_load %arg7[%get3A_122, %get3A_123] {strides = array<i32>} : memref<200x64xf32, #tpu.memory_space<vmem>>, vector<16xf32>,
        %add3A_125 = arith.addf %mul3A_121, %get3A_124 : vector<16xf32>
        %swap3A = arith.index_cast %add3A_113 : i32 to index
        %swap3A_126 = arith.constant 0 : index
        %swap3A_127 = tpu.vector_load %arg10[%swap3A, %swap3A_126] {strides = array<i32>} : memref<128x64xf32, #tpu.memory_space<vmem>>, vector<16xf32>,
        tpu.vector_store %arg10[%swap3A, %swap3A_126], %add3A_125 {strides = array<i32>} : memref<128x64xf32, #tpu.memory_space<vmem>>, vector<16xf32>,
        %get3A_128 = arith.index_cast %add3A_113 : i32 to index
        %get3A_129 = arith.constant 16 : index
        %get3A_130 = tpu.vector_load %arg8[%get3A_128, %get3A_129] {strides = array<i32>} : memref<128x64xf32, #tpu.memory_space<vmem>>, vector<16xf32>,
        %mul3A_131 = arith.constant 8.000000e+00 : f32
        %mul3A_132 = vector.broadcast %mul3A_131 : f32 to vector<16xf32>
        %mul3A_133 = arith.mulf %get3A_130, %mul3A_132 : vector<16xf32>
        %get3A_134 = arith.index_cast %rem3A_116 : i32 to index
        %get3A_135 = arith.constant 16 : index
        %get3A_136 = tpu.vector_load %arg7[%get3A_134, %get3A_135] {strides = array<i32>} : memref<200x64xf32, #tpu.memory_space<vmem>>, vector<16xf32>,
        %add3A_137 = arith.addf %mul3A_133, %get3A_136 : vector<16xf32>
        %swap3A_138 = arith.index_cast %add3A_113 : i32 to index
        %swap3A_139 = arith.constant 16 : index
        %swap3A_140 = tpu.vector_load %arg10[%swap3A_138, %swap3A_139] {strides = array<i32>} : memref<128x64xf32, #tpu.memory_space<vmem>>, vector<16xf32>,
        tpu.vector_store %arg10[%swap3A_138, %swap3A_139], %add3A_137 {strides = array<i32>} : memref<128x64xf32, #tpu.memory_space<vmem>>, vector<16xf32>,
        %get3A_141 = arith.index_cast %add3A_113 : i32 to index
        %get3A_142 = arith.constant 32 : index
        %get3A_143 = tpu.vector_load %arg8[%get3A_141, %get3A_142] {strides = array<i32>} : memref<128x64xf32, #tpu.memory_space<vmem>>, vector<16xf32>,
        %mul3A_144 = arith.constant 8.000000e+00 : f32
        %mul3A_145 = vector.broadcast %mul3A_144 : f32 to vector<16xf32>
        %mul3A_146 = arith.mulf %get3A_143, %mul3A_145 : vector<16xf32>
        %get3A_147 = arith.index_cast %rem3A_116 : i32 to index
        %get3A_148 = arith.constant 32 : index
        %get3A_149 = tpu.vector_load %arg7[%get3A_147, %get3A_148] {strides = array<i32>} : memref<200x64xf32, #tpu.memory_space<vmem>>, vector<16xf32>,
        %add3A_150 = arith.addf %mul3A_146, %get3A_149 : vector<16xf32>
        %swap3A_151 = arith.index_cast %add3A_113 : i32 to index
        %swap3A_152 = arith.constant 32 : index
        %swap3A_153 = tpu.vector_load %arg10[%swap3A_151, %swap3A_152] {strides = array<i32>} : memref<128x64xf32, #tpu.memory_space<vmem>>, vector<16xf32>,
        tpu.vector_store %arg10[%swap3A_151, %swap3A_152], %add3A_150 {strides = array<i32>} : memref<128x64xf32, #tpu.memory_space<vmem>>, vector<16xf32>,
        %get3A_154 = arith.index_cast %add3A_113 : i32 to index
        %get3A_155 = arith.constant 48 : index
        %get3A_156 = tpu.vector_load %arg8[%get3A_154, %get3A_155] {strides = array<i32>} : memref<128x64xf32, #tpu.memory_space<vmem>>, vector<16xf32>,
        %mul3A_157 = arith.constant 8.000000e+00 : f32
        %mul3A_158 = vector.broadcast %mul3A_157 : f32 to vector<16xf32>
        %mul3A_159 = arith.mulf %get3A_156, %mul3A_158 : vector<16xf32>
        %get3A_160 = arith.index_cast %rem3A_116 : i32 to index
        %get3A_161 = arith.constant 48 : index
        %get3A_162 = tpu.vector_load %arg7[%get3A_160, %get3A_161] {strides = array<i32>} : memref<200x64xf32, #tpu.memory_space<vmem>>, vector<16xf32>,
        %add3A_163 = arith.addf %mul3A_159, %get3A_162 : vector<16xf32>
        %swap3A_164 = arith.index_cast %add3A_113 : i32 to index
        %swap3A_165 = arith.constant 48 : index
        %swap3A_166 = tpu.vector_load %arg10[%swap3A_164, %swap3A_165] {strides = array<i32>} : memref<128x64xf32, #tpu.memory_space<vmem>>, vector<16xf32>,
        tpu.vector_store %arg10[%swap3A_164, %swap3A_165], %add3A_163 {strides = array<i32>} : memref<128x64xf32, #tpu.memory_space<vmem>>, vector<16xf32>,
        %mul3A_167 = arith.constant 2 : i32
        %mul3A_168 = arith.muli %scan3A_108, %mul3A_167 : i32
        %add3A_169 = arith.constant 1 : i32
        %add3A_170 = arith.addi %mul3A_168, %add3A_169 : i32
        %add3A_171 = arith.addi %rem3A_43, %add3A_170 : i32
        %rem3A_172 = arith.constant 200 : i32
        %rem3A_173 = arith.remsi %add3A_171, %rem3A_172 : i32
        %get3A_174 = arith.index_cast %add3A_170 : i32 to index
        %get3A_175 = arith.constant 0 : index
        %get3A_176 = tpu.vector_load %arg8[%get3A_174, %get3A_175] {strides = array<i32>} : memref<128x64xf32, #tpu.memory_space<vmem>>, vector<16xf32>,
        %mul3A_177 = arith.constant 8.000000e+00 : f32
        %mul3A_178 = vector.broadcast %mul3A_177 : f32 to vector<16xf32>
        %mul3A_179 = arith.mulf %get3A_176, %mul3A_178 : vector<16xf32>
        %get3A_180 = arith.index_cast %rem3A_173 : i32 to index
        %get3A_181 = arith.constant 0 : index
        %get3A_182 = tpu.vector_load %arg7[%get3A_180, %get3A_181] {strides = array<i32>} : memref<200x64xf32, #tpu.memory_space<vmem>>, vector<16xf32>,
        %add3A_183 = arith.addf %mul3A_179, %get3A_182 : vector<16xf32>
        %swap3A_184 = arith.index_cast %add3A_170 : i32 to index
        %swap3A_185 = arith.constant 0 : index
        %swap3A_186 = tpu.vector_load %arg10[%swap3A_184, %swap3A_185] {strides = array<i32>} : memref<128x64xf32, #tpu.memory_space<vmem>>, vector<16xf32>,
        tpu.vector_store %arg10[%swap3A_184, %swap3A_185], %add3A_183 {strides = array<i32>} : memref<128x64xf32, #tpu.memory_space<vmem>>, vector<16xf32>,
        %get3A_187 = arith.index_cast %add3A_170 : i32 to index
        %get3A_188 = arith.constant 16 : index
        %get3A_189 = tpu.vector_load %arg8[%get3A_187, %get3A_188] {strides = array<i32>} : memref<128x64xf32, #tpu.memory_space<vmem>>, vector<16xf32>,
        %mul3A_190 = arith.constant 8.000000e+00 : f32
        %mul3A_191 = vector.broadcast %mul3A_190 : f32 to vector<16xf32>
        %mul3A_192 = arith.mulf %get3A_189, %mul3A_191 : vector<16xf32>
        %get3A_193 = arith.index_cast %rem3A_173 : i32 to index
        %get3A_194 = arith.constant 16 : index
        %get3A_195 = tpu.vector_load %arg7[%get3A_193, %get3A_194] {strides = array<i32>} : memref<200x64xf32, #tpu.memory_space<vmem>>, vector<16xf32>,
        %add3A_196 = arith.addf %mul3A_192, %get3A_195 : vector<16xf32>
        %swap3A_197 = arith.index_cast %add3A_170 : i32 to index
        %swap3A_198 = arith.constant 16 : index
        %swap3A_199 = tpu.vector_load %arg10[%swap3A_197, %swap3A_198] {strides = array<i32>} : memref<128x64xf32, #tpu.memory_space<vmem>>, vector<16xf32>,
        tpu.vector_store %arg10[%swap3A_197, %swap3A_198], %add3A_196 {strides = array<i32>} : memref<128x64xf32, #tpu.memory_space<vmem>>, vector<16xf32>,
        %get3A_200 = arith.index_cast %add3A_170 : i32 to index
        %get3A_201 = arith.constant 32 : index
        %get3A_202 = tpu.vector_load %arg8[%get3A_200, %get3A_201] {strides = array<i32>} : memref<128x64xf32, #tpu.memory_space<vmem>>, vector<16xf32>,
        %mul3A_203 = arith.constant 8.000000e+00 : f32
        %mul3A_204 = vector.broadcast %mul3A_203 : f32 to vector<16xf32>
        %mul3A_205 = arith.mulf %get3A_202, %mul3A_204 : vector<16xf32>
        %get3A_206 = arith.index_cast %rem3A_173 : i32 to index
        %get3A_207 = arith.constant 32 : index
        %get3A_208 = tpu.vector_load %arg7[%get3A_206, %get3A_207] {strides = array<i32>} : memref<200x64xf32, #tpu.memory_space<vmem>>, vector<16xf32>,
        %add3A_209 = arith.addf %mul3A_205, %get3A_208 : vector<16xf32>
        %swap3A_210 = arith.index_cast %add3A_170 : i32 to index
        %swap3A_211 = arith.constant 32 : index
        %swap3A_212 = tpu.vector_load %arg10[%swap3A_210, %swap3A_211] {strides = array<i32>} : memref<128x64xf32, #tpu.memory_space<vmem>>, vector<16xf32>,
        tpu.vector_store %arg10[%swap3A_210, %swap3A_211], %add3A_209 {strides = array<i32>} : memref<128x64xf32, #tpu.memory_space<vmem>>, vector<16xf32>,
        %get3A_213 = arith.index_cast %add3A_170 : i32 to index
        %get3A_214 = arith.constant 48 : index
        %get3A_215 = tpu.vector_load %arg8[%get3A_213, %get3A_214] {strides = array<i32>} : memref<128x64xf32, #tpu.memory_space<vmem>>, vector<16xf32>,
        %mul3A_216 = arith.constant 8.000000e+00 : f32
        %mul3A_217 = vector.broadcast %mul3A_216 : f32 to vector<16xf32>
        %mul3A_218 = arith.mulf %get3A_215, %mul3A_217 : vector<16xf32>
        %get3A_219 = arith.index_cast %rem3A_173 : i32 to index
        %get3A_220 = arith.constant 48 : index
        %get3A_221 = tpu.vector_load %arg7[%get3A_219, %get3A_220] {strides = array<i32>} : memref<200x64xf32, #tpu.memory_space<vmem>>, vector<16xf32>,
        %add3A_222 = arith.addf %mul3A_218, %get3A_221 : vector<16xf32>
        %swap3A_223 = arith.index_cast %add3A_170 : i32 to index
        %swap3A_224 = arith.constant 48 : index
        %swap3A_225 = tpu.vector_load %arg10[%swap3A_223, %swap3A_224] {strides = array<i32>} : memref<128x64xf32, #tpu.memory_space<vmem>>, vector<16xf32>,
        tpu.vector_store %arg10[%swap3A_223, %swap3A_224], %add3A_222 {strides = array<i32>} : memref<128x64xf32, #tpu.memory_space<vmem>>, vector<16xf32>,
        %scan3A_226 = arith.constant 0 : i32
        scf.yield %scan3A_226 : i32
      }
      %scan3A_50 = arith.constant 64 : i32
      %add3A_51 = arith.constant 2 : i32
      %add3A_52 = arith.addi %add3A_32, %add3A_51 : i32
      %lt3A = arith.constant 50 : i32
      %lt3A_53 = arith.cmpi slt, %add3A_52, %lt3A : i32
      %convert_element_type3A_54 = arith.extui %lt3A_53 : i1 to i32
      %cond3A_55 = arith.constant 0 : i32
      %cond3A_56 = arith.cmpi ne, %convert_element_type3A_54, %cond3A_55 : i32
      scf.if %cond3A_56 {
        %add3A_108 = arith.constant 2 : i32
        %add3A_109 = arith.addi %add3A_32, %add3A_108 : i32
        %parallel_loop3A_110 = arith.constant 0 : i32
        %parallel_loop3A_111 = arith.constant 8 : i32
        %parallel_loop3A_112 = arith.constant 1 : i32
        scf.for %parallel_loop3A_113 = %parallel_loop3A_110 to %parallel_loop3A_111 step %parallel_loop3A_112  : i32 {
          %parallel_loop3A_114 = arith.constant 16 : i32
          %parallel_loop3A_115 = arith.muli %parallel_loop3A_113, %parallel_loop3A_114 : i32
          %parallel_loop3A_116 = arith.index_cast %add3A_109 : i32 to index
          %parallel_loop3A_117 = arith.index_cast %parallel_loop3A_115 : i32 to index
          %parallel_loop3A_118 = tpu.vector_load %arg6[%parallel_loop3A_116, %parallel_loop3A_117] {strides = array<i32>} : memref<50x128xi32, #tpu.memory_space<vmem>>, vector<16xi32>,
          %parallel_loop3A_119 = arith.constant 0 : i32
          %parallel_loop3A_120 = vector.broadcast %parallel_loop3A_119 : i32 to vector<16xi32>
          %parallel_loop3A_121 = arith.cmpi eq, %iota3A, %parallel_loop3A_120 : vector<16xi32>
          %parallel_loop3A_122 = arith.constant 0 : i32
          %parallel_loop3A_123 = vector.broadcast %parallel_loop3A_122 : i32 to vector<16xi32>
          %parallel_loop3A_124 = arith.select %parallel_loop3A_121, %parallel_loop3A_118, %parallel_loop3A_123 : vector<16xi1>, vector<16xi32>
          %parallel_loop3A_125 = arith.constant true
          %parallel_loop3A_126 = vector.broadcast %parallel_loop3A_125 : i1 to vector<16xi1>
          %parallel_loop3A_127 = arith.constant -2147483648 : i32
          %parallel_loop3A_128 = vector.broadcast %parallel_loop3A_127 : i32 to vector<16xi32>
          %parallel_loop3A_129 = arith.xori %parallel_loop3A_124, %parallel_loop3A_128 : vector<16xi32>
          %parallel_loop3A_130 = tpu.scan <max>, %parallel_loop3A_129 masked %parallel_loop3A_126 : vector<16xi32>, vector<16xi1> -> vector<16xi32>
          %parallel_loop3A_131 = arith.xori %parallel_loop3A_130, %parallel_loop3A_128 : vector<16xi32>
          %parallel_loop3A_132 = vector.extract %parallel_loop3A_131[15] : i32 from vector<16xi32>
          %parallel_loop3A_133 = arith.constant 1 : i32
          %parallel_loop3A_134 = vector.broadcast %parallel_loop3A_133 : i32 to vector<16xi32>
          %parallel_loop3A_135 = arith.cmpi eq, %iota3A, %parallel_loop3A_134 : vector<16xi32>
          %parallel_loop3A_136 = arith.constant 0 : i32
          %parallel_loop3A_137 = vector.broadcast %parallel_loop3A_136 : i32 to vector<16xi32>
          %parallel_loop3A_138 = arith.select %parallel_loop3A_135, %parallel_loop3A_118, %parallel_loop3A_137 : vector<16xi1>, vector<16xi32>
          %parallel_loop3A_139 = arith.constant true
          %parallel_loop3A_140 = vector.broadcast %parallel_loop3A_139 : i1 to vector<16xi1>
          %parallel_loop3A_141 = arith.constant -2147483648 : i32
          %parallel_loop3A_142 = vector.broadcast %parallel_loop3A_141 : i32 to vector<16xi32>
          %parallel_loop3A_143 = arith.xori %parallel_loop3A_138, %parallel_loop3A_142 : vector<16xi32>
          %parallel_loop3A_144 = tpu.scan <max>, %parallel_loop3A_143 masked %parallel_loop3A_140 : vector<16xi32>, vector<16xi1> -> vector<16xi32>
          %parallel_loop3A_145 = arith.xori %parallel_loop3A_144, %parallel_loop3A_142 : vector<16xi32>
          %parallel_loop3A_146 = vector.extract %parallel_loop3A_145[15] : i32 from vector<16xi32>
          %parallel_loop3A_147 = arith.constant 2 : i32
          %parallel_loop3A_148 = vector.broadcast %parallel_loop3A_147 : i32 to vector<16xi32>
          %parallel_loop3A_149 = arith.cmpi eq, %iota3A, %parallel_loop3A_148 : vector<16xi32>
          %parallel_loop3A_150 = arith.constant 0 : i32
          %parallel_loop3A_151 = vector.broadcast %parallel_loop3A_150 : i32 to vector<16xi32>
          %parallel_loop3A_152 = arith.select %parallel_loop3A_149, %parallel_loop3A_118, %parallel_loop3A_151 : vector<16xi1>, vector<16xi32>
          %parallel_loop3A_153 = arith.constant true
          %parallel_loop3A_154 = vector.broadcast %parallel_loop3A_153 : i1 to vector<16xi1>
          %parallel_loop3A_155 = arith.constant -2147483648 : i32
          %parallel_loop3A_156 = vector.broadcast %parallel_loop3A_155 : i32 to vector<16xi32>
          %parallel_loop3A_157 = arith.xori %parallel_loop3A_152, %parallel_loop3A_156 : vector<16xi32>
          %parallel_loop3A_158 = tpu.scan <max>, %parallel_loop3A_157 masked %parallel_loop3A_154 : vector<16xi32>, vector<16xi1> -> vector<16xi32>
          %parallel_loop3A_159 = arith.xori %parallel_loop3A_158, %parallel_loop3A_156 : vector<16xi32>
          %parallel_loop3A_160 = vector.extract %parallel_loop3A_159[15] : i32 from vector<16xi32>
          %parallel_loop3A_161 = arith.constant 3 : i32
          %parallel_loop3A_162 = vector.broadcast %parallel_loop3A_161 : i32 to vector<16xi32>
          %parallel_loop3A_163 = arith.cmpi eq, %iota3A, %parallel_loop3A_162 : vector<16xi32>
          %parallel_loop3A_164 = arith.constant 0 : i32
          %parallel_loop3A_165 = vector.broadcast %parallel_loop3A_164 : i32 to vector<16xi32>
          %parallel_loop3A_166 = arith.select %parallel_loop3A_163, %parallel_loop3A_118, %parallel_loop3A_165 : vector<16xi1>, vector<16xi32>
          %parallel_loop3A_167 = arith.constant true
          %parallel_loop3A_168 = vector.broadcast %parallel_loop3A_167 : i1 to vector<16xi1>
          %parallel_loop3A_169 = arith.constant -2147483648 : i32
          %parallel_loop3A_170 = vector.broadcast %parallel_loop3A_169 : i32 to vector<16xi32>
          %parallel_loop3A_171 = arith.xori %parallel_loop3A_166, %parallel_loop3A_170 : vector<16xi32>
          %parallel_loop3A_172 = tpu.scan <max>, %parallel_loop3A_171 masked %parallel_loop3A_168 : vector<16xi32>, vector<16xi1> -> vector<16xi32>
          %parallel_loop3A_173 = arith.xori %parallel_loop3A_172, %parallel_loop3A_170 : vector<16xi32>
          %parallel_loop3A_174 = vector.extract %parallel_loop3A_173[15] : i32 from vector<16xi32>
          %parallel_loop3A_175 = arith.constant 4 : i32
          %parallel_loop3A_176 = vector.broadcast %parallel_loop3A_175 : i32 to vector<16xi32>
          %parallel_loop3A_177 = arith.cmpi eq, %iota3A, %parallel_loop3A_176 : vector<16xi32>
          %parallel_loop3A_178 = arith.constant 0 : i32
          %parallel_loop3A_179 = vector.broadcast %parallel_loop3A_178 : i32 to vector<16xi32>
          %parallel_loop3A_180 = arith.select %parallel_loop3A_177, %parallel_loop3A_118, %parallel_loop3A_179 : vector<16xi1>, vector<16xi32>
          %parallel_loop3A_181 = arith.constant true
          %parallel_loop3A_182 = vector.broadcast %parallel_loop3A_181 : i1 to vector<16xi1>
          %parallel_loop3A_183 = arith.constant -2147483648 : i32
          %parallel_loop3A_184 = vector.broadcast %parallel_loop3A_183 : i32 to vector<16xi32>
          %parallel_loop3A_185 = arith.xori %parallel_loop3A_180, %parallel_loop3A_184 : vector<16xi32>
          %parallel_loop3A_186 = tpu.scan <max>, %parallel_loop3A_185 masked %parallel_loop3A_182 : vector<16xi32>, vector<16xi1> -> vector<16xi32>
          %parallel_loop3A_187 = arith.xori %parallel_loop3A_186, %parallel_loop3A_184 : vector<16xi32>
          %parallel_loop3A_188 = vector.extract %parallel_loop3A_187[15] : i32 from vector<16xi32>
          %parallel_loop3A_189 = arith.constant 5 : i32
          %parallel_loop3A_190 = vector.broadcast %parallel_loop3A_189 : i32 to vector<16xi32>
          %parallel_loop3A_191 = arith.cmpi eq, %iota3A, %parallel_loop3A_190 : vector<16xi32>
          %parallel_loop3A_192 = arith.constant 0 : i32
          %parallel_loop3A_193 = vector.broadcast %parallel_loop3A_192 : i32 to vector<16xi32>
          %parallel_loop3A_194 = arith.select %parallel_loop3A_191, %parallel_loop3A_118, %parallel_loop3A_193 : vector<16xi1>, vector<16xi32>
          %parallel_loop3A_195 = arith.constant true
          %parallel_loop3A_196 = vector.broadcast %parallel_loop3A_195 : i1 to vector<16xi1>
          %parallel_loop3A_197 = arith.constant -2147483648 : i32
          %parallel_loop3A_198 = vector.broadcast %parallel_loop3A_197 : i32 to vector<16xi32>
          %parallel_loop3A_199 = arith.xori %parallel_loop3A_194, %parallel_loop3A_198 : vector<16xi32>
          %parallel_loop3A_200 = tpu.scan <max>, %parallel_loop3A_199 masked %parallel_loop3A_196 : vector<16xi32>, vector<16xi1> -> vector<16xi32>
          %parallel_loop3A_201 = arith.xori %parallel_loop3A_200, %parallel_loop3A_198 : vector<16xi32>
          %parallel_loop3A_202 = vector.extract %parallel_loop3A_201[15] : i32 from vector<16xi32>
          %parallel_loop3A_203 = arith.constant 6 : i32
          %parallel_loop3A_204 = vector.broadcast %parallel_loop3A_203 : i32 to vector<16xi32>
          %parallel_loop3A_205 = arith.cmpi eq, %iota3A, %parallel_loop3A_204 : vector<16xi32>
          %parallel_loop3A_206 = arith.constant 0 : i32
          %parallel_loop3A_207 = vector.broadcast %parallel_loop3A_206 : i32 to vector<16xi32>
          %parallel_loop3A_208 = arith.select %parallel_loop3A_205, %parallel_loop3A_118, %parallel_loop3A_207 : vector<16xi1>, vector<16xi32>
          %parallel_loop3A_209 = arith.constant true
          %parallel_loop3A_210 = vector.broadcast %parallel_loop3A_209 : i1 to vector<16xi1>
          %parallel_loop3A_211 = arith.constant -2147483648 : i32
          %parallel_loop3A_212 = vector.broadcast %parallel_loop3A_211 : i32 to vector<16xi32>
          %parallel_loop3A_213 = arith.xori %parallel_loop3A_208, %parallel_loop3A_212 : vector<16xi32>
          %parallel_loop3A_214 = tpu.scan <max>, %parallel_loop3A_213 masked %parallel_loop3A_210 : vector<16xi32>, vector<16xi1> -> vector<16xi32>
          %parallel_loop3A_215 = arith.xori %parallel_loop3A_214, %parallel_loop3A_212 : vector<16xi32>
          %parallel_loop3A_216 = vector.extract %parallel_loop3A_215[15] : i32 from vector<16xi32>
          %parallel_loop3A_217 = arith.constant 7 : i32
          %parallel_loop3A_218 = vector.broadcast %parallel_loop3A_217 : i32 to vector<16xi32>
          %parallel_loop3A_219 = arith.cmpi eq, %iota3A, %parallel_loop3A_218 : vector<16xi32>
          %parallel_loop3A_220 = arith.constant 0 : i32
          %parallel_loop3A_221 = vector.broadcast %parallel_loop3A_220 : i32 to vector<16xi32>
          %parallel_loop3A_222 = arith.select %parallel_loop3A_219, %parallel_loop3A_118, %parallel_loop3A_221 : vector<16xi1>, vector<16xi32>
          %parallel_loop3A_223 = arith.constant true
          %parallel_loop3A_224 = vector.broadcast %parallel_loop3A_223 : i1 to vector<16xi1>
          %parallel_loop3A_225 = arith.constant -2147483648 : i32
          %parallel_loop3A_226 = vector.broadcast %parallel_loop3A_225 : i32 to vector<16xi32>
          %parallel_loop3A_227 = arith.xori %parallel_loop3A_222, %parallel_loop3A_226 : vector<16xi32>
          %parallel_loop3A_228 = tpu.scan <max>, %parallel_loop3A_227 masked %parallel_loop3A_224 : vector<16xi32>, vector<16xi1> -> vector<16xi32>
          %parallel_loop3A_229 = arith.xori %parallel_loop3A_228, %parallel_loop3A_226 : vector<16xi32>
          %parallel_loop3A_230 = vector.extract %parallel_loop3A_229[15] : i32 from vector<16xi32>
          %parallel_loop3A_231 = arith.constant 8 : i32
          %parallel_loop3A_232 = vector.broadcast %parallel_loop3A_231 : i32 to vector<16xi32>
          %parallel_loop3A_233 = arith.cmpi eq, %iota3A, %parallel_loop3A_232 : vector<16xi32>
          %parallel_loop3A_234 = arith.constant 0 : i32
          %parallel_loop3A_235 = vector.broadcast %parallel_loop3A_234 : i32 to vector<16xi32>
          %parallel_loop3A_236 = arith.select %parallel_loop3A_233, %parallel_loop3A_118, %parallel_loop3A_235 : vector<16xi1>, vector<16xi32>
          %parallel_loop3A_237 = arith.constant true
          %parallel_loop3A_238 = vector.broadcast %parallel_loop3A_237 : i1 to vector<16xi1>
          %parallel_loop3A_239 = arith.constant -2147483648 : i32
          %parallel_loop3A_240 = vector.broadcast %parallel_loop3A_239 : i32 to vector<16xi32>
          %parallel_loop3A_241 = arith.xori %parallel_loop3A_236, %parallel_loop3A_240 : vector<16xi32>
          %parallel_loop3A_242 = tpu.scan <max>, %parallel_loop3A_241 masked %parallel_loop3A_238 : vector<16xi32>, vector<16xi1> -> vector<16xi32>
          %parallel_loop3A_243 = arith.xori %parallel_loop3A_242, %parallel_loop3A_240 : vector<16xi32>
          %parallel_loop3A_244 = vector.extract %parallel_loop3A_243[15] : i32 from vector<16xi32>
          %parallel_loop3A_245 = arith.constant 9 : i32
          %parallel_loop3A_246 = vector.broadcast %parallel_loop3A_245 : i32 to vector<16xi32>
          %parallel_loop3A_247 = arith.cmpi eq, %iota3A, %parallel_loop3A_246 : vector<16xi32>
          %parallel_loop3A_248 = arith.constant 0 : i32
          %parallel_loop3A_249 = vector.broadcast %parallel_loop3A_248 : i32 to vector<16xi32>
          %parallel_loop3A_250 = arith.select %parallel_loop3A_247, %parallel_loop3A_118, %parallel_loop3A_249 : vector<16xi1>, vector<16xi32>
          %parallel_loop3A_251 = arith.constant true
          %parallel_loop3A_252 = vector.broadcast %parallel_loop3A_251 : i1 to vector<16xi1>
          %parallel_loop3A_253 = arith.constant -2147483648 : i32
          %parallel_loop3A_254 = vector.broadcast %parallel_loop3A_253 : i32 to vector<16xi32>
          %parallel_loop3A_255 = arith.xori %parallel_loop3A_250, %parallel_loop3A_254 : vector<16xi32>
          %parallel_loop3A_256 = tpu.scan <max>, %parallel_loop3A_255 masked %parallel_loop3A_252 : vector<16xi32>, vector<16xi1> -> vector<16xi32>
          %parallel_loop3A_257 = arith.xori %parallel_loop3A_256, %parallel_loop3A_254 : vector<16xi32>
          %parallel_loop3A_258 = vector.extract %parallel_loop3A_257[15] : i32 from vector<16xi32>
          %parallel_loop3A_259 = arith.constant 10 : i32
          %parallel_loop3A_260 = vector.broadcast %parallel_loop3A_259 : i32 to vector<16xi32>
          %parallel_loop3A_261 = arith.cmpi eq, %iota3A, %parallel_loop3A_260 : vector<16xi32>
          %parallel_loop3A_262 = arith.constant 0 : i32
          %parallel_loop3A_263 = vector.broadcast %parallel_loop3A_262 : i32 to vector<16xi32>
          %parallel_loop3A_264 = arith.select %parallel_loop3A_261, %parallel_loop3A_118, %parallel_loop3A_263 : vector<16xi1>, vector<16xi32>
          %parallel_loop3A_265 = arith.constant true
          %parallel_loop3A_266 = vector.broadcast %parallel_loop3A_265 : i1 to vector<16xi1>
          %parallel_loop3A_267 = arith.constant -2147483648 : i32
          %parallel_loop3A_268 = vector.broadcast %parallel_loop3A_267 : i32 to vector<16xi32>
          %parallel_loop3A_269 = arith.xori %parallel_loop3A_264, %parallel_loop3A_268 : vector<16xi32>
          %parallel_loop3A_270 = tpu.scan <max>, %parallel_loop3A_269 masked %parallel_loop3A_266 : vector<16xi32>, vector<16xi1> -> vector<16xi32>
          %parallel_loop3A_271 = arith.xori %parallel_loop3A_270, %parallel_loop3A_268 : vector<16xi32>
          %parallel_loop3A_272 = vector.extract %parallel_loop3A_271[15] : i32 from vector<16xi32>
          %parallel_loop3A_273 = arith.constant 11 : i32
          %parallel_loop3A_274 = vector.broadcast %parallel_loop3A_273 : i32 to vector<16xi32>
          %parallel_loop3A_275 = arith.cmpi eq, %iota3A, %parallel_loop3A_274 : vector<16xi32>
          %parallel_loop3A_276 = arith.constant 0 : i32
          %parallel_loop3A_277 = vector.broadcast %parallel_loop3A_276 : i32 to vector<16xi32>
          %parallel_loop3A_278 = arith.select %parallel_loop3A_275, %parallel_loop3A_118, %parallel_loop3A_277 : vector<16xi1>, vector<16xi32>
          %parallel_loop3A_279 = arith.constant true
          %parallel_loop3A_280 = vector.broadcast %parallel_loop3A_279 : i1 to vector<16xi1>
          %parallel_loop3A_281 = arith.constant -2147483648 : i32
          %parallel_loop3A_282 = vector.broadcast %parallel_loop3A_281 : i32 to vector<16xi32>
          %parallel_loop3A_283 = arith.xori %parallel_loop3A_278, %parallel_loop3A_282 : vector<16xi32>
          %parallel_loop3A_284 = tpu.scan <max>, %parallel_loop3A_283 masked %parallel_loop3A_280 : vector<16xi32>, vector<16xi1> -> vector<16xi32>
          %parallel_loop3A_285 = arith.xori %parallel_loop3A_284, %parallel_loop3A_282 : vector<16xi32>
          %parallel_loop3A_286 = vector.extract %parallel_loop3A_285[15] : i32 from vector<16xi32>
          %parallel_loop3A_287 = arith.constant 12 : i32
          %parallel_loop3A_288 = vector.broadcast %parallel_loop3A_287 : i32 to vector<16xi32>
          %parallel_loop3A_289 = arith.cmpi eq, %iota3A, %parallel_loop3A_288 : vector<16xi32>
          %parallel_loop3A_290 = arith.constant 0 : i32
          %parallel_loop3A_291 = vector.broadcast %parallel_loop3A_290 : i32 to vector<16xi32>
          %parallel_loop3A_292 = arith.select %parallel_loop3A_289, %parallel_loop3A_118, %parallel_loop3A_291 : vector<16xi1>, vector<16xi32>
          %parallel_loop3A_293 = arith.constant true
          %parallel_loop3A_294 = vector.broadcast %parallel_loop3A_293 : i1 to vector<16xi1>
          %parallel_loop3A_295 = arith.constant -2147483648 : i32
          %parallel_loop3A_296 = vector.broadcast %parallel_loop3A_295 : i32 to vector<16xi32>
          %parallel_loop3A_297 = arith.xori %parallel_loop3A_292, %parallel_loop3A_296 : vector<16xi32>
          %parallel_loop3A_298 = tpu.scan <max>, %parallel_loop3A_297 masked %parallel_loop3A_294 : vector<16xi32>, vector<16xi1> -> vector<16xi32>
          %parallel_loop3A_299 = arith.xori %parallel_loop3A_298, %parallel_loop3A_296 : vector<16xi32>
          %parallel_loop3A_300 = vector.extract %parallel_loop3A_299[15] : i32 from vector<16xi32>
          %parallel_loop3A_301 = arith.constant 13 : i32
          %parallel_loop3A_302 = vector.broadcast %parallel_loop3A_301 : i32 to vector<16xi32>
          %parallel_loop3A_303 = arith.cmpi eq, %iota3A, %parallel_loop3A_302 : vector<16xi32>
          %parallel_loop3A_304 = arith.constant 0 : i32
          %parallel_loop3A_305 = vector.broadcast %parallel_loop3A_304 : i32 to vector<16xi32>
          %parallel_loop3A_306 = arith.select %parallel_loop3A_303, %parallel_loop3A_118, %parallel_loop3A_305 : vector<16xi1>, vector<16xi32>
          %parallel_loop3A_307 = arith.constant true
          %parallel_loop3A_308 = vector.broadcast %parallel_loop3A_307 : i1 to vector<16xi1>
          %parallel_loop3A_309 = arith.constant -2147483648 : i32
          %parallel_loop3A_310 = vector.broadcast %parallel_loop3A_309 : i32 to vector<16xi32>
          %parallel_loop3A_311 = arith.xori %parallel_loop3A_306, %parallel_loop3A_310 : vector<16xi32>
          %parallel_loop3A_312 = tpu.scan <max>, %parallel_loop3A_311 masked %parallel_loop3A_308 : vector<16xi32>, vector<16xi1> -> vector<16xi32>
          %parallel_loop3A_313 = arith.xori %parallel_loop3A_312, %parallel_loop3A_310 : vector<16xi32>
          %parallel_loop3A_314 = vector.extract %parallel_loop3A_313[15] : i32 from vector<16xi32>
          %parallel_loop3A_315 = arith.constant 14 : i32
          %parallel_loop3A_316 = vector.broadcast %parallel_loop3A_315 : i32 to vector<16xi32>
          %parallel_loop3A_317 = arith.cmpi eq, %iota3A, %parallel_loop3A_316 : vector<16xi32>
          %parallel_loop3A_318 = arith.constant 0 : i32
          %parallel_loop3A_319 = vector.broadcast %parallel_loop3A_318 : i32 to vector<16xi32>
          %parallel_loop3A_320 = arith.select %parallel_loop3A_317, %parallel_loop3A_118, %parallel_loop3A_319 : vector<16xi1>, vector<16xi32>
          %parallel_loop3A_321 = arith.constant true
          %parallel_loop3A_322 = vector.broadcast %parallel_loop3A_321 : i1 to vector<16xi1>
          %parallel_loop3A_323 = arith.constant -2147483648 : i32
          %parallel_loop3A_324 = vector.broadcast %parallel_loop3A_323 : i32 to vector<16xi32>
          %parallel_loop3A_325 = arith.xori %parallel_loop3A_320, %parallel_loop3A_324 : vector<16xi32>
          %parallel_loop3A_326 = tpu.scan <max>, %parallel_loop3A_325 masked %parallel_loop3A_322 : vector<16xi32>, vector<16xi1> -> vector<16xi32>
          %parallel_loop3A_327 = arith.xori %parallel_loop3A_326, %parallel_loop3A_324 : vector<16xi32>
          %parallel_loop3A_328 = vector.extract %parallel_loop3A_327[15] : i32 from vector<16xi32>
          %parallel_loop3A_329 = arith.constant 15 : i32
          %parallel_loop3A_330 = vector.broadcast %parallel_loop3A_329 : i32 to vector<16xi32>
          %parallel_loop3A_331 = arith.cmpi eq, %iota3A, %parallel_loop3A_330 : vector<16xi32>
          %parallel_loop3A_332 = arith.constant 0 : i32
          %parallel_loop3A_333 = vector.broadcast %parallel_loop3A_332 : i32 to vector<16xi32>
          %parallel_loop3A_334 = arith.select %parallel_loop3A_331, %parallel_loop3A_118, %parallel_loop3A_333 : vector<16xi1>, vector<16xi32>
          %parallel_loop3A_335 = arith.constant true
          %parallel_loop3A_336 = vector.broadcast %parallel_loop3A_335 : i1 to vector<16xi1>
          %parallel_loop3A_337 = arith.constant -2147483648 : i32
          %parallel_loop3A_338 = vector.broadcast %parallel_loop3A_337 : i32 to vector<16xi32>
          %parallel_loop3A_339 = arith.xori %parallel_loop3A_334, %parallel_loop3A_338 : vector<16xi32>
          %parallel_loop3A_340 = tpu.scan <max>, %parallel_loop3A_339 masked %parallel_loop3A_336 : vector<16xi32>, vector<16xi1> -> vector<16xi32>
          %parallel_loop3A_341 = arith.xori %parallel_loop3A_340, %parallel_loop3A_338 : vector<16xi32>
          %parallel_loop3A_342 = vector.extract %parallel_loop3A_341[15] : i32 from vector<16xi32>
          %parallel_loop3A_343 = arith.constant 16 : i32
          %parallel_loop3A_344 = arith.muli %parallel_loop3A_113, %parallel_loop3A_343 : i32
          %parallel_loop3A_345 = arith.constant 0 : i32
          %parallel_loop3A_346 = arith.addi %parallel_loop3A_344, %parallel_loop3A_345 : i32
          %parallel_loop3A_347 = arith.constant 0 : i32
          %parallel_loop3A_348 = tpu.memref_slice %arg8[%parallel_loop3A_346, %parallel_loop3A_347] : memref<128x64xf32, #tpu.memory_space<vmem>> -> memref<1x64xf32, #tpu.memory_space<vmem>>
          %parallel_loop3A_349 = arith.constant 0 : i32
          %parallel_loop3A_350 = tpu.memref_slice %arg2[%parallel_loop3A_132, %parallel_loop3A_349] : memref<1000000x64xf32, #tpu.memory_space<hbm>> -> memref<1x64xf32, #tpu.memory_space<hbm>>
          %parallel_loop3A_351 = arith.constant 0 : i32
          %parallel_loop3A_352 = tpu.memref_slice %arg8[%parallel_loop3A_346, %parallel_loop3A_351] : memref<128x64xf32, #tpu.memory_space<vmem>> -> memref<1x64xf32, #tpu.memory_space<vmem>>
          %parallel_loop3A_353 = arith.constant 0 : i32
          %parallel_loop3A_354 = tpu.memref_slice %arg2[%parallel_loop3A_132, %parallel_loop3A_353] : memref<1000000x64xf32, #tpu.memory_space<hbm>> -> memref<1x64xf32, #tpu.memory_space<hbm>>
          tpu.enqueue_dma source(%parallel_loop3A_354 : memref<1x64xf32, #tpu.memory_space<hbm>>) target(%parallel_loop3A_352 : memref<1x64xf32, #tpu.memory_space<vmem>>) target_semaphore(%arg12 : memref<!tpu.dma_semaphore, #tpu.memory_space<semaphore_mem>>)
          %parallel_loop3A_355 = arith.constant 16 : i32
          %parallel_loop3A_356 = arith.muli %parallel_loop3A_113, %parallel_loop3A_355 : i32
          %parallel_loop3A_357 = arith.constant 1 : i32
          %parallel_loop3A_358 = arith.addi %parallel_loop3A_356, %parallel_loop3A_357 : i32
          %parallel_loop3A_359 = arith.constant 0 : i32
          %parallel_loop3A_360 = tpu.memref_slice %arg8[%parallel_loop3A_358, %parallel_loop3A_359] : memref<128x64xf32, #tpu.memory_space<vmem>> -> memref<1x64xf32, #tpu.memory_space<vmem>>
          %parallel_loop3A_361 = arith.constant 0 : i32
          %parallel_loop3A_362 = tpu.memref_slice %arg2[%parallel_loop3A_146, %parallel_loop3A_361] : memref<1000000x64xf32, #tpu.memory_space<hbm>> -> memref<1x64xf32, #tpu.memory_space<hbm>>
          %parallel_loop3A_363 = arith.constant 0 : i32
          %parallel_loop3A_364 = tpu.memref_slice %arg8[%parallel_loop3A_358, %parallel_loop3A_363] : memref<128x64xf32, #tpu.memory_space<vmem>> -> memref<1x64xf32, #tpu.memory_space<vmem>>
          %parallel_loop3A_365 = arith.constant 0 : i32
          %parallel_loop3A_366 = tpu.memref_slice %arg2[%parallel_loop3A_146, %parallel_loop3A_365] : memref<1000000x64xf32, #tpu.memory_space<hbm>> -> memref<1x64xf32, #tpu.memory_space<hbm>>
          tpu.enqueue_dma source(%parallel_loop3A_366 : memref<1x64xf32, #tpu.memory_space<hbm>>) target(%parallel_loop3A_364 : memref<1x64xf32, #tpu.memory_space<vmem>>) target_semaphore(%arg12 : memref<!tpu.dma_semaphore, #tpu.memory_space<semaphore_mem>>)
          %parallel_loop3A_367 = arith.constant 16 : i32
          %parallel_loop3A_368 = arith.muli %parallel_loop3A_113, %parallel_loop3A_367 : i32
          %parallel_loop3A_369 = arith.constant 2 : i32
          %parallel_loop3A_370 = arith.addi %parallel_loop3A_368, %parallel_loop3A_369 : i32
          %parallel_loop3A_371 = arith.constant 0 : i32
          %parallel_loop3A_372 = tpu.memref_slice %arg8[%parallel_loop3A_370, %parallel_loop3A_371] : memref<128x64xf32, #tpu.memory_space<vmem>> -> memref<1x64xf32, #tpu.memory_space<vmem>>
          %parallel_loop3A_373 = arith.constant 0 : i32
          %parallel_loop3A_374 = tpu.memref_slice %arg2[%parallel_loop3A_160, %parallel_loop3A_373] : memref<1000000x64xf32, #tpu.memory_space<hbm>> -> memref<1x64xf32, #tpu.memory_space<hbm>>
          %parallel_loop3A_375 = arith.constant 0 : i32
          %parallel_loop3A_376 = tpu.memref_slice %arg8[%parallel_loop3A_370, %parallel_loop3A_375] : memref<128x64xf32, #tpu.memory_space<vmem>> -> memref<1x64xf32, #tpu.memory_space<vmem>>
          %parallel_loop3A_377 = arith.constant 0 : i32
          %parallel_loop3A_378 = tpu.memref_slice %arg2[%parallel_loop3A_160, %parallel_loop3A_377] : memref<1000000x64xf32, #tpu.memory_space<hbm>> -> memref<1x64xf32, #tpu.memory_space<hbm>>
          tpu.enqueue_dma source(%parallel_loop3A_378 : memref<1x64xf32, #tpu.memory_space<hbm>>) target(%parallel_loop3A_376 : memref<1x64xf32, #tpu.memory_space<vmem>>) target_semaphore(%arg12 : memref<!tpu.dma_semaphore, #tpu.memory_space<semaphore_mem>>)
          %parallel_loop3A_379 = arith.constant 16 : i32
          %parallel_loop3A_380 = arith.muli %parallel_loop3A_113, %parallel_loop3A_379 : i32
          %parallel_loop3A_381 = arith.constant 3 : i32
          %parallel_loop3A_382 = arith.addi %parallel_loop3A_380, %parallel_loop3A_381 : i32
          %parallel_loop3A_383 = arith.constant 0 : i32
          %parallel_loop3A_384 = tpu.memref_slice %arg8[%parallel_loop3A_382, %parallel_loop3A_383] : memref<128x64xf32, #tpu.memory_space<vmem>> -> memref<1x64xf32, #tpu.memory_space<vmem>>
          %parallel_loop3A_385 = arith.constant 0 : i32
          %parallel_loop3A_386 = tpu.memref_slice %arg2[%parallel_loop3A_174, %parallel_loop3A_385] : memref<1000000x64xf32, #tpu.memory_space<hbm>> -> memref<1x64xf32, #tpu.memory_space<hbm>>
          %parallel_loop3A_387 = arith.constant 0 : i32
          %parallel_loop3A_388 = tpu.memref_slice %arg8[%parallel_loop3A_382, %parallel_loop3A_387] : memref<128x64xf32, #tpu.memory_space<vmem>> -> memref<1x64xf32, #tpu.memory_space<vmem>>
          %parallel_loop3A_389 = arith.constant 0 : i32
          %parallel_loop3A_390 = tpu.memref_slice %arg2[%parallel_loop3A_174, %parallel_loop3A_389] : memref<1000000x64xf32, #tpu.memory_space<hbm>> -> memref<1x64xf32, #tpu.memory_space<hbm>>
          tpu.enqueue_dma source(%parallel_loop3A_390 : memref<1x64xf32, #tpu.memory_space<hbm>>) target(%parallel_loop3A_388 : memref<1x64xf32, #tpu.memory_space<vmem>>) target_semaphore(%arg12 : memref<!tpu.dma_semaphore, #tpu.memory_space<semaphore_mem>>)
          %parallel_loop3A_391 = arith.constant 16 : i32
          %parallel_loop3A_392 = arith.muli %parallel_loop3A_113, %parallel_loop3A_391 : i32
          %parallel_loop3A_393 = arith.constant 4 : i32
          %parallel_loop3A_394 = arith.addi %parallel_loop3A_392, %parallel_loop3A_393 : i32
          %parallel_loop3A_395 = arith.constant 0 : i32
          %parallel_loop3A_396 = tpu.memref_slice %arg8[%parallel_loop3A_394, %parallel_loop3A_395] : memref<128x64xf32, #tpu.memory_space<vmem>> -> memref<1x64xf32, #tpu.memory_space<vmem>>
          %parallel_loop3A_397 = arith.constant 0 : i32
          %parallel_loop3A_398 = tpu.memref_slice %arg2[%parallel_loop3A_188, %parallel_loop3A_397] : memref<1000000x64xf32, #tpu.memory_space<hbm>> -> memref<1x64xf32, #tpu.memory_space<hbm>>
          %parallel_loop3A_399 = arith.constant 0 : i32
          %parallel_loop3A_400 = tpu.memref_slice %arg8[%parallel_loop3A_394, %parallel_loop3A_399] : memref<128x64xf32, #tpu.memory_space<vmem>> -> memref<1x64xf32, #tpu.memory_space<vmem>>
          %parallel_loop3A_401 = arith.constant 0 : i32
          %parallel_loop3A_402 = tpu.memref_slice %arg2[%parallel_loop3A_188, %parallel_loop3A_401] : memref<1000000x64xf32, #tpu.memory_space<hbm>> -> memref<1x64xf32, #tpu.memory_space<hbm>>
          tpu.enqueue_dma source(%parallel_loop3A_402 : memref<1x64xf32, #tpu.memory_space<hbm>>) target(%parallel_loop3A_400 : memref<1x64xf32, #tpu.memory_space<vmem>>) target_semaphore(%arg12 : memref<!tpu.dma_semaphore, #tpu.memory_space<semaphore_mem>>)
          %parallel_loop3A_403 = arith.constant 16 : i32
          %parallel_loop3A_404 = arith.muli %parallel_loop3A_113, %parallel_loop3A_403 : i32
          %parallel_loop3A_405 = arith.constant 5 : i32
          %parallel_loop3A_406 = arith.addi %parallel_loop3A_404, %parallel_loop3A_405 : i32
          %parallel_loop3A_407 = arith.constant 0 : i32
          %parallel_loop3A_408 = tpu.memref_slice %arg8[%parallel_loop3A_406, %parallel_loop3A_407] : memref<128x64xf32, #tpu.memory_space<vmem>> -> memref<1x64xf32, #tpu.memory_space<vmem>>
          %parallel_loop3A_409 = arith.constant 0 : i32
          %parallel_loop3A_410 = tpu.memref_slice %arg2[%parallel_loop3A_202, %parallel_loop3A_409] : memref<1000000x64xf32, #tpu.memory_space<hbm>> -> memref<1x64xf32, #tpu.memory_space<hbm>>
          %parallel_loop3A_411 = arith.constant 0 : i32
          %parallel_loop3A_412 = tpu.memref_slice %arg8[%parallel_loop3A_406, %parallel_loop3A_411] : memref<128x64xf32, #tpu.memory_space<vmem>> -> memref<1x64xf32, #tpu.memory_space<vmem>>
          %parallel_loop3A_413 = arith.constant 0 : i32
          %parallel_loop3A_414 = tpu.memref_slice %arg2[%parallel_loop3A_202, %parallel_loop3A_413] : memref<1000000x64xf32, #tpu.memory_space<hbm>> -> memref<1x64xf32, #tpu.memory_space<hbm>>
          tpu.enqueue_dma source(%parallel_loop3A_414 : memref<1x64xf32, #tpu.memory_space<hbm>>) target(%parallel_loop3A_412 : memref<1x64xf32, #tpu.memory_space<vmem>>) target_semaphore(%arg12 : memref<!tpu.dma_semaphore, #tpu.memory_space<semaphore_mem>>)
          %parallel_loop3A_415 = arith.constant 16 : i32
          %parallel_loop3A_416 = arith.muli %parallel_loop3A_113, %parallel_loop3A_415 : i32
          %parallel_loop3A_417 = arith.constant 6 : i32
          %parallel_loop3A_418 = arith.addi %parallel_loop3A_416, %parallel_loop3A_417 : i32
          %parallel_loop3A_419 = arith.constant 0 : i32
          %parallel_loop3A_420 = tpu.memref_slice %arg8[%parallel_loop3A_418, %parallel_loop3A_419] : memref<128x64xf32, #tpu.memory_space<vmem>> -> memref<1x64xf32, #tpu.memory_space<vmem>>
          %parallel_loop3A_421 = arith.constant 0 : i32
          %parallel_loop3A_422 = tpu.memref_slice %arg2[%parallel_loop3A_216, %parallel_loop3A_421] : memref<1000000x64xf32, #tpu.memory_space<hbm>> -> memref<1x64xf32, #tpu.memory_space<hbm>>
          %parallel_loop3A_423 = arith.constant 0 : i32
          %parallel_loop3A_424 = tpu.memref_slice %arg8[%parallel_loop3A_418, %parallel_loop3A_423] : memref<128x64xf32, #tpu.memory_space<vmem>> -> memref<1x64xf32, #tpu.memory_space<vmem>>
          %parallel_loop3A_425 = arith.constant 0 : i32
          %parallel_loop3A_426 = tpu.memref_slice %arg2[%parallel_loop3A_216, %parallel_loop3A_425] : memref<1000000x64xf32, #tpu.memory_space<hbm>> -> memref<1x64xf32, #tpu.memory_space<hbm>>
          tpu.enqueue_dma source(%parallel_loop3A_426 : memref<1x64xf32, #tpu.memory_space<hbm>>) target(%parallel_loop3A_424 : memref<1x64xf32, #tpu.memory_space<vmem>>) target_semaphore(%arg12 : memref<!tpu.dma_semaphore, #tpu.memory_space<semaphore_mem>>)
          %parallel_loop3A_427 = arith.constant 16 : i32
          %parallel_loop3A_428 = arith.muli %parallel_loop3A_113, %parallel_loop3A_427 : i32
          %parallel_loop3A_429 = arith.constant 7 : i32
          %parallel_loop3A_430 = arith.addi %parallel_loop3A_428, %parallel_loop3A_429 : i32
          %parallel_loop3A_431 = arith.constant 0 : i32
          %parallel_loop3A_432 = tpu.memref_slice %arg8[%parallel_loop3A_430, %parallel_loop3A_431] : memref<128x64xf32, #tpu.memory_space<vmem>> -> memref<1x64xf32, #tpu.memory_space<vmem>>
          %parallel_loop3A_433 = arith.constant 0 : i32
          %parallel_loop3A_434 = tpu.memref_slice %arg2[%parallel_loop3A_230, %parallel_loop3A_433] : memref<1000000x64xf32, #tpu.memory_space<hbm>> -> memref<1x64xf32, #tpu.memory_space<hbm>>
          %parallel_loop3A_435 = arith.constant 0 : i32
          %parallel_loop3A_436 = tpu.memref_slice %arg8[%parallel_loop3A_430, %parallel_loop3A_435] : memref<128x64xf32, #tpu.memory_space<vmem>> -> memref<1x64xf32, #tpu.memory_space<vmem>>
          %parallel_loop3A_437 = arith.constant 0 : i32
          %parallel_loop3A_438 = tpu.memref_slice %arg2[%parallel_loop3A_230, %parallel_loop3A_437] : memref<1000000x64xf32, #tpu.memory_space<hbm>> -> memref<1x64xf32, #tpu.memory_space<hbm>>
          tpu.enqueue_dma source(%parallel_loop3A_438 : memref<1x64xf32, #tpu.memory_space<hbm>>) target(%parallel_loop3A_436 : memref<1x64xf32, #tpu.memory_space<vmem>>) target_semaphore(%arg12 : memref<!tpu.dma_semaphore, #tpu.memory_space<semaphore_mem>>)
          %parallel_loop3A_439 = arith.constant 16 : i32
          %parallel_loop3A_440 = arith.muli %parallel_loop3A_113, %parallel_loop3A_439 : i32
          %parallel_loop3A_441 = arith.constant 8 : i32
          %parallel_loop3A_442 = arith.addi %parallel_loop3A_440, %parallel_loop3A_441 : i32
          %parallel_loop3A_443 = arith.constant 0 : i32
          %parallel_loop3A_444 = tpu.memref_slice %arg8[%parallel_loop3A_442, %parallel_loop3A_443] : memref<128x64xf32, #tpu.memory_space<vmem>> -> memref<1x64xf32, #tpu.memory_space<vmem>>
          %parallel_loop3A_445 = arith.constant 0 : i32
          %parallel_loop3A_446 = tpu.memref_slice %arg2[%parallel_loop3A_244, %parallel_loop3A_445] : memref<1000000x64xf32, #tpu.memory_space<hbm>> -> memref<1x64xf32, #tpu.memory_space<hbm>>
          %parallel_loop3A_447 = arith.constant 0 : i32
          %parallel_loop3A_448 = tpu.memref_slice %arg8[%parallel_loop3A_442, %parallel_loop3A_447] : memref<128x64xf32, #tpu.memory_space<vmem>> -> memref<1x64xf32, #tpu.memory_space<vmem>>
          %parallel_loop3A_449 = arith.constant 0 : i32
          %parallel_loop3A_450 = tpu.memref_slice %arg2[%parallel_loop3A_244, %parallel_loop3A_449] : memref<1000000x64xf32, #tpu.memory_space<hbm>> -> memref<1x64xf32, #tpu.memory_space<hbm>>
          tpu.enqueue_dma source(%parallel_loop3A_450 : memref<1x64xf32, #tpu.memory_space<hbm>>) target(%parallel_loop3A_448 : memref<1x64xf32, #tpu.memory_space<vmem>>) target_semaphore(%arg12 : memref<!tpu.dma_semaphore, #tpu.memory_space<semaphore_mem>>)
          %parallel_loop3A_451 = arith.constant 16 : i32
          %parallel_loop3A_452 = arith.muli %parallel_loop3A_113, %parallel_loop3A_451 : i32
          %parallel_loop3A_453 = arith.constant 9 : i32
          %parallel_loop3A_454 = arith.addi %parallel_loop3A_452, %parallel_loop3A_453 : i32
          %parallel_loop3A_455 = arith.constant 0 : i32
          %parallel_loop3A_456 = tpu.memref_slice %arg8[%parallel_loop3A_454, %parallel_loop3A_455] : memref<128x64xf32, #tpu.memory_space<vmem>> -> memref<1x64xf32, #tpu.memory_space<vmem>>
          %parallel_loop3A_457 = arith.constant 0 : i32
          %parallel_loop3A_458 = tpu.memref_slice %arg2[%parallel_loop3A_258, %parallel_loop3A_457] : memref<1000000x64xf32, #tpu.memory_space<hbm>> -> memref<1x64xf32, #tpu.memory_space<hbm>>
          %parallel_loop3A_459 = arith.constant 0 : i32
          %parallel_loop3A_460 = tpu.memref_slice %arg8[%parallel_loop3A_454, %parallel_loop3A_459] : memref<128x64xf32, #tpu.memory_space<vmem>> -> memref<1x64xf32, #tpu.memory_space<vmem>>
          %parallel_loop3A_461 = arith.constant 0 : i32
          %parallel_loop3A_462 = tpu.memref_slice %arg2[%parallel_loop3A_258, %parallel_loop3A_461] : memref<1000000x64xf32, #tpu.memory_space<hbm>> -> memref<1x64xf32, #tpu.memory_space<hbm>>
          tpu.enqueue_dma source(%parallel_loop3A_462 : memref<1x64xf32, #tpu.memory_space<hbm>>) target(%parallel_loop3A_460 : memref<1x64xf32, #tpu.memory_space<vmem>>) target_semaphore(%arg12 : memref<!tpu.dma_semaphore, #tpu.memory_space<semaphore_mem>>)
          %parallel_loop3A_463 = arith.constant 16 : i32
          %parallel_loop3A_464 = arith.muli %parallel_loop3A_113, %parallel_loop3A_463 : i32
          %parallel_loop3A_465 = arith.constant 10 : i32
          %parallel_loop3A_466 = arith.addi %parallel_loop3A_464, %parallel_loop3A_465 : i32
          %parallel_loop3A_467 = arith.constant 0 : i32
          %parallel_loop3A_468 = tpu.memref_slice %arg8[%parallel_loop3A_466, %parallel_loop3A_467] : memref<128x64xf32, #tpu.memory_space<vmem>> -> memref<1x64xf32, #tpu.memory_space<vmem>>
          %parallel_loop3A_469 = arith.constant 0 : i32
          %parallel_loop3A_470 = tpu.memref_slice %arg2[%parallel_loop3A_272, %parallel_loop3A_469] : memref<1000000x64xf32, #tpu.memory_space<hbm>> -> memref<1x64xf32, #tpu.memory_space<hbm>>
          %parallel_loop3A_471 = arith.constant 0 : i32
          %parallel_loop3A_472 = tpu.memref_slice %arg8[%parallel_loop3A_466, %parallel_loop3A_471] : memref<128x64xf32, #tpu.memory_space<vmem>> -> memref<1x64xf32, #tpu.memory_space<vmem>>
          %parallel_loop3A_473 = arith.constant 0 : i32
          %parallel_loop3A_474 = tpu.memref_slice %arg2[%parallel_loop3A_272, %parallel_loop3A_473] : memref<1000000x64xf32, #tpu.memory_space<hbm>> -> memref<1x64xf32, #tpu.memory_space<hbm>>
          tpu.enqueue_dma source(%parallel_loop3A_474 : memref<1x64xf32, #tpu.memory_space<hbm>>) target(%parallel_loop3A_472 : memref<1x64xf32, #tpu.memory_space<vmem>>) target_semaphore(%arg12 : memref<!tpu.dma_semaphore, #tpu.memory_space<semaphore_mem>>)
          %parallel_loop3A_475 = arith.constant 16 : i32
          %parallel_loop3A_476 = arith.muli %parallel_loop3A_113, %parallel_loop3A_475 : i32
          %parallel_loop3A_477 = arith.constant 11 : i32
          %parallel_loop3A_478 = arith.addi %parallel_loop3A_476, %parallel_loop3A_477 : i32
          %parallel_loop3A_479 = arith.constant 0 : i32
          %parallel_loop3A_480 = tpu.memref_slice %arg8[%parallel_loop3A_478, %parallel_loop3A_479] : memref<128x64xf32, #tpu.memory_space<vmem>> -> memref<1x64xf32, #tpu.memory_space<vmem>>
          %parallel_loop3A_481 = arith.constant 0 : i32
          %parallel_loop3A_482 = tpu.memref_slice %arg2[%parallel_loop3A_286, %parallel_loop3A_481] : memref<1000000x64xf32, #tpu.memory_space<hbm>> -> memref<1x64xf32, #tpu.memory_space<hbm>>
          %parallel_loop3A_483 = arith.constant 0 : i32
          %parallel_loop3A_484 = tpu.memref_slice %arg8[%parallel_loop3A_478, %parallel_loop3A_483] : memref<128x64xf32, #tpu.memory_space<vmem>> -> memref<1x64xf32, #tpu.memory_space<vmem>>
          %parallel_loop3A_485 = arith.constant 0 : i32
          %parallel_loop3A_486 = tpu.memref_slice %arg2[%parallel_loop3A_286, %parallel_loop3A_485] : memref<1000000x64xf32, #tpu.memory_space<hbm>> -> memref<1x64xf32, #tpu.memory_space<hbm>>
          tpu.enqueue_dma source(%parallel_loop3A_486 : memref<1x64xf32, #tpu.memory_space<hbm>>) target(%parallel_loop3A_484 : memref<1x64xf32, #tpu.memory_space<vmem>>) target_semaphore(%arg12 : memref<!tpu.dma_semaphore, #tpu.memory_space<semaphore_mem>>)
          %parallel_loop3A_487 = arith.constant 16 : i32
          %parallel_loop3A_488 = arith.muli %parallel_loop3A_113, %parallel_loop3A_487 : i32
          %parallel_loop3A_489 = arith.constant 12 : i32
          %parallel_loop3A_490 = arith.addi %parallel_loop3A_488, %parallel_loop3A_489 : i32
          %parallel_loop3A_491 = arith.constant 0 : i32
          %parallel_loop3A_492 = tpu.memref_slice %arg8[%parallel_loop3A_490, %parallel_loop3A_491] : memref<128x64xf32, #tpu.memory_space<vmem>> -> memref<1x64xf32, #tpu.memory_space<vmem>>
          %parallel_loop3A_493 = arith.constant 0 : i32
          %parallel_loop3A_494 = tpu.memref_slice %arg2[%parallel_loop3A_300, %parallel_loop3A_493] : memref<1000000x64xf32, #tpu.memory_space<hbm>> -> memref<1x64xf32, #tpu.memory_space<hbm>>
          %parallel_loop3A_495 = arith.constant 0 : i32
          %parallel_loop3A_496 = tpu.memref_slice %arg8[%parallel_loop3A_490, %parallel_loop3A_495] : memref<128x64xf32, #tpu.memory_space<vmem>> -> memref<1x64xf32, #tpu.memory_space<vmem>>
          %parallel_loop3A_497 = arith.constant 0 : i32
          %parallel_loop3A_498 = tpu.memref_slice %arg2[%parallel_loop3A_300, %parallel_loop3A_497] : memref<1000000x64xf32, #tpu.memory_space<hbm>> -> memref<1x64xf32, #tpu.memory_space<hbm>>
          tpu.enqueue_dma source(%parallel_loop3A_498 : memref<1x64xf32, #tpu.memory_space<hbm>>) target(%parallel_loop3A_496 : memref<1x64xf32, #tpu.memory_space<vmem>>) target_semaphore(%arg12 : memref<!tpu.dma_semaphore, #tpu.memory_space<semaphore_mem>>)
          %parallel_loop3A_499 = arith.constant 16 : i32
          %parallel_loop3A_500 = arith.muli %parallel_loop3A_113, %parallel_loop3A_499 : i32
          %parallel_loop3A_501 = arith.constant 13 : i32
          %parallel_loop3A_502 = arith.addi %parallel_loop3A_500, %parallel_loop3A_501 : i32
          %parallel_loop3A_503 = arith.constant 0 : i32
          %parallel_loop3A_504 = tpu.memref_slice %arg8[%parallel_loop3A_502, %parallel_loop3A_503] : memref<128x64xf32, #tpu.memory_space<vmem>> -> memref<1x64xf32, #tpu.memory_space<vmem>>
          %parallel_loop3A_505 = arith.constant 0 : i32
          %parallel_loop3A_506 = tpu.memref_slice %arg2[%parallel_loop3A_314, %parallel_loop3A_505] : memref<1000000x64xf32, #tpu.memory_space<hbm>> -> memref<1x64xf32, #tpu.memory_space<hbm>>
          %parallel_loop3A_507 = arith.constant 0 : i32
          %parallel_loop3A_508 = tpu.memref_slice %arg8[%parallel_loop3A_502, %parallel_loop3A_507] : memref<128x64xf32, #tpu.memory_space<vmem>> -> memref<1x64xf32, #tpu.memory_space<vmem>>
          %parallel_loop3A_509 = arith.constant 0 : i32
          %parallel_loop3A_510 = tpu.memref_slice %arg2[%parallel_loop3A_314, %parallel_loop3A_509] : memref<1000000x64xf32, #tpu.memory_space<hbm>> -> memref<1x64xf32, #tpu.memory_space<hbm>>
          tpu.enqueue_dma source(%parallel_loop3A_510 : memref<1x64xf32, #tpu.memory_space<hbm>>) target(%parallel_loop3A_508 : memref<1x64xf32, #tpu.memory_space<vmem>>) target_semaphore(%arg12 : memref<!tpu.dma_semaphore, #tpu.memory_space<semaphore_mem>>)
          %parallel_loop3A_511 = arith.constant 16 : i32
          %parallel_loop3A_512 = arith.muli %parallel_loop3A_113, %parallel_loop3A_511 : i32
          %parallel_loop3A_513 = arith.constant 14 : i32
          %parallel_loop3A_514 = arith.addi %parallel_loop3A_512, %parallel_loop3A_513 : i32
          %parallel_loop3A_515 = arith.constant 0 : i32
          %parallel_loop3A_516 = tpu.memref_slice %arg8[%parallel_loop3A_514, %parallel_loop3A_515] : memref<128x64xf32, #tpu.memory_space<vmem>> -> memref<1x64xf32, #tpu.memory_space<vmem>>
          %parallel_loop3A_517 = arith.constant 0 : i32
          %parallel_loop3A_518 = tpu.memref_slice %arg2[%parallel_loop3A_328, %parallel_loop3A_517] : memref<1000000x64xf32, #tpu.memory_space<hbm>> -> memref<1x64xf32, #tpu.memory_space<hbm>>
          %parallel_loop3A_519 = arith.constant 0 : i32
          %parallel_loop3A_520 = tpu.memref_slice %arg8[%parallel_loop3A_514, %parallel_loop3A_519] : memref<128x64xf32, #tpu.memory_space<vmem>> -> memref<1x64xf32, #tpu.memory_space<vmem>>
          %parallel_loop3A_521 = arith.constant 0 : i32
          %parallel_loop3A_522 = tpu.memref_slice %arg2[%parallel_loop3A_328, %parallel_loop3A_521] : memref<1000000x64xf32, #tpu.memory_space<hbm>> -> memref<1x64xf32, #tpu.memory_space<hbm>>
          tpu.enqueue_dma source(%parallel_loop3A_522 : memref<1x64xf32, #tpu.memory_space<hbm>>) target(%parallel_loop3A_520 : memref<1x64xf32, #tpu.memory_space<vmem>>) target_semaphore(%arg12 : memref<!tpu.dma_semaphore, #tpu.memory_space<semaphore_mem>>)
          %parallel_loop3A_523 = arith.constant 16 : i32
          %parallel_loop3A_524 = arith.muli %parallel_loop3A_113, %parallel_loop3A_523 : i32
          %parallel_loop3A_525 = arith.constant 15 : i32
          %parallel_loop3A_526 = arith.addi %parallel_loop3A_524, %parallel_loop3A_525 : i32
          %parallel_loop3A_527 = arith.constant 0 : i32
          %parallel_loop3A_528 = tpu.memref_slice %arg8[%parallel_loop3A_526, %parallel_loop3A_527] : memref<128x64xf32, #tpu.memory_space<vmem>> -> memref<1x64xf32, #tpu.memory_space<vmem>>
          %parallel_loop3A_529 = arith.constant 0 : i32
          %parallel_loop3A_530 = tpu.memref_slice %arg2[%parallel_loop3A_342, %parallel_loop3A_529] : memref<1000000x64xf32, #tpu.memory_space<hbm>> -> memref<1x64xf32, #tpu.memory_space<hbm>>
          %parallel_loop3A_531 = arith.constant 0 : i32
          %parallel_loop3A_532 = tpu.memref_slice %arg8[%parallel_loop3A_526, %parallel_loop3A_531] : memref<128x64xf32, #tpu.memory_space<vmem>> -> memref<1x64xf32, #tpu.memory_space<vmem>>
          %parallel_loop3A_533 = arith.constant 0 : i32
          %parallel_loop3A_534 = tpu.memref_slice %arg2[%parallel_loop3A_342, %parallel_loop3A_533] : memref<1000000x64xf32, #tpu.memory_space<hbm>> -> memref<1x64xf32, #tpu.memory_space<hbm>>
          tpu.enqueue_dma source(%parallel_loop3A_534 : memref<1x64xf32, #tpu.memory_space<hbm>>) target(%parallel_loop3A_532 : memref<1x64xf32, #tpu.memory_space<vmem>>) target_semaphore(%arg12 : memref<!tpu.dma_semaphore, #tpu.memory_space<semaphore_mem>>)
        } {sc.loop_unroll_factor = 2 : i64, sc.parallel_access}
      } else {
      }
      %mul3A_57 = arith.constant 6400 : i32
      %mul3A_58 = arith.muli %add3A, %mul3A_57 : i32
      %mul3A_59 = arith.constant 128 : i32
      %mul3A_60 = arith.muli %add3A_32, %mul3A_59 : i32
      %add3A_61 = arith.addi %mul3A_58, %mul3A_60 : i32
      %dma_start3A = arith.constant 0 : i32
      %dma_start3A_62 = tpu.memref_slice %arg5[%add3A_61, %dma_start3A] : memref<204800x64xf32, #tpu.memory_space<hbm>> -> memref<128x64xf32, #tpu.memory_space<hbm>>
      %dma_start3A_63 = arith.constant 0 : i32
      %dma_start3A_64 = tpu.memref_slice %arg5[%add3A_61, %dma_start3A_63] : memref<204800x64xf32, #tpu.memory_space<hbm>> -> memref<128x64xf32, #tpu.memory_space<hbm>>
      tpu.enqueue_dma source(%arg10 : memref<128x64xf32, #tpu.memory_space<vmem>>) target(%dma_start3A_64 : memref<128x64xf32, #tpu.memory_space<hbm>>) target_semaphore(%arg14 : memref<!tpu.dma_semaphore, #tpu.memory_space<semaphore_mem>>)
      %mul3A_65 = arith.constant 2 : i32
      %mul3A_66 = arith.muli %scan3A_27, %mul3A_65 : i32
      %add3A_67 = arith.constant 1 : i32
      %add3A_68 = arith.addi %mul3A_66, %add3A_67 : i32
      %dma_wait3A_69 = arith.constant 0 : i32
      %dma_wait3A_70 = arith.constant 0 : i32
      %dma_wait3A_71 = tpu.memref_slice %arg2[%dma_wait3A_69, %dma_wait3A_70] : memref<1000000x64xf32, #tpu.memory_space<hbm>> -> memref<128x64xf32, #tpu.memory_space<hbm>>
      %dma_wait3A_72 = arith.constant 0 : i32
      %dma_wait3A_73 = arith.constant 0 : i32
      %dma_wait3A_74 = tpu.memref_slice %arg2[%dma_wait3A_72, %dma_wait3A_73] : memref<1000000x64xf32, #tpu.memory_space<hbm>> -> memref<128x64xf32, #tpu.memory_space<hbm>>
      tpu.wait_dma2 semaphore(%arg13 : memref<!tpu.dma_semaphore, #tpu.memory_space<semaphore_mem>>) src(%dma_wait3A_74 : memref<128x64xf32, #tpu.memory_space<hbm>>) dst(%arg9 : memref<128x64xf32, #tpu.memory_space<vmem>>)
      %ge3A_75 = arith.constant 2 : i32
      %ge3A_76 = arith.cmpi sge, %add3A_68, %ge3A_75 : i32
      %convert_element_type3A_77 = arith.extui %ge3A_76 : i1 to i32
      %cond3A_78 = arith.constant 0 : i32
      %cond3A_79 = arith.cmpi ne, %convert_element_type3A_77, %cond3A_78 : i32
      scf.if %cond3A_79 {
        %sub3A = arith.constant 2 : i32
        %sub3A_108 = arith.subi %add3A_68, %sub3A : i32
        %mul3A_109 = arith.constant 6400 : i32
        %mul3A_110 = arith.muli %add3A, %mul3A_109 : i32
        %mul3A_111 = arith.constant 128 : i32
        %mul3A_112 = arith.muli %sub3A_108, %mul3A_111 : i32
        %add3A_113 = arith.addi %mul3A_110, %mul3A_112 : i32
        %dma_wait3A_114 = arith.constant 0 : i32
        %dma_wait3A_115 = tpu.memref_slice %arg5[%add3A_113, %dma_wait3A_114] : memref<204800x64xf32, #tpu.memory_space<hbm>> -> memref<128x64xf32, #tpu.memory_space<hbm>>
        %dma_wait3A_116 = arith.constant 0 : i32
        %dma_wait3A_117 = tpu.memref_slice %arg5[%add3A_113, %dma_wait3A_116] : memref<204800x64xf32, #tpu.memory_space<hbm>> -> memref<128x64xf32, #tpu.memory_space<hbm>>
        tpu.wait_dma2 semaphore(%arg15 : memref<!tpu.dma_semaphore, #tpu.memory_space<semaphore_mem>>) src(%arg11 : memref<128x64xf32, #tpu.memory_space<vmem>>) dst(%dma_wait3A_117 : memref<128x64xf32, #tpu.memory_space<hbm>>)
      } else {
      }
      %mul3A_80 = arith.constant 128 : i32
      %mul3A_81 = arith.muli %add3A_68, %mul3A_80 : i32
      %rem3A_82 = arith.constant 200 : i32
      %rem3A_83 = arith.remsi %mul3A_81, %rem3A_82 : i32
      %scan3A_84 = arith.constant 0 : i32
      %scan3A_85 = arith.constant 0 : i32
      %scan3A_86 = arith.constant 64 : i32
      %scan3A_87 = arith.addi %scan3A_85, %scan3A_86 : i32
      %scan3A_88 = arith.constant 1 : i32
      %scan3A_89 = scf.for %scan3A_108 = %scan3A_85 to %scan3A_87 step %scan3A_88 iter_args(%scan3A_109 = %scan3A_84) -> (i32)  : i32 {
        %mul3A_110 = arith.constant 2 : i32
        %mul3A_111 = arith.muli %scan3A_108, %mul3A_110 : i32
        %add3A_112 = arith.constant 0 : i32
        %add3A_113 = arith.addi %mul3A_111, %add3A_112 : i32
        %add3A_114 = arith.addi %rem3A_83, %add3A_113 : i32
        %rem3A_115 = arith.constant 200 : i32
        %rem3A_116 = arith.remsi %add3A_114, %rem3A_115 : i32
        %get3A = arith.index_cast %add3A_113 : i32 to index
        %get3A_117 = arith.constant 0 : index
        %get3A_118 = tpu.vector_load %arg9[%get3A, %get3A_117] {strides = array<i32>} : memref<128x64xf32, #tpu.memory_space<vmem>>, vector<16xf32>,
        %mul3A_119 = arith.constant 8.000000e+00 : f32
        %mul3A_120 = vector.broadcast %mul3A_119 : f32 to vector<16xf32>
        %mul3A_121 = arith.mulf %get3A_118, %mul3A_120 : vector<16xf32>
        %get3A_122 = arith.index_cast %rem3A_116 : i32 to index
        %get3A_123 = arith.constant 0 : index
        %get3A_124 = tpu.vector_load %arg7[%get3A_122, %get3A_123] {strides = array<i32>} : memref<200x64xf32, #tpu.memory_space<vmem>>, vector<16xf32>,
        %add3A_125 = arith.addf %mul3A_121, %get3A_124 : vector<16xf32>
        %swap3A = arith.index_cast %add3A_113 : i32 to index
        %swap3A_126 = arith.constant 0 : index
        %swap3A_127 = tpu.vector_load %arg11[%swap3A, %swap3A_126] {strides = array<i32>} : memref<128x64xf32, #tpu.memory_space<vmem>>, vector<16xf32>,
        tpu.vector_store %arg11[%swap3A, %swap3A_126], %add3A_125 {strides = array<i32>} : memref<128x64xf32, #tpu.memory_space<vmem>>, vector<16xf32>,
        %get3A_128 = arith.index_cast %add3A_113 : i32 to index
        %get3A_129 = arith.constant 16 : index
        %get3A_130 = tpu.vector_load %arg9[%get3A_128, %get3A_129] {strides = array<i32>} : memref<128x64xf32, #tpu.memory_space<vmem>>, vector<16xf32>,
        %mul3A_131 = arith.constant 8.000000e+00 : f32
        %mul3A_132 = vector.broadcast %mul3A_131 : f32 to vector<16xf32>
        %mul3A_133 = arith.mulf %get3A_130, %mul3A_132 : vector<16xf32>
        %get3A_134 = arith.index_cast %rem3A_116 : i32 to index
        %get3A_135 = arith.constant 16 : index
        %get3A_136 = tpu.vector_load %arg7[%get3A_134, %get3A_135] {strides = array<i32>} : memref<200x64xf32, #tpu.memory_space<vmem>>, vector<16xf32>,
        %add3A_137 = arith.addf %mul3A_133, %get3A_136 : vector<16xf32>
        %swap3A_138 = arith.index_cast %add3A_113 : i32 to index
        %swap3A_139 = arith.constant 16 : index
        %swap3A_140 = tpu.vector_load %arg11[%swap3A_138, %swap3A_139] {strides = array<i32>} : memref<128x64xf32, #tpu.memory_space<vmem>>, vector<16xf32>,
        tpu.vector_store %arg11[%swap3A_138, %swap3A_139], %add3A_137 {strides = array<i32>} : memref<128x64xf32, #tpu.memory_space<vmem>>, vector<16xf32>,
        %get3A_141 = arith.index_cast %add3A_113 : i32 to index
        %get3A_142 = arith.constant 32 : index
        %get3A_143 = tpu.vector_load %arg9[%get3A_141, %get3A_142] {strides = array<i32>} : memref<128x64xf32, #tpu.memory_space<vmem>>, vector<16xf32>,
        %mul3A_144 = arith.constant 8.000000e+00 : f32
        %mul3A_145 = vector.broadcast %mul3A_144 : f32 to vector<16xf32>
        %mul3A_146 = arith.mulf %get3A_143, %mul3A_145 : vector<16xf32>
        %get3A_147 = arith.index_cast %rem3A_116 : i32 to index
        %get3A_148 = arith.constant 32 : index
        %get3A_149 = tpu.vector_load %arg7[%get3A_147, %get3A_148] {strides = array<i32>} : memref<200x64xf32, #tpu.memory_space<vmem>>, vector<16xf32>,
        %add3A_150 = arith.addf %mul3A_146, %get3A_149 : vector<16xf32>
        %swap3A_151 = arith.index_cast %add3A_113 : i32 to index
        %swap3A_152 = arith.constant 32 : index
        %swap3A_153 = tpu.vector_load %arg11[%swap3A_151, %swap3A_152] {strides = array<i32>} : memref<128x64xf32, #tpu.memory_space<vmem>>, vector<16xf32>,
        tpu.vector_store %arg11[%swap3A_151, %swap3A_152], %add3A_150 {strides = array<i32>} : memref<128x64xf32, #tpu.memory_space<vmem>>, vector<16xf32>,
        %get3A_154 = arith.index_cast %add3A_113 : i32 to index
        %get3A_155 = arith.constant 48 : index
        %get3A_156 = tpu.vector_load %arg9[%get3A_154, %get3A_155] {strides = array<i32>} : memref<128x64xf32, #tpu.memory_space<vmem>>, vector<16xf32>,
        %mul3A_157 = arith.constant 8.000000e+00 : f32
        %mul3A_158 = vector.broadcast %mul3A_157 : f32 to vector<16xf32>
        %mul3A_159 = arith.mulf %get3A_156, %mul3A_158 : vector<16xf32>
        %get3A_160 = arith.index_cast %rem3A_116 : i32 to index
        %get3A_161 = arith.constant 48 : index
        %get3A_162 = tpu.vector_load %arg7[%get3A_160, %get3A_161] {strides = array<i32>} : memref<200x64xf32, #tpu.memory_space<vmem>>, vector<16xf32>,
        %add3A_163 = arith.addf %mul3A_159, %get3A_162 : vector<16xf32>
        %swap3A_164 = arith.index_cast %add3A_113 : i32 to index
        %swap3A_165 = arith.constant 48 : index
        %swap3A_166 = tpu.vector_load %arg11[%swap3A_164, %swap3A_165] {strides = array<i32>} : memref<128x64xf32, #tpu.memory_space<vmem>>, vector<16xf32>,
        tpu.vector_store %arg11[%swap3A_164, %swap3A_165], %add3A_163 {strides = array<i32>} : memref<128x64xf32, #tpu.memory_space<vmem>>, vector<16xf32>,
        %mul3A_167 = arith.constant 2 : i32
        %mul3A_168 = arith.muli %scan3A_108, %mul3A_167 : i32
        %add3A_169 = arith.constant 1 : i32
        %add3A_170 = arith.addi %mul3A_168, %add3A_169 : i32
        %add3A_171 = arith.addi %rem3A_83, %add3A_170 : i32
        %rem3A_172 = arith.constant 200 : i32
        %rem3A_173 = arith.remsi %add3A_171, %rem3A_172 : i32
        %get3A_174 = arith.index_cast %add3A_170 : i32 to index
        %get3A_175 = arith.constant 0 : index
        %get3A_176 = tpu.vector_load %arg9[%get3A_174, %get3A_175] {strides = array<i32>} : memref<128x64xf32, #tpu.memory_space<vmem>>, vector<16xf32>,
        %mul3A_177 = arith.constant 8.000000e+00 : f32
        %mul3A_178 = vector.broadcast %mul3A_177 : f32 to vector<16xf32>
        %mul3A_179 = arith.mulf %get3A_176, %mul3A_178 : vector<16xf32>
        %get3A_180 = arith.index_cast %rem3A_173 : i32 to index
        %get3A_181 = arith.constant 0 : index
        %get3A_182 = tpu.vector_load %arg7[%get3A_180, %get3A_181] {strides = array<i32>} : memref<200x64xf32, #tpu.memory_space<vmem>>, vector<16xf32>,
        %add3A_183 = arith.addf %mul3A_179, %get3A_182 : vector<16xf32>
        %swap3A_184 = arith.index_cast %add3A_170 : i32 to index
        %swap3A_185 = arith.constant 0 : index
        %swap3A_186 = tpu.vector_load %arg11[%swap3A_184, %swap3A_185] {strides = array<i32>} : memref<128x64xf32, #tpu.memory_space<vmem>>, vector<16xf32>,
        tpu.vector_store %arg11[%swap3A_184, %swap3A_185], %add3A_183 {strides = array<i32>} : memref<128x64xf32, #tpu.memory_space<vmem>>, vector<16xf32>,
        %get3A_187 = arith.index_cast %add3A_170 : i32 to index
        %get3A_188 = arith.constant 16 : index
        %get3A_189 = tpu.vector_load %arg9[%get3A_187, %get3A_188] {strides = array<i32>} : memref<128x64xf32, #tpu.memory_space<vmem>>, vector<16xf32>,
        %mul3A_190 = arith.constant 8.000000e+00 : f32
        %mul3A_191 = vector.broadcast %mul3A_190 : f32 to vector<16xf32>
        %mul3A_192 = arith.mulf %get3A_189, %mul3A_191 : vector<16xf32>
        %get3A_193 = arith.index_cast %rem3A_173 : i32 to index
        %get3A_194 = arith.constant 16 : index
        %get3A_195 = tpu.vector_load %arg7[%get3A_193, %get3A_194] {strides = array<i32>} : memref<200x64xf32, #tpu.memory_space<vmem>>, vector<16xf32>,
        %add3A_196 = arith.addf %mul3A_192, %get3A_195 : vector<16xf32>
        %swap3A_197 = arith.index_cast %add3A_170 : i32 to index
        %swap3A_198 = arith.constant 16 : index
        %swap3A_199 = tpu.vector_load %arg11[%swap3A_197, %swap3A_198] {strides = array<i32>} : memref<128x64xf32, #tpu.memory_space<vmem>>, vector<16xf32>,
        tpu.vector_store %arg11[%swap3A_197, %swap3A_198], %add3A_196 {strides = array<i32>} : memref<128x64xf32, #tpu.memory_space<vmem>>, vector<16xf32>,
        %get3A_200 = arith.index_cast %add3A_170 : i32 to index
        %get3A_201 = arith.constant 32 : index
        %get3A_202 = tpu.vector_load %arg9[%get3A_200, %get3A_201] {strides = array<i32>} : memref<128x64xf32, #tpu.memory_space<vmem>>, vector<16xf32>,
        %mul3A_203 = arith.constant 8.000000e+00 : f32
        %mul3A_204 = vector.broadcast %mul3A_203 : f32 to vector<16xf32>
        %mul3A_205 = arith.mulf %get3A_202, %mul3A_204 : vector<16xf32>
        %get3A_206 = arith.index_cast %rem3A_173 : i32 to index
        %get3A_207 = arith.constant 32 : index
        %get3A_208 = tpu.vector_load %arg7[%get3A_206, %get3A_207] {strides = array<i32>} : memref<200x64xf32, #tpu.memory_space<vmem>>, vector<16xf32>,
        %add3A_209 = arith.addf %mul3A_205, %get3A_208 : vector<16xf32>
        %swap3A_210 = arith.index_cast %add3A_170 : i32 to index
        %swap3A_211 = arith.constant 32 : index
        %swap3A_212 = tpu.vector_load %arg11[%swap3A_210, %swap3A_211] {strides = array<i32>} : memref<128x64xf32, #tpu.memory_space<vmem>>, vector<16xf32>,
        tpu.vector_store %arg11[%swap3A_210, %swap3A_211], %add3A_209 {strides = array<i32>} : memref<128x64xf32, #tpu.memory_space<vmem>>, vector<16xf32>,
        %get3A_213 = arith.index_cast %add3A_170 : i32 to index
        %get3A_214 = arith.constant 48 : index
        %get3A_215 = tpu.vector_load %arg9[%get3A_213, %get3A_214] {strides = array<i32>} : memref<128x64xf32, #tpu.memory_space<vmem>>, vector<16xf32>,
        %mul3A_216 = arith.constant 8.000000e+00 : f32
        %mul3A_217 = vector.broadcast %mul3A_216 : f32 to vector<16xf32>
        %mul3A_218 = arith.mulf %get3A_215, %mul3A_217 : vector<16xf32>
        %get3A_219 = arith.index_cast %rem3A_173 : i32 to index
        %get3A_220 = arith.constant 48 : index
        %get3A_221 = tpu.vector_load %arg7[%get3A_219, %get3A_220] {strides = array<i32>} : memref<200x64xf32, #tpu.memory_space<vmem>>, vector<16xf32>,
        %add3A_222 = arith.addf %mul3A_218, %get3A_221 : vector<16xf32>
        %swap3A_223 = arith.index_cast %add3A_170 : i32 to index
        %swap3A_224 = arith.constant 48 : index
        %swap3A_225 = tpu.vector_load %arg11[%swap3A_223, %swap3A_224] {strides = array<i32>} : memref<128x64xf32, #tpu.memory_space<vmem>>, vector<16xf32>,
        tpu.vector_store %arg11[%swap3A_223, %swap3A_224], %add3A_222 {strides = array<i32>} : memref<128x64xf32, #tpu.memory_space<vmem>>, vector<16xf32>,
        %scan3A_226 = arith.constant 0 : i32
        scf.yield %scan3A_226 : i32
      }
      %scan3A_90 = arith.constant 64 : i32
      %add3A_91 = arith.constant 2 : i32
      %add3A_92 = arith.addi %add3A_68, %add3A_91 : i32
      %lt3A_93 = arith.constant 50 : i32
      %lt3A_94 = arith.cmpi slt, %add3A_92, %lt3A_93 : i32
      %convert_element_type3A_95 = arith.extui %lt3A_94 : i1 to i32
      %cond3A_96 = arith.constant 0 : i32
      %cond3A_97 = arith.cmpi ne, %convert_element_type3A_95, %cond3A_96 : i32
      scf.if %cond3A_97 {
        %add3A_108 = arith.constant 2 : i32
        %add3A_109 = arith.addi %add3A_68, %add3A_108 : i32
        %parallel_loop3A_110 = arith.constant 0 : i32
        %parallel_loop3A_111 = arith.constant 8 : i32
        %parallel_loop3A_112 = arith.constant 1 : i32
        scf.for %parallel_loop3A_113 = %parallel_loop3A_110 to %parallel_loop3A_111 step %parallel_loop3A_112  : i32 {
          %parallel_loop3A_114 = arith.constant 16 : i32
          %parallel_loop3A_115 = arith.muli %parallel_loop3A_113, %parallel_loop3A_114 : i32
          %parallel_loop3A_116 = arith.index_cast %add3A_109 : i32 to index
          %parallel_loop3A_117 = arith.index_cast %parallel_loop3A_115 : i32 to index
          %parallel_loop3A_118 = tpu.vector_load %arg6[%parallel_loop3A_116, %parallel_loop3A_117] {strides = array<i32>} : memref<50x128xi32, #tpu.memory_space<vmem>>, vector<16xi32>,
          %parallel_loop3A_119 = arith.constant 0 : i32
          %parallel_loop3A_120 = vector.broadcast %parallel_loop3A_119 : i32 to vector<16xi32>
          %parallel_loop3A_121 = arith.cmpi eq, %iota3A, %parallel_loop3A_120 : vector<16xi32>
          %parallel_loop3A_122 = arith.constant 0 : i32
          %parallel_loop3A_123 = vector.broadcast %parallel_loop3A_122 : i32 to vector<16xi32>
          %parallel_loop3A_124 = arith.select %parallel_loop3A_121, %parallel_loop3A_118, %parallel_loop3A_123 : vector<16xi1>, vector<16xi32>
          %parallel_loop3A_125 = arith.constant true
          %parallel_loop3A_126 = vector.broadcast %parallel_loop3A_125 : i1 to vector<16xi1>
          %parallel_loop3A_127 = arith.constant -2147483648 : i32
          %parallel_loop3A_128 = vector.broadcast %parallel_loop3A_127 : i32 to vector<16xi32>
          %parallel_loop3A_129 = arith.xori %parallel_loop3A_124, %parallel_loop3A_128 : vector<16xi32>
          %parallel_loop3A_130 = tpu.scan <max>, %parallel_loop3A_129 masked %parallel_loop3A_126 : vector<16xi32>, vector<16xi1> -> vector<16xi32>
          %parallel_loop3A_131 = arith.xori %parallel_loop3A_130, %parallel_loop3A_128 : vector<16xi32>
          %parallel_loop3A_132 = vector.extract %parallel_loop3A_131[15] : i32 from vector<16xi32>
          %parallel_loop3A_133 = arith.constant 1 : i32
          %parallel_loop3A_134 = vector.broadcast %parallel_loop3A_133 : i32 to vector<16xi32>
          %parallel_loop3A_135 = arith.cmpi eq, %iota3A, %parallel_loop3A_134 : vector<16xi32>
          %parallel_loop3A_136 = arith.constant 0 : i32
          %parallel_loop3A_137 = vector.broadcast %parallel_loop3A_136 : i32 to vector<16xi32>
          %parallel_loop3A_138 = arith.select %parallel_loop3A_135, %parallel_loop3A_118, %parallel_loop3A_137 : vector<16xi1>, vector<16xi32>
          %parallel_loop3A_139 = arith.constant true
          %parallel_loop3A_140 = vector.broadcast %parallel_loop3A_139 : i1 to vector<16xi1>
          %parallel_loop3A_141 = arith.constant -2147483648 : i32
          %parallel_loop3A_142 = vector.broadcast %parallel_loop3A_141 : i32 to vector<16xi32>
          %parallel_loop3A_143 = arith.xori %parallel_loop3A_138, %parallel_loop3A_142 : vector<16xi32>
          %parallel_loop3A_144 = tpu.scan <max>, %parallel_loop3A_143 masked %parallel_loop3A_140 : vector<16xi32>, vector<16xi1> -> vector<16xi32>
          %parallel_loop3A_145 = arith.xori %parallel_loop3A_144, %parallel_loop3A_142 : vector<16xi32>
          %parallel_loop3A_146 = vector.extract %parallel_loop3A_145[15] : i32 from vector<16xi32>
          %parallel_loop3A_147 = arith.constant 2 : i32
          %parallel_loop3A_148 = vector.broadcast %parallel_loop3A_147 : i32 to vector<16xi32>
          %parallel_loop3A_149 = arith.cmpi eq, %iota3A, %parallel_loop3A_148 : vector<16xi32>
          %parallel_loop3A_150 = arith.constant 0 : i32
          %parallel_loop3A_151 = vector.broadcast %parallel_loop3A_150 : i32 to vector<16xi32>
          %parallel_loop3A_152 = arith.select %parallel_loop3A_149, %parallel_loop3A_118, %parallel_loop3A_151 : vector<16xi1>, vector<16xi32>
          %parallel_loop3A_153 = arith.constant true
          %parallel_loop3A_154 = vector.broadcast %parallel_loop3A_153 : i1 to vector<16xi1>
          %parallel_loop3A_155 = arith.constant -2147483648 : i32
          %parallel_loop3A_156 = vector.broadcast %parallel_loop3A_155 : i32 to vector<16xi32>
          %parallel_loop3A_157 = arith.xori %parallel_loop3A_152, %parallel_loop3A_156 : vector<16xi32>
          %parallel_loop3A_158 = tpu.scan <max>, %parallel_loop3A_157 masked %parallel_loop3A_154 : vector<16xi32>, vector<16xi1> -> vector<16xi32>
          %parallel_loop3A_159 = arith.xori %parallel_loop3A_158, %parallel_loop3A_156 : vector<16xi32>
          %parallel_loop3A_160 = vector.extract %parallel_loop3A_159[15] : i32 from vector<16xi32>
          %parallel_loop3A_161 = arith.constant 3 : i32
          %parallel_loop3A_162 = vector.broadcast %parallel_loop3A_161 : i32 to vector<16xi32>
          %parallel_loop3A_163 = arith.cmpi eq, %iota3A, %parallel_loop3A_162 : vector<16xi32>
          %parallel_loop3A_164 = arith.constant 0 : i32
          %parallel_loop3A_165 = vector.broadcast %parallel_loop3A_164 : i32 to vector<16xi32>
          %parallel_loop3A_166 = arith.select %parallel_loop3A_163, %parallel_loop3A_118, %parallel_loop3A_165 : vector<16xi1>, vector<16xi32>
          %parallel_loop3A_167 = arith.constant true
          %parallel_loop3A_168 = vector.broadcast %parallel_loop3A_167 : i1 to vector<16xi1>
          %parallel_loop3A_169 = arith.constant -2147483648 : i32
          %parallel_loop3A_170 = vector.broadcast %parallel_loop3A_169 : i32 to vector<16xi32>
          %parallel_loop3A_171 = arith.xori %parallel_loop3A_166, %parallel_loop3A_170 : vector<16xi32>
          %parallel_loop3A_172 = tpu.scan <max>, %parallel_loop3A_171 masked %parallel_loop3A_168 : vector<16xi32>, vector<16xi1> -> vector<16xi32>
          %parallel_loop3A_173 = arith.xori %parallel_loop3A_172, %parallel_loop3A_170 : vector<16xi32>
          %parallel_loop3A_174 = vector.extract %parallel_loop3A_173[15] : i32 from vector<16xi32>
          %parallel_loop3A_175 = arith.constant 4 : i32
          %parallel_loop3A_176 = vector.broadcast %parallel_loop3A_175 : i32 to vector<16xi32>
          %parallel_loop3A_177 = arith.cmpi eq, %iota3A, %parallel_loop3A_176 : vector<16xi32>
          %parallel_loop3A_178 = arith.constant 0 : i32
          %parallel_loop3A_179 = vector.broadcast %parallel_loop3A_178 : i32 to vector<16xi32>
          %parallel_loop3A_180 = arith.select %parallel_loop3A_177, %parallel_loop3A_118, %parallel_loop3A_179 : vector<16xi1>, vector<16xi32>
          %parallel_loop3A_181 = arith.constant true
          %parallel_loop3A_182 = vector.broadcast %parallel_loop3A_181 : i1 to vector<16xi1>
          %parallel_loop3A_183 = arith.constant -2147483648 : i32
          %parallel_loop3A_184 = vector.broadcast %parallel_loop3A_183 : i32 to vector<16xi32>
          %parallel_loop3A_185 = arith.xori %parallel_loop3A_180, %parallel_loop3A_184 : vector<16xi32>
          %parallel_loop3A_186 = tpu.scan <max>, %parallel_loop3A_185 masked %parallel_loop3A_182 : vector<16xi32>, vector<16xi1> -> vector<16xi32>
          %parallel_loop3A_187 = arith.xori %parallel_loop3A_186, %parallel_loop3A_184 : vector<16xi32>
          %parallel_loop3A_188 = vector.extract %parallel_loop3A_187[15] : i32 from vector<16xi32>
          %parallel_loop3A_189 = arith.constant 5 : i32
          %parallel_loop3A_190 = vector.broadcast %parallel_loop3A_189 : i32 to vector<16xi32>
          %parallel_loop3A_191 = arith.cmpi eq, %iota3A, %parallel_loop3A_190 : vector<16xi32>
          %parallel_loop3A_192 = arith.constant 0 : i32
          %parallel_loop3A_193 = vector.broadcast %parallel_loop3A_192 : i32 to vector<16xi32>
          %parallel_loop3A_194 = arith.select %parallel_loop3A_191, %parallel_loop3A_118, %parallel_loop3A_193 : vector<16xi1>, vector<16xi32>
          %parallel_loop3A_195 = arith.constant true
          %parallel_loop3A_196 = vector.broadcast %parallel_loop3A_195 : i1 to vector<16xi1>
          %parallel_loop3A_197 = arith.constant -2147483648 : i32
          %parallel_loop3A_198 = vector.broadcast %parallel_loop3A_197 : i32 to vector<16xi32>
          %parallel_loop3A_199 = arith.xori %parallel_loop3A_194, %parallel_loop3A_198 : vector<16xi32>
          %parallel_loop3A_200 = tpu.scan <max>, %parallel_loop3A_199 masked %parallel_loop3A_196 : vector<16xi32>, vector<16xi1> -> vector<16xi32>
          %parallel_loop3A_201 = arith.xori %parallel_loop3A_200, %parallel_loop3A_198 : vector<16xi32>
          %parallel_loop3A_202 = vector.extract %parallel_loop3A_201[15] : i32 from vector<16xi32>
          %parallel_loop3A_203 = arith.constant 6 : i32
          %parallel_loop3A_204 = vector.broadcast %parallel_loop3A_203 : i32 to vector<16xi32>
          %parallel_loop3A_205 = arith.cmpi eq, %iota3A, %parallel_loop3A_204 : vector<16xi32>
          %parallel_loop3A_206 = arith.constant 0 : i32
          %parallel_loop3A_207 = vector.broadcast %parallel_loop3A_206 : i32 to vector<16xi32>
          %parallel_loop3A_208 = arith.select %parallel_loop3A_205, %parallel_loop3A_118, %parallel_loop3A_207 : vector<16xi1>, vector<16xi32>
          %parallel_loop3A_209 = arith.constant true
          %parallel_loop3A_210 = vector.broadcast %parallel_loop3A_209 : i1 to vector<16xi1>
          %parallel_loop3A_211 = arith.constant -2147483648 : i32
          %parallel_loop3A_212 = vector.broadcast %parallel_loop3A_211 : i32 to vector<16xi32>
          %parallel_loop3A_213 = arith.xori %parallel_loop3A_208, %parallel_loop3A_212 : vector<16xi32>
          %parallel_loop3A_214 = tpu.scan <max>, %parallel_loop3A_213 masked %parallel_loop3A_210 : vector<16xi32>, vector<16xi1> -> vector<16xi32>
          %parallel_loop3A_215 = arith.xori %parallel_loop3A_214, %parallel_loop3A_212 : vector<16xi32>
          %parallel_loop3A_216 = vector.extract %parallel_loop3A_215[15] : i32 from vector<16xi32>
          %parallel_loop3A_217 = arith.constant 7 : i32
          %parallel_loop3A_218 = vector.broadcast %parallel_loop3A_217 : i32 to vector<16xi32>
          %parallel_loop3A_219 = arith.cmpi eq, %iota3A, %parallel_loop3A_218 : vector<16xi32>
          %parallel_loop3A_220 = arith.constant 0 : i32
          %parallel_loop3A_221 = vector.broadcast %parallel_loop3A_220 : i32 to vector<16xi32>
          %parallel_loop3A_222 = arith.select %parallel_loop3A_219, %parallel_loop3A_118, %parallel_loop3A_221 : vector<16xi1>, vector<16xi32>
          %parallel_loop3A_223 = arith.constant true
          %parallel_loop3A_224 = vector.broadcast %parallel_loop3A_223 : i1 to vector<16xi1>
          %parallel_loop3A_225 = arith.constant -2147483648 : i32
          %parallel_loop3A_226 = vector.broadcast %parallel_loop3A_225 : i32 to vector<16xi32>
          %parallel_loop3A_227 = arith.xori %parallel_loop3A_222, %parallel_loop3A_226 : vector<16xi32>
          %parallel_loop3A_228 = tpu.scan <max>, %parallel_loop3A_227 masked %parallel_loop3A_224 : vector<16xi32>, vector<16xi1> -> vector<16xi32>
          %parallel_loop3A_229 = arith.xori %parallel_loop3A_228, %parallel_loop3A_226 : vector<16xi32>
          %parallel_loop3A_230 = vector.extract %parallel_loop3A_229[15] : i32 from vector<16xi32>
          %parallel_loop3A_231 = arith.constant 8 : i32
          %parallel_loop3A_232 = vector.broadcast %parallel_loop3A_231 : i32 to vector<16xi32>
          %parallel_loop3A_233 = arith.cmpi eq, %iota3A, %parallel_loop3A_232 : vector<16xi32>
          %parallel_loop3A_234 = arith.constant 0 : i32
          %parallel_loop3A_235 = vector.broadcast %parallel_loop3A_234 : i32 to vector<16xi32>
          %parallel_loop3A_236 = arith.select %parallel_loop3A_233, %parallel_loop3A_118, %parallel_loop3A_235 : vector<16xi1>, vector<16xi32>
          %parallel_loop3A_237 = arith.constant true
          %parallel_loop3A_238 = vector.broadcast %parallel_loop3A_237 : i1 to vector<16xi1>
          %parallel_loop3A_239 = arith.constant -2147483648 : i32
          %parallel_loop3A_240 = vector.broadcast %parallel_loop3A_239 : i32 to vector<16xi32>
          %parallel_loop3A_241 = arith.xori %parallel_loop3A_236, %parallel_loop3A_240 : vector<16xi32>
          %parallel_loop3A_242 = tpu.scan <max>, %parallel_loop3A_241 masked %parallel_loop3A_238 : vector<16xi32>, vector<16xi1> -> vector<16xi32>
          %parallel_loop3A_243 = arith.xori %parallel_loop3A_242, %parallel_loop3A_240 : vector<16xi32>
          %parallel_loop3A_244 = vector.extract %parallel_loop3A_243[15] : i32 from vector<16xi32>
          %parallel_loop3A_245 = arith.constant 9 : i32
          %parallel_loop3A_246 = vector.broadcast %parallel_loop3A_245 : i32 to vector<16xi32>
          %parallel_loop3A_247 = arith.cmpi eq, %iota3A, %parallel_loop3A_246 : vector<16xi32>
          %parallel_loop3A_248 = arith.constant 0 : i32
          %parallel_loop3A_249 = vector.broadcast %parallel_loop3A_248 : i32 to vector<16xi32>
          %parallel_loop3A_250 = arith.select %parallel_loop3A_247, %parallel_loop3A_118, %parallel_loop3A_249 : vector<16xi1>, vector<16xi32>
          %parallel_loop3A_251 = arith.constant true
          %parallel_loop3A_252 = vector.broadcast %parallel_loop3A_251 : i1 to vector<16xi1>
          %parallel_loop3A_253 = arith.constant -2147483648 : i32
          %parallel_loop3A_254 = vector.broadcast %parallel_loop3A_253 : i32 to vector<16xi32>
          %parallel_loop3A_255 = arith.xori %parallel_loop3A_250, %parallel_loop3A_254 : vector<16xi32>
          %parallel_loop3A_256 = tpu.scan <max>, %parallel_loop3A_255 masked %parallel_loop3A_252 : vector<16xi32>, vector<16xi1> -> vector<16xi32>
          %parallel_loop3A_257 = arith.xori %parallel_loop3A_256, %parallel_loop3A_254 : vector<16xi32>
          %parallel_loop3A_258 = vector.extract %parallel_loop3A_257[15] : i32 from vector<16xi32>
          %parallel_loop3A_259 = arith.constant 10 : i32
          %parallel_loop3A_260 = vector.broadcast %parallel_loop3A_259 : i32 to vector<16xi32>
          %parallel_loop3A_261 = arith.cmpi eq, %iota3A, %parallel_loop3A_260 : vector<16xi32>
          %parallel_loop3A_262 = arith.constant 0 : i32
          %parallel_loop3A_263 = vector.broadcast %parallel_loop3A_262 : i32 to vector<16xi32>
          %parallel_loop3A_264 = arith.select %parallel_loop3A_261, %parallel_loop3A_118, %parallel_loop3A_263 : vector<16xi1>, vector<16xi32>
          %parallel_loop3A_265 = arith.constant true
          %parallel_loop3A_266 = vector.broadcast %parallel_loop3A_265 : i1 to vector<16xi1>
          %parallel_loop3A_267 = arith.constant -2147483648 : i32
          %parallel_loop3A_268 = vector.broadcast %parallel_loop3A_267 : i32 to vector<16xi32>
          %parallel_loop3A_269 = arith.xori %parallel_loop3A_264, %parallel_loop3A_268 : vector<16xi32>
          %parallel_loop3A_270 = tpu.scan <max>, %parallel_loop3A_269 masked %parallel_loop3A_266 : vector<16xi32>, vector<16xi1> -> vector<16xi32>
          %parallel_loop3A_271 = arith.xori %parallel_loop3A_270, %parallel_loop3A_268 : vector<16xi32>
          %parallel_loop3A_272 = vector.extract %parallel_loop3A_271[15] : i32 from vector<16xi32>
          %parallel_loop3A_273 = arith.constant 11 : i32
          %parallel_loop3A_274 = vector.broadcast %parallel_loop3A_273 : i32 to vector<16xi32>
          %parallel_loop3A_275 = arith.cmpi eq, %iota3A, %parallel_loop3A_274 : vector<16xi32>
          %parallel_loop3A_276 = arith.constant 0 : i32
          %parallel_loop3A_277 = vector.broadcast %parallel_loop3A_276 : i32 to vector<16xi32>
          %parallel_loop3A_278 = arith.select %parallel_loop3A_275, %parallel_loop3A_118, %parallel_loop3A_277 : vector<16xi1>, vector<16xi32>
          %parallel_loop3A_279 = arith.constant true
          %parallel_loop3A_280 = vector.broadcast %parallel_loop3A_279 : i1 to vector<16xi1>
          %parallel_loop3A_281 = arith.constant -2147483648 : i32
          %parallel_loop3A_282 = vector.broadcast %parallel_loop3A_281 : i32 to vector<16xi32>
          %parallel_loop3A_283 = arith.xori %parallel_loop3A_278, %parallel_loop3A_282 : vector<16xi32>
          %parallel_loop3A_284 = tpu.scan <max>, %parallel_loop3A_283 masked %parallel_loop3A_280 : vector<16xi32>, vector<16xi1> -> vector<16xi32>
          %parallel_loop3A_285 = arith.xori %parallel_loop3A_284, %parallel_loop3A_282 : vector<16xi32>
          %parallel_loop3A_286 = vector.extract %parallel_loop3A_285[15] : i32 from vector<16xi32>
          %parallel_loop3A_287 = arith.constant 12 : i32
          %parallel_loop3A_288 = vector.broadcast %parallel_loop3A_287 : i32 to vector<16xi32>
          %parallel_loop3A_289 = arith.cmpi eq, %iota3A, %parallel_loop3A_288 : vector<16xi32>
          %parallel_loop3A_290 = arith.constant 0 : i32
          %parallel_loop3A_291 = vector.broadcast %parallel_loop3A_290 : i32 to vector<16xi32>
          %parallel_loop3A_292 = arith.select %parallel_loop3A_289, %parallel_loop3A_118, %parallel_loop3A_291 : vector<16xi1>, vector<16xi32>
          %parallel_loop3A_293 = arith.constant true
          %parallel_loop3A_294 = vector.broadcast %parallel_loop3A_293 : i1 to vector<16xi1>
          %parallel_loop3A_295 = arith.constant -2147483648 : i32
          %parallel_loop3A_296 = vector.broadcast %parallel_loop3A_295 : i32 to vector<16xi32>
          %parallel_loop3A_297 = arith.xori %parallel_loop3A_292, %parallel_loop3A_296 : vector<16xi32>
          %parallel_loop3A_298 = tpu.scan <max>, %parallel_loop3A_297 masked %parallel_loop3A_294 : vector<16xi32>, vector<16xi1> -> vector<16xi32>
          %parallel_loop3A_299 = arith.xori %parallel_loop3A_298, %parallel_loop3A_296 : vector<16xi32>
          %parallel_loop3A_300 = vector.extract %parallel_loop3A_299[15] : i32 from vector<16xi32>
          %parallel_loop3A_301 = arith.constant 13 : i32
          %parallel_loop3A_302 = vector.broadcast %parallel_loop3A_301 : i32 to vector<16xi32>
          %parallel_loop3A_303 = arith.cmpi eq, %iota3A, %parallel_loop3A_302 : vector<16xi32>
          %parallel_loop3A_304 = arith.constant 0 : i32
          %parallel_loop3A_305 = vector.broadcast %parallel_loop3A_304 : i32 to vector<16xi32>
          %parallel_loop3A_306 = arith.select %parallel_loop3A_303, %parallel_loop3A_118, %parallel_loop3A_305 : vector<16xi1>, vector<16xi32>
          %parallel_loop3A_307 = arith.constant true
          %parallel_loop3A_308 = vector.broadcast %parallel_loop3A_307 : i1 to vector<16xi1>
          %parallel_loop3A_309 = arith.constant -2147483648 : i32
          %parallel_loop3A_310 = vector.broadcast %parallel_loop3A_309 : i32 to vector<16xi32>
          %parallel_loop3A_311 = arith.xori %parallel_loop3A_306, %parallel_loop3A_310 : vector<16xi32>
          %parallel_loop3A_312 = tpu.scan <max>, %parallel_loop3A_311 masked %parallel_loop3A_308 : vector<16xi32>, vector<16xi1> -> vector<16xi32>
          %parallel_loop3A_313 = arith.xori %parallel_loop3A_312, %parallel_loop3A_310 : vector<16xi32>
          %parallel_loop3A_314 = vector.extract %parallel_loop3A_313[15] : i32 from vector<16xi32>
          %parallel_loop3A_315 = arith.constant 14 : i32
          %parallel_loop3A_316 = vector.broadcast %parallel_loop3A_315 : i32 to vector<16xi32>
          %parallel_loop3A_317 = arith.cmpi eq, %iota3A, %parallel_loop3A_316 : vector<16xi32>
          %parallel_loop3A_318 = arith.constant 0 : i32
          %parallel_loop3A_319 = vector.broadcast %parallel_loop3A_318 : i32 to vector<16xi32>
          %parallel_loop3A_320 = arith.select %parallel_loop3A_317, %parallel_loop3A_118, %parallel_loop3A_319 : vector<16xi1>, vector<16xi32>
          %parallel_loop3A_321 = arith.constant true
          %parallel_loop3A_322 = vector.broadcast %parallel_loop3A_321 : i1 to vector<16xi1>
          %parallel_loop3A_323 = arith.constant -2147483648 : i32
          %parallel_loop3A_324 = vector.broadcast %parallel_loop3A_323 : i32 to vector<16xi32>
          %parallel_loop3A_325 = arith.xori %parallel_loop3A_320, %parallel_loop3A_324 : vector<16xi32>
          %parallel_loop3A_326 = tpu.scan <max>, %parallel_loop3A_325 masked %parallel_loop3A_322 : vector<16xi32>, vector<16xi1> -> vector<16xi32>
          %parallel_loop3A_327 = arith.xori %parallel_loop3A_326, %parallel_loop3A_324 : vector<16xi32>
          %parallel_loop3A_328 = vector.extract %parallel_loop3A_327[15] : i32 from vector<16xi32>
          %parallel_loop3A_329 = arith.constant 15 : i32
          %parallel_loop3A_330 = vector.broadcast %parallel_loop3A_329 : i32 to vector<16xi32>
          %parallel_loop3A_331 = arith.cmpi eq, %iota3A, %parallel_loop3A_330 : vector<16xi32>
          %parallel_loop3A_332 = arith.constant 0 : i32
          %parallel_loop3A_333 = vector.broadcast %parallel_loop3A_332 : i32 to vector<16xi32>
          %parallel_loop3A_334 = arith.select %parallel_loop3A_331, %parallel_loop3A_118, %parallel_loop3A_333 : vector<16xi1>, vector<16xi32>
          %parallel_loop3A_335 = arith.constant true
          %parallel_loop3A_336 = vector.broadcast %parallel_loop3A_335 : i1 to vector<16xi1>
          %parallel_loop3A_337 = arith.constant -2147483648 : i32
          %parallel_loop3A_338 = vector.broadcast %parallel_loop3A_337 : i32 to vector<16xi32>
          %parallel_loop3A_339 = arith.xori %parallel_loop3A_334, %parallel_loop3A_338 : vector<16xi32>
          %parallel_loop3A_340 = tpu.scan <max>, %parallel_loop3A_339 masked %parallel_loop3A_336 : vector<16xi32>, vector<16xi1> -> vector<16xi32>
          %parallel_loop3A_341 = arith.xori %parallel_loop3A_340, %parallel_loop3A_338 : vector<16xi32>
          %parallel_loop3A_342 = vector.extract %parallel_loop3A_341[15] : i32 from vector<16xi32>
          %parallel_loop3A_343 = arith.constant 16 : i32
          %parallel_loop3A_344 = arith.muli %parallel_loop3A_113, %parallel_loop3A_343 : i32
          %parallel_loop3A_345 = arith.constant 0 : i32
          %parallel_loop3A_346 = arith.addi %parallel_loop3A_344, %parallel_loop3A_345 : i32
          %parallel_loop3A_347 = arith.constant 0 : i32
          %parallel_loop3A_348 = tpu.memref_slice %arg9[%parallel_loop3A_346, %parallel_loop3A_347] : memref<128x64xf32, #tpu.memory_space<vmem>> -> memref<1x64xf32, #tpu.memory_space<vmem>>
          %parallel_loop3A_349 = arith.constant 0 : i32
          %parallel_loop3A_350 = tpu.memref_slice %arg2[%parallel_loop3A_132, %parallel_loop3A_349] : memref<1000000x64xf32, #tpu.memory_space<hbm>> -> memref<1x64xf32, #tpu.memory_space<hbm>>
          %parallel_loop3A_351 = arith.constant 0 : i32
          %parallel_loop3A_352 = tpu.memref_slice %arg9[%parallel_loop3A_346, %parallel_loop3A_351] : memref<128x64xf32, #tpu.memory_space<vmem>> -> memref<1x64xf32, #tpu.memory_space<vmem>>
          %parallel_loop3A_353 = arith.constant 0 : i32
          %parallel_loop3A_354 = tpu.memref_slice %arg2[%parallel_loop3A_132, %parallel_loop3A_353] : memref<1000000x64xf32, #tpu.memory_space<hbm>> -> memref<1x64xf32, #tpu.memory_space<hbm>>
          tpu.enqueue_dma source(%parallel_loop3A_354 : memref<1x64xf32, #tpu.memory_space<hbm>>) target(%parallel_loop3A_352 : memref<1x64xf32, #tpu.memory_space<vmem>>) target_semaphore(%arg13 : memref<!tpu.dma_semaphore, #tpu.memory_space<semaphore_mem>>)
          %parallel_loop3A_355 = arith.constant 16 : i32
          %parallel_loop3A_356 = arith.muli %parallel_loop3A_113, %parallel_loop3A_355 : i32
          %parallel_loop3A_357 = arith.constant 1 : i32
          %parallel_loop3A_358 = arith.addi %parallel_loop3A_356, %parallel_loop3A_357 : i32
          %parallel_loop3A_359 = arith.constant 0 : i32
          %parallel_loop3A_360 = tpu.memref_slice %arg9[%parallel_loop3A_358, %parallel_loop3A_359] : memref<128x64xf32, #tpu.memory_space<vmem>> -> memref<1x64xf32, #tpu.memory_space<vmem>>
          %parallel_loop3A_361 = arith.constant 0 : i32
          %parallel_loop3A_362 = tpu.memref_slice %arg2[%parallel_loop3A_146, %parallel_loop3A_361] : memref<1000000x64xf32, #tpu.memory_space<hbm>> -> memref<1x64xf32, #tpu.memory_space<hbm>>
          %parallel_loop3A_363 = arith.constant 0 : i32
          %parallel_loop3A_364 = tpu.memref_slice %arg9[%parallel_loop3A_358, %parallel_loop3A_363] : memref<128x64xf32, #tpu.memory_space<vmem>> -> memref<1x64xf32, #tpu.memory_space<vmem>>
          %parallel_loop3A_365 = arith.constant 0 : i32
          %parallel_loop3A_366 = tpu.memref_slice %arg2[%parallel_loop3A_146, %parallel_loop3A_365] : memref<1000000x64xf32, #tpu.memory_space<hbm>> -> memref<1x64xf32, #tpu.memory_space<hbm>>
          tpu.enqueue_dma source(%parallel_loop3A_366 : memref<1x64xf32, #tpu.memory_space<hbm>>) target(%parallel_loop3A_364 : memref<1x64xf32, #tpu.memory_space<vmem>>) target_semaphore(%arg13 : memref<!tpu.dma_semaphore, #tpu.memory_space<semaphore_mem>>)
          %parallel_loop3A_367 = arith.constant 16 : i32
          %parallel_loop3A_368 = arith.muli %parallel_loop3A_113, %parallel_loop3A_367 : i32
          %parallel_loop3A_369 = arith.constant 2 : i32
          %parallel_loop3A_370 = arith.addi %parallel_loop3A_368, %parallel_loop3A_369 : i32
          %parallel_loop3A_371 = arith.constant 0 : i32
          %parallel_loop3A_372 = tpu.memref_slice %arg9[%parallel_loop3A_370, %parallel_loop3A_371] : memref<128x64xf32, #tpu.memory_space<vmem>> -> memref<1x64xf32, #tpu.memory_space<vmem>>
          %parallel_loop3A_373 = arith.constant 0 : i32
          %parallel_loop3A_374 = tpu.memref_slice %arg2[%parallel_loop3A_160, %parallel_loop3A_373] : memref<1000000x64xf32, #tpu.memory_space<hbm>> -> memref<1x64xf32, #tpu.memory_space<hbm>>
          %parallel_loop3A_375 = arith.constant 0 : i32
          %parallel_loop3A_376 = tpu.memref_slice %arg9[%parallel_loop3A_370, %parallel_loop3A_375] : memref<128x64xf32, #tpu.memory_space<vmem>> -> memref<1x64xf32, #tpu.memory_space<vmem>>
          %parallel_loop3A_377 = arith.constant 0 : i32
          %parallel_loop3A_378 = tpu.memref_slice %arg2[%parallel_loop3A_160, %parallel_loop3A_377] : memref<1000000x64xf32, #tpu.memory_space<hbm>> -> memref<1x64xf32, #tpu.memory_space<hbm>>
          tpu.enqueue_dma source(%parallel_loop3A_378 : memref<1x64xf32, #tpu.memory_space<hbm>>) target(%parallel_loop3A_376 : memref<1x64xf32, #tpu.memory_space<vmem>>) target_semaphore(%arg13 : memref<!tpu.dma_semaphore, #tpu.memory_space<semaphore_mem>>)
          %parallel_loop3A_379 = arith.constant 16 : i32
          %parallel_loop3A_380 = arith.muli %parallel_loop3A_113, %parallel_loop3A_379 : i32
          %parallel_loop3A_381 = arith.constant 3 : i32
          %parallel_loop3A_382 = arith.addi %parallel_loop3A_380, %parallel_loop3A_381 : i32
          %parallel_loop3A_383 = arith.constant 0 : i32
          %parallel_loop3A_384 = tpu.memref_slice %arg9[%parallel_loop3A_382, %parallel_loop3A_383] : memref<128x64xf32, #tpu.memory_space<vmem>> -> memref<1x64xf32, #tpu.memory_space<vmem>>
          %parallel_loop3A_385 = arith.constant 0 : i32
          %parallel_loop3A_386 = tpu.memref_slice %arg2[%parallel_loop3A_174, %parallel_loop3A_385] : memref<1000000x64xf32, #tpu.memory_space<hbm>> -> memref<1x64xf32, #tpu.memory_space<hbm>>
          %parallel_loop3A_387 = arith.constant 0 : i32
          %parallel_loop3A_388 = tpu.memref_slice %arg9[%parallel_loop3A_382, %parallel_loop3A_387] : memref<128x64xf32, #tpu.memory_space<vmem>> -> memref<1x64xf32, #tpu.memory_space<vmem>>
          %parallel_loop3A_389 = arith.constant 0 : i32
          %parallel_loop3A_390 = tpu.memref_slice %arg2[%parallel_loop3A_174, %parallel_loop3A_389] : memref<1000000x64xf32, #tpu.memory_space<hbm>> -> memref<1x64xf32, #tpu.memory_space<hbm>>
          tpu.enqueue_dma source(%parallel_loop3A_390 : memref<1x64xf32, #tpu.memory_space<hbm>>) target(%parallel_loop3A_388 : memref<1x64xf32, #tpu.memory_space<vmem>>) target_semaphore(%arg13 : memref<!tpu.dma_semaphore, #tpu.memory_space<semaphore_mem>>)
          %parallel_loop3A_391 = arith.constant 16 : i32
          %parallel_loop3A_392 = arith.muli %parallel_loop3A_113, %parallel_loop3A_391 : i32
          %parallel_loop3A_393 = arith.constant 4 : i32
          %parallel_loop3A_394 = arith.addi %parallel_loop3A_392, %parallel_loop3A_393 : i32
          %parallel_loop3A_395 = arith.constant 0 : i32
          %parallel_loop3A_396 = tpu.memref_slice %arg9[%parallel_loop3A_394, %parallel_loop3A_395] : memref<128x64xf32, #tpu.memory_space<vmem>> -> memref<1x64xf32, #tpu.memory_space<vmem>>
          %parallel_loop3A_397 = arith.constant 0 : i32
          %parallel_loop3A_398 = tpu.memref_slice %arg2[%parallel_loop3A_188, %parallel_loop3A_397] : memref<1000000x64xf32, #tpu.memory_space<hbm>> -> memref<1x64xf32, #tpu.memory_space<hbm>>
          %parallel_loop3A_399 = arith.constant 0 : i32
          %parallel_loop3A_400 = tpu.memref_slice %arg9[%parallel_loop3A_394, %parallel_loop3A_399] : memref<128x64xf32, #tpu.memory_space<vmem>> -> memref<1x64xf32, #tpu.memory_space<vmem>>
          %parallel_loop3A_401 = arith.constant 0 : i32
          %parallel_loop3A_402 = tpu.memref_slice %arg2[%parallel_loop3A_188, %parallel_loop3A_401] : memref<1000000x64xf32, #tpu.memory_space<hbm>> -> memref<1x64xf32, #tpu.memory_space<hbm>>
          tpu.enqueue_dma source(%parallel_loop3A_402 : memref<1x64xf32, #tpu.memory_space<hbm>>) target(%parallel_loop3A_400 : memref<1x64xf32, #tpu.memory_space<vmem>>) target_semaphore(%arg13 : memref<!tpu.dma_semaphore, #tpu.memory_space<semaphore_mem>>)
          %parallel_loop3A_403 = arith.constant 16 : i32
          %parallel_loop3A_404 = arith.muli %parallel_loop3A_113, %parallel_loop3A_403 : i32
          %parallel_loop3A_405 = arith.constant 5 : i32
          %parallel_loop3A_406 = arith.addi %parallel_loop3A_404, %parallel_loop3A_405 : i32
          %parallel_loop3A_407 = arith.constant 0 : i32
          %parallel_loop3A_408 = tpu.memref_slice %arg9[%parallel_loop3A_406, %parallel_loop3A_407] : memref<128x64xf32, #tpu.memory_space<vmem>> -> memref<1x64xf32, #tpu.memory_space<vmem>>
          %parallel_loop3A_409 = arith.constant 0 : i32
          %parallel_loop3A_410 = tpu.memref_slice %arg2[%parallel_loop3A_202, %parallel_loop3A_409] : memref<1000000x64xf32, #tpu.memory_space<hbm>> -> memref<1x64xf32, #tpu.memory_space<hbm>>
          %parallel_loop3A_411 = arith.constant 0 : i32
          %parallel_loop3A_412 = tpu.memref_slice %arg9[%parallel_loop3A_406, %parallel_loop3A_411] : memref<128x64xf32, #tpu.memory_space<vmem>> -> memref<1x64xf32, #tpu.memory_space<vmem>>
          %parallel_loop3A_413 = arith.constant 0 : i32
          %parallel_loop3A_414 = tpu.memref_slice %arg2[%parallel_loop3A_202, %parallel_loop3A_413] : memref<1000000x64xf32, #tpu.memory_space<hbm>> -> memref<1x64xf32, #tpu.memory_space<hbm>>
          tpu.enqueue_dma source(%parallel_loop3A_414 : memref<1x64xf32, #tpu.memory_space<hbm>>) target(%parallel_loop3A_412 : memref<1x64xf32, #tpu.memory_space<vmem>>) target_semaphore(%arg13 : memref<!tpu.dma_semaphore, #tpu.memory_space<semaphore_mem>>)
          %parallel_loop3A_415 = arith.constant 16 : i32
          %parallel_loop3A_416 = arith.muli %parallel_loop3A_113, %parallel_loop3A_415 : i32
          %parallel_loop3A_417 = arith.constant 6 : i32
          %parallel_loop3A_418 = arith.addi %parallel_loop3A_416, %parallel_loop3A_417 : i32
          %parallel_loop3A_419 = arith.constant 0 : i32
          %parallel_loop3A_420 = tpu.memref_slice %arg9[%parallel_loop3A_418, %parallel_loop3A_419] : memref<128x64xf32, #tpu.memory_space<vmem>> -> memref<1x64xf32, #tpu.memory_space<vmem>>
          %parallel_loop3A_421 = arith.constant 0 : i32
          %parallel_loop3A_422 = tpu.memref_slice %arg2[%parallel_loop3A_216, %parallel_loop3A_421] : memref<1000000x64xf32, #tpu.memory_space<hbm>> -> memref<1x64xf32, #tpu.memory_space<hbm>>
          %parallel_loop3A_423 = arith.constant 0 : i32
          %parallel_loop3A_424 = tpu.memref_slice %arg9[%parallel_loop3A_418, %parallel_loop3A_423] : memref<128x64xf32, #tpu.memory_space<vmem>> -> memref<1x64xf32, #tpu.memory_space<vmem>>
          %parallel_loop3A_425 = arith.constant 0 : i32
          %parallel_loop3A_426 = tpu.memref_slice %arg2[%parallel_loop3A_216, %parallel_loop3A_425] : memref<1000000x64xf32, #tpu.memory_space<hbm>> -> memref<1x64xf32, #tpu.memory_space<hbm>>
          tpu.enqueue_dma source(%parallel_loop3A_426 : memref<1x64xf32, #tpu.memory_space<hbm>>) target(%parallel_loop3A_424 : memref<1x64xf32, #tpu.memory_space<vmem>>) target_semaphore(%arg13 : memref<!tpu.dma_semaphore, #tpu.memory_space<semaphore_mem>>)
          %parallel_loop3A_427 = arith.constant 16 : i32
          %parallel_loop3A_428 = arith.muli %parallel_loop3A_113, %parallel_loop3A_427 : i32
          %parallel_loop3A_429 = arith.constant 7 : i32
          %parallel_loop3A_430 = arith.addi %parallel_loop3A_428, %parallel_loop3A_429 : i32
          %parallel_loop3A_431 = arith.constant 0 : i32
          %parallel_loop3A_432 = tpu.memref_slice %arg9[%parallel_loop3A_430, %parallel_loop3A_431] : memref<128x64xf32, #tpu.memory_space<vmem>> -> memref<1x64xf32, #tpu.memory_space<vmem>>
          %parallel_loop3A_433 = arith.constant 0 : i32
          %parallel_loop3A_434 = tpu.memref_slice %arg2[%parallel_loop3A_230, %parallel_loop3A_433] : memref<1000000x64xf32, #tpu.memory_space<hbm>> -> memref<1x64xf32, #tpu.memory_space<hbm>>
          %parallel_loop3A_435 = arith.constant 0 : i32
          %parallel_loop3A_436 = tpu.memref_slice %arg9[%parallel_loop3A_430, %parallel_loop3A_435] : memref<128x64xf32, #tpu.memory_space<vmem>> -> memref<1x64xf32, #tpu.memory_space<vmem>>
          %parallel_loop3A_437 = arith.constant 0 : i32
          %parallel_loop3A_438 = tpu.memref_slice %arg2[%parallel_loop3A_230, %parallel_loop3A_437] : memref<1000000x64xf32, #tpu.memory_space<hbm>> -> memref<1x64xf32, #tpu.memory_space<hbm>>
          tpu.enqueue_dma source(%parallel_loop3A_438 : memref<1x64xf32, #tpu.memory_space<hbm>>) target(%parallel_loop3A_436 : memref<1x64xf32, #tpu.memory_space<vmem>>) target_semaphore(%arg13 : memref<!tpu.dma_semaphore, #tpu.memory_space<semaphore_mem>>)
          %parallel_loop3A_439 = arith.constant 16 : i32
          %parallel_loop3A_440 = arith.muli %parallel_loop3A_113, %parallel_loop3A_439 : i32
          %parallel_loop3A_441 = arith.constant 8 : i32
          %parallel_loop3A_442 = arith.addi %parallel_loop3A_440, %parallel_loop3A_441 : i32
          %parallel_loop3A_443 = arith.constant 0 : i32
          %parallel_loop3A_444 = tpu.memref_slice %arg9[%parallel_loop3A_442, %parallel_loop3A_443] : memref<128x64xf32, #tpu.memory_space<vmem>> -> memref<1x64xf32, #tpu.memory_space<vmem>>
          %parallel_loop3A_445 = arith.constant 0 : i32
          %parallel_loop3A_446 = tpu.memref_slice %arg2[%parallel_loop3A_244, %parallel_loop3A_445] : memref<1000000x64xf32, #tpu.memory_space<hbm>> -> memref<1x64xf32, #tpu.memory_space<hbm>>
          %parallel_loop3A_447 = arith.constant 0 : i32
          %parallel_loop3A_448 = tpu.memref_slice %arg9[%parallel_loop3A_442, %parallel_loop3A_447] : memref<128x64xf32, #tpu.memory_space<vmem>> -> memref<1x64xf32, #tpu.memory_space<vmem>>
          %parallel_loop3A_449 = arith.constant 0 : i32
          %parallel_loop3A_450 = tpu.memref_slice %arg2[%parallel_loop3A_244, %parallel_loop3A_449] : memref<1000000x64xf32, #tpu.memory_space<hbm>> -> memref<1x64xf32, #tpu.memory_space<hbm>>
          tpu.enqueue_dma source(%parallel_loop3A_450 : memref<1x64xf32, #tpu.memory_space<hbm>>) target(%parallel_loop3A_448 : memref<1x64xf32, #tpu.memory_space<vmem>>) target_semaphore(%arg13 : memref<!tpu.dma_semaphore, #tpu.memory_space<semaphore_mem>>)
          %parallel_loop3A_451 = arith.constant 16 : i32
          %parallel_loop3A_452 = arith.muli %parallel_loop3A_113, %parallel_loop3A_451 : i32
          %parallel_loop3A_453 = arith.constant 9 : i32
          %parallel_loop3A_454 = arith.addi %parallel_loop3A_452, %parallel_loop3A_453 : i32
          %parallel_loop3A_455 = arith.constant 0 : i32
          %parallel_loop3A_456 = tpu.memref_slice %arg9[%parallel_loop3A_454, %parallel_loop3A_455] : memref<128x64xf32, #tpu.memory_space<vmem>> -> memref<1x64xf32, #tpu.memory_space<vmem>>
          %parallel_loop3A_457 = arith.constant 0 : i32
          %parallel_loop3A_458 = tpu.memref_slice %arg2[%parallel_loop3A_258, %parallel_loop3A_457] : memref<1000000x64xf32, #tpu.memory_space<hbm>> -> memref<1x64xf32, #tpu.memory_space<hbm>>
          %parallel_loop3A_459 = arith.constant 0 : i32
          %parallel_loop3A_460 = tpu.memref_slice %arg9[%parallel_loop3A_454, %parallel_loop3A_459] : memref<128x64xf32, #tpu.memory_space<vmem>> -> memref<1x64xf32, #tpu.memory_space<vmem>>
          %parallel_loop3A_461 = arith.constant 0 : i32
          %parallel_loop3A_462 = tpu.memref_slice %arg2[%parallel_loop3A_258, %parallel_loop3A_461] : memref<1000000x64xf32, #tpu.memory_space<hbm>> -> memref<1x64xf32, #tpu.memory_space<hbm>>
          tpu.enqueue_dma source(%parallel_loop3A_462 : memref<1x64xf32, #tpu.memory_space<hbm>>) target(%parallel_loop3A_460 : memref<1x64xf32, #tpu.memory_space<vmem>>) target_semaphore(%arg13 : memref<!tpu.dma_semaphore, #tpu.memory_space<semaphore_mem>>)
          %parallel_loop3A_463 = arith.constant 16 : i32
          %parallel_loop3A_464 = arith.muli %parallel_loop3A_113, %parallel_loop3A_463 : i32
          %parallel_loop3A_465 = arith.constant 10 : i32
          %parallel_loop3A_466 = arith.addi %parallel_loop3A_464, %parallel_loop3A_465 : i32
          %parallel_loop3A_467 = arith.constant 0 : i32
          %parallel_loop3A_468 = tpu.memref_slice %arg9[%parallel_loop3A_466, %parallel_loop3A_467] : memref<128x64xf32, #tpu.memory_space<vmem>> -> memref<1x64xf32, #tpu.memory_space<vmem>>
          %parallel_loop3A_469 = arith.constant 0 : i32
          %parallel_loop3A_470 = tpu.memref_slice %arg2[%parallel_loop3A_272, %parallel_loop3A_469] : memref<1000000x64xf32, #tpu.memory_space<hbm>> -> memref<1x64xf32, #tpu.memory_space<hbm>>
          %parallel_loop3A_471 = arith.constant 0 : i32
          %parallel_loop3A_472 = tpu.memref_slice %arg9[%parallel_loop3A_466, %parallel_loop3A_471] : memref<128x64xf32, #tpu.memory_space<vmem>> -> memref<1x64xf32, #tpu.memory_space<vmem>>
          %parallel_loop3A_473 = arith.constant 0 : i32
          %parallel_loop3A_474 = tpu.memref_slice %arg2[%parallel_loop3A_272, %parallel_loop3A_473] : memref<1000000x64xf32, #tpu.memory_space<hbm>> -> memref<1x64xf32, #tpu.memory_space<hbm>>
          tpu.enqueue_dma source(%parallel_loop3A_474 : memref<1x64xf32, #tpu.memory_space<hbm>>) target(%parallel_loop3A_472 : memref<1x64xf32, #tpu.memory_space<vmem>>) target_semaphore(%arg13 : memref<!tpu.dma_semaphore, #tpu.memory_space<semaphore_mem>>)
          %parallel_loop3A_475 = arith.constant 16 : i32
          %parallel_loop3A_476 = arith.muli %parallel_loop3A_113, %parallel_loop3A_475 : i32
          %parallel_loop3A_477 = arith.constant 11 : i32
          %parallel_loop3A_478 = arith.addi %parallel_loop3A_476, %parallel_loop3A_477 : i32
          %parallel_loop3A_479 = arith.constant 0 : i32
          %parallel_loop3A_480 = tpu.memref_slice %arg9[%parallel_loop3A_478, %parallel_loop3A_479] : memref<128x64xf32, #tpu.memory_space<vmem>> -> memref<1x64xf32, #tpu.memory_space<vmem>>
          %parallel_loop3A_481 = arith.constant 0 : i32
          %parallel_loop3A_482 = tpu.memref_slice %arg2[%parallel_loop3A_286, %parallel_loop3A_481] : memref<1000000x64xf32, #tpu.memory_space<hbm>> -> memref<1x64xf32, #tpu.memory_space<hbm>>
          %parallel_loop3A_483 = arith.constant 0 : i32
          %parallel_loop3A_484 = tpu.memref_slice %arg9[%parallel_loop3A_478, %parallel_loop3A_483] : memref<128x64xf32, #tpu.memory_space<vmem>> -> memref<1x64xf32, #tpu.memory_space<vmem>>
          %parallel_loop3A_485 = arith.constant 0 : i32
          %parallel_loop3A_486 = tpu.memref_slice %arg2[%parallel_loop3A_286, %parallel_loop3A_485] : memref<1000000x64xf32, #tpu.memory_space<hbm>> -> memref<1x64xf32, #tpu.memory_space<hbm>>
          tpu.enqueue_dma source(%parallel_loop3A_486 : memref<1x64xf32, #tpu.memory_space<hbm>>) target(%parallel_loop3A_484 : memref<1x64xf32, #tpu.memory_space<vmem>>) target_semaphore(%arg13 : memref<!tpu.dma_semaphore, #tpu.memory_space<semaphore_mem>>)
          %parallel_loop3A_487 = arith.constant 16 : i32
          %parallel_loop3A_488 = arith.muli %parallel_loop3A_113, %parallel_loop3A_487 : i32
          %parallel_loop3A_489 = arith.constant 12 : i32
          %parallel_loop3A_490 = arith.addi %parallel_loop3A_488, %parallel_loop3A_489 : i32
          %parallel_loop3A_491 = arith.constant 0 : i32
          %parallel_loop3A_492 = tpu.memref_slice %arg9[%parallel_loop3A_490, %parallel_loop3A_491] : memref<128x64xf32, #tpu.memory_space<vmem>> -> memref<1x64xf32, #tpu.memory_space<vmem>>
          %parallel_loop3A_493 = arith.constant 0 : i32
          %parallel_loop3A_494 = tpu.memref_slice %arg2[%parallel_loop3A_300, %parallel_loop3A_493] : memref<1000000x64xf32, #tpu.memory_space<hbm>> -> memref<1x64xf32, #tpu.memory_space<hbm>>
          %parallel_loop3A_495 = arith.constant 0 : i32
          %parallel_loop3A_496 = tpu.memref_slice %arg9[%parallel_loop3A_490, %parallel_loop3A_495] : memref<128x64xf32, #tpu.memory_space<vmem>> -> memref<1x64xf32, #tpu.memory_space<vmem>>
          %parallel_loop3A_497 = arith.constant 0 : i32
          %parallel_loop3A_498 = tpu.memref_slice %arg2[%parallel_loop3A_300, %parallel_loop3A_497] : memref<1000000x64xf32, #tpu.memory_space<hbm>> -> memref<1x64xf32, #tpu.memory_space<hbm>>
          tpu.enqueue_dma source(%parallel_loop3A_498 : memref<1x64xf32, #tpu.memory_space<hbm>>) target(%parallel_loop3A_496 : memref<1x64xf32, #tpu.memory_space<vmem>>) target_semaphore(%arg13 : memref<!tpu.dma_semaphore, #tpu.memory_space<semaphore_mem>>)
          %parallel_loop3A_499 = arith.constant 16 : i32
          %parallel_loop3A_500 = arith.muli %parallel_loop3A_113, %parallel_loop3A_499 : i32
          %parallel_loop3A_501 = arith.constant 13 : i32
          %parallel_loop3A_502 = arith.addi %parallel_loop3A_500, %parallel_loop3A_501 : i32
          %parallel_loop3A_503 = arith.constant 0 : i32
          %parallel_loop3A_504 = tpu.memref_slice %arg9[%parallel_loop3A_502, %parallel_loop3A_503] : memref<128x64xf32, #tpu.memory_space<vmem>> -> memref<1x64xf32, #tpu.memory_space<vmem>>
          %parallel_loop3A_505 = arith.constant 0 : i32
          %parallel_loop3A_506 = tpu.memref_slice %arg2[%parallel_loop3A_314, %parallel_loop3A_505] : memref<1000000x64xf32, #tpu.memory_space<hbm>> -> memref<1x64xf32, #tpu.memory_space<hbm>>
          %parallel_loop3A_507 = arith.constant 0 : i32
          %parallel_loop3A_508 = tpu.memref_slice %arg9[%parallel_loop3A_502, %parallel_loop3A_507] : memref<128x64xf32, #tpu.memory_space<vmem>> -> memref<1x64xf32, #tpu.memory_space<vmem>>
          %parallel_loop3A_509 = arith.constant 0 : i32
          %parallel_loop3A_510 = tpu.memref_slice %arg2[%parallel_loop3A_314, %parallel_loop3A_509] : memref<1000000x64xf32, #tpu.memory_space<hbm>> -> memref<1x64xf32, #tpu.memory_space<hbm>>
          tpu.enqueue_dma source(%parallel_loop3A_510 : memref<1x64xf32, #tpu.memory_space<hbm>>) target(%parallel_loop3A_508 : memref<1x64xf32, #tpu.memory_space<vmem>>) target_semaphore(%arg13 : memref<!tpu.dma_semaphore, #tpu.memory_space<semaphore_mem>>)
          %parallel_loop3A_511 = arith.constant 16 : i32
          %parallel_loop3A_512 = arith.muli %parallel_loop3A_113, %parallel_loop3A_511 : i32
          %parallel_loop3A_513 = arith.constant 14 : i32
          %parallel_loop3A_514 = arith.addi %parallel_loop3A_512, %parallel_loop3A_513 : i32
          %parallel_loop3A_515 = arith.constant 0 : i32
          %parallel_loop3A_516 = tpu.memref_slice %arg9[%parallel_loop3A_514, %parallel_loop3A_515] : memref<128x64xf32, #tpu.memory_space<vmem>> -> memref<1x64xf32, #tpu.memory_space<vmem>>
          %parallel_loop3A_517 = arith.constant 0 : i32
          %parallel_loop3A_518 = tpu.memref_slice %arg2[%parallel_loop3A_328, %parallel_loop3A_517] : memref<1000000x64xf32, #tpu.memory_space<hbm>> -> memref<1x64xf32, #tpu.memory_space<hbm>>
          %parallel_loop3A_519 = arith.constant 0 : i32
          %parallel_loop3A_520 = tpu.memref_slice %arg9[%parallel_loop3A_514, %parallel_loop3A_519] : memref<128x64xf32, #tpu.memory_space<vmem>> -> memref<1x64xf32, #tpu.memory_space<vmem>>
          %parallel_loop3A_521 = arith.constant 0 : i32
          %parallel_loop3A_522 = tpu.memref_slice %arg2[%parallel_loop3A_328, %parallel_loop3A_521] : memref<1000000x64xf32, #tpu.memory_space<hbm>> -> memref<1x64xf32, #tpu.memory_space<hbm>>
          tpu.enqueue_dma source(%parallel_loop3A_522 : memref<1x64xf32, #tpu.memory_space<hbm>>) target(%parallel_loop3A_520 : memref<1x64xf32, #tpu.memory_space<vmem>>) target_semaphore(%arg13 : memref<!tpu.dma_semaphore, #tpu.memory_space<semaphore_mem>>)
          %parallel_loop3A_523 = arith.constant 16 : i32
          %parallel_loop3A_524 = arith.muli %parallel_loop3A_113, %parallel_loop3A_523 : i32
          %parallel_loop3A_525 = arith.constant 15 : i32
          %parallel_loop3A_526 = arith.addi %parallel_loop3A_524, %parallel_loop3A_525 : i32
          %parallel_loop3A_527 = arith.constant 0 : i32
          %parallel_loop3A_528 = tpu.memref_slice %arg9[%parallel_loop3A_526, %parallel_loop3A_527] : memref<128x64xf32, #tpu.memory_space<vmem>> -> memref<1x64xf32, #tpu.memory_space<vmem>>
          %parallel_loop3A_529 = arith.constant 0 : i32
          %parallel_loop3A_530 = tpu.memref_slice %arg2[%parallel_loop3A_342, %parallel_loop3A_529] : memref<1000000x64xf32, #tpu.memory_space<hbm>> -> memref<1x64xf32, #tpu.memory_space<hbm>>
          %parallel_loop3A_531 = arith.constant 0 : i32
          %parallel_loop3A_532 = tpu.memref_slice %arg9[%parallel_loop3A_526, %parallel_loop3A_531] : memref<128x64xf32, #tpu.memory_space<vmem>> -> memref<1x64xf32, #tpu.memory_space<vmem>>
          %parallel_loop3A_533 = arith.constant 0 : i32
          %parallel_loop3A_534 = tpu.memref_slice %arg2[%parallel_loop3A_342, %parallel_loop3A_533] : memref<1000000x64xf32, #tpu.memory_space<hbm>> -> memref<1x64xf32, #tpu.memory_space<hbm>>
          tpu.enqueue_dma source(%parallel_loop3A_534 : memref<1x64xf32, #tpu.memory_space<hbm>>) target(%parallel_loop3A_532 : memref<1x64xf32, #tpu.memory_space<vmem>>) target_semaphore(%arg13 : memref<!tpu.dma_semaphore, #tpu.memory_space<semaphore_mem>>)
        } {sc.loop_unroll_factor = 2 : i64, sc.parallel_access}
      } else {
      }
      %mul3A_98 = arith.constant 6400 : i32
      %mul3A_99 = arith.muli %add3A, %mul3A_98 : i32
      %mul3A_100 = arith.constant 128 : i32
      %mul3A_101 = arith.muli %add3A_68, %mul3A_100 : i32
      %add3A_102 = arith.addi %mul3A_99, %mul3A_101 : i32
      %dma_start3A_103 = arith.constant 0 : i32
      %dma_start3A_104 = tpu.memref_slice %arg5[%add3A_102, %dma_start3A_103] : memref<204800x64xf32, #tpu.memory_space<hbm>> -> memref<128x64xf32, #tpu.memory_space<hbm>>
      %dma_start3A_105 = arith.constant 0 : i32
      %dma_start3A_106 = tpu.memref_slice %arg5[%add3A_102, %dma_start3A_105] : memref<204800x64xf32, #tpu.memory_space<hbm>> -> memref<128x64xf32, #tpu.memory_space<hbm>>
      tpu.enqueue_dma source(%arg11 : memref<128x64xf32, #tpu.memory_space<vmem>>) target(%dma_start3A_106 : memref<128x64xf32, #tpu.memory_space<hbm>>) target_semaphore(%arg15 : memref<!tpu.dma_semaphore, #tpu.memory_space<semaphore_mem>>)
      %scan3A_107 = arith.constant 0 : i32
      scf.yield %scan3A_107 : i32
    }
    %scan3A_11 = arith.constant 25 : i32
    %mul3A_12 = arith.constant 6400 : i32
    %mul3A_13 = arith.muli %add3A, %mul3A_12 : i32
    %add3A_14 = arith.constant 6144 : i32
    %add3A_15 = arith.addi %mul3A_13, %add3A_14 : i32
    %dma_wait3A = arith.constant 0 : i32
    %dma_wait3A_16 = tpu.memref_slice %arg5[%add3A_15, %dma_wait3A] : memref<204800x64xf32, #tpu.memory_space<hbm>> -> memref<128x64xf32, #tpu.memory_space<hbm>>
    %dma_wait3A_17 = arith.constant 0 : i32
    %dma_wait3A_18 = tpu.memref_slice %arg5[%add3A_15, %dma_wait3A_17] : memref<204800x64xf32, #tpu.memory_space<hbm>> -> memref<128x64xf32, #tpu.memory_space<hbm>>
    tpu.wait_dma2 semaphore(%arg14 : memref<!tpu.dma_semaphore, #tpu.memory_space<semaphore_mem>>) src(%arg10 : memref<128x64xf32, #tpu.memory_space<vmem>>) dst(%dma_wait3A_18 : memref<128x64xf32, #tpu.memory_space<hbm>>)
    %mul3A_19 = arith.constant 6400 : i32
    %mul3A_20 = arith.muli %add3A, %mul3A_19 : i32
    %add3A_21 = arith.constant 6272 : i32
    %add3A_22 = arith.addi %mul3A_20, %add3A_21 : i32
    %dma_wait3A_23 = arith.constant 0 : i32
    %dma_wait3A_24 = tpu.memref_slice %arg5[%add3A_22, %dma_wait3A_23] : memref<204800x64xf32, #tpu.memory_space<hbm>> -> memref<128x64xf32, #tpu.memory_space<hbm>>
    %dma_wait3A_25 = arith.constant 0 : i32
    %dma_wait3A_26 = tpu.memref_slice %arg5[%add3A_22, %dma_wait3A_25] : memref<204800x64xf32, #tpu.memory_space<hbm>> -> memref<128x64xf32, #tpu.memory_space<hbm>>
    tpu.wait_dma2 semaphore(%arg15 : memref<!tpu.dma_semaphore, #tpu.memory_space<semaphore_mem>>) src(%arg11 : memref<128x64xf32, #tpu.memory_space<vmem>>) dst(%dma_wait3A_26 : memref<128x64xf32, #tpu.memory_space<hbm>>)
    return
  }
}

</mosaic_0001>

<sc_bundles>
// kernel: _embed.3.cloned.1.call-start
scs
__scs_entry_jumppad:
0x0: {  	(pc) =	sbr.rel $0x88, $3  }
0x1: {  	(tag) =	ssettag $0x0;
	lr =	simm.s32 $0x1  }
0x2: {  	[smem:$0x3F9E] =	sst lr;
	_ =	strace $0xD0000000  }
0x3: {  	_ = 	snop  }
0x4: {  	_ = 	snop  }
0x5: {  	_ = 	snop  }
0x6: {  	_ = 	snop  }
0x7: {  	_ = 	snop  }
__scs_overlays_trampoline_lowered:
0x8: {  	[smem:$0x3FAD] =	sst s0  }
0x9: {  	[smem:$0x3FAE] =	sst s1  }
0xa: {  	[smem:$0x3FAF] =	sst s2  }
0xb: {  	[smem:$0x3FB0] =	sst s3  }
0xc: {  	[smem:$0x3FB1] =	sst s4  }
0xd: {  	[smem:$0x3FB2] =	sst s5  }
0xe: {  	[smem:$0x3FB3] =	sst s6  }
0xf: {  	[smem:$0x3FB4] =	sst s7  }
0x10: {  	[smem:$0x3FB5] =	sst s8  }
0x11: {  	[smem:$0x3FB6] =	sst s9;
	s0 =	simm.s32 @!p0 $0x0  }
0x12: {  	s1 =	sld [smem:$0x3F9C];
	s0 =	simm.s32 @p0 $0x1  }
0x13: {  	[smem:$0x3FB7] =	sst s0;
	s0 =	simm.s32 @!p1 $0x0  }
0x14: {  	s2 =	sld [smem:$0x3F9B];
	s0 =	simm.s32 @p1 $0x1  }
0x15: {  	[smem:$0x3FB8] =	sst s0;
	s0 =	simm.s32 @!p2 $0x0  }
0x16: {  	s3 =	sld [smem:$0x3FDB];
	s0 =	simm.s32 @p2 $0x1  }
0x17: {  	s4 =	simm.s32 $0x1BF5;
	[smem:$0x3FBA] =	sst s0  }
0x18: {  	s0 =	sld [smem:$0x3F9D];
	_ =	swait.ge [sflag:s4], $0x0  }
0x19: {  	s7 =	sld [smem:$0x3F9E]  }
0x1a: {  	s8 =	sadd.s32 $0xFFFFE003, lr  }
0x1b: {  	s9 =	sadd.s32 $0xFFFFFEF7, lr;
	s5 =	simm.s32 $0xFFFFFFFF;
	p2 =	slt.u32 s8, $0xFFFFF086  }
0x1c: {  	p1 =	slt.u32 s9, $0xF7A;
	s5 =	simm.s32 @!p2 $0x0  }
0x1d: {  	s5 =	simm.s32 @p1 $0x1;
	p0 =	seq.s32 s7, s2  }
0x1e: {  	s7 =	smul.u32 @!p0 $0xF7A, s2;
	p2 =	seq.s32 @!p0 s5, $0x0  }
0x1f: {  	s9 =	smul.u32 $0xF7A, s1;
	s8 =	simm.s32 @!p0 $0x1BF5;
	p2 =	por !p2, p0  }
0x20: {  	[sflag:s8] =	ssyncset.s32 @!p0 $0xFFFFF086;
	s6 =	sadd.s32 @!p0 s3, s7;
	s7 =	simm.s32 @!p0 $0x108  }
0x21: {  	s3 =	sadd.s32 s3, s9;
	s6 =	sadd.s32 @!p0 $0x88, s6;
	s7 =	simm.s32 @p2 $0x1082  }
0x22: {  	[simem:s7], [sflag:s8] =	dma.local @!p0 [hbm:s6], $0xF7A  }
0x23: {  	s9 =	sor.u32 $0xD0000000, s2;
	s6 =	simm.s32 $0x108;
	_ =	swait.ge @!p0 [sflag:s8], $0x0  }
0x24: {  	s3 =	sadd.s32 $0x88, s3;
	s6 =	simm.s32 @!p1 $0x1082;
	[sflag:s4] =	ssyncset.s32 $0xFFFFF086  }
0x25: {  	[simem:s6], [sflag:s4] =	dma.local [hbm:s3], $0xF7A  }
0x26: {  	[smem:$0x3F9E] =	sst s1;
	(tag) =	ssettag s2;
	_ =	strace s9  }
0x27: {  	s1 =	sld [smem:$0x3FAE]  }
0x28: {  	s2 =	sld [smem:$0x3FAF]  }
0x29: {  	s4 =	sld [smem:$0x3FB1]  }
0x2a: {  	p0 =	seq.s32 s5, $0x0;
	s5 =	sld [smem:$0x3FB2]  }
0x2b: {  	s6 =	sld [smem:$0x3FB3]  }
0x2c: {  	s7 =	sld [smem:$0x3FB4]  }
0x2d: {  	s3 =	simm.s32 $0x108;
	s8 =	sld [smem:$0x3FB5]  }
0x2e: {  	s3 =	simm.s32 @!p0 $0x1082;
	s9 =	sld [smem:$0x3FB6]  }
0x2f: {  	lr =	sadd.s32 s0, s3;
	s0 =	sld [smem:$0x3FAD]  }
0x30: {  	s3 =	sld [smem:$0x3FB0]  }
0x31: {  	[smem:$0x3FB9] =	sst s10  }
0x32: {  	s10 =	sld [smem:$0x3FB7];
	_ =	sdelay $0x3  }
0x33: {  	p0 =	seq.s32 s10, $0x1;
	s10 =	sld [smem:$0x3FB9];
	_ =	sdelay $0x3  }
0x34: {  	[smem:$0x3FB9] =	sst s10  }
0x35: {  	s10 =	sld [smem:$0x3FB8];
	_ =	sdelay $0x3  }
0x36: {  	p1 =	seq.s32 s10, $0x1;
	s10 =	sld [smem:$0x3FB9];
	_ =	sdelay $0x3  }
0x37: {  	[smem:$0x3FB9] =	sst s10  }
0x38: {  	s10 =	sld [smem:$0x3FBA]  }
0x39: {  	_ = 	snop;
	(pc) =	sbr.ind lr, $3  }
0x3a: {  	_ = 	snop  }
0x3b: {  	_ = 	snop  }
0x3c: {  	p2 =	seq.s32 s10, $0x1;
	s10 =	sld [smem:$0x3FB9]  }
0x3d: {  	_ =	shalt  }
0x3e: {  	_ =	shalt  }
0x3f: {  	_ =	shalt  }
0x40: {  	_ =	shalt  }
0x41: {  	_ =	shalt  }
0x42: {  	_ =	shalt  }
0x43: {  	_ =	shalt  }
0x44: {  	_ =	shalt  }
0x45: {  	_ =	shalt  }
0x46: {  	_ =	shalt  }
0x47: {  	_ =	shalt  }
0x48: {  	_ =	shalt  }
0x49: {  	_ =	shalt  }
0x4a: {  	_ =	shalt  }
0x4b: {  	_ =	shalt  }
0x4c: {  	_ =	shalt  }
0x4d: {  	_ =	shalt  }
0x4e: {  	_ =	shalt  }
0x4f: {  	_ =	shalt  }
0x50: {  	_ =	shalt  }
0x51: {  	_ =	shalt  }
0x52: {  	_ =	shalt  }
0x53: {  	_ =	shalt  }
0x54: {  	_ =	shalt  }
0x55: {  	_ =	shalt  }
0x56: {  	_ =	shalt  }
0x57: {  	_ =	shalt  }
0x58: {  	_ =	shalt  }
0x59: {  	_ =	shalt  }
0x5a: {  	_ =	shalt  }
0x5b: {  	_ =	shalt  }
0x5c: {  	_ =	shalt  }
0x5d: {  	_ =	shalt  }
0x5e: {  	_ =	shalt  }
0x5f: {  	_ =	shalt  }
0x60: {  	_ =	shalt  }
0x61: {  	_ =	shalt  }
0x62: {  	_ =	shalt  }
0x63: {  	_ =	shalt  }
0x64: {  	_ =	shalt  }
0x65: {  	_ =	shalt  }
0x66: {  	_ =	shalt  }
0x67: {  	_ =	shalt  }
0x68: {  	_ =	shalt  }
0x69: {  	_ =	shalt  }
0x6a: {  	_ =	shalt  }
0x6b: {  	_ =	shalt  }
0x6c: {  	_ =	shalt  }
0x6d: {  	_ =	shalt  }
0x6e: {  	_ =	shalt  }
0x6f: {  	_ =	shalt  }
0x70: {  	_ =	shalt  }
0x71: {  	_ =	shalt  }
0x72: {  	_ =	shalt  }
0x73: {  	_ =	shalt  }
0x74: {  	_ =	shalt  }
0x75: {  	_ =	shalt  }
0x76: {  	_ =	shalt  }
0x77: {  	_ =	shalt  }
0x78: {  	_ =	shalt  }
0x79: {  	_ =	shalt  }
0x7a: {  	_ =	shalt  }
0x7b: {  	_ =	shalt  }
0x7c: {  	_ =	shalt  }
0x7d: {  	_ =	shalt  }
0x7e: {  	_ =	shalt  }
0x7f: {  	_ =	shalt  }
0x80: {  	_ =	shalt  }
0x81: {  	_ =	shalt  }
0x82: {  	_ =	shalt  }
0x83: {  	_ =	shalt  }
0x84: {  	_ =	shalt  }
0x85: {  	_ =	shalt  }
0x86: {  	_ =	shalt  }
0x87: {  	_ =	shalt  }
.Lfunc_end0:
.L_simem_size_0:
called_computation_lowered:
.L_overlay_start_0:
0x88: {  	s2 =	sld [smem:$0x3FD9]  }
0x89: {  	s3 =	sld [smem:$0x3FFE];
	_ =	sdelay $0x1  }
0x8a: {  	s1 =	srdreg.scid  }
0x8b: {  	s0 =	sand.u32 $0x1, s1  }
0x8c: {  	s17 =	sshll.u32 s0, $0xA;
	s2 =	sadd.s32 s3, s2  }
0x8d: {  	s2 =	sadd.s32 s2, s17  }
0x8e: {  	[smem:$0x3FC5] =	sst s2  }
0x8f: {  	_ = 	snop  }
0x90: {  	s2 =	sld [smem:$0x3FD0];
	(tm) =	ssettm $0x1  }
0x91: {  	s18 =	sld [smem:$0x3FFB];
	_ =	sdelay $0x3  }
0x92: {  	_ =	strace s18  }
0x93: {  	s3 =	sld [smem:$0x3FFC];
	_ =	sdelay $0x3  }
0x94: {  	_ =	strace s3  }
0x95: {  	s3 =	sld [smem:$0x3FFD];
	_ =	sdelay $0x3  }
0x96: {  	_ =	strace s3  }
0x97: {  	_ =	strace $0x8FFFFFFF  }
0x98: {  	s19 =	sld [smem:$0x3FDB];
	_ =	sdelay $0x1  }
0x99: {  	s4 =	simm.s32 $_scs_section_size  }
0x9a: {  	s5 =	simm.s32 $_size__tile_overlayer_lowered;
	s6 =	simm.s32 $_tile_overlayer_lowered  }
0x9b: {  	s22 =	simm.s32 $0x1BFF;
	s21 =	sshll.u32 s6, $0x1;
	s3 =	sadd.s32 s4, s19  }
0x9c: {  	s7 =	simm.s32 $0x0;
	s20 =	sshll.u32 s5, $0x1;
	s5 =	sadd.s32 s21, s3  }
0x9d: {  	[timem:s7], [sflag:s22] =	dma.local [hbm:s5], s20  }
0x9e: {  	_ =	swait.ge [sflag:s22], s20  }
0x9f: {  	s4 =	ssub.s32 $0x0, s20;
	[sflag:s22] =	ssyncset.done $0x0  }
0xa0: {  	[sflag:s22] =	ssyncadd.s32 s4;
	_ =	sdelay $0x1  }
0xa1: {  	s23 =	simm.s32 $0x1B8B  }
0xa2: {  	_ =	swait.ge [sflag:s23], $0x1  }
0xa3: {  	[sflag:s23] =	ssyncset.done $0x0  }
0xa4: {  	s25 =	simm.s32 $0x1B8E;
	s24 =	sld [smem:$0x3FFE];
	[sflag:s23] =	ssyncadd.s32 $0xFFFFFFFF  }
0xa5: {  	s26 =	simm.s32 $execute0_lowered;
	[smem:$0x3FD2] =	sst s25  }
0xa6: {  	s5 =	sshll.u32 s26, $0x1;
	_ =	strace $0x80000046;
	[dreg:$0x1] =	wrdreg $0xFFFFFFFF  }
0xa7: {  	s28 =	simm.s32 $_size_execute0_lowered;
	s3 =	sadd.s32 s3, s5;
	[dreg:$0x0] =	wrdreg $0x0  }
0xa8: {  	s5 =	sshll.u32 s28, $0x1;
	[dreg:$0x2] =	wrdreg s3  }
0xa9: {  	[dreg:$0x3] =	wrdreg s5  }
0xaa: {  	[dreg:$0x4] =	wrdreg $0xC0  }
0xab: {  	_ =	task [dreg:s7], $0x5FFFF  }
0xac: {  	[dreg:$0x1] =	wrdreg $0xFFFFFFFF  }
0xad: {  	[dreg:$0x0] =	wrdreg $0x60  }
0xae: {  	[dreg:$0x2] =	wrdreg s24  }
0xaf: {  	[dreg:$0x3] =	wrdreg s2  }
0xb0: {  	[dreg:$0x4] =	wrdreg $0x9  }
0xb1: {  	_ =	task.clear_ibuf [dreg:s7], $0x5FFFF;
	_ =	strace $0x90000046  }
0xb2: {  	s29 =	simm.s32 $0x9;
	_ =	strace $0x80000048  }
0xb3: {  	_ =	swait.ge [sflag:s29], $0x1  }
0xb4: {  	[sflag:s29] =	ssyncadd.s32 $0xFFFFFFFF  }
0xb5: {  	_ =	strace $0x90000048  }
0xb6: {  	_ =	sfence  }
0xb7: {  	s30 =	sld [smem:$0x0];
	_ =	sdelay $0x2  }
0xb8: {  	s31 =	sshll.u32 s1, $0xD;
	s1 =	sshrl.u32 s1, $0x2  }
0xb9: {  	s3 =	sand.u32 $0x4000, s31;
	s1 =	sadd.s32 s1, s30  }
0xba: {  	s0 =	sor.u32 s3, s0;
	s1 =	sshll.u32 s1, $0x11  }
0xbb: {  	s0 =	sor.u32 s1, s0  }
0xbc: {  	s0 =	sadd.s32 $0x8F2B, s0  }
0xbd: {  	[sflag:s0] =	ssyncadd.remote.s32 $0x1  }
0xbe: {  	_ =	sfence.sel $0xFFFF  }
0xbf: {  	[dreg:$0x0] =	wrdreg $0xFFFFFFFF;
	(pc) =	sbr.abs _section_cstart, $3  }
0xc0: {  	[dreg:$0x1] =	wrdreg $0xFFFFFFFF  }
0xc1: {  	_ =	task.clear_ibuf [dreg:s7], $0x2FFFF;
	_ =	strace $0x9FFFFFFF  }
0xc2: {  	(tm) =	ssettm $0x7FFFFFFF  }
0xc3: {  	_ =	shalt  }
tec
execute0_lowered:
.L_overlay_start_1:
0x0: {  	(tag) =	ssettag $0x1  }
0x1: {  	s0 =	rddreg [dreg:$0x0]  }
0x2: {  	s1 =	rddreg [dreg:$0x1]  }
0x3: {  	s3 =	srdreg.scid;
	s2 =	stileid.u32  }
0x4: {  	s31 =	simm.s32 $0x0;
	s3 =	sand.u32 $0x1, s3;
	s4 =	sshll.u32 s2, $0x1  }
0x5: {  	[smem:$0x7FF] =	sst s31;
	s2 =	sadd.s32 $0x1200, s0;
	s4 =	sor.u32 s3, s4  }
0x6: {  	s28 =	sadd.s32 $0x400, s0;
	s0 =	sadd.s32 $0xF43600, s0;
	s7 =	smul.u32 $0x380, s4  }
0x7: {  	vm0 =	vcmask $0x70C;
	_ =	strace $0x80000047;
	[smem:$0x7F8] =	sst s28;
	s30 =	smul.u32 $0x1900, s4  }
.Ltmp0:
0x8: {  	vm1 =	vcmask $0xB10;
	vm2 =	vcmask $0xF14;
	vm3 =	vcmask $0x1318;
	s5 =	ssub.s32 $0x2, s3;
	[smem:$0x7F9] =	sst s0;
	(pc) =	sbr.rel .LBB2_1-.Ltmp0, $4  }
0x9: {  	vm4 =	vcmask $0x171C;
	vm5 =	vcmask $0x1B20;
	vm6 =	vcmask $0x1F24;
	[smem:$0x7FD] =	sst s2;
	s6 =	sshrl.u32 s5, $0x1  }
0xa: {  	vm7 =	vcmask $0x2328;
	vm8 =	vcmask $0x272C;
	vm9 =	vcmask $0x2B30;
	s29 =	ssub.s32 s5, s6;
	s1 =	sadd.s32 s1, s7;
	[smem:$0x7FB] =	sst s30  }
0xb: {  	vm10 =	vcmask $0x2F34;
	vm11 =	vcmask $0x3338;
	vm12 =	vcmask $0x373C;
	s0 =	smax.u32 s29, $0x1;
	[smem:$0x7FA] =	sst s1  }
0xc: {  	vm13 =	vmmov $0x7fff;
	vm14 =	vmmov $0x1;
	vm15 =	vcmask $0x308;
	s3 =	simm.s32 $0x0;
	[smem:$0x7FC] =	sst s0  }
.LBB2_19:
0xd: {  	s0 =	simm.s32 $0x3  }
0xe: {  	_ =	swait.ge [sflag:s0], $0x4000  }
0xf: {  	[sflag:s0] =	ssyncset.done $0x0  }
0x10: {  	s1 =	simm.s32 $0x4;
	[sflag:s0] =	ssyncadd.s32 $0xFFFFC000  }
0x11: {  	_ =	swait.ge [sflag:s1], $0x4000  }
0x12: {  	s3 =	sld [smem:$0x7F7]  }
0x13: {  	s30 =	sld [smem:$0x7FC];
	_ =	sdelay $0x1  }
0x14: {  	s3 =	sadd.s32 $0x1, s3  }
0x15: {  	p0 =	sne.s32 s3, s30  }
.Ltmp1:
0x16: {  	_ = 	snop;
	(pc) =	sbr.rel @!p0 .LBB2_20-.Ltmp1, $3  }
0x17: {  	_ =	sdelay $0x1  }
0x18: {  	[sflag:s1] =	ssyncset.done $0x0  }
0x19: {  	[sflag:s1] =	ssyncadd.s32 $0xFFFFC000  }
.LBB2_1:
0x1a: {  	s0 =	sld [smem:$0x7FA];
	_ =	sdelay $0x1  }
0x1b: {  	[smem:$0x7F7] =	sst s3;
	s1 =	simm.s32 $0x5  }
0x1c: {  	[tilespmem:s31], [sflag:$0x5] =	stream.linear.gather [hbm4b:s0+s31], $0x1900, $0x38;
	[tilespmem:$0x18000] =	vst v63  }
0x1d: {  	_ =	swait.ge [sflag:s1], $0x1900  }
0x1e: {  	s14 =	sld [smem:$0x7F8]  }
0x1f: {  	[sflag:s1] =	ssyncset.done $0x0  }
0x20: {  	s15 =	simm.s32 $0x1C00;
	[sflag:s1] =	ssyncadd.s32 $0xFFFFE700  }
0x21: {  	[tilespmem:s15], [sflag:$0x5] =	stream.linear.gather [hbm4b:s14+s31], $0x6400, $0x38;
	[tilespmem:$0x18000] =	vst v63  }
0x22: {  	_ =	swait.ge [sflag:s1], $0x6400  }
0x23: {  	[sflag:s1] =	ssyncset.done $0x0  }
0x24: {  	[sflag:s1] =	ssyncadd.s32 $0xFFFF9C00;
	s1 =	simm.s32 $0x10  }
0x25: {  	v0 =	vld [tilespmem:s1+$0xFFFFFFF0];
	_ =	sdelay $0x4  }
0x26: {  	v1 =	vsel vm13, $0x0, v0  }
0x27: {  	v2 =	vsel vm7, $0x0, v0;
	v1 =	vxor.u32 $0x80000000, v1  }
0x28: {  	v23 =	vsel vm6, $0x0, v0;
	v22 =	vxor.u32 $0x80000000, v2;
	(xrf0) =	vmax.scan.msk.u32 $0xffff, v1  }
0x29: {  	v24 =	vsel vm5, $0x0, v0;
	v2 =	vxor.u32 $0x80000000, v23;
	(xrf0) =	vmax.scan.msk.u32 $0xffff, v22  }
0x2a: {  	v3 =	vsel vm4, $0x0, v0;
	v1 =	vxor.u32 $0x80000000, v24;
	(xrf0) =	vmax.scan.msk.u32 $0xffff, v2  }
0x2b: {  	v25 =	vsel vm3, $0x0, v0;
	v3 =	vxor.u32 $0x80000000, v3;
	(xrf0) =	vmax.scan.msk.u32 $0xffff, v1  }
0x2c: {  	v26 =	vsel vm2, $0x0, v0;
	v2 =	vxor.u32 $0x80000000, v25;
	(xrf0) =	vmax.scan.msk.u32 $0xffff, v3  }
0x2d: {  	v27 =	vsel vm1, $0x0, v0;
	v1 =	vxor.u32 $0x80000000, v26;
	(xrf0) =	vmax.scan.msk.u32 $0xffff, v2  }
0x2e: {  	v4 =	vnsel vm14, $0x0, v0;
	v3 =	vxor.u32 $0x80000000, v27;
	v28, _, _ =	vpop (xrf0);
	(xrf0) =	vmax.scan.msk.u32 $0xffff, v1  }
0x2f: {  	v31 =	vsel vm15, $0x0, v0;
	v30 =	vxor.u32 $0x80000000, v4;
	(v2sf) =	vpush v28, $0xF;
	v29, _, _ =	vpop (xrf0);
	(xrf0) =	vmax.scan.msk.u32 $0xffff, v3  }
0x30: {  	v32 =	vsel vm0, $0x0, v0;
	v33 =	vxor.u32 $0x80000000, v31;
	(v2sf) =	vpush v29, $0xF;
	v34, _, _ =	vpop (xrf0);
	(xrf0) =	vmax.scan.msk.u32 $0xffff, v30  }
0x31: {  	v1 =	vxor.u32 $0x80000000, v32;
	v35, _, _ =	vpop (xrf0);
	(v2sf) =	vpush v34, $0xF;
	(xrf0) =	vmax.scan.msk.u32 $0xffff, v33  }
0x32: {  	(xrf0) =	vmax.scan.msk.u32 $0xffff, v1;
	v36, _, _ =	vpop (xrf0);
	(v2sf) =	vpush v35, $0xF  }
0x33: {  	v37, _, _ =	vpop (xrf0);
	(v2sf) =	vpush v36, $0xF  }
0x34: {  	v38, _, _ =	vpop (xrf0);
	(v2sf) =	vpush v37, $0xF  }
0x35: {  	v39, _, _ =	vpop (xrf0);
	(v2sf) =	vpush v38, $0xF  }
0x36: {  	(v2sf) =	vpush v39, $0xF;
	v40, _, _ =	vpop (xrf0)  }
0x37: {  	(v2sf) =	vpush v40, $0xF;
	v41, _, _ =	vpop (xrf0)  }
0x38: {  	v42, _, _ =	vpop (xrf0);
	(v2sf) =	vpush v41, $0xF  }
0x39: {  	(v2sf) =	vpush v42, $0xF;
	_ =	sdelay $0x4  }
0x3a: {  	s4 =	spop (v2sf)  }
0x3b: {  	v43 =	vsel vm12, $0x0, v0;
	s16 =	spop (v2sf)  }
0x3c: {  	v1 =	vxor.u32 $0x80000000, v43;
	s5 =	spop (v2sf)  }
0x3d: {  	s11 =	simm.s32 $0x8080;
	v44 =	vsel vm11, $0x0, v0;
	(xrf0) =	vmax.scan.msk.u32 $0xffff, v1;
	s6 =	spop (v2sf)  }
0x3e: {  	s13 =	simm.s32 $0x8000;
	s19 =	simm.s32 $0x8100;
	v45 =	vxor.u32 $0x80000000, v44;
	s7 =	spop (v2sf)  }
0x3f: {  	s21 =	simm.s32 $0x8180;
	s22 =	simm.s32 $0x8380;
	v46 =	vsel vm8, $0x0, v0;
	(xrf0) =	vmax.scan.msk.u32 $0xffff, v45;
	s8 =	spop (v2sf)  }
0x40: {  	s23 =	simm.s32 $0x8280;
	s24 =	simm.s32 $0x8300;
	v1 =	vxor.u32 $0x80000000, v46;
	s9 =	spop (v2sf)  }
0x41: {  	s25 =	simm.s32 $0x8200;
	s26 =	simm.s32 $0x30;
	(xrf0) =	vmax.scan.msk.u32 $0xffff, v1;
	s10 =	spop (v2sf)  }
0x42: {  	v47 =	vsel vm9, $0x0, v0;
	s0 =	sshll.u32 s16, $0x4;
	s6 =	sshll.u32 s6, $0x4;
	s12 =	spop (v2sf)  }
0x43: {  	v48 =	vxor.u32 $0x80000000, v47;
	v49, _, _ =	vpop (xrf0);
	s7 =	sshll.u32 s7, $0x4;
	s12 =	sshll.u32 s12, $0x4;
	s14 =	spop (v2sf)  }
0x44: {  	(xrf0) =	vmax.scan.msk.u32 $0xffff, v48;
	(v2sf) =	vpush v49, $0xF;
	s12 =	sand.u32 $0x1FFFFFF0, s12;
	s14 =	sshll.u32 s14, $0x4;
	s15 =	spop (v2sf)  }
0x45: {  	v0 =	vsel vm10, $0x0, v0;
	v50, _, _ =	vpop (xrf0);
	s12 =	sadd.s32 s2, s12;
	s14 =	sand.u32 $0x1FFFFFF0, s14;
	s15 =	sshll.u32 s15, $0x4  }
0x46: {  	v0 =	vxor.u32 $0x80000000, v0;
	(v2sf) =	vpush v50, $0xF;
	[tilespmem:s13], [sflag:$0x1] =	stream.linear.gather [hbm4b:s12+s31], $0x80, $0x38;
	[tilespmem:$0x18000] =	vst v63  }
0x47: {  	(xrf0) =	vmax.scan.msk.u32 $0xffff, v0;
	v51, _, _ =	vpop (xrf0);
	s10 =	sshll.u32 s10, $0x4;
	s17 =	sadd.s32 s2, s14;
	s18 =	sand.u32 $0x1FFFFFF0, s15  }
0x48: {  	(v2sf) =	vpush v51, $0xF;
	[tilespmem:s11], [sflag:$0x1] =	stream.linear.gather [hbm4b:s17+s31], $0x80, $0x38;
	[tilespmem:$0x18000] =	vst v63  }
0x49: {  	s9 =	sshll.u32 s9, $0x4;
	s10 =	sand.u32 $0x1FFFFFF0, s10;
	s20 =	sadd.s32 s2, s18  }
0x4a: {  	v52, _, _ =	vpop (xrf0);
	[tilespmem:s19], [sflag:$0x1] =	stream.linear.gather [hbm4b:s20+s31], $0x80, $0x38;
	[tilespmem:$0x18000] =	vst v63  }
0x4b: {  	s8 =	sshll.u32 s8, $0x4;
	s9 =	sand.u32 $0x1FFFFFF0, s9;
	s10 =	sadd.s32 s2, s10;
	(v2sf) =	vpush v52, $0xF  }
0x4c: {  	[tilespmem:s21], [sflag:$0x1] =	stream.linear.gather [hbm4b:s10+s31], $0x80, $0x38;
	[tilespmem:$0x18000] =	vst v63  }
0x4d: {  	v53, _, _ =	vpop (xrf0);
	s8 =	sand.u32 $0x1FFFFFF0, s8;
	s9 =	sadd.s32 s2, s9;
	s13 =	simm.s32 $0x30  }
0x4e: {  	(v2sf) =	vpush v53, $0xF;
	[tilespmem:s25], [sflag:$0x1] =	stream.linear.gather [hbm4b:s9+s31], $0x80, $0x38;
	[tilespmem:$0x18000] =	vst v63  }
0x4f: {  	s7 =	sand.u32 $0x1FFFFFF0, s7;
	s8 =	sadd.s32 s2, s8;
	[dreg:$0x8] =	wrdreg s13  }
0x50: {  	v0 =	vld [tilespmem:s26+$0xFFFFFFF0];
	[tilespmem:s23], [sflag:$0x1] =	stream.linear.gather [hbm4b:s8+s31], $0x80, $0x38  }
0x51: {  	s5 =	sshll.u32 s5, $0x4;
	s6 =	sand.u32 $0x1FFFFFF0, s6;
	s7 =	sadd.s32 s2, s7  }
0x52: {  	[tilespmem:s24], [sflag:$0x1] =	stream.linear.gather [hbm4b:s7+s31], $0x80, $0x38;
	[tilespmem:$0x18000] =	vst v63  }
0x53: {  	s5 =	sand.u32 $0x1FFFFFF0, s5;
	s6 =	sadd.s32 s2, s6;
	s16 =	spop (v2sf)  }
0x54: {  	[tilespmem:s22], [sflag:$0x1] =	stream.linear.gather [hbm4b:s6+s31], $0x80, $0x38;
	[tilespmem:$0x18000] =	vst v63  }
0x55: {  	s5 =	sadd.s32 s2, s5;
	s14 =	simm.s32 $0x8400;
	s17 =	spop (v2sf);
	v54 =	vsel vm13, $0x0, v0  }
0x56: {  	v56 =	vsel vm7, $0x0, v0;
	v55 =	vxor.u32 $0x80000000, v54;
	[tilespmem:s14], [sflag:$0x1] =	stream.linear.gather [hbm4b:s5+s31], $0x80, $0x38;
	[tilespmem:$0x18000] =	vst v63  }
0x57: {  	s0 =	sand.u32 $0x1FFFFFF0, s0;
	s22 =	spop (v2sf);
	v57 =	vxor.u32 $0x80000000, v56;
	(xrf0) =	vmax.scan.msk.u32 $0xffff, v55  }
0x58: {  	s0 =	sadd.s32 s2, s0;
	s15 =	simm.s32 $0x8480;
	v58 =	vsel vm6, $0x0, v0;
	s10 =	sshll.u32 s22, $0x4;
	(xrf0) =	vmax.scan.msk.u32 $0xffff, v57  }
0x59: {  	v59 =	vsel vm5, $0x0, v0;
	v2 =	vxor.u32 $0x80000000, v58;
	[tilespmem:s15], [sflag:$0x1] =	stream.linear.gather [hbm4b:s0+s31], $0x80, $0x38;
	[tilespmem:$0x18000] =	vst v63  }
0x5a: {  	s24 =	spop (v2sf);
	v1 =	vxor.u32 $0x80000000, v59;
	s10 =	sand.u32 $0x1FFFFFF0, s10;
	(xrf0) =	vmax.scan.msk.u32 $0xffff, v2  }
0x5b: {  	s23 =	simm.s32 $0x8500;
	v60 =	vsel vm4, $0x0, v0;
	s12 =	sshll.u32 s24, $0x4;
	s10 =	sadd.s32 s2, s10;
	(xrf0) =	vmax.scan.msk.u32 $0xffff, v1  }
0x5c: {  	v61 =	vsel vm3, $0x0, v0;
	v3 =	vxor.u32 $0x80000000, v60;
	[tilespmem:s23], [sflag:$0x1] =	stream.linear.gather [hbm4b:s10+s31], $0x80, $0x38;
	[tilespmem:$0x18000] =	vst v63  }
0x5d: {  	s25 =	spop (v2sf);
	s12 =	sand.u32 $0x1FFFFFF0, s12;
	v2 =	vxor.u32 $0x80000000, v61;
	(xrf0) =	vmax.scan.msk.u32 $0xffff, v3  }
0x5e: {  	s20 =	simm.s32 $0x8580;
	v62 =	vsel vm2, $0x0, v0;
	s13 =	sshll.u32 s25, $0x4;
	s26 =	sadd.s32 s2, s12;
	(xrf0) =	vmax.scan.msk.u32 $0xffff, v2  }
0x5f: {  	v8 =	vsel vm1, $0x0, v0;
	v1 =	vxor.u32 $0x80000000, v62;
	[tilespmem:s20], [sflag:$0x1] =	stream.linear.gather [hbm4b:s26+s31], $0x80, $0x38;
	[tilespmem:$0x18000] =	vst v63  }
0x60: {  	v9 =	vxor.u32 $0x80000000, v8;
	s3 =	sand.u32 $0x1FFFFFF0, s13;
	(xrf0) =	vmax.scan.msk.u32 $0xffff, v1  }
0x61: {  	s21 =	simm.s32 $0x8600;
	v10 =	vnsel vm14, $0x0, v0;
	s5 =	sshll.u32 s17, $0x4;
	s11 =	sadd.s32 s2, s3;
	v63, _, _ =	vpop (xrf0);
	(xrf0) =	vmax.scan.msk.u32 $0xffff, v9  }
0x62: {  	v12 =	vsel vm15, $0x0, v0;
	v3 =	vxor.u32 $0x80000000, v10;
	(v2sf) =	vpush v63, $0xF;
	v11, _, _ =	vpop (xrf0);
	[tilespmem:s21], [sflag:$0x1] =	stream.linear.gather [hbm4b:s11+s31], $0x80, $0x38;
	[tilespmem:$0x18000] =	vst v63  }
0x63: {  	s4 =	sshll.u32 s4, $0x4;
	s5 =	sand.u32 $0x1FFFFFF0, s5;
	s0 =	sshll.u32 s16, $0x4;
	v1 =	vxor.u32 $0x80000000, v12;
	(v2sf) =	vpush v11, $0xF;
	v13, _, _ =	vpop (xrf0);
	(xrf0) =	vmax.scan.msk.u32 $0xffff, v3  }
0x64: {  	s18 =	simm.s32 $0x8680;
	v15 =	vsel vm0, $0x0, v0;
	s5 =	sadd.s32 s2, s5;
	s0 =	sand.u32 $0x1FFFFFF0, s0;
	v14, _, _ =	vpop (xrf0);
	(v2sf) =	vpush v13, $0xF;
	(xrf0) =	vmax.scan.msk.u32 $0xffff, v1  }
0x65: {  	v2 =	vxor.u32 $0x80000000, v15;
	[tilespmem:s18], [sflag:$0x1] =	stream.linear.gather [hbm4b:s5+s31], $0x80, $0x38;
	v16, _, _ =	vpop (xrf0);
	(v2sf) =	vpush v14, $0xF;
	[tilespmem:$0x18000] =	vst v63  }
0x66: {  	s4 =	sand.u32 $0x1FFFFFF0, s4;
	s19 =	simm.s32 $0x8700;
	s0 =	sadd.s32 s2, s0;
	v17, _, _ =	vpop (xrf0);
	(v2sf) =	vpush v16, $0xF;
	(xrf0) =	vmax.scan.msk.u32 $0xffff, v2  }
0x67: {  	[tilespmem:s19], [sflag:$0x1] =	stream.linear.gather [hbm4b:s0+s31], $0x80, $0x38;
	v18, _, _ =	vpop (xrf0);
	(v2sf) =	vpush v17, $0xF;
	[tilespmem:$0x18000] =	vst v63  }
0x68: {  	s4 =	sadd.s32 s2, s4;
	s12 =	simm.s32 $0x8780;
	v19, _, _ =	vpop (xrf0);
	(v2sf) =	vpush v18, $0xF  }
0x69: {  	[tilespmem:s12], [sflag:$0x1] =	stream.linear.gather [hbm4b:s4+s31], $0x80, $0x38;
	(v2sf) =	vpush v19, $0xF;
	v20, _, _ =	vpop (xrf0);
	[tilespmem:$0x18000] =	vst v63  }
0x6a: {  	v23 =	vld [tilespmem:s1+$0x0];
	(v2sf) =	vpush v20, $0xF  }
0x6b: {  	v24 =	vsel vm12, $0x0, v0;
	v21, _, _ =	vpop (xrf0)  }
0x6c: {  	v2 =	vxor.u32 $0x80000000, v24;
	(v2sf) =	vpush v21, $0xF;
	v22, _, _ =	vpop (xrf0)  }
0x6d: {  	v25 =	vsel vm11, $0x0, v0;
	(xrf0) =	vmax.scan.msk.u32 $0xffff, v2;
	(v2sf) =	vpush v22, $0xF  }
0x6e: {  	v26 =	vxor.u32 $0x80000000, v25  }
0x6f: {  	(xrf0) =	vmax.scan.msk.u32 $0xffff, v26;
	v27 =	vsel vm13, $0x0, v23  }
0x70: {  	v3 =	vxor.u32 $0x80000000, v27  }
0x71: {  	v28 =	vsel vm12, $0x0, v23;
	(xrf0) =	vmax.scan.msk.u32 $0xffff, v3;
	s15 =	spop (v2sf)  }
0x72: {  	v29 =	vsel vm11, $0x0, v23;
	v2 =	vxor.u32 $0x80000000, v28;
	s5 =	spop (v2sf)  }
0x73: {  	v35, _, _ =	vpop (xrf0);
	v31 =	vsel vm10, $0x0, v23;
	v30 =	vxor.u32 $0x80000000, v29;
	(xrf0) =	vmax.scan.msk.u32 $0xffff, v2;
	s13 =	spop (v2sf)  }
0x74: {  	v32 =	vsel vm9, $0x0, v23;
	v2 =	vxor.u32 $0x80000000, v31;
	(v2sf) =	vpush v35, $0xF;
	(xrf0) =	vmax.scan.msk.u32 $0xffff, v30;
	s14 =	spop (v2sf)  }
0x75: {  	v33 =	vsel vm8, $0x0, v23;
	v37, _, _ =	vpop (xrf0);
	v3 =	vxor.u32 $0x80000000, v32;
	(xrf0) =	vmax.scan.msk.u32 $0xffff, v2;
	s16 =	spop (v2sf)  }
0x76: {  	v34 =	vsel vm7, $0x0, v23;
	(v2sf) =	vpush v37, $0xF;
	v2 =	vxor.u32 $0x80000000, v33;
	(xrf0) =	vmax.scan.msk.u32 $0xffff, v3;
	s17 =	spop (v2sf)  }
0x77: {  	s29 =	simm.s32 $0x8D80;
	s28 =	smov.u32 s2;
	v36 =	vsel vm6, $0x0, v23;
	v3 =	vxor.u32 $0x80000000, v34;
	(xrf0) =	vmax.scan.msk.u32 $0xffff, v2;
	v38, _, _ =	vpop (xrf0);
	s18 =	spop (v2sf)  }
0x78: {  	s22 =	simm.s32 $0x9000;
	s24 =	simm.s32 $0x9080;
	v5 =	vsel vm5, $0x0, v23;
	v2 =	vxor.u32 $0x80000000, v36;
	(xrf0) =	vmax.scan.msk.u32 $0xffff, v3;
	(v2sf) =	vpush v38, $0xF;
	s19 =	spop (v2sf)  }
0x79: {  	s25 =	simm.s32 $0x9100;
	s3 =	simm.s32 $0x9200;
	v39 =	vsel vm4, $0x0, v23;
	v5 =	vxor.u32 $0x80000000, v5;
	(xrf0) =	vmax.scan.msk.u32 $0xffff, v2;
	v40, _, _ =	vpop (xrf0);
	s20 =	spop (v2sf)  }
0x7a: {  	s26 =	simm.s32 $0x9180;
	v41 =	vsel vm3, $0x0, v23;
	s1 =	sshll.u32 s14, $0x4;
	v2 =	vxor.u32 $0x80000000, v39;
	(xrf0) =	vmax.scan.msk.u32 $0xffff, v5;
	v42, _, _ =	vpop (xrf0);
	(v2sf) =	vpush v40, $0xF;
	s9 =	sshll.u32 s20, $0x4  }
0x7b: {  	v3 =	vxor.u32 $0x80000000, v41;
	s4 =	sshll.u32 s16, $0x4;
	(xrf0) =	vmax.scan.msk.u32 $0xffff, v2;
	(v2sf) =	vpush v42, $0xF;
	s21 =	spop (v2sf);
	s9 =	sand.u32 $0x1FFFFFF0, s9  }
0x7c: {  	v43 =	vsel vm2, $0x0, v23;
	v44, _, _ =	vpop (xrf0);
	(xrf0) =	vmax.scan.msk.u32 $0xffff, v3;
	s10 =	sshll.u32 s21, $0x4;
	s9 =	sadd.s32 s2, s9;
	s23 =	spop (v2sf)  }
0x7d: {  	v45 =	vsel vm1, $0x0, v23;
	v4 =	vxor.u32 $0x80000000, v43;
	v46, _, _ =	vpop (xrf0);
	(v2sf) =	vpush v44, $0xF;
	[tilespmem:s22], [sflag:$0x1] =	stream.linear.gather [hbm4b:s9+s31], $0x80, $0x38;
	[tilespmem:$0x18000] =	vst v63  }
0x7e: {  	s6 =	sshll.u32 s17, $0x4;
	v5 =	vxor.u32 $0x80000000, v45;
	(xrf0) =	vmax.scan.msk.u32 $0xffff, v4;
	(v2sf) =	vpush v46, $0xF;
	s10 =	sand.u32 $0x1FFFFFF0, s10;
	s9 =	sshll.u32 s23, $0x4  }
0x7f: {  	v47 =	vnsel vm14, $0x0, v23;
	s8 =	sshll.u32 s19, $0x4;
	v48, _, _ =	vpop (xrf0);
	(xrf0) =	vmax.scan.msk.u32 $0xffff, v5;
	s10 =	sadd.s32 s2, s10;
	s9 =	sand.u32 $0x1FFFFFF0, s9  }
0x80: {  	v49 =	vxor.u32 $0x80000000, v47;
	v51, _, _ =	vpop (xrf0);
	(v2sf) =	vpush v48, $0xF;
	[tilespmem:s24], [sflag:$0x1] =	stream.linear.gather [hbm4b:s10+s31], $0x80, $0x38;
	[tilespmem:$0x18000] =	vst v63  }
0x81: {  	v50 =	vsel vm15, $0x0, v23;
	s7 =	sshll.u32 s18, $0x4;
	s8 =	sand.u32 $0x1FFFFFF0, s8;
	(xrf0) =	vmax.scan.msk.u32 $0xffff, v49;
	(v2sf) =	vpush v51, $0xF;
	s9 =	sadd.s32 s2, s9  }
0x82: {  	v3 =	vxor.u32 $0x80000000, v50;
	v52, _, _ =	vpop (xrf0);
	[tilespmem:s25], [sflag:$0x1] =	stream.linear.gather [hbm4b:s9+s31], $0x80, $0x38;
	[tilespmem:$0x18000] =	vst v63  }
0x83: {  	v1 =	vsel vm0, $0x0, v23;
	s7 =	sand.u32 $0x1FFFFFF0, s7;
	s8 =	sadd.s32 s2, s8;
	(xrf0) =	vmax.scan.msk.u32 $0xffff, v3;
	v53, _, _ =	vpop (xrf0);
	(v2sf) =	vpush v52, $0xF;
	s18 =	spop (v2sf)  }
0x84: {  	v1 =	vxor.u32 $0x80000000, v1;
	(v2sf) =	vpush v53, $0xF;
	[tilespmem:s26], [sflag:$0x1] =	stream.linear.gather [hbm4b:s8+s31], $0x80, $0x38;
	[tilespmem:$0x18000] =	vst v63  }
0x85: {  	s6 =	sand.u32 $0x1FFFFFF0, s6;
	s7 =	sadd.s32 s2, s7;
	(xrf0) =	vmax.scan.msk.u32 $0xffff, v1;
	v54, _, _ =	vpop (xrf0);
	s14 =	spop (v2sf)  }
0x86: {  	v55, _, _ =	vpop (xrf0);
	(v2sf) =	vpush v54, $0xF;
	[tilespmem:s3], [sflag:$0x1] =	stream.linear.gather [hbm4b:s7+s31], $0x80, $0x38;
	[tilespmem:$0x18000] =	vst v63  }
0x87: {  	s6 =	sadd.s32 s2, s6;
	v56, _, _ =	vpop (xrf0);
	(v2sf) =	vpush v55, $0xF;
	s8 =	simm.s32 $0x9280;
	s17 =	spop (v2sf)  }
0x88: {  	v57, _, _ =	vpop (xrf0);
	(v2sf) =	vpush v56, $0xF;
	[tilespmem:s8], [sflag:$0x1] =	stream.linear.gather [hbm4b:s6+s31], $0x80, $0x38;
	[tilespmem:$0x18000] =	vst v63  }
0x89: {  	s11 =	simm.s32 $0x9400;
	s4 =	sand.u32 $0x1FFFFFF0, s4;
	(v2sf) =	vpush v57, $0xF;
	v58, _, _ =	vpop (xrf0);
	s20 =	spop (v2sf)  }
0x8a: {  	s4 =	sadd.s32 s2, s4;
	s10 =	simm.s32 $0x9300;
	(v2sf) =	vpush v58, $0xF;
	v59, _, _ =	vpop (xrf0);
	s22 =	spop (v2sf)  }
0x8b: {  	(v2sf) =	vpush v59, $0xF;
	[tilespmem:s10], [sflag:$0x1] =	stream.linear.gather [hbm4b:s4+s31], $0x80, $0x38;
	[tilespmem:$0x18000] =	vst v63  }
0x8c: {  	s0 =	sshll.u32 s13, $0x4;
	s1 =	sand.u32 $0x1FFFFFF0, s1;
	v60, _, _ =	vpop (xrf0);
	s30 =	spop (v2sf)  }
0x8d: {  	s1 =	sadd.s32 s2, s1;
	s9 =	simm.s32 $0x9380;
	(v2sf) =	vpush v60, $0xF;
	s26 =	spop (v2sf)  }
0x8e: {  	[tilespmem:s9], [sflag:$0x1] =	stream.linear.gather [hbm4b:s1+s31], $0x80, $0x38;
	[tilespmem:$0x18000] =	vst v63  }
0x8f: {  	s5 =	sshll.u32 s5, $0x4;
	s0 =	sand.u32 $0x1FFFFFF0, s0;
	s21 =	spop (v2sf)  }
0x90: {  	s12 =	sand.u32 $0x1FFFFFF0, s5;
	s0 =	sadd.s32 s2, s0;
	s16 =	spop (v2sf)  }
0x91: {  	[tilespmem:s11], [sflag:$0x1] =	stream.linear.gather [hbm4b:s0+s31], $0x80, $0x38;
	[tilespmem:$0x18000] =	vst v63  }
0x92: {  	s13 =	simm.s32 $0x9480;
	s23 =	simm.s32 $0x8800;
	s19 =	spop (v2sf)  }
0x93: {  	s6 =	simm.s32 $0x50;
	s1 =	sadd.s32 s2, s12;
	s5 =	spop (v2sf)  }
0x94: {  	[tilespmem:s13], [sflag:$0x1] =	stream.linear.gather [hbm4b:s1+s31], $0x80, $0x38;
	[tilespmem:$0x18000] =	vst v63  }
0x95: {  	s11 =	simm.s32 $0x8F80;
	s4 =	spop (v2sf);
	[dreg:$0x14] =	wrdreg s16  }
0x96: {  	s1 =	simm.s32 $0x9800;
	[dreg:$0x19] =	wrdreg s19;
	s0 =	spop (v2sf)  }
0x97: {  	s19 =	simm.s32 $0x8E80;
	s16 =	simm.s32 $0x8F00;
	s8 =	spop (v2sf)  }
0x98: {  	s0 =	sshll.u32 s0, $0x4;
	s9 =	spop (v2sf);
	s8 =	sshll.u32 s8, $0x4  }
0x99: {  	s0 =	sand.u32 $0x1FFFFFF0, s0;
	s24 =	spop (v2sf);
	s8 =	sand.u32 $0x1FFFFFF0, s8  }
0x9a: {  	s0 =	sadd.s32 s2, s0;
	s10 =	sshll.u32 s24, $0x4;
	s25 =	spop (v2sf)  }
0x9b: {  	s8 =	sadd.s32 s2, s8;
	s10 =	sand.u32 $0x1FFFFFF0, s10;
	s12 =	sshll.u32 s25, $0x4  }
0x9c: {  	s3 =	spop (v2sf);
	s25 =	simm.s32 $0x8900;
	s10 =	sadd.s32 s2, s10  }
0x9d: {  	[tilespmem:s23], [sflag:$0x1] =	stream.linear.gather [hbm4b:s10+s31], $0x80, $0x38;
	[tilespmem:$0x18000] =	vst v63  }
0x9e: {  	s12 =	sand.u32 $0x1FFFFFF0, s12;
	s13 =	sshll.u32 s3, $0x4;
	s10 =	simm.s32 $0x8880  }
0x9f: {  	s23 =	sadd.s32 s2, s12;
	s24 =	sand.u32 $0x1FFFFFF0, s13;
	s13 =	simm.s32 $0x8E00  }
0xa0: {  	[tilespmem:s10], [sflag:$0x1] =	stream.linear.gather [hbm4b:s23+s31], $0x80, $0x38;
	[tilespmem:$0x18000] =	vst v63  }
0xa1: {  	s12 =	simm.s32 $0x8980;
	s3 =	sadd.s32 s2, s24;
	s10 =	sshll.u32 s9, $0x4  }
0xa2: {  	s24 =	simm.s32 $0x8A00;
	s23 =	simm.s32 $0x8C80;
	s7 =	sand.u32 $0x1FFFFFF0, s10  }
0xa3: {  	[tilespmem:s25], [sflag:$0x1] =	stream.linear.gather [hbm4b:s3+s31], $0x80, $0x38;
	[tilespmem:$0x18000] =	vst v63  }
0xa4: {  	s9 =	simm.s32 $0x9500;
	s10 =	sshll.u32 s5, $0x4;
	s7 =	sadd.s32 s2, s7  }
0xa5: {  	[tilespmem:s12], [sflag:$0x1] =	stream.linear.gather [hbm4b:s7+s31], $0x80, $0x38;
	[tilespmem:$0x18000] =	vst v63  }
0xa6: {  	s25 =	simm.s32 $0x8D00;
	s3 =	simm.s32 $0x8A80;
	s7 =	simm.s32 $0x8C00  }
0xa7: {  	v61 =	vsel vm8, $0x0, v0;
	[tilespmem:s24], [sflag:$0x1] =	stream.linear.gather [hbm4b:s8+s31], $0x80, $0x38;
	[tilespmem:$0x18000] =	vst v63  }
0xa8: {  	v1 =	vxor.u32 $0x80000000, v61;
	s8 =	sshll.u32 s4, $0x4;
	s4 =	simm.s32 $0x8B00;
	s24 =	simm.s32 $0x9700  }
0xa9: {  	v62 =	vsel vm9, $0x0, v0;
	(xrf0) =	vmax.scan.msk.u32 $0xffff, v1;
	[dreg:$0x13] =	wrdreg s25;
	s12 =	sand.u32 $0x1FFFFFF0, s8;
	s8 =	simm.s32 $0x2  }
0xaa: {  	v0 =	vsel vm10, $0x0, v0;
	v63 =	vxor.u32 $0x80000000, v62;
	[tilespmem:s3], [sflag:$0x1] =	stream.linear.gather [hbm4b:s0+s31], $0x80, $0x38;
	[tilespmem:$0x18000] =	vst v63  }
0xab: {  	v0 =	vxor.u32 $0x80000000, v0;
	(xrf0) =	vmax.scan.msk.u32 $0xffff, v63;
	s25 =	simm.s32 $0x9680;
	s0 =	simm.s32 $0x8B80;
	[dreg:$0x1c] =	wrdreg s7  }
0xac: {  	(xrf0) =	vmax.scan.msk.u32 $0xffff, v0;
	s31 =	simm.s32 $0x9580;
	s7 =	simm.s32 $0x9600;
	[dreg:$0x17] =	wrdreg s9  }
.LBB2_2:
0xad: {  	s9 =	sadd.s32 s28, s12;
	s2 =	rddreg [dreg:$0x19]  }
0xae: {  	v0 =	vld [tilespmem:s6+$0xFFFFFFF0];
	s10 =	sand.u32 $0x1FFFFFF0, s10;
	s3 =	simm.s32 $0x0;
	s5 =	sshll.u32 s2, $0x4  }
0xaf: {  	[tilespmem:s4], [sflag:$0x1] =	stream.linear.gather [hbm4b:s9+s3], $0x80, $0x38;
	[tilespmem:$0x18000] =	vst v63  }
0xb0: {  	s12 =	rddreg [dreg:$0x14];
	s9 =	sadd.s32 s28, s10;
	s10 =	sand.u32 $0x1FFFFFF0, s5  }
0xb1: {  	[tilespmem:s0], [sflag:$0x1] =	stream.linear.gather [hbm4b:s9+s3], $0x80, $0x38;
	[tilespmem:$0x18000] =	vst v63  }
0xb2: {  	s5 =	sshll.u32 s12, $0x4;
	s9 =	sadd.s32 s28, s10  }
0xb3: {  	v1, _, _ =	vpop (xrf0);
	s12 =	sand.u32 $0x1FFFFFF0, s5;
	s5 =	sshll.u32 s21, $0x4;
	s10 =	rddreg [dreg:$0x1c];
	v2 =	vsel vm13, $0x0, v0  }
0xb4: {  	(v2sf) =	vpush v1, $0xF;
	v45, _, _ =	vpop (xrf0);
	[tilespmem:s10], [sflag:$0x1] =	stream.linear.gather [hbm4b:s9+s3], $0x80, $0x38;
	v47 =	vxor.u32 $0x80000000, v2;
	[tilespmem:$0x18000] =	vst v63  }
0xb5: {  	s12 =	sadd.s32 s28, s12;
	s21 =	sand.u32 $0x1FFFFFF0, s5;
	v46, _, _ =	vpop (xrf0);
	v48 =	vsel vm7, $0x0, v0;
	(xrf0) =	vmax.scan.msk.u32 $0xffff, v47  }
0xb6: {  	(v2sf) =	vpush v45, $0xF;
	v49 =	vxor.u32 $0x80000000, v48;
	[tilespmem:s23], [sflag:$0x1] =	stream.linear.gather [hbm4b:s12+s3], $0x80, $0x38;
	[tilespmem:$0x18000] =	vst v63  }
0xb7: {  	s2 =	sshll.u32 s26, $0x4;
	s5 =	sadd.s32 s28, s21;
	v50 =	vsel vm6, $0x0, v0;
	s21 =	rddreg [dreg:$0x13];
	(v2sf) =	vpush v46, $0xF;
	(xrf0) =	vmax.scan.msk.u32 $0xffff, v49  }
0xb8: {  	v51 =	vsel vm5, $0x0, v0;
	v2 =	vxor.u32 $0x80000000, v50;
	[tilespmem:s21], [sflag:$0x1] =	stream.linear.gather [hbm4b:s5+s3], $0x80, $0x38;
	[tilespmem:$0x18000] =	vst v63  }
0xb9: {  	s10 =	sand.u32 $0x1FFFFFF0, s2;
	v1 =	vxor.u32 $0x80000000, v51;
	s12 =	sshll.u32 s30, $0x4;
	(xrf0) =	vmax.scan.msk.u32 $0xffff, v2  }
0xba: {  	v5 =	vsel vm4, $0x0, v0;
	s23 =	sadd.s32 s28, s10;
	s26 =	sand.u32 $0x1FFFFFF0, s12;
	(xrf0) =	vmax.scan.msk.u32 $0xffff, v1  }
0xbb: {  	v4 =	vxor.u32 $0x80000000, v5;
	[tilespmem:s29], [sflag:$0x1] =	stream.linear.gather [hbm4b:s23+s3], $0x80, $0x38;
	[tilespmem:$0x18000] =	vst v63  }
0xbc: {  	s2 =	sshll.u32 s22, $0x4;
	v52 =	vsel vm3, $0x0, v0;
	s5 =	sadd.s32 s28, s26;
	(xrf0) =	vmax.scan.msk.u32 $0xffff, v4  }
0xbd: {  	v6 =	vsel vm2, $0x0, v0;
	v2 =	vxor.u32 $0x80000000, v52;
	[tilespmem:s13], [sflag:$0x1] =	stream.linear.gather [hbm4b:s5+s3], $0x80, $0x38;
	[tilespmem:$0x18000] =	vst v63  }
0xbe: {  	v54 =	vxor.u32 $0x80000000, v6;
	s10 =	sand.u32 $0x1FFFFFF0, s2;
	s12 =	sshll.u32 s20, $0x4;
	v3, _, _ =	vpop (xrf0);
	(xrf0) =	vmax.scan.msk.u32 $0xffff, v2  }
0xbf: {  	v53 =	vsel vm1, $0x0, v0;
	s22 =	sshll.u32 s17, $0x4;
	s20 =	sadd.s32 s28, s10;
	s21 =	sand.u32 $0x1FFFFFF0, s12;
	(xrf0) =	vmax.scan.msk.u32 $0xffff, v54  }
0xc0: {  	v55 =	vxor.u32 $0x80000000, v53;
	(v2sf) =	vpush v3, $0xF;
	[tilespmem:s19], [sflag:$0x1] =	stream.linear.gather [hbm4b:s20+s3], $0x80, $0x38;
	[tilespmem:$0x18000] =	vst v63  }
0xc1: {  	v56 =	vnsel vm14, $0x0, v0;
	s9 =	sand.u32 $0x1FFFFFF0, s22;
	s4 =	sadd.s32 s28, s21;
	v57, _, _ =	vpop (xrf0);
	(xrf0) =	vmax.scan.msk.u32 $0xffff, v55  }
0xc2: {  	v58 =	vxor.u32 $0x80000000, v56;
	(v2sf) =	vpush v57, $0xF;
	[tilespmem:s16], [sflag:$0x1] =	stream.linear.gather [hbm4b:s4+s3], $0x80, $0x38;
	[tilespmem:$0x18000] =	vst v63  }
0xc3: {  	v59 =	vsel vm15, $0x0, v0;
	v7 =	vsel vm0, $0x0, v0;
	s9 =	sadd.s32 s28, s9;
	s12 =	sshll.u32 s14, $0x4;
	v61, _, _ =	vpop (xrf0);
	(xrf0) =	vmax.scan.msk.u32 $0xffff, v58;
	s23 =	spop (v2sf)  }
0xc4: {  	v60 =	vxor.u32 $0x80000000, v59;
	v63, _, _ =	vpop (xrf0);
	(v2sf) =	vpush v61, $0xF;
	[tilespmem:s11], [sflag:$0x1] =	stream.linear.gather [hbm4b:s9+s3], $0x80, $0x38;
	[tilespmem:$0x18000] =	vst v63  }
0xc5: {  	s5 =	rddreg [dreg:$0x17];
	(xrf0) =	vmax.scan.msk.u32 $0xffff, v60;
	v6, _, _ =	vpop (xrf0);
	s0 =	sshll.u32 s23, $0x4;
	s26 =	spop (v2sf);
	(v2sf) =	vpush v63, $0xF  }
0xc6: {  	v62 =	vxor.u32 $0x80000000, v7;
	v7, _, _ =	vpop (xrf0);
	(v2sf) =	vpush v6, $0xF;
	s0 =	sand.u32 $0x1FFFFFF0, s0;
	s4 =	sshll.u32 s26, $0x4;
	s2 =	spop (v2sf)  }
0xc7: {  	(xrf0) =	vmax.scan.msk.u32 $0xffff, v62;
	v8, _, _ =	vpop (xrf0);
	(v2sf) =	vpush v7, $0xF;
	s0 =	sadd.s32 s28, s0;
	s4 =	sand.u32 $0x1FFFFFF0, s4;
	s9 =	sshll.u32 s2, $0x4  }
0xc8: {  	v9, _, _ =	vpop (xrf0);
	(v2sf) =	vpush v8, $0xF;
	[tilespmem:s5], [sflag:$0x1] =	stream.linear.gather [hbm4b:s0+s3], $0x80, $0x38;
	[tilespmem:$0x18000] =	vst v63  }
0xc9: {  	s14 =	sand.u32 $0x1FFFFFF0, s12;
	v10, _, _ =	vpop (xrf0);
	s10 =	sadd.s32 s28, s4;
	s11 =	sand.u32 $0x1FFFFFF0, s9;
	(v2sf) =	vpush v9, $0xF  }
0xca: {  	(v2sf) =	vpush v10, $0xF;
	[tilespmem:s31], [sflag:$0x1] =	stream.linear.gather [hbm4b:s10+s3], $0x80, $0x38;
	[tilespmem:$0x18000] =	vst v63  }
0xcb: {  	s19 =	sshll.u32 s15, $0x4;
	s16 =	sshll.u32 s18, $0x4;
	v11, _, _ =	vpop (xrf0);
	s13 =	sadd.s32 s28, s11  }
0xcc: {  	(v2sf) =	vpush v11, $0xF;
	[tilespmem:s7], [sflag:$0x1] =	stream.linear.gather [hbm4b:s13+s3], $0x80, $0x38;
	[tilespmem:$0x18000] =	vst v63  }
0xcd: {  	s17 =	sadd.s32 s28, s14;
	s22 =	sand.u32 $0x1FFFFFF0, s19;
	s18 =	sand.u32 $0x1FFFFFF0, s16  }
0xce: {  	v12, _, _ =	vpop (xrf0);
	[tilespmem:s25], [sflag:$0x1] =	stream.linear.gather [hbm4b:s17+s3], $0x80, $0x38;
	[tilespmem:$0x18000] =	vst v63  }
0xcf: {  	s21 =	sadd.s32 s28, s18;
	s23 =	sadd.s32 $0xFFFFFF80, s1;
	(v2sf) =	vpush v12, $0xF;
	s20 =	spop (v2sf)  }
0xd0: {  	[tilespmem:s24], [sflag:$0x1] =	stream.linear.gather [hbm4b:s21+s3], $0x80, $0x38;
	[tilespmem:$0x18000] =	vst v63  }
0xd1: {  	s4 =	sadd.s32 s28, s22;
	s5 =	spop (v2sf);
	s24 =	rddreg [dreg:$0x8]  }
0xd2: {  	[tilespmem:s23], [sflag:$0x1] =	stream.linear.gather [hbm4b:s4+s3], $0x80, $0x38;
	[tilespmem:$0x18000] =	vst v63  }
0xd3: {  	s10 =	spop (v2sf);
	v13 =	vld [tilespmem:s24+$0x0]  }
0xd4: {  	v14 =	vsel vm12, $0x0, v0;
	s11 =	spop (v2sf)  }
0xd5: {  	v2 =	vxor.u32 $0x80000000, v14;
	s4 =	spop (v2sf)  }
0xd6: {  	(xrf0) =	vmax.scan.msk.u32 $0xffff, v2;
	s14 =	spop (v2sf)  }
0xd7: {  	v15 =	vsel vm11, $0x0, v0;
	s16 =	spop (v2sf)  }
0xd8: {  	v16 =	vxor.u32 $0x80000000, v15;
	s17 =	spop (v2sf);
	v17 =	vsel vm13, $0x0, v13  }
0xd9: {  	s22 =	smov.u32 s1;
	(xrf0) =	vmax.scan.msk.u32 $0xffff, v16;
	v18 =	vsel vm12, $0x0, v13;
	s26 =	spop (v2sf);
	v2 =	vxor.u32 $0x80000000, v17  }
0xda: {  	s1 =	sadd.s32 $0x1000, s1;
	[dreg:$0x6] =	wrdreg s20;
	v19 =	vsel vm11, $0x0, v13;
	v20 =	vxor.u32 $0x80000000, v18;
	s20 =	sshll.u32 s26, $0x4;
	(xrf0) =	vmax.scan.msk.u32 $0xffff, v2  }
0xdb: {  	s2 =	sadd.s32 $0xFFFFF800, s1;
	v4 =	vxor.u32 $0x80000000, v19;
	s24 =	spop (v2sf);
	s20 =	sand.u32 $0x1FFFFFF0, s20;
	(xrf0) =	vmax.scan.msk.u32 $0xffff, v20  }
0xdc: {  	s25 =	smov.u32 s6;
	v22, _, _ =	vpop (xrf0);
	v21 =	vsel vm10, $0x0, v13;
	s23 =	sshll.u32 s24, $0x4;
	s20 =	sadd.s32 s28, s20;
	(xrf0) =	vmax.scan.msk.u32 $0xffff, v4  }
0xdd: {  	v23 =	vsel vm9, $0x0, v13;
	v24 =	vxor.u32 $0x80000000, v21;
	[tilespmem:s2], [sflag:$0x1] =	stream.linear.gather [hbm4b:s20+s3], $0x80, $0x38;
	[tilespmem:$0x18000] =	vst v63  }
0xde: {  	[dreg:$0x8] =	wrdreg s25;
	v26 =	vxor.u32 $0x80000000, v23;
	s25 =	spop (v2sf);
	s23 =	sand.u32 $0x1FFFFFF0, s23;
	(xrf0) =	vmax.scan.msk.u32 $0xffff, v24  }
0xdf: {  	s18 =	sadd.s32 $0xFFFFF880, s1;
	v27, _, _ =	vpop (xrf0);
	v25 =	vsel vm8, $0x0, v13;
	s24 =	sshll.u32 s25, $0x4;
	s26 =	sadd.s32 s28, s23;
	(xrf0) =	vmax.scan.msk.u32 $0xffff, v26  }
0xe0: {  	v28 =	vsel vm7, $0x0, v13;
	v3 =	vxor.u32 $0x80000000, v25;
	[tilespmem:s18], [sflag:$0x1] =	stream.linear.gather [hbm4b:s26+s3], $0x80, $0x38;
	[tilespmem:$0x18000] =	vst v63  }
0xe1: {  	v5 =	vxor.u32 $0x80000000, v28;
	s2 =	sand.u32 $0x1FFFFFF0, s24;
	(xrf0) =	vmax.scan.msk.u32 $0xffff, v3  }
0xe2: {  	s19 =	sadd.s32 $0xFFFFF900, s1;
	v8 =	vsel vm6, $0x0, v13;
	s17 =	sshll.u32 s17, $0x4;
	s23 =	sadd.s32 s28, s2;
	(xrf0) =	vmax.scan.msk.u32 $0xffff, v5  }
0xe3: {  	v9 =	vsel vm5, $0x0, v13;
	v29 =	vxor.u32 $0x80000000, v8;
	[tilespmem:s19], [sflag:$0x1] =	stream.linear.gather [hbm4b:s23+s3], $0x80, $0x38;
	[tilespmem:$0x18000] =	vst v63  }
0xe4: {  	v32 =	vxor.u32 $0x80000000, v9;
	s17 =	sand.u32 $0x1FFFFFF0, s17;
	(v2sf) =	vpush v22, $0xF;
	v30, _, _ =	vpop (xrf0);
	(xrf0) =	vmax.scan.msk.u32 $0xffff, v29  }
0xe5: {  	s15 =	sadd.s32 $0xFFFFF980, s1;
	s16 =	sshll.u32 s16, $0x4;
	v31 =	vsel vm4, $0x0, v13;
	s17 =	sadd.s32 s28, s17;
	v33, _, _ =	vpop (xrf0);
	(xrf0) =	vmax.scan.msk.u32 $0xffff, v32  }
0xe6: {  	v34 =	vsel vm3, $0x0, v13;
	v35 =	vxor.u32 $0x80000000, v31;
	(v2sf) =	vpush v27, $0xF;
	[tilespmem:s15], [sflag:$0x1] =	stream.linear.gather [hbm4b:s17+s3], $0x80, $0x38;
	[tilespmem:$0x18000] =	vst v63  }
0xe7: {  	s9 =	sadd.s32 $0xFFFFFB80, s1;
	s16 =	sand.u32 $0x1FFFFFF0, s16;
	v38 =	vxor.u32 $0x80000000, v34;
	v36, _, _ =	vpop (xrf0);
	(xrf0) =	vmax.scan.msk.u32 $0xffff, v35  }
0xe8: {  	s13 =	sadd.s32 $0xFFFFFA00, s1;
	s14 =	sshll.u32 s14, $0x4;
	v37 =	vsel vm2, $0x0, v13;
	s24 =	sadd.s32 s28, s16;
	(v2sf) =	vpush v30, $0xF;
	v39, _, _ =	vpop (xrf0);
	(xrf0) =	vmax.scan.msk.u32 $0xffff, v38  }
0xe9: {  	v40 =	vsel vm1, $0x0, v13;
	v41 =	vxor.u32 $0x80000000, v37;
	(v2sf) =	vpush v33, $0xF;
	[tilespmem:s13], [sflag:$0x1] =	stream.linear.gather [hbm4b:s24+s3], $0x80, $0x38;
	[tilespmem:$0x18000] =	vst v63  }
0xea: {  	s12 =	sadd.s32 $0xFFFFFA80, s1;
	s0 =	sadd.s32 $0xFFFFFB00, s1;
	s14 =	sand.u32 $0x1FFFFFF0, s14;
	v43 =	vxor.u32 $0x80000000, v40;
	(v2sf) =	vpush v36, $0xF;
	v42, _, _ =	vpop (xrf0);
	(xrf0) =	vmax.scan.msk.u32 $0xffff, v41  }
0xeb: {  	s29 =	sadd.s32 $0x580, s22;
	s4 =	sshll.u32 s4, $0x4;
	v44 =	vnsel vm14, $0x0, v13;
	s25 =	sadd.s32 s28, s14;
	(v2sf) =	vpush v39, $0xF;
	v45, _, _ =	vpop (xrf0);
	(xrf0) =	vmax.scan.msk.u32 $0xffff, v43  }
0xec: {  	v47 =	vsel vm15, $0x0, v13;
	v46 =	vxor.u32 $0x80000000, v44;
	(v2sf) =	vpush v42, $0xF;
	v48, _, _ =	vpop (xrf0);
	[tilespmem:s12], [sflag:$0x1] =	stream.linear.gather [hbm4b:s25+s3], $0x80, $0x38;
	[tilespmem:$0x18000] =	vst v63  }
0xed: {  	s31 =	sadd.s32 $0xFFFFFD80, s1;
	s7 =	sadd.s32 $0xFFFFFC00, s1;
	s4 =	sand.u32 $0x1FFFFFF0, s4;
	v50 =	vxor.u32 $0x80000000, v47;
	(v2sf) =	vpush v45, $0xF;
	v51, _, _ =	vpop (xrf0);
	(xrf0) =	vmax.scan.msk.u32 $0xffff, v46  }
0xee: {  	s5 =	sshll.u32 s5, $0x4;
	s11 =	sshll.u32 s11, $0x4;
	v49 =	vsel vm0, $0x0, v13;
	s4 =	sadd.s32 s28, s4;
	(v2sf) =	vpush v48, $0xF;
	v53, _, _ =	vpop (xrf0);
	(xrf0) =	vmax.scan.msk.u32 $0xffff, v50  }
0xef: {  	v52 =	vxor.u32 $0x80000000, v49;
	(v2sf) =	vpush v51, $0xF;
	[tilespmem:s0], [sflag:$0x1] =	stream.linear.gather [hbm4b:s4+s3], $0x80, $0x38;
	[tilespmem:$0x18000] =	vst v63  }
0xf0: {  	s10 =	sshll.u32 s10, $0x4;
	s11 =	sand.u32 $0x1FFFFFF0, s11;
	s20 =	sadd.s32 $0x500, s22;
	(xrf0) =	vmax.scan.msk.u32 $0xffff, v52;
	v54, _, _ =	vpop (xrf0);
	(v2sf) =	vpush v53, $0xF  }
0xf1: {  	s2 =	sand.u32 $0x1FFFFFF0, s10;
	[dreg:$0x13] =	wrdreg s20;
	s26 =	sadd.s32 s28, s11;
	v55, _, _ =	vpop (xrf0);
	(v2sf) =	vpush v54, $0xF  }
0xf2: {  	[tilespmem:s9], [sflag:$0x1] =	stream.linear.gather [hbm4b:s26+s3], $0x80, $0x38;
	v56, _, _ =	vpop (xrf0);
	(v2sf) =	vpush v55, $0xF;
	[tilespmem:$0x18000] =	vst v63  }
0xf3: {  	s10 =	sadd.s32 s28, s2;
	s11 =	sand.u32 $0x1FFFFFF0, s5;
	s12 =	spop (v2sf);
	v57, _, _ =	vpop (xrf0);
	(v2sf) =	vpush v56, $0xF  }
0xf4: {  	[tilespmem:s7], [sflag:$0x1] =	stream.linear.gather [hbm4b:s10+s3], $0x80, $0x38;
	(v2sf) =	vpush v57, $0xF;
	v58, _, _ =	vpop (xrf0);
	[tilespmem:$0x18000] =	vst v63  }
0xf5: {  	s13 =	sadd.s32 $0xFFFFFC80, s1;
	s4 =	sadd.s32 s28, s11;
	s14 =	spop (v2sf);
	(v2sf) =	vpush v58, $0xF;
	v59, _, _ =	vpop (xrf0)  }
0xf6: {  	[tilespmem:s13], [sflag:$0x1] =	stream.linear.gather [hbm4b:s4+s3], $0x80, $0x38;
	v60, _, _ =	vpop (xrf0);
	(v2sf) =	vpush v59, $0xF;
	[tilespmem:$0x18000] =	vst v63  }
0xf7: {  	s20 =	sadd.s32 $0x2, s8;
	s8 =	sadd.s32 $0xFFFFFD00, s1;
	(v2sf) =	vpush v60, $0xF;
	s15 =	spop (v2sf)  }
0xf8: {  	s18 =	sadd.s32 $0x780, s22;
	s2 =	sadd.s32 $0x680, s22;
	s16 =	spop (v2sf)  }
0xf9: {  	p0 =	slt.u32 s20, $0x6;
	[dreg:$0x17] =	wrdreg s8;
	s30 =	spop (v2sf)  }
0xfa: {  	[smem:$0x7F4] =	sst s18;
	s19 =	sadd.s32 $0x700, s22;
	s9 =	spop (v2sf)  }
0xfb: {  	s23 =	sadd.s32 $0x480, s22;
	[smem:$0x7F2] =	sst s19;
	s26 =	spop (v2sf)  }
0xfc: {  	s17 =	sadd.s32 $0x20, s6;
	s6 =	sadd.s32 $0x600, s22;
	s21 =	spop (v2sf)  }
0xfd: {  	[dreg:$0xc] =	wrdreg s17;
	s25 =	sadd.s32 $0x400, s22;
	s24 =	spop (v2sf)  }
0xfe: {  	[dreg:$0x1c] =	wrdreg s25;
	s0 =	sadd.s32 $0x380, s22;
	s5 =	spop (v2sf)  }
0xff: {  	s11 =	sadd.s32 $0x80, s22;
	[smem:$0x7F0] =	sst s12;
	s10 =	spop (v2sf)  }
0x100: {  	s12 =	sadd.s32 $0x200, s22;
	[smem:$0x7F3] =	sst s16;
	s16 =	spop (v2sf)  }
0x101: {  	[smem:$0x7F5] =	sst s14;
	s7 =	sadd.s32 $0x280, s22;
	s17 =	spop (v2sf)  }
0x102: {  	s14 =	sadd.s32 $0x100, s22;
	[smem:$0x7F6] =	sst s7;
	s18 =	spop (v2sf)  }
0x103: {  	s4 =	sadd.s32 $0x300, s22;
	[smem:$0x7F1] =	sst s15;
	s19 =	spop (v2sf)  }
0x104: {  	s15 =	sadd.s32 $0x180, s22;
	[dreg:$0x19] =	wrdreg s5;
	s5 =	spop (v2sf)  }
0x105: {  	[dreg:$0x14] =	wrdreg s24;
	s5 =	sshll.u32 s5, $0x4;
	s8 =	spop (v2sf)  }
0x106: {  	s5 =	sand.u32 $0x1FFFFFF0, s5;
	s13 =	sshll.u32 s8, $0x4;
	s8 =	spop (v2sf)  }
0x107: {  	s5 =	sadd.s32 s28, s5;
	s13 =	sand.u32 $0x1FFFFFF0, s13;
	s8 =	sshll.u32 s8, $0x4  }
0x108: {  	[tilespmem:s22], [sflag:$0x1] =	stream.linear.gather [hbm4b:s5+s3], $0x80, $0x38;
	[tilespmem:$0x18000] =	vst v63  }
0x109: {  	s5 =	sadd.s32 s28, s13;
	s8 =	sand.u32 $0x1FFFFFF0, s8;
	s13 =	sshll.u32 s19, $0x4  }
0x10a: {  	s19 =	smov.u32 s2;
	s2 =	sand.u32 $0x1FFFFFF0, s13;
	s13 =	smov.u32 s6  }
0x10b: {  	[tilespmem:s11], [sflag:$0x1] =	stream.linear.gather [hbm4b:s5+s3], $0x80, $0x38;
	[tilespmem:$0x18000] =	vst v63  }
0x10c: {  	s6 =	sshll.u32 s18, $0x4;
	s18 =	sld [smem:$0x7F0];
	s11 =	sadd.s32 s28, s8  }
0x10d: {  	[tilespmem:s14], [sflag:$0x1] =	stream.linear.gather [hbm4b:s11+s3], $0x80, $0x38;
	[tilespmem:$0x18000] =	vst v63  }
0x10e: {  	s8 =	smov.u32 s20;
	s20 =	sld [smem:$0x7F3];
	s14 =	sadd.s32 s28, s2  }
0x10f: {  	s2 =	sand.u32 $0x1FFFFFF0, s6;
	s6 =	sshll.u32 s17, $0x4;
	s17 =	sld [smem:$0x7F1]  }
0x110: {  	s22 =	smov.u32 s30;
	s11 =	sand.u32 $0x1FFFFFF0, s6;
	s6 =	rddreg [dreg:$0xc]  }
0x111: {  	[tilespmem:s15], [sflag:$0x1] =	stream.linear.gather [hbm4b:s14+s3], $0x80, $0x38;
	[tilespmem:$0x18000] =	vst v63  }
0x112: {  	s30 =	smov.u32 s9;
	s9 =	sadd.s32 s28, s2;
	s15 =	rddreg [dreg:$0x6]  }
0x113: {  	v61 =	vsel vm8, $0x0, v0;
	[tilespmem:s12], [sflag:$0x1] =	stream.linear.gather [hbm4b:s9+s3], $0x80, $0x38;
	[tilespmem:$0x18000] =	vst v63  }
.Ltmp2:
0x114: {  	v62 =	vsel vm9, $0x0, v0;
	v1 =	vxor.u32 $0x80000000, v61;
	s14 =	sshll.u32 s16, $0x4;
	s16 =	sld [smem:$0x7F2];
	(pc) =	sbr.rel @p0 .LBB2_2-.Ltmp2, $4  }
0x115: {  	v0 =	vsel vm10, $0x0, v0;
	v63 =	vxor.u32 $0x80000000, v62;
	s25 =	sadd.s32 $0xFFFFFE80, s1;
	s7 =	sadd.s32 $0xFFFFFE00, s1;
	(xrf0) =	vmax.scan.msk.u32 $0xffff, v1;
	s9 =	sld [smem:$0x7F6]  }
0x116: {  	v0 =	vxor.u32 $0x80000000, v0;
	(xrf0) =	vmax.scan.msk.u32 $0xffff, v63;
	s24 =	sadd.s32 $0xFFFFFF00, s1;
	s2 =	sadd.s32 s28, s11;
	s11 =	sld [smem:$0x7F4]  }
0x117: {  	(xrf0) =	vmax.scan.msk.u32 $0xffff, v0;
	s10 =	sshll.u32 s10, $0x4;
	s12 =	sand.u32 $0x1FFFFFF0, s14;
	s14 =	sld [smem:$0x7F5]  }
0x118: {  	[tilespmem:s9], [sflag:$0x1] =	stream.linear.gather [hbm4b:s2+s3], $0x80, $0x38;
	[tilespmem:$0x18000] =	vst v63  }
0x119: {  	_ =	sdelay $0x1  }
0x11a: {  	v0, _, _ =	vpop (xrf0)  }
0x11b: {  	(v2sf) =	vpush v0, $0xF;
	_ =	sdelay $0x1  }
0x11c: {  	v41, _, _ =	vpop (xrf0)  }
0x11d: {  	(v2sf) =	vpush v41, $0xF;
	_ =	sdelay $0x2  }
0x11e: {  	v42, _, _ =	vpop (xrf0)  }
0x11f: {  	(v2sf) =	vpush v42, $0xF;
	_ =	sdelay $0x3  }
0x120: {  	s5 =	sadd.s32 s28, s12;
	s2 =	simm.s32 $0x0;
	s6 =	sand.u32 $0x1FFFFFF0, s10  }
0x121: {  	[tilespmem:s4], [sflag:$0x1] =	stream.linear.gather [hbm4b:s5+s2], $0x80, $0x38;
	[tilespmem:$0x18000] =	vst v63  }
0x122: {  	s4 =	sadd.s32 s28, s6  }
0x123: {  	[tilespmem:s0], [sflag:$0x1] =	stream.linear.gather [hbm4b:s4+s2], $0x80, $0x38;
	[tilespmem:$0x18000] =	vst v63  }
0x124: {  	s8 =	spop (v2sf)  }
0x125: {  	s0 =	sshll.u32 s8, $0x4  }
0x126: {  	s0 =	sand.u32 $0x1FFFFFF0, s0  }
0x127: {  	s3 =	rddreg [dreg:$0x17];
	s9 =	spop (v2sf);
	s0 =	sadd.s32 s28, s0  }
0x128: {  	[tilespmem:s3], [sflag:$0x1] =	stream.linear.gather [hbm4b:s0+s2], $0x80, $0x38;
	[tilespmem:$0x18000] =	vst v63  }
0x129: {  	s0 =	sshll.u32 s9, $0x4  }
0x12a: {  	s0 =	sand.u32 $0x1FFFFFF0, s0  }
0x12b: {  	s10 =	spop (v2sf);
	s0 =	sadd.s32 s28, s0  }
0x12c: {  	[tilespmem:s31], [sflag:$0x1] =	stream.linear.gather [hbm4b:s0+s2], $0x80, $0x38;
	[tilespmem:$0x18000] =	vst v63  }
0x12d: {  	s6 =	sshll.u32 s18, $0x4;
	s0 =	sshll.u32 s10, $0x4;
	s3 =	rddreg [dreg:$0x19]  }
0x12e: {  	s0 =	sand.u32 $0x1FFFFFF0, s0;
	s12 =	sshll.u32 s3, $0x4;
	s3 =	sshll.u32 s14, $0x4  }
0x12f: {  	s18 =	sadd.s32 $0xFFFFFF80, s1;
	s0 =	sadd.s32 s28, s0;
	s5 =	sand.u32 $0x1FFFFFF0, s3  }
0x130: {  	[tilespmem:s7], [sflag:$0x1] =	stream.linear.gather [hbm4b:s0+s2], $0x80, $0x38;
	[tilespmem:$0x18000] =	vst v63  }
0x131: {  	s8 =	sshll.u32 s15, $0x4;
	s7 =	sand.u32 $0x1FFFFFF0, s6;
	s5 =	sadd.s32 s28, s5  }
0x132: {  	[tilespmem:s25], [sflag:$0x1] =	stream.linear.gather [hbm4b:s5+s2], $0x80, $0x38;
	[tilespmem:$0x18000] =	vst v63  }
0x133: {  	s9 =	sand.u32 $0x1FFFFFF0, s12;
	s12 =	sand.u32 $0x1FFFFFF0, s8;
	s10 =	sadd.s32 s28, s7  }
0x134: {  	[tilespmem:s24], [sflag:$0x1] =	stream.linear.gather [hbm4b:s10+s2], $0x80, $0x38;
	[tilespmem:$0x18000] =	vst v63  }
0x135: {  	s0 =	sadd.s32 s28, s9;
	s7 =	sshll.u32 s26, $0x4;
	s14 =	rddreg [dreg:$0x14]  }
0x136: {  	s5 =	sadd.s32 s28, s12;
	s9 =	sand.u32 $0x1FFFFFF0, s7;
	s15 =	sshll.u32 s14, $0x4  }
0x137: {  	[tilespmem:s18], [sflag:$0x1] =	stream.linear.gather [hbm4b:s5+s2], $0x80, $0x38;
	[tilespmem:$0x18000] =	vst v63  }
0x138: {  	s24 =	sshll.u32 s21, $0x4;
	s4 =	sand.u32 $0x1FFFFFF0, s15;
	s25 =	rddreg [dreg:$0x1c]  }
0x139: {  	[tilespmem:s25], [sflag:$0x1] =	stream.linear.gather [hbm4b:s0+s2], $0x80, $0x38;
	[tilespmem:$0x18000] =	vst v63  }
0x13a: {  	s6 =	sand.u32 $0x1FFFFFF0, s24;
	s4 =	sadd.s32 s28, s4;
	s0 =	rddreg [dreg:$0x8]  }
0x13b: {  	v43 =	vld [tilespmem:s0+$0x0];
	[tilespmem:s23], [sflag:$0x1] =	stream.linear.gather [hbm4b:s4+s2], $0x80, $0x38  }
0x13c: {  	s12 =	sshll.u32 s30, $0x4;
	s8 =	sadd.s32 s28, s6;
	s3 =	rddreg [dreg:$0x13]  }
0x13d: {  	[tilespmem:s3], [sflag:$0x1] =	stream.linear.gather [hbm4b:s8+s2], $0x80, $0x38;
	[tilespmem:$0x18000] =	vst v63  }
0x13e: {  	s10 =	sadd.s32 s28, s9;
	s0 =	sand.u32 $0x1FFFFFF0, s12  }
0x13f: {  	[tilespmem:s29], [sflag:$0x1] =	stream.linear.gather [hbm4b:s10+s2], $0x80, $0x38;
	[tilespmem:$0x18000] =	vst v63  }
0x140: {  	s0 =	sadd.s32 s28, s0;
	v1 =	vsel vm13, $0x0, v43  }
0x141: {  	v2 =	vsel vm12, $0x0, v43;
	v1 =	vxor.u32 $0x80000000, v1;
	[tilespmem:s13], [sflag:$0x1] =	stream.linear.gather [hbm4b:s0+s2], $0x80, $0x38;
	[tilespmem:$0x18000] =	vst v63  }
0x142: {  	v3 =	vsel vm11, $0x0, v43;
	v2 =	vxor.u32 $0x80000000, v2;
	(xrf0) =	vmax.scan.msk.u32 $0xffff, v1  }
0x143: {  	v44 =	vsel vm10, $0x0, v43;
	v3 =	vxor.u32 $0x80000000, v3;
	(xrf0) =	vmax.scan.msk.u32 $0xffff, v2  }
0x144: {  	v45 =	vsel vm9, $0x0, v43;
	v1 =	vxor.u32 $0x80000000, v44;
	(xrf0) =	vmax.scan.msk.u32 $0xffff, v3  }
0x145: {  	v46 =	vsel vm8, $0x0, v43;
	v2 =	vxor.u32 $0x80000000, v45;
	(xrf0) =	vmax.scan.msk.u32 $0xffff, v1  }
0x146: {  	v47 =	vsel vm7, $0x0, v43;
	v3 =	vxor.u32 $0x80000000, v46;
	(xrf0) =	vmax.scan.msk.u32 $0xffff, v2  }
0x147: {  	v48 =	vsel vm6, $0x0, v43;
	v1 =	vxor.u32 $0x80000000, v47;
	(xrf0) =	vmax.scan.msk.u32 $0xffff, v3  }
0x148: {  	v49 =	vsel vm5, $0x0, v43;
	v2 =	vxor.u32 $0x80000000, v48;
	(xrf0) =	vmax.scan.msk.u32 $0xffff, v1;
	v50, _, _ =	vpop (xrf0)  }
0x149: {  	v4 =	vsel vm4, $0x0, v43;
	v3 =	vxor.u32 $0x80000000, v49;
	(xrf0) =	vmax.scan.msk.u32 $0xffff, v2;
	v51, _, _ =	vpop (xrf0);
	(v2sf) =	vpush v50, $0xF  }
0x14a: {  	v52 =	vsel vm3, $0x0, v43;
	v4 =	vxor.u32 $0x80000000, v4;
	(xrf0) =	vmax.scan.msk.u32 $0xffff, v3;
	v53, _, _ =	vpop (xrf0);
	(v2sf) =	vpush v51, $0xF  }
0x14b: {  	v54 =	vsel vm2, $0x0, v43;
	v1 =	vxor.u32 $0x80000000, v52;
	(xrf0) =	vmax.scan.msk.u32 $0xffff, v4;
	v55, _, _ =	vpop (xrf0);
	(v2sf) =	vpush v53, $0xF  }
0x14c: {  	v56 =	vsel vm1, $0x0, v43;
	v2 =	vxor.u32 $0x80000000, v54;
	(xrf0) =	vmax.scan.msk.u32 $0xffff, v1;
	v57, _, _ =	vpop (xrf0);
	(v2sf) =	vpush v55, $0xF  }
0x14d: {  	v58 =	vnsel vm14, $0x0, v43;
	v3 =	vxor.u32 $0x80000000, v56;
	(xrf0) =	vmax.scan.msk.u32 $0xffff, v2;
	v59, _, _ =	vpop (xrf0);
	(v2sf) =	vpush v57, $0xF  }
0x14e: {  	v61 =	vsel vm15, $0x0, v43;
	v60 =	vxor.u32 $0x80000000, v58;
	(xrf0) =	vmax.scan.msk.u32 $0xffff, v3;
	v62, _, _ =	vpop (xrf0);
	(v2sf) =	vpush v59, $0xF  }
0x14f: {  	v0 =	vsel vm0, $0x0, v43;
	v63 =	vxor.u32 $0x80000000, v61;
	v8, _, _ =	vpop (xrf0);
	(v2sf) =	vpush v62, $0xF;
	(xrf0) =	vmax.scan.msk.u32 $0xffff, v60  }
0x150: {  	s14 =	sshll.u32 s22, $0x4;
	v0 =	vxor.u32 $0x80000000, v0;
	v9, _, _ =	vpop (xrf0);
	(v2sf) =	vpush v8, $0xF;
	(xrf0) =	vmax.scan.msk.u32 $0xffff, v63  }
0x151: {  	s15 =	sshll.u32 s20, $0x4;
	s4 =	sand.u32 $0x1FFFFFF0, s14;
	v10, _, _ =	vpop (xrf0);
	(v2sf) =	vpush v9, $0xF;
	(xrf0) =	vmax.scan.msk.u32 $0xffff, v0  }
0x152: {  	s21 =	sshll.u32 s17, $0x4;
	s20 =	sand.u32 $0x1FFFFFF0, s15;
	s18 =	sadd.s32 s28, s4;
	v11, _, _ =	vpop (xrf0);
	(v2sf) =	vpush v10, $0xF  }
0x153: {  	[tilespmem:s19], [sflag:$0x1] =	stream.linear.gather [hbm4b:s18+s2], $0x80, $0x38;
	v12, _, _ =	vpop (xrf0);
	(v2sf) =	vpush v11, $0xF;
	[tilespmem:$0x18000] =	vst v63  }
0x154: {  	s22 =	sadd.s32 s28, s20;
	s23 =	sand.u32 $0x1FFFFFF0, s21;
	v13, _, _ =	vpop (xrf0);
	(v2sf) =	vpush v12, $0xF  }
0x155: {  	[tilespmem:s16], [sflag:$0x1] =	stream.linear.gather [hbm4b:s22+s2], $0x80, $0x38;
	(v2sf) =	vpush v13, $0xF;
	v14, _, _ =	vpop (xrf0);
	[tilespmem:$0x18000] =	vst v63  }
0x156: {  	s24 =	sadd.s32 s28, s23;
	(v2sf) =	vpush v14, $0xF;
	v15, _, _ =	vpop (xrf0)  }
0x157: {  	[tilespmem:s11], [sflag:$0x1] =	stream.linear.gather [hbm4b:s24+s2], $0x80, $0x38;
	(v2sf) =	vpush v15, $0xF;
	v16, _, _ =	vpop (xrf0);
	[tilespmem:$0x18000] =	vst v63  }
0x158: {  	s0 =	spop (v2sf);
	(v2sf) =	vpush v16, $0xF  }
0x159: {  	s4 =	spop (v2sf)  }
0x15a: {  	s5 =	spop (v2sf)  }
0x15b: {  	s7 =	spop (v2sf)  }
0x15c: {  	s10 =	spop (v2sf)  }
0x15d: {  	s11 =	spop (v2sf)  }
0x15e: {  	s12 =	spop (v2sf)  }
0x15f: {  	s13 =	spop (v2sf)  }
0x160: {  	s9 =	sadd.s32 $0x580, s1;
	s6 =	sadd.s32 $0x680, s1;
	s14 =	spop (v2sf)  }
0x161: {  	s20 =	sadd.s32 $0x500, s1;
	s21 =	sadd.s32 $0x380, s1;
	s15 =	spop (v2sf)  }
0x162: {  	s23 =	sadd.s32 $0x400, s1;
	s8 =	sadd.s32 $0x600, s1;
	s16 =	spop (v2sf)  }
0x163: {  	s3 =	sadd.s32 $0x80, s1;
	s18 =	sadd.s32 $0x480, s1;
	s17 =	spop (v2sf)  }
0x164: {  	s13 =	sshll.u32 s13, $0x4;
	s14 =	sshll.u32 s14, $0x4;
	s19 =	spop (v2sf)  }
0x165: {  	s15 =	sshll.u32 s15, $0x4;
	s16 =	sshll.u32 s16, $0x4;
	s25 =	spop (v2sf)  }
0x166: {  	s17 =	sshll.u32 s17, $0x4;
	s22 =	sshll.u32 s25, $0x4;
	s26 =	spop (v2sf)  }
0x167: {  	s22 =	sand.u32 $0x1FFFFFF0, s22;
	s24 =	sshll.u32 s26, $0x4;
	s26 =	spop (v2sf)  }
0x168: {  	s22 =	sadd.s32 s28, s22;
	s24 =	sand.u32 $0x1FFFFFF0, s24;
	s26 =	sshll.u32 s26, $0x4  }
0x169: {  	[tilespmem:s1], [sflag:$0x1] =	stream.linear.gather [hbm4b:s22+s2], $0x80, $0x38;
	[tilespmem:$0x18000] =	vst v63  }
0x16a: {  	s19 =	sshll.u32 s19, $0x4;
	s24 =	sadd.s32 s28, s24;
	s26 =	sand.u32 $0x1FFFFFF0, s26  }
0x16b: {  	[tilespmem:s3], [sflag:$0x1] =	stream.linear.gather [hbm4b:s24+s2], $0x80, $0x38;
	[tilespmem:$0x18000] =	vst v63  }
0x16c: {  	s19 =	sand.u32 $0x1FFFFFF0, s19;
	s26 =	sadd.s32 s28, s26;
	s3 =	sadd.s32 $0x100, s1  }
0x16d: {  	[tilespmem:s3], [sflag:$0x1] =	stream.linear.gather [hbm4b:s26+s2], $0x80, $0x38;
	[tilespmem:$0x18000] =	vst v63  }
0x16e: {  	s17 =	sand.u32 $0x1FFFFFF0, s17;
	s19 =	sadd.s32 s28, s19;
	s24 =	sadd.s32 $0x180, s1  }
0x16f: {  	[tilespmem:s24], [sflag:$0x1] =	stream.linear.gather [hbm4b:s19+s2], $0x80, $0x38;
	[tilespmem:$0x18000] =	vst v63  }
0x170: {  	s16 =	sand.u32 $0x1FFFFFF0, s16;
	s17 =	sadd.s32 s28, s17;
	s3 =	sadd.s32 $0x200, s1  }
0x171: {  	[tilespmem:s3], [sflag:$0x1] =	stream.linear.gather [hbm4b:s17+s2], $0x80, $0x38;
	[tilespmem:$0x18000] =	vst v63  }
0x172: {  	s15 =	sand.u32 $0x1FFFFFF0, s15;
	s16 =	sadd.s32 s28, s16;
	s25 =	sadd.s32 $0x280, s1  }
0x173: {  	[tilespmem:s25], [sflag:$0x1] =	stream.linear.gather [hbm4b:s16+s2], $0x80, $0x38;
	[tilespmem:$0x18000] =	vst v63  }
0x174: {  	s14 =	sand.u32 $0x1FFFFFF0, s14;
	s15 =	sadd.s32 s28, s15;
	s22 =	sadd.s32 $0x300, s1  }
0x175: {  	[tilespmem:s22], [sflag:$0x1] =	stream.linear.gather [hbm4b:s15+s2], $0x80, $0x38;
	[tilespmem:$0x18000] =	vst v63  }
0x176: {  	s12 =	sshll.u32 s12, $0x4;
	s13 =	sand.u32 $0x1FFFFFF0, s13;
	s14 =	sadd.s32 s28, s14  }
0x177: {  	[tilespmem:s21], [sflag:$0x1] =	stream.linear.gather [hbm4b:s14+s2], $0x80, $0x38;
	[tilespmem:$0x18000] =	vst v63  }
0x178: {  	s11 =	sshll.u32 s11, $0x4;
	s12 =	sand.u32 $0x1FFFFFF0, s12;
	s13 =	sadd.s32 s28, s13  }
0x179: {  	[tilespmem:s23], [sflag:$0x1] =	stream.linear.gather [hbm4b:s13+s2], $0x80, $0x38;
	[tilespmem:$0x18000] =	vst v63  }
0x17a: {  	s10 =	sshll.u32 s10, $0x4;
	s11 =	sand.u32 $0x1FFFFFF0, s11;
	s12 =	sadd.s32 s28, s12  }
0x17b: {  	[tilespmem:s18], [sflag:$0x1] =	stream.linear.gather [hbm4b:s12+s2], $0x80, $0x38;
	[tilespmem:$0x18000] =	vst v63  }
0x17c: {  	s7 =	sshll.u32 s7, $0x4;
	s10 =	sand.u32 $0x1FFFFFF0, s10;
	s11 =	sadd.s32 s28, s11  }
0x17d: {  	[tilespmem:s20], [sflag:$0x1] =	stream.linear.gather [hbm4b:s11+s2], $0x80, $0x38;
	[tilespmem:$0x18000] =	vst v63  }
0x17e: {  	s5 =	sshll.u32 s5, $0x4;
	s7 =	sand.u32 $0x1FFFFFF0, s7;
	s10 =	sadd.s32 s28, s10  }
0x17f: {  	[tilespmem:s9], [sflag:$0x1] =	stream.linear.gather [hbm4b:s10+s2], $0x80, $0x38;
	[tilespmem:$0x18000] =	vst v63  }
0x180: {  	s4 =	sshll.u32 s4, $0x4;
	s5 =	sand.u32 $0x1FFFFFF0, s5;
	s7 =	sadd.s32 s28, s7  }
0x181: {  	[tilespmem:s8], [sflag:$0x1] =	stream.linear.gather [hbm4b:s7+s2], $0x80, $0x38;
	[tilespmem:$0x18000] =	vst v63  }
0x182: {  	s0 =	sshll.u32 s0, $0x4;
	s4 =	sand.u32 $0x1FFFFFF0, s4;
	s5 =	sadd.s32 s28, s5  }
0x183: {  	[tilespmem:s6], [sflag:$0x1] =	stream.linear.gather [hbm4b:s5+s2], $0x80, $0x38;
	[tilespmem:$0x18000] =	vst v63  }
0x184: {  	s0 =	sand.u32 $0x1FFFFFF0, s0;
	s4 =	sadd.s32 s28, s4;
	s17 =	sadd.s32 $0x700, s1  }
0x185: {  	[tilespmem:s17], [sflag:$0x1] =	stream.linear.gather [hbm4b:s4+s2], $0x80, $0x38;
	[tilespmem:$0x18000] =	vst v63  }
0x186: {  	s0 =	sadd.s32 s28, s0;
	s18 =	sadd.s32 $0x780, s1;
	s5 =	simm.s32 $0x90  }
0x187: {  	[tilespmem:s18], [sflag:$0x1] =	stream.linear.gather [hbm4b:s0+s2], $0x80, $0x38;
	[tilespmem:$0x18000] =	vst v63  }
0x188: {  	v17 =	vld [tilespmem:s5+$0xFFFFFFF0];
	_ =	sdelay $0x4  }
0x189: {  	v18 =	vsel vm13, $0x0, v17  }
0x18a: {  	v19 =	vsel vm7, $0x0, v17;
	v1 =	vxor.u32 $0x80000000, v18  }
0x18b: {  	v21 =	vsel vm6, $0x0, v17;
	v20 =	vxor.u32 $0x80000000, v19;
	(xrf0) =	vmax.scan.msk.u32 $0xffff, v1  }
0x18c: {  	v22 =	vsel vm5, $0x0, v17;
	v2 =	vxor.u32 $0x80000000, v21;
	(xrf0) =	vmax.scan.msk.u32 $0xffff, v20  }
0x18d: {  	v23 =	vsel vm4, $0x0, v17;
	v1 =	vxor.u32 $0x80000000, v22;
	(xrf0) =	vmax.scan.msk.u32 $0xffff, v2  }
0x18e: {  	v24 =	vsel vm3, $0x0, v17;
	v3 =	vxor.u32 $0x80000000, v23;
	(xrf0) =	vmax.scan.msk.u32 $0xffff, v1  }
0x18f: {  	v25 =	vsel vm2, $0x0, v17;
	v2 =	vxor.u32 $0x80000000, v24;
	(xrf0) =	vmax.scan.msk.u32 $0xffff, v3  }
0x190: {  	v26 =	vsel vm1, $0x0, v17;
	v1 =	vxor.u32 $0x80000000, v25;
	(xrf0) =	vmax.scan.msk.u32 $0xffff, v2  }
0x191: {  	v28 =	vnsel vm14, $0x0, v17;
	v3 =	vxor.u32 $0x80000000, v26;
	v27, _, _ =	vpop (xrf0);
	(xrf0) =	vmax.scan.msk.u32 $0xffff, v1  }
0x192: {  	v31 =	vsel vm15, $0x0, v17;
	v30 =	vxor.u32 $0x80000000, v28;
	(v2sf) =	vpush v27, $0xF;
	v29, _, _ =	vpop (xrf0);
	(xrf0) =	vmax.scan.msk.u32 $0xffff, v3  }
0x193: {  	v32 =	vsel vm0, $0x0, v17;
	v33 =	vxor.u32 $0x80000000, v31;
	(v2sf) =	vpush v29, $0xF;
	v34, _, _ =	vpop (xrf0);
	(xrf0) =	vmax.scan.msk.u32 $0xffff, v30  }
0x194: {  	v1 =	vxor.u32 $0x80000000, v32;
	v35, _, _ =	vpop (xrf0);
	(v2sf) =	vpush v34, $0xF;
	(xrf0) =	vmax.scan.msk.u32 $0xffff, v33  }
0x195: {  	(xrf0) =	vmax.scan.msk.u32 $0xffff, v1;
	v36, _, _ =	vpop (xrf0);
	(v2sf) =	vpush v35, $0xF  }
0x196: {  	v37, _, _ =	vpop (xrf0);
	(v2sf) =	vpush v36, $0xF  }
0x197: {  	v38, _, _ =	vpop (xrf0);
	(v2sf) =	vpush v37, $0xF  }
0x198: {  	v39, _, _ =	vpop (xrf0);
	(v2sf) =	vpush v38, $0xF  }
0x199: {  	(v2sf) =	vpush v39, $0xF;
	v40, _, _ =	vpop (xrf0)  }
0x19a: {  	(v2sf) =	vpush v40, $0xF;
	v41, _, _ =	vpop (xrf0)  }
0x19b: {  	v42, _, _ =	vpop (xrf0);
	(v2sf) =	vpush v41, $0xF  }
0x19c: {  	(v2sf) =	vpush v42, $0xF;
	_ =	sdelay $0x4  }
0x19d: {  	s1 =	spop (v2sf)  }
0x19e: {  	s0 =	spop (v2sf)  }
0x19f: {  	s4 =	spop (v2sf)  }
0x1a0: {  	s6 =	spop (v2sf)  }
0x1a1: {  	s7 =	spop (v2sf)  }
0x1a2: {  	s8 =	spop (v2sf)  }
0x1a3: {  	s19 =	spop (v2sf)  }
0x1a4: {  	v43 =	vsel vm12, $0x0, v17;
	s20 =	spop (v2sf)  }
0x1a5: {  	s23 =	simm.s32 $0xC000;
	v44 =	vsel vm11, $0x0, v17;
	v1 =	vxor.u32 $0x80000000, v43;
	s22 =	spop (v2sf)  }
0x1a6: {  	s2 =	simm.s32 $0x0;
	v46 =	vsel vm8, $0x0, v17;
	v45 =	vxor.u32 $0x80000000, v44;
	(xrf0) =	vmax.scan.msk.u32 $0xffff, v1;
	s12 =	sshll.u32 s22, $0x4;
	s24 =	spop (v2sf)  }
0x1a7: {  	v1 =	vxor.u32 $0x80000000, v46;
	(xrf0) =	vmax.scan.msk.u32 $0xffff, v45;
	s12 =	sand.u32 $0x1FFFFFF0, s12;
	s14 =	sshll.u32 s24, $0x4;
	s25 =	spop (v2sf)  }
0x1a8: {  	v47 =	vsel vm9, $0x0, v17;
	(xrf0) =	vmax.scan.msk.u32 $0xffff, v1;
	s12 =	sadd.s32 s28, s12;
	s14 =	sand.u32 $0x1FFFFFF0, s14;
	s15 =	sshll.u32 s25, $0x4  }
0x1a9: {  	v48 =	vxor.u32 $0x80000000, v47;
	[tilespmem:s23], [sflag:$0x2] =	stream.linear.gather [hbm4b:s12+s2], $0x80, $0x38;
	[tilespmem:$0x18000] =	vst v63  }
0x1aa: {  	s21 =	simm.s32 $0xC080;
	v0 =	vsel vm10, $0x0, v17;
	(xrf0) =	vmax.scan.msk.u32 $0xffff, v48;
	s26 =	sadd.s32 s28, s14;
	s3 =	sand.u32 $0x1FFFFFF0, s15  }
0x1ab: {  	v0 =	vxor.u32 $0x80000000, v0;
	[tilespmem:s21], [sflag:$0x2] =	stream.linear.gather [hbm4b:s26+s2], $0x80, $0x38;
	[tilespmem:$0x18000] =	vst v63  }
0x1ac: {  	s17 =	simm.s32 $0xC280;
	(xrf0) =	vmax.scan.msk.u32 $0xffff, v0;
	s12 =	simm.s32 $0xC100;
	s14 =	sadd.s32 s28, s3  }
0x1ad: {  	v49, _, _ =	vpop (xrf0);
	[tilespmem:s12], [sflag:$0x2] =	stream.linear.gather [hbm4b:s14+s2], $0x80, $0x38;
	[tilespmem:$0x18000] =	vst v63  }
0x1ae: {  	v50, _, _ =	vpop (xrf0);
	(v2sf) =	vpush v49, $0xF;
	s7 =	sshll.u32 s7, $0x4;
	s10 =	sshll.u32 s20, $0x4;
	s14 =	simm.s32 $0xB0  }
0x1af: {  	v51, _, _ =	vpop (xrf0);
	(v2sf) =	vpush v50, $0xF;
	s8 =	sshll.u32 s8, $0x4;
	s9 =	sshll.u32 s19, $0x4;
	s10 =	sand.u32 $0x1FFFFFF0, s10;
	v0 =	vld [tilespmem:s14+$0xFFFFFFF0]  }
0x1b0: {  	(v2sf) =	vpush v51, $0xF;
	s9 =	sand.u32 $0x1FFFFFF0, s9;
	s10 =	sadd.s32 s28, s10;
	s15 =	simm.s32 $0xC180  }
0x1b1: {  	v52, _, _ =	vpop (xrf0);
	[tilespmem:s15], [sflag:$0x2] =	stream.linear.gather [hbm4b:s10+s2], $0x80, $0x38;
	[tilespmem:$0x18000] =	vst v63  }
0x1b2: {  	s19 =	simm.s32 $0xC200;
	s8 =	sand.u32 $0x1FFFFFF0, s8;
	(v2sf) =	vpush v52, $0xF;
	s9 =	sadd.s32 s28, s9  }
0x1b3: {  	v53, _, _ =	vpop (xrf0);
	[tilespmem:s19], [sflag:$0x2] =	stream.linear.gather [hbm4b:s9+s2], $0x80, $0x38;
	[tilespmem:$0x18000] =	vst v63  }
0x1b4: {  	s6 =	sshll.u32 s6, $0x4;
	s7 =	sand.u32 $0x1FFFFFF0, s7;
	s8 =	sadd.s32 s28, s8;
	(v2sf) =	vpush v53, $0xF;
	v54 =	vsel vm13, $0x0, v0  }
0x1b5: {  	[tilespmem:s17], [sflag:$0x2] =	stream.linear.gather [hbm4b:s8+s2], $0x80, $0x38;
	v55 =	vxor.u32 $0x80000000, v54;
	[tilespmem:$0x18000] =	vst v63  }
0x1b6: {  	s18 =	simm.s32 $0xC300;
	s6 =	sand.u32 $0x1FFFFFF0, s6;
	s7 =	sadd.s32 s28, s7;
	v56 =	vsel vm7, $0x0, v0;
	(xrf0) =	vmax.scan.msk.u32 $0xffff, v55  }
0x1b7: {  	v57 =	vxor.u32 $0x80000000, v56;
	[tilespmem:s18], [sflag:$0x2] =	stream.linear.gather [hbm4b:s7+s2], $0x80, $0x38;
	[tilespmem:$0x18000] =	vst v63  }
0x1b8: {  	s16 =	simm.s32 $0xC380;
	s4 =	sshll.u32 s4, $0x4;
	s6 =	sadd.s32 s28, s6;
	v58 =	vsel vm6, $0x0, v0;
	(xrf0) =	vmax.scan.msk.u32 $0xffff, v57  }
0x1b9: {  	v59 =	vsel vm5, $0x0, v0;
	v2 =	vxor.u32 $0x80000000, v58;
	[tilespmem:s16], [sflag:$0x2] =	stream.linear.gather [hbm4b:s6+s2], $0x80, $0x38;
	[tilespmem:$0x18000] =	vst v63  }
0x1ba: {  	s4 =	sand.u32 $0x1FFFFFF0, s4;
	v1 =	vxor.u32 $0x80000000, v59;
	(xrf0) =	vmax.scan.msk.u32 $0xffff, v2  }
0x1bb: {  	s4 =	sadd.s32 s28, s4;
	s20 =	simm.s32 $0xC400;
	v60 =	vsel vm4, $0x0, v0;
	(xrf0) =	vmax.scan.msk.u32 $0xffff, v1  }
0x1bc: {  	v61 =	vsel vm3, $0x0, v0;
	v3 =	vxor.u32 $0x80000000, v60;
	[tilespmem:s20], [sflag:$0x2] =	stream.linear.gather [hbm4b:s4+s2], $0x80, $0x38;
	v63, _, _ =	vpop (xrf0);
	[tilespmem:$0x18000] =	vst v63  }
0x1bd: {  	s22 =	spop (v2sf);
	v62 =	vsel vm2, $0x0, v0;
	v2 =	vxor.u32 $0x80000000, v61;
	(xrf0) =	vmax.scan.msk.u32 $0xffff, v3;
	(v2sf) =	vpush v63, $0xF  }
0x1be: {  	s0 =	sshll.u32 s0, $0x4;
	s23 =	spop (v2sf);
	v8 =	vsel vm1, $0x0, v0;
	v1 =	vxor.u32 $0x80000000, v62;
	(xrf0) =	vmax.scan.msk.u32 $0xffff, v2  }
0x1bf: {  	s1 =	sshll.u32 s1, $0x4;
	s0 =	sand.u32 $0x1FFFFFF0, s0;
	s15 =	spop (v2sf);
	v10 =	vnsel vm14, $0x0, v0;
	v9 =	vxor.u32 $0x80000000, v8;
	(xrf0) =	vmax.scan.msk.u32 $0xffff, v1;
	v11, _, _ =	vpop (xrf0)  }
0x1c0: {  	s0 =	sadd.s32 s28, s0;
	s21 =	simm.s32 $0xC480;
	s10 =	sshll.u32 s15, $0x4;
	v3 =	vxor.u32 $0x80000000, v10;
	(xrf0) =	vmax.scan.msk.u32 $0xffff, v9;
	(v2sf) =	vpush v11, $0xF  }
0x1c1: {  	s26 =	simm.s32 $0xC580;
	v12 =	vsel vm15, $0x0, v0;
	s17 =	spop (v2sf);
	s10 =	sand.u32 $0x1FFFFFF0, s10;
	v13, _, _ =	vpop (xrf0);
	(xrf0) =	vmax.scan.msk.u32 $0xffff, v3  }
0x1c2: {  	[tilespmem:s21], [sflag:$0x2] =	stream.linear.gather [hbm4b:s0+s2], $0x80, $0x38;
	v1 =	vxor.u32 $0x80000000, v12;
	v14, _, _ =	vpop (xrf0);
	(v2sf) =	vpush v13, $0xF;
	[tilespmem:$0x18000] =	vst v63  }
0x1c3: {  	s12 =	sshll.u32 s17, $0x4;
	s18 =	spop (v2sf);
	s10 =	sadd.s32 s28, s10;
	(xrf0) =	vmax.scan.msk.u32 $0xffff, v1;
	v16, _, _ =	vpop (xrf0);
	(v2sf) =	vpush v14, $0xF  }
0x1c4: {  	v15 =	vsel vm0, $0x0, v0;
	s12 =	sand.u32 $0x1FFFFFF0, s12;
	s13 =	sshll.u32 s18, $0x4;
	s16 =	simm.s32 $0xC500;
	v17, _, _ =	vpop (xrf0);
	(v2sf) =	vpush v16, $0xF  }
0x1c5: {  	v2 =	vxor.u32 $0x80000000, v15;
	[tilespmem:s16], [sflag:$0x2] =	stream.linear.gather [hbm4b:s10+s2], $0x80, $0x38;
	v18, _, _ =	vpop (xrf0);
	(v2sf) =	vpush v17, $0xF;
	[tilespmem:$0x18000] =	vst v63  }
0x1c6: {  	s19 =	sadd.s32 s28, s12;
	s20 =	sand.u32 $0x1FFFFFF0, s13;
	s4 =	sshll.u32 s23, $0x4;
	(xrf0) =	vmax.scan.msk.u32 $0xffff, v2;
	v19, _, _ =	vpop (xrf0);
	(v2sf) =	vpush v18, $0xF  }
0x1c7: {  	[tilespmem:s26], [sflag:$0x2] =	stream.linear.gather [hbm4b:s19+s2], $0x80, $0x38;
	(v2sf) =	vpush v19, $0xF;
	v20, _, _ =	vpop (xrf0);
	[tilespmem:$0x18000] =	vst v63  }
0x1c8: {  	s3 =	simm.s32 $0xC600;
	s4 =	sand.u32 $0x1FFFFFF0, s4;
	s21 =	sadd.s32 s28, s20;
	(v2sf) =	vpush v20, $0xF  }
0x1c9: {  	[tilespmem:s3], [sflag:$0x2] =	stream.linear.gather [hbm4b:s21+s2], $0x80, $0x38;
	v21, _, _ =	vpop (xrf0);
	[tilespmem:$0x18000] =	vst v63  }
0x1ca: {  	s24 =	simm.s32 $0xC680;
	s0 =	sshll.u32 s22, $0x4;
	s4 =	sadd.s32 s28, s4;
	(v2sf) =	vpush v21, $0xF  }
0x1cb: {  	[tilespmem:s24], [sflag:$0x2] =	stream.linear.gather [hbm4b:s4+s2], $0x80, $0x38;
	[tilespmem:$0x18000] =	vst v63  }
0x1cc: {  	s1 =	sand.u32 $0x1FFFFFF0, s1;
	s0 =	sand.u32 $0x1FFFFFF0, s0;
	v22, _, _ =	vpop (xrf0);
	s22 =	spop (v2sf)  }
0x1cd: {  	s25 =	simm.s32 $0xC700;
	s0 =	sadd.s32 s28, s0;
	(v2sf) =	vpush v22, $0xF;
	[dreg:$0x7] =	wrdreg s22  }
0x1ce: {  	[tilespmem:s25], [sflag:$0x2] =	stream.linear.gather [hbm4b:s0+s2], $0x80, $0x38;
	[tilespmem:$0x18000] =	vst v63  }
0x1cf: {  	s1 =	sadd.s32 s28, s1;
	s23 =	simm.s32 $0xC780;
	s0 =	spop (v2sf)  }
0x1d0: {  	[tilespmem:s23], [sflag:$0x2] =	stream.linear.gather [hbm4b:s1+s2], $0x80, $0x38;
	[tilespmem:$0x18000] =	vst v63  }
0x1d1: {  	s1 =	spop (v2sf);
	v23 =	vld [tilespmem:s5+$0x0]  }
0x1d2: {  	s4 =	spop (v2sf)  }
0x1d3: {  	s24 =	spop (v2sf)  }
0x1d4: {  	v24 =	vsel vm12, $0x0, v0;
	s25 =	spop (v2sf)  }
0x1d5: {  	v25 =	vsel vm11, $0x0, v0;
	v2 =	vxor.u32 $0x80000000, v24;
	s26 =	spop (v2sf)  }
0x1d6: {  	v26 =	vxor.u32 $0x80000000, v25;
	(xrf0) =	vmax.scan.msk.u32 $0xffff, v2;
	s3 =	spop (v2sf);
	v27 =	vsel vm13, $0x0, v23  }
0x1d7: {  	(xrf0) =	vmax.scan.msk.u32 $0xffff, v26;
	s12 =	spop (v2sf);
	v28 =	vsel vm12, $0x0, v23;
	v3 =	vxor.u32 $0x80000000, v27  }
0x1d8: {  	v29 =	vsel vm11, $0x0, v23;
	s9 =	sshll.u32 s12, $0x4;
	v2 =	vxor.u32 $0x80000000, v28;
	(xrf0) =	vmax.scan.msk.u32 $0xffff, v3  }
0x1d9: {  	s13 =	spop (v2sf);
	v30 =	vxor.u32 $0x80000000, v29;
	s9 =	sand.u32 $0x1FFFFFF0, s9;
	(xrf0) =	vmax.scan.msk.u32 $0xffff, v2  }
0x1da: {  	s15 =	simm.s32 $0xD000;
	v31 =	vsel vm10, $0x0, v23;
	s10 =	sshll.u32 s13, $0x4;
	s9 =	sadd.s32 s28, s9;
	(xrf0) =	vmax.scan.msk.u32 $0xffff, v30  }
0x1db: {  	v32 =	vsel vm9, $0x0, v23;
	v2 =	vxor.u32 $0x80000000, v31;
	[tilespmem:s15], [sflag:$0x2] =	stream.linear.gather [hbm4b:s9+s2], $0x80, $0x38;
	[tilespmem:$0x18000] =	vst v63  }
0x1dc: {  	s16 =	spop (v2sf);
	v3 =	vxor.u32 $0x80000000, v32;
	s10 =	sand.u32 $0x1FFFFFF0, s10;
	(xrf0) =	vmax.scan.msk.u32 $0xffff, v2  }
0x1dd: {  	s17 =	simm.s32 $0xD080;
	v33 =	vsel vm8, $0x0, v23;
	s9 =	sshll.u32 s16, $0x4;
	s10 =	sadd.s32 s28, s10;
	(xrf0) =	vmax.scan.msk.u32 $0xffff, v3  }
0x1de: {  	v34 =	vsel vm7, $0x0, v23;
	v2 =	vxor.u32 $0x80000000, v33;
	[tilespmem:s17], [sflag:$0x2] =	stream.linear.gather [hbm4b:s10+s2], $0x80, $0x38;
	[tilespmem:$0x18000] =	vst v63  }
0x1df: {  	v35, _, _ =	vpop (xrf0);
	s9 =	sand.u32 $0x1FFFFFF0, s9;
	v3 =	vxor.u32 $0x80000000, v34;
	(xrf0) =	vmax.scan.msk.u32 $0xffff, v2  }
0x1e0: {  	s18 =	simm.s32 $0xD100;
	s8 =	sshll.u32 s3, $0x4;
	v36 =	vsel vm6, $0x0, v23;
	s9 =	sadd.s32 s28, s9;
	(xrf0) =	vmax.scan.msk.u32 $0xffff, v3  }
0x1e1: {  	v37, _, _ =	vpop (xrf0);
	(v2sf) =	vpush v35, $0xF;
	v38 =	vsel vm5, $0x0, v23;
	v2 =	vxor.u32 $0x80000000, v36;
	[tilespmem:s18], [sflag:$0x2] =	stream.linear.gather [hbm4b:s9+s2], $0x80, $0x38;
	[tilespmem:$0x18000] =	vst v63  }
0x1e2: {  	s8 =	sand.u32 $0x1FFFFFF0, s8;
	v4 =	vxor.u32 $0x80000000, v38;
	v5, _, _ =	vpop (xrf0);
	(xrf0) =	vmax.scan.msk.u32 $0xffff, v2  }
0x1e3: {  	s19 =	simm.s32 $0xD180;
	(v2sf) =	vpush v37, $0xF;
	s7 =	sshll.u32 s26, $0x4;
	v39 =	vsel vm4, $0x0, v23;
	s8 =	sadd.s32 s28, s8;
	(xrf0) =	vmax.scan.msk.u32 $0xffff, v4  }
0x1e4: {  	v41 =	vsel vm3, $0x0, v23;
	v40, _, _ =	vpop (xrf0);
	v2 =	vxor.u32 $0x80000000, v39;
	[tilespmem:s19], [sflag:$0x2] =	stream.linear.gather [hbm4b:s8+s2], $0x80, $0x38;
	[tilespmem:$0x18000] =	vst v63  }
0x1e5: {  	s7 =	sand.u32 $0x1FFFFFF0, s7;
	(v2sf) =	vpush v5, $0xF;
	v42, _, _ =	vpop (xrf0);
	v4 =	vxor.u32 $0x80000000, v41;
	(xrf0) =	vmax.scan.msk.u32 $0xffff, v2  }
0x1e6: {  	s20 =	simm.s32 $0xD200;
	s6 =	sshll.u32 s25, $0x4;
	v43 =	vsel vm2, $0x0, v23;
	s7 =	sadd.s32 s28, s7;
	(v2sf) =	vpush v40, $0xF;
	(xrf0) =	vmax.scan.msk.u32 $0xffff, v4  }
0x1e7: {  	v45 =	vsel vm1, $0x0, v23;
	v44, _, _ =	vpop (xrf0);
	(v2sf) =	vpush v42, $0xF;
	v2 =	vxor.u32 $0x80000000, v43;
	[tilespmem:s20], [sflag:$0x2] =	stream.linear.gather [hbm4b:s7+s2], $0x80, $0x38;
	[tilespmem:$0x18000] =	vst v63  }
0x1e8: {  	s21 =	simm.s32 $0xD380;
	s22 =	simm.s32 $0xD400;
	s6 =	sand.u32 $0x1FFFFFF0, s6;
	v47 =	vxor.u32 $0x80000000, v45;
	v46, _, _ =	vpop (xrf0);
	(v2sf) =	vpush v44, $0xF;
	(xrf0) =	vmax.scan.msk.u32 $0xffff, v2  }
0x1e9: {  	s23 =	simm.s32 $0xD280;
	s5 =	sshll.u32 s24, $0x4;
	v48 =	vnsel vm14, $0x0, v23;
	s6 =	sadd.s32 s28, s6;
	v49, _, _ =	vpop (xrf0);
	(v2sf) =	vpush v46, $0xF;
	(xrf0) =	vmax.scan.msk.u32 $0xffff, v47  }
0x1ea: {  	v50 =	vsel vm15, $0x0, v23;
	v2 =	vxor.u32 $0x80000000, v48;
	v51, _, _ =	vpop (xrf0);
	(v2sf) =	vpush v49, $0xF;
	[tilespmem:s23], [sflag:$0x2] =	stream.linear.gather [hbm4b:s6+s2], $0x80, $0x38;
	[tilespmem:$0x18000] =	vst v63  }
0x1eb: {  	s1 =	sshll.u32 s1, $0x4;
	s4 =	sshll.u32 s4, $0x4;
	s5 =	sand.u32 $0x1FFFFFF0, s5;
	v3 =	vxor.u32 $0x80000000, v50;
	v52, _, _ =	vpop (xrf0);
	(v2sf) =	vpush v51, $0xF;
	(xrf0) =	vmax.scan.msk.u32 $0xffff, v2  }
0x1ec: {  	s24 =	simm.s32 $0xD300;
	s4 =	sand.u32 $0x1FFFFFF0, s4;
	s5 =	sadd.s32 s28, s5;
	v1 =	vsel vm0, $0x0, v23;
	v53, _, _ =	vpop (xrf0);
	(v2sf) =	vpush v52, $0xF;
	(xrf0) =	vmax.scan.msk.u32 $0xffff, v3  }
0x1ed: {  	v1 =	vxor.u32 $0x80000000, v1;
	[tilespmem:s24], [sflag:$0x2] =	stream.linear.gather [hbm4b:s5+s2], $0x80, $0x38;
	v54, _, _ =	vpop (xrf0);
	(v2sf) =	vpush v53, $0xF;
	[tilespmem:$0x18000] =	vst v63  }
0x1ee: {  	s0 =	sshll.u32 s0, $0x4;
	s1 =	sand.u32 $0x1FFFFFF0, s1;
	s4 =	sadd.s32 s28, s4;
	(xrf0) =	vmax.scan.msk.u32 $0xffff, v1;
	v55, _, _ =	vpop (xrf0);
	(v2sf) =	vpush v54, $0xF  }
0x1ef: {  	[tilespmem:s21], [sflag:$0x2] =	stream.linear.gather [hbm4b:s4+s2], $0x80, $0x38;
	v56, _, _ =	vpop (xrf0);
	(v2sf) =	vpush v55, $0xF;
	[tilespmem:$0x18000] =	vst v63  }
0x1f0: {  	s0 =	sand.u32 $0x1FFFFFF0, s0;
	s1 =	sadd.s32 s28, s1;
	s20 =	spop (v2sf);
	v57, _, _ =	vpop (xrf0);
	(v2sf) =	vpush v56, $0xF  }
0x1f1: {  	[tilespmem:s22], [sflag:$0x2] =	stream.linear.gather [hbm4b:s1+s2], $0x80, $0x38;
	(v2sf) =	vpush v57, $0xF;
	v58, _, _ =	vpop (xrf0);
	[tilespmem:$0x18000] =	vst v63  }
0x1f2: {  	s0 =	sadd.s32 s28, s0;
	s25 =	simm.s32 $0xD480;
	s24 =	spop (v2sf);
	(v2sf) =	vpush v58, $0xF;
	v59, _, _ =	vpop (xrf0)  }
0x1f3: {  	[tilespmem:s25], [sflag:$0x2] =	stream.linear.gather [hbm4b:s0+s2], $0x80, $0x38;
	(v2sf) =	vpush v59, $0xF;
	[tilespmem:$0x18000] =	vst v63  }
0x1f4: {  	v60, _, _ =	vpop (xrf0);
	s21 =	spop (v2sf)  }
0x1f5: {  	(v2sf) =	vpush v60, $0xF;
	s23 =	spop (v2sf)  }
0x1f6: {  	s19 =	spop (v2sf)  }
0x1f7: {  	s29 =	spop (v2sf)  }
0x1f8: {  	s26 =	spop (v2sf)  }
0x1f9: {  	s7 =	spop (v2sf)  }
0x1fa: {  	s31 =	simm.s32 $0xCD80;
	s1 =	spop (v2sf)  }
0x1fb: {  	s30 =	simm.s32 $0xD680;
	s11 =	simm.s32 $0xCF80;
	s17 =	spop (v2sf)  }
0x1fc: {  	s3 =	simm.s32 $0xC800;
	s18 =	simm.s32 $0xC880;
	s5 =	spop (v2sf)  }
0x1fd: {  	s8 =	simm.s32 $0xD0;
	[dreg:$0x9] =	wrdreg s26;
	s0 =	spop (v2sf)  }
0x1fe: {  	s22 =	simm.s32 $0xCE80;
	[dreg:$0x10] =	wrdreg s1;
	s4 =	spop (v2sf)  }
0x1ff: {  	s1 =	simm.s32 $0xD800;
	s6 =	spop (v2sf);
	s4 =	sshll.u32 s4, $0x4  }
0x200: {  	s10 =	spop (v2sf);
	s6 =	sshll.u32 s6, $0x4;
	s4 =	sand.u32 $0x1FFFFFF0, s4  }
0x201: {  	s13 =	spop (v2sf);
	s10 =	sshll.u32 s10, $0x4;
	s6 =	sand.u32 $0x1FFFFFF0, s6  }
0x202: {  	s4 =	sadd.s32 s28, s4;
	s12 =	sshll.u32 s13, $0x4;
	s15 =	spop (v2sf)  }
0x203: {  	s10 =	sand.u32 $0x1FFFFFF0, s10;
	s6 =	sadd.s32 s28, s6;
	s12 =	sand.u32 $0x1FFFFFF0, s12  }
0x204: {  	s13 =	sshll.u32 s15, $0x4;
	s16 =	spop (v2sf);
	s15 =	simm.s32 $0xCA00  }
0x205: {  	s12 =	sadd.s32 s28, s12;
	s13 =	sand.u32 $0x1FFFFFF0, s13;
	s25 =	sshll.u32 s16, $0x4  }
0x206: {  	[tilespmem:s3], [sflag:$0x2] =	stream.linear.gather [hbm4b:s12+s2], $0x80, $0x38;
	[tilespmem:$0x18000] =	vst v63  }
0x207: {  	s16 =	simm.s32 $0xCC80;
	s13 =	sadd.s32 s28, s13;
	s26 =	sand.u32 $0x1FFFFFF0, s25  }
0x208: {  	s3 =	simm.s32 $0xC900;
	s12 =	simm.s32 $0xC980;
	s25 =	simm.s32 $0xCA80  }
0x209: {  	[tilespmem:s18], [sflag:$0x2] =	stream.linear.gather [hbm4b:s13+s2], $0x80, $0x38;
	[tilespmem:$0x18000] =	vst v63  }
0x20a: {  	s9 =	sadd.s32 s28, s26;
	s26 =	simm.s32 $0xCE00;
	s13 =	simm.s32 $0xCF00  }
0x20b: {  	[tilespmem:s3], [sflag:$0x2] =	stream.linear.gather [hbm4b:s9+s2], $0x80, $0x38;
	[tilespmem:$0x18000] =	vst v63  }
0x20c: {  	s18 =	simm.s32 $0xCD00;
	s9 =	sadd.s32 s28, s10;
	s3 =	sshll.u32 s0, $0x4  }
0x20d: {  	[tilespmem:s12], [sflag:$0x2] =	stream.linear.gather [hbm4b:s9+s2], $0x80, $0x38;
	[tilespmem:$0x18000] =	vst v63  }
0x20e: {  	s0 =	simm.s32 $0xCC00;
	s10 =	simm.s32 $0x2;
	s9 =	simm.s32 $0xCB00  }
0x20f: {  	[tilespmem:s15], [sflag:$0x2] =	stream.linear.gather [hbm4b:s6+s2], $0x80, $0x38;
	[tilespmem:$0x18000] =	vst v63  }
0x210: {  	s12 =	simm.s32 $0xD600;
	s15 =	sand.u32 $0x1FFFFFF0, s3;
	[dreg:$0x16] =	wrdreg s16  }
0x211: {  	v61 =	vsel vm8, $0x0, v0;
	s6 =	simm.s32 $0xD580;
	s3 =	simm.s32 $0x0;
	[dreg:$0x11] =	wrdreg s18  }
0x212: {  	v62 =	vsel vm9, $0x0, v0;
	v1 =	vxor.u32 $0x80000000, v61;
	[tilespmem:s25], [sflag:$0x2] =	stream.linear.gather [hbm4b:s4+s2], $0x80, $0x38;
	[tilespmem:$0x18000] =	vst v63  }
0x213: {  	v0 =	vsel vm10, $0x0, v0;
	v63 =	vxor.u32 $0x80000000, v62;
	(xrf0) =	vmax.scan.msk.u32 $0xffff, v1;
	s16 =	sshll.u32 s5, $0x4;
	s18 =	simm.s32 $0xD500;
	[dreg:$0xf] =	wrdreg s6  }
0x214: {  	v0 =	vxor.u32 $0x80000000, v0;
	(xrf0) =	vmax.scan.msk.u32 $0xffff, v63;
	s4 =	simm.s32 $0xCB80;
	s25 =	simm.s32 $0xD700;
	[dreg:$0xa] =	wrdreg s12  }
0x215: {  	(xrf0) =	vmax.scan.msk.u32 $0xffff, v0;
	s2 =	smov.u32 s28;
	[dreg:$0x15] =	wrdreg s18;
	s6 =	simm.s32 $0x0  }
.LBB2_4:
0x216: {  	s12 =	sadd.s32 s2, s15;
	s16 =	sand.u32 $0x1FFFFFF0, s16;
	s17 =	sshll.u32 s17, $0x4  }
0x217: {  	v0 =	vld [tilespmem:s8+$0xFFFFFFF0];
	s18 =	smov.u32 s14;
	s5 =	smov.u32 s8;
	s28 =	rddreg [dreg:$0x10]  }
0x218: {  	[tilespmem:s9], [sflag:$0x2] =	stream.linear.gather [hbm4b:s12+s6], $0x80, $0x38;
	[tilespmem:$0x18000] =	vst v63  }
0x219: {  	s7 =	sshll.u32 s7, $0x4;
	[dreg:$0x4] =	wrdreg s5;
	s16 =	sadd.s32 s2, s16  }
0x21a: {  	s17 =	sand.u32 $0x1FFFFFF0, s17;
	s5 =	sshll.u32 s28, $0x4;
	s28 =	sand.u32 $0x1FFFFFF0, s7  }
0x21b: {  	[tilespmem:s4], [sflag:$0x2] =	stream.linear.gather [hbm4b:s16+s6], $0x80, $0x38;
	[tilespmem:$0x18000] =	vst v63  }
0x21c: {  	s7 =	rddreg [dreg:$0x9];
	s14 =	sadd.s32 s2, s17;
	v1, _, _ =	vpop (xrf0);
	s16 =	sand.u32 $0x1FFFFFF0, s5;
	v2 =	vsel vm13, $0x0, v0  }
0x21d: {  	(v2sf) =	vpush v1, $0xF;
	v45, _, _ =	vpop (xrf0);
	[tilespmem:s0], [sflag:$0x2] =	stream.linear.gather [hbm4b:s14+s6], $0x80, $0x38;
	v47 =	vxor.u32 $0x80000000, v2;
	[tilespmem:$0x18000] =	vst v63  }
0x21e: {  	s12 =	rddreg [dreg:$0x16];
	s17 =	sadd.s32 s2, s16;
	v46, _, _ =	vpop (xrf0);
	v48 =	vsel vm7, $0x0, v0;
	(xrf0) =	vmax.scan.msk.u32 $0xffff, v47  }
0x21f: {  	(v2sf) =	vpush v45, $0xF;
	v49 =	vxor.u32 $0x80000000, v48;
	[tilespmem:s12], [sflag:$0x2] =	stream.linear.gather [hbm4b:s17+s6], $0x80, $0x38;
	[tilespmem:$0x18000] =	vst v63  }
0x220: {  	s9 =	sshll.u32 s7, $0x4;
	s14 =	sadd.s32 s2, s28;
	v50 =	vsel vm6, $0x0, v0;
	s28 =	rddreg [dreg:$0x11];
	(v2sf) =	vpush v46, $0xF;
	(xrf0) =	vmax.scan.msk.u32 $0xffff, v49  }
0x221: {  	v51 =	vsel vm5, $0x0, v0;
	v2 =	vxor.u32 $0x80000000, v50;
	[tilespmem:s28], [sflag:$0x2] =	stream.linear.gather [hbm4b:s14+s6], $0x80, $0x38;
	[tilespmem:$0x18000] =	vst v63  }
0x222: {  	s16 =	sand.u32 $0x1FFFFFF0, s9;
	v1 =	vxor.u32 $0x80000000, v51;
	s17 =	sshll.u32 s29, $0x4;
	(xrf0) =	vmax.scan.msk.u32 $0xffff, v2  }
0x223: {  	s5 =	sadd.s32 s2, s16;
	v5 =	vsel vm4, $0x0, v0;
	s7 =	sand.u32 $0x1FFFFFF0, s17;
	(xrf0) =	vmax.scan.msk.u32 $0xffff, v1  }
0x224: {  	v4 =	vxor.u32 $0x80000000, v5;
	[tilespmem:s31], [sflag:$0x2] =	stream.linear.gather [hbm4b:s5+s6], $0x80, $0x38;
	[tilespmem:$0x18000] =	vst v63  }
0x225: {  	s9 =	sshll.u32 s19, $0x4;
	v52 =	vsel vm3, $0x0, v0;
	s16 =	sshll.u32 s23, $0x4;
	s12 =	sadd.s32 s2, s7;
	(xrf0) =	vmax.scan.msk.u32 $0xffff, v4  }
0x226: {  	v6 =	vsel vm2, $0x0, v0;
	v2 =	vxor.u32 $0x80000000, v52;
	[tilespmem:s26], [sflag:$0x2] =	stream.linear.gather [hbm4b:s12+s6], $0x80, $0x38;
	[tilespmem:$0x18000] =	vst v63  }
0x227: {  	s21 =	sshll.u32 s21, $0x4;
	v54 =	vxor.u32 $0x80000000, v6;
	s19 =	sand.u32 $0x1FFFFFF0, s16;
	s14 =	sand.u32 $0x1FFFFFF0, s9;
	v3, _, _ =	vpop (xrf0);
	(xrf0) =	vmax.scan.msk.u32 $0xffff, v2  }
0x228: {  	v53 =	vsel vm1, $0x0, v0;
	s4 =	sadd.s32 s2, s19;
	s19 =	rddreg [dreg:$0x7];
	s17 =	sadd.s32 s2, s14;
	(xrf0) =	vmax.scan.msk.u32 $0xffff, v54  }
0x229: {  	v55 =	vxor.u32 $0x80000000, v53;
	(v2sf) =	vpush v3, $0xF;
	[tilespmem:s22], [sflag:$0x2] =	stream.linear.gather [hbm4b:s17+s6], $0x80, $0x38;
	[tilespmem:$0x18000] =	vst v63  }
0x22a: {  	v56 =	vnsel vm14, $0x0, v0;
	s7 =	sand.u32 $0x1FFFFFF0, s21;
	s28 =	rddreg [dreg:$0x15];
	v57, _, _ =	vpop (xrf0);
	(xrf0) =	vmax.scan.msk.u32 $0xffff, v55  }
0x22b: {  	v58 =	vxor.u32 $0x80000000, v56;
	(v2sf) =	vpush v57, $0xF;
	[tilespmem:s13], [sflag:$0x2] =	stream.linear.gather [hbm4b:s4+s6], $0x80, $0x38;
	[tilespmem:$0x18000] =	vst v63  }
0x22c: {  	v59 =	vsel vm15, $0x0, v0;
	v7 =	vsel vm0, $0x0, v0;
	s9 =	rddreg [dreg:$0xf];
	s7 =	sadd.s32 s2, s7;
	v61, _, _ =	vpop (xrf0);
	(xrf0) =	vmax.scan.msk.u32 $0xffff, v58;
	s22 =	spop (v2sf)  }
0x22d: {  	v60 =	vxor.u32 $0x80000000, v59;
	v63, _, _ =	vpop (xrf0);
	(v2sf) =	vpush v61, $0xF;
	[tilespmem:s11], [sflag:$0x2] =	stream.linear.gather [hbm4b:s7+s6], $0x80, $0x38;
	[tilespmem:$0x18000] =	vst v63  }
0x22e: {  	s14 =	rddreg [dreg:$0xa];
	(xrf0) =	vmax.scan.msk.u32 $0xffff, v60;
	v6, _, _ =	vpop (xrf0);
	s0 =	sshll.u32 s22, $0x4;
	s23 =	spop (v2sf);
	(v2sf) =	vpush v63, $0xF  }
0x22f: {  	v62 =	vxor.u32 $0x80000000, v7;
	v7, _, _ =	vpop (xrf0);
	(v2sf) =	vpush v6, $0xF;
	s0 =	sand.u32 $0x1FFFFFF0, s0;
	s4 =	sshll.u32 s23, $0x4;
	s26 =	spop (v2sf)  }
0x230: {  	(xrf0) =	vmax.scan.msk.u32 $0xffff, v62;
	v8, _, _ =	vpop (xrf0);
	(v2sf) =	vpush v7, $0xF;
	s0 =	sadd.s32 s2, s0;
	s4 =	sand.u32 $0x1FFFFFF0, s4;
	s6 =	sshll.u32 s26, $0x4  }
0x231: {  	v9, _, _ =	vpop (xrf0);
	(v2sf) =	vpush v8, $0xF;
	[tilespmem:s28], [sflag:$0x2] =	stream.linear.gather [hbm4b:s0+s3], $0x80, $0x38;
	[tilespmem:$0x18000] =	vst v63  }
0x232: {  	s7 =	sshll.u32 s24, $0x4;
	v10, _, _ =	vpop (xrf0);
	s5 =	sadd.s32 s2, s4;
	s6 =	sand.u32 $0x1FFFFFF0, s6;
	(v2sf) =	vpush v9, $0xF  }
0x233: {  	(v2sf) =	vpush v10, $0xF;
	[tilespmem:s9], [sflag:$0x2] =	stream.linear.gather [hbm4b:s5+s3], $0x80, $0x38;
	[tilespmem:$0x18000] =	vst v63  }
0x234: {  	s13 =	sshll.u32 s20, $0x4;
	s12 =	sand.u32 $0x1FFFFFF0, s7;
	v11, _, _ =	vpop (xrf0);
	s11 =	sadd.s32 s2, s6  }
0x235: {  	(v2sf) =	vpush v11, $0xF;
	[tilespmem:s14], [sflag:$0x2] =	stream.linear.gather [hbm4b:s11+s3], $0x80, $0x38;
	[tilespmem:$0x18000] =	vst v63  }
0x236: {  	s20 =	sshll.u32 s19, $0x4;
	s17 =	sand.u32 $0x1FFFFFF0, s13;
	s16 =	sadd.s32 s2, s12  }
0x237: {  	v12, _, _ =	vpop (xrf0);
	[tilespmem:s30], [sflag:$0x2] =	stream.linear.gather [hbm4b:s16+s3], $0x80, $0x38;
	[tilespmem:$0x18000] =	vst v63  }
0x238: {  	s22 =	sadd.s32 s2, s17;
	s23 =	sand.u32 $0x1FFFFFF0, s20;
	(v2sf) =	vpush v12, $0xF;
	s21 =	spop (v2sf)  }
0x239: {  	[tilespmem:s25], [sflag:$0x2] =	stream.linear.gather [hbm4b:s22+s3], $0x80, $0x38;
	[tilespmem:$0x18000] =	vst v63  }
0x23a: {  	s24 =	sadd.s32 $0xFFFFFF80, s1;
	s4 =	sadd.s32 s2, s23;
	s5 =	spop (v2sf)  }
0x23b: {  	[tilespmem:s24], [sflag:$0x2] =	stream.linear.gather [hbm4b:s4+s3], $0x80, $0x38;
	[tilespmem:$0x18000] =	vst v63  }
0x23c: {  	s0 =	spop (v2sf);
	v13 =	vld [tilespmem:s18+$0x0]  }
0x23d: {  	v14 =	vsel vm12, $0x0, v0;
	s11 =	spop (v2sf)  }
0x23e: {  	v2 =	vxor.u32 $0x80000000, v14;
	s13 =	spop (v2sf)  }
0x23f: {  	(xrf0) =	vmax.scan.msk.u32 $0xffff, v2;
	s16 =	spop (v2sf)  }
0x240: {  	v15 =	vsel vm11, $0x0, v0;
	s18 =	spop (v2sf)  }
0x241: {  	v16 =	vxor.u32 $0x80000000, v15;
	s19 =	spop (v2sf);
	v17 =	vsel vm13, $0x0, v13  }
0x242: {  	s15 =	smov.u32 s1;
	s1 =	sadd.s32 $0x1000, s1;
	(xrf0) =	vmax.scan.msk.u32 $0xffff, v16;
	v18 =	vsel vm12, $0x0, v13;
	s25 =	spop (v2sf);
	v2 =	vxor.u32 $0x80000000, v17  }
0x243: {  	s31 =	sadd.s32 $0x580, s15;
	s7 =	sadd.s32 $0xFFFFFC00, s1;
	v19 =	vsel vm11, $0x0, v13;
	v20 =	vxor.u32 $0x80000000, v18;
	s22 =	sshll.u32 s25, $0x4;
	(xrf0) =	vmax.scan.msk.u32 $0xffff, v2  }
0x244: {  	s17 =	sadd.s32 $0xFFFFF980, s1;
	v4 =	vxor.u32 $0x80000000, v19;
	s26 =	spop (v2sf);
	s22 =	sand.u32 $0x1FFFFFF0, s22;
	(xrf0) =	vmax.scan.msk.u32 $0xffff, v20  }
0x245: {  	s23 =	sadd.s32 $0xFFFFF800, s1;
	v22, _, _ =	vpop (xrf0);
	v21 =	vsel vm10, $0x0, v13;
	s24 =	sshll.u32 s26, $0x4;
	s22 =	sadd.s32 s2, s22;
	(xrf0) =	vmax.scan.msk.u32 $0xffff, v4  }
0x246: {  	v23 =	vsel vm9, $0x0, v13;
	v24 =	vxor.u32 $0x80000000, v21;
	[tilespmem:s23], [sflag:$0x2] =	stream.linear.gather [hbm4b:s22+s3], $0x80, $0x38;
	[tilespmem:$0x18000] =	vst v63  }
0x247: {  	s12 =	sadd.s32 $0xFFFFFA80, s1;
	v26 =	vxor.u32 $0x80000000, v23;
	s28 =	spop (v2sf);
	s24 =	sand.u32 $0x1FFFFFF0, s24;
	(xrf0) =	vmax.scan.msk.u32 $0xffff, v24  }
0x248: {  	s20 =	sadd.s32 $0xFFFFF880, s1;
	v27, _, _ =	vpop (xrf0);
	v25 =	vsel vm8, $0x0, v13;
	s25 =	sshll.u32 s28, $0x4;
	s26 =	sadd.s32 s2, s24;
	(xrf0) =	vmax.scan.msk.u32 $0xffff, v26  }
0x249: {  	v28 =	vsel vm7, $0x0, v13;
	v3 =	vxor.u32 $0x80000000, v25;
	[tilespmem:s20], [sflag:$0x2] =	stream.linear.gather [hbm4b:s26+s3], $0x80, $0x38;
	[tilespmem:$0x18000] =	vst v63  }
0x24a: {  	s6 =	smov.u32 s3;
	[dreg:$0x7] =	wrdreg s21;
	v5 =	vxor.u32 $0x80000000, v28;
	s28 =	sand.u32 $0x1FFFFFF0, s25;
	(xrf0) =	vmax.scan.msk.u32 $0xffff, v3  }
0x24b: {  	s21 =	sadd.s32 $0xFFFFF900, s1;
	v8 =	vsel vm6, $0x0, v13;
	s19 =	sshll.u32 s19, $0x4;
	s23 =	sadd.s32 s2, s28;
	(xrf0) =	vmax.scan.msk.u32 $0xffff, v5  }
0x24c: {  	v9 =	vsel vm5, $0x0, v13;
	v29 =	vxor.u32 $0x80000000, v8;
	[tilespmem:s21], [sflag:$0x2] =	stream.linear.gather [hbm4b:s23+s3], $0x80, $0x38;
	[tilespmem:$0x18000] =	vst v63  }
0x24d: {  	s9 =	sadd.s32 $0xFFFFFB80, s1;
	s14 =	sadd.s32 $0xFFFFFA00, s1;
	v32 =	vxor.u32 $0x80000000, v9;
	s19 =	sand.u32 $0x1FFFFFF0, s19;
	(v2sf) =	vpush v22, $0xF;
	v30, _, _ =	vpop (xrf0);
	(xrf0) =	vmax.scan.msk.u32 $0xffff, v29  }
0x24e: {  	s30 =	sadd.s32 $0xFFFFFE80, s1;
	s18 =	sshll.u32 s18, $0x4;
	v31 =	vsel vm4, $0x0, v13;
	s19 =	sadd.s32 s2, s19;
	v33, _, _ =	vpop (xrf0);
	(xrf0) =	vmax.scan.msk.u32 $0xffff, v32  }
0x24f: {  	v34 =	vsel vm3, $0x0, v13;
	v35 =	vxor.u32 $0x80000000, v31;
	(v2sf) =	vpush v27, $0xF;
	[tilespmem:s17], [sflag:$0x2] =	stream.linear.gather [hbm4b:s19+s3], $0x80, $0x38;
	[tilespmem:$0x18000] =	vst v63  }
0x250: {  	s5 =	sshll.u32 s5, $0x4;
	s4 =	sadd.s32 $0xFFFFFB00, s1;
	s18 =	sand.u32 $0x1FFFFFF0, s18;
	v38 =	vxor.u32 $0x80000000, v34;
	v36, _, _ =	vpop (xrf0);
	(xrf0) =	vmax.scan.msk.u32 $0xffff, v35  }
0x251: {  	s0 =	sshll.u32 s0, $0x4;
	s16 =	sshll.u32 s16, $0x4;
	v37 =	vsel vm2, $0x0, v13;
	s24 =	sadd.s32 s2, s18;
	(v2sf) =	vpush v30, $0xF;
	v39, _, _ =	vpop (xrf0);
	(xrf0) =	vmax.scan.msk.u32 $0xffff, v38  }
0x252: {  	v40 =	vsel vm1, $0x0, v13;
	v41 =	vxor.u32 $0x80000000, v37;
	(v2sf) =	vpush v33, $0xF;
	[tilespmem:s14], [sflag:$0x2] =	stream.linear.gather [hbm4b:s24+s3], $0x80, $0x38;
	[tilespmem:$0x18000] =	vst v63  }
0x253: {  	s11 =	sshll.u32 s11, $0x4;
	s0 =	sand.u32 $0x1FFFFFF0, s0;
	s16 =	sand.u32 $0x1FFFFFF0, s16;
	v43 =	vxor.u32 $0x80000000, v40;
	(v2sf) =	vpush v36, $0xF;
	v42, _, _ =	vpop (xrf0);
	(xrf0) =	vmax.scan.msk.u32 $0xffff, v41  }
0x254: {  	s13 =	sshll.u32 s13, $0x4;
	s11 =	sand.u32 $0x1FFFFFF0, s11;
	v44 =	vnsel vm14, $0x0, v13;
	s25 =	sadd.s32 s2, s16;
	(v2sf) =	vpush v39, $0xF;
	v45, _, _ =	vpop (xrf0);
	(xrf0) =	vmax.scan.msk.u32 $0xffff, v43  }
0x255: {  	v47 =	vsel vm15, $0x0, v13;
	v46 =	vxor.u32 $0x80000000, v44;
	(v2sf) =	vpush v42, $0xF;
	v48, _, _ =	vpop (xrf0);
	[tilespmem:s12], [sflag:$0x2] =	stream.linear.gather [hbm4b:s25+s3], $0x80, $0x38;
	[tilespmem:$0x18000] =	vst v63  }
0x256: {  	s0 =	sadd.s32 s2, s0;
	s13 =	sand.u32 $0x1FFFFFF0, s13;
	v50 =	vxor.u32 $0x80000000, v47;
	s22 =	sadd.s32 $0x500, s15;
	(v2sf) =	vpush v45, $0xF;
	v51, _, _ =	vpop (xrf0);
	(xrf0) =	vmax.scan.msk.u32 $0xffff, v46  }
0x257: {  	v49 =	vsel vm0, $0x0, v13;
	s28 =	sadd.s32 s2, s11;
	s11 =	sand.u32 $0x1FFFFFF0, s5;
	s26 =	sadd.s32 s2, s13;
	(v2sf) =	vpush v48, $0xF;
	v53, _, _ =	vpop (xrf0);
	(xrf0) =	vmax.scan.msk.u32 $0xffff, v50  }
0x258: {  	v52 =	vxor.u32 $0x80000000, v49;
	(v2sf) =	vpush v51, $0xF;
	[tilespmem:s4], [sflag:$0x2] =	stream.linear.gather [hbm4b:s26+s3], $0x80, $0x38;
	[tilespmem:$0x18000] =	vst v63  }
0x259: {  	[dreg:$0x11] =	wrdreg s22;
	s13 =	sadd.s32 $0xFFFFFC80, s1;
	s21 =	sadd.s32 $0x480, s15;
	(xrf0) =	vmax.scan.msk.u32 $0xffff, v52;
	v54, _, _ =	vpop (xrf0);
	(v2sf) =	vpush v53, $0xF  }
0x25a: {  	[dreg:$0x16] =	wrdreg s21;
	s21 =	sadd.s32 $0x80, s15;
	s17 =	sadd.s32 $0x20, s8;
	v55, _, _ =	vpop (xrf0);
	(v2sf) =	vpush v54, $0xF  }
0x25b: {  	[tilespmem:s9], [sflag:$0x2] =	stream.linear.gather [hbm4b:s28+s3], $0x80, $0x38;
	v56, _, _ =	vpop (xrf0);
	(v2sf) =	vpush v55, $0xF;
	[tilespmem:$0x18000] =	vst v63  }
0x25c: {  	s19 =	sadd.s32 $0x780, s15;
	[dreg:$0x5] =	wrdreg s17;
	s12 =	spop (v2sf);
	v57, _, _ =	vpop (xrf0);
	(v2sf) =	vpush v56, $0xF  }
0x25d: {  	[tilespmem:s7], [sflag:$0x2] =	stream.linear.gather [hbm4b:s0+s3], $0x80, $0x38;
	(v2sf) =	vpush v57, $0xF;
	v58, _, _ =	vpop (xrf0);
	[tilespmem:$0x18000] =	vst v63  }
0x25e: {  	[smem:$0x7EC] =	sst s19;
	s4 =	sadd.s32 s2, s11;
	s14 =	spop (v2sf);
	(v2sf) =	vpush v58, $0xF;
	v59, _, _ =	vpop (xrf0)  }
0x25f: {  	[tilespmem:s13], [sflag:$0x2] =	stream.linear.gather [hbm4b:s4+s3], $0x80, $0x38;
	v60, _, _ =	vpop (xrf0);
	(v2sf) =	vpush v59, $0xF;
	[tilespmem:$0x18000] =	vst v63  }
0x260: {  	s8 =	sadd.s32 $0x700, s15;
	[smem:$0x7EA] =	sst s12;
	(v2sf) =	vpush v60, $0xF;
	s12 =	spop (v2sf)  }
0x261: {  	s19 =	sadd.s32 $0x180, s15;
	s24 =	sadd.s32 $0x280, s15;
	s18 =	spop (v2sf)  }
0x262: {  	s17 =	sadd.s32 $0x200, s15;
	[smem:$0x7EF] =	sst s24;
	s16 =	spop (v2sf)  }
0x263: {  	s24 =	sadd.s32 $0x2, s10;
	s10 =	sadd.s32 $0xFFFFFD80, s1;
	s29 =	spop (v2sf)  }
0x264: {  	[dreg:$0xf] =	wrdreg s10;
	s10 =	sadd.s32 $0xFFFFFD00, s1;
	s20 =	spop (v2sf)  }
0x265: {  	p0 =	slt.u32 s24, $0x6;
	[dreg:$0x15] =	wrdreg s10;
	s7 =	spop (v2sf)  }
0x266: {  	s26 =	sadd.s32 $0x600, s15;
	s28 =	sadd.s32 $0x680, s15;
	s23 =	spop (v2sf)  }
0x267: {  	s9 =	sadd.s32 $0x300, s15;
	[smem:$0x7ED] =	sst s16;
	s16 =	spop (v2sf)  }
0x268: {  	[smem:$0x7EB] =	sst s14;
	s14 =	sadd.s32 $0x100, s15;
	s25 =	spop (v2sf)  }
0x269: {  	s0 =	sadd.s32 $0x400, s15;
	[dreg:$0x9] =	wrdreg s20;
	s20 =	spop (v2sf)  }
0x26a: {  	[dreg:$0x10] =	wrdreg s23;
	s23 =	sadd.s32 $0xFFFFFE00, s1;
	s11 =	spop (v2sf)  }
0x26b: {  	s4 =	sadd.s32 $0x380, s15;
	[dreg:$0xa] =	wrdreg s23;
	s22 =	spop (v2sf)  }
0x26c: {  	[smem:$0x7EE] =	sst s25;
	s25 =	sadd.s32 $0xFFFFFF00, s1;
	s5 =	spop (v2sf)  }
0x26d: {  	s11 =	sshll.u32 s11, $0x4;
	s13 =	spop (v2sf);
	s5 =	sshll.u32 s5, $0x4  }
0x26e: {  	s13 =	sshll.u32 s13, $0x4;
	s23 =	spop (v2sf);
	s5 =	sand.u32 $0x1FFFFFF0, s5  }
0x26f: {  	s13 =	sand.u32 $0x1FFFFFF0, s13;
	s10 =	sshll.u32 s23, $0x4;
	s23 =	spop (v2sf)  }
0x270: {  	s13 =	sadd.s32 s2, s13;
	s10 =	sand.u32 $0x1FFFFFF0, s10;
	s23 =	sshll.u32 s23, $0x4  }
0x271: {  	[tilespmem:s15], [sflag:$0x2] =	stream.linear.gather [hbm4b:s13+s6], $0x80, $0x38;
	[tilespmem:$0x18000] =	vst v63  }
0x272: {  	s10 =	sadd.s32 s2, s10;
	s15 =	sand.u32 $0x1FFFFFF0, s23;
	s23 =	smov.u32 s18  }
0x273: {  	s18 =	sshll.u32 s22, $0x4;
	s13 =	smov.u32 s8;
	s8 =	rddreg [dreg:$0x5]  }
0x274: {  	s22 =	smov.u32 s28;
	s28 =	sand.u32 $0x1FFFFFF0, s18;
	s18 =	sld [smem:$0x7EE]  }
0x275: {  	[tilespmem:s21], [sflag:$0x2] =	stream.linear.gather [hbm4b:s10+s6], $0x80, $0x38;
	[tilespmem:$0x18000] =	vst v63  }
0x276: {  	s21 =	smov.u32 s12;
	s12 =	sand.u32 $0x1FFFFFF0, s11;
	s11 =	sld [smem:$0x7EC]  }
0x277: {  	s15 =	sadd.s32 s2, s15;
	s10 =	sadd.s32 s2, s28;
	s28 =	sld [smem:$0x7EF]  }
0x278: {  	[tilespmem:s14], [sflag:$0x2] =	stream.linear.gather [hbm4b:s15+s6], $0x80, $0x38;
	[tilespmem:$0x18000] =	vst v63  }
0x279: {  	v61 =	vsel vm8, $0x0, v0;
	s5 =	sadd.s32 s2, s5;
	s14 =	rddreg [dreg:$0x4];
	s15 =	sshll.u32 s20, $0x4  }
0x27a: {  	v1 =	vxor.u32 $0x80000000, v61;
	[tilespmem:s19], [sflag:$0x2] =	stream.linear.gather [hbm4b:s5+s6], $0x80, $0x38;
	[tilespmem:$0x18000] =	vst v63  }
.Ltmp3:
0x27b: {  	v62 =	vsel vm9, $0x0, v0;
	(xrf0) =	vmax.scan.msk.u32 $0xffff, v1;
	s20 =	sld [smem:$0x7EA];
	s15 =	sand.u32 $0x1FFFFFF0, s15;
	(pc) =	sbr.rel @p0 .LBB2_4-.Ltmp3, $4  }
0x27c: {  	v0 =	vsel vm10, $0x0, v0;
	v63 =	vxor.u32 $0x80000000, v62;
	[tilespmem:s17], [sflag:$0x2] =	stream.linear.gather [hbm4b:s10+s6], $0x80, $0x38;
	[tilespmem:$0x18000] =	vst v63  }
0x27d: {  	v0 =	vxor.u32 $0x80000000, v0;
	(xrf0) =	vmax.scan.msk.u32 $0xffff, v63;
	s5 =	sadd.s32 s2, s12;
	s19 =	sld [smem:$0x7ED];
	s17 =	smov.u32 s16  }
0x27e: {  	(xrf0) =	vmax.scan.msk.u32 $0xffff, v0;
	s10 =	smov.u32 s24;
	s24 =	sld [smem:$0x7EB];
	s16 =	sshll.u32 s18, $0x4  }
0x27f: {  	[tilespmem:s28], [sflag:$0x2] =	stream.linear.gather [hbm4b:s5+s6], $0x80, $0x38;
	[tilespmem:$0x18000] =	vst v63  }
0x280: {  	_ = 	snop  }
0x281: {  	v0, _, _ =	vpop (xrf0)  }
0x282: {  	(v2sf) =	vpush v0, $0xF;
	_ =	sdelay $0x1  }
0x283: {  	v32, _, _ =	vpop (xrf0)  }
0x284: {  	(v2sf) =	vpush v32, $0xF;
	_ =	sdelay $0x2  }
0x285: {  	v33, _, _ =	vpop (xrf0)  }
0x286: {  	(v2sf) =	vpush v33, $0xF  }
0x287: {  	s5 =	sadd.s32 s2, s15;
	s10 =	sand.u32 $0x1FFFFFF0, s16  }
0x288: {  	[tilespmem:s9], [sflag:$0x2] =	stream.linear.gather [hbm4b:s5+s6], $0x80, $0x38;
	[tilespmem:$0x18000] =	vst v63  }
0x289: {  	s12 =	sshll.u32 s17, $0x4;
	s5 =	sadd.s32 s2, s10  }
0x28a: {  	[tilespmem:s4], [sflag:$0x2] =	stream.linear.gather [hbm4b:s5+s6], $0x80, $0x38;
	[tilespmem:$0x18000] =	vst v63  }
0x28b: {  	s4 =	sand.u32 $0x1FFFFFF0, s12  }
0x28c: {  	s4 =	sadd.s32 s2, s4  }
0x28d: {  	[tilespmem:s0], [sflag:$0x2] =	stream.linear.gather [hbm4b:s4+s6], $0x80, $0x38;
	[tilespmem:$0x18000] =	vst v63  }
0x28e: {  	s15 =	spop (v2sf)  }
0x28f: {  	s0 =	sshll.u32 s15, $0x4  }
0x290: {  	s0 =	sand.u32 $0x1FFFFFF0, s0  }
0x291: {  	s4 =	rddreg [dreg:$0x15];
	s16 =	spop (v2sf);
	s0 =	sadd.s32 s2, s0  }
0x292: {  	[tilespmem:s4], [sflag:$0x2] =	stream.linear.gather [hbm4b:s0+s3], $0x80, $0x38;
	[tilespmem:$0x18000] =	vst v63  }
0x293: {  	s0 =	sshll.u32 s16, $0x4  }
0x294: {  	s0 =	sand.u32 $0x1FFFFFF0, s0  }
0x295: {  	s17 =	spop (v2sf);
	s4 =	rddreg [dreg:$0xf];
	s0 =	sadd.s32 s2, s0  }
0x296: {  	[tilespmem:s4], [sflag:$0x2] =	stream.linear.gather [hbm4b:s0+s3], $0x80, $0x38;
	[tilespmem:$0x18000] =	vst v63  }
0x297: {  	s0 =	sshll.u32 s17, $0x4  }
0x298: {  	s0 =	sand.u32 $0x1FFFFFF0, s0  }
0x299: {  	s18 =	sshll.u32 s24, $0x4;
	s4 =	rddreg [dreg:$0xa];
	s0 =	sadd.s32 s2, s0  }
0x29a: {  	[tilespmem:s4], [sflag:$0x2] =	stream.linear.gather [hbm4b:s0+s3], $0x80, $0x38;
	[tilespmem:$0x18000] =	vst v63  }
0x29b: {  	s0 =	sand.u32 $0x1FFFFFF0, s18  }
0x29c: {  	s24 =	sshll.u32 s20, $0x4;
	s0 =	sadd.s32 s2, s0  }
0x29d: {  	[tilespmem:s30], [sflag:$0x2] =	stream.linear.gather [hbm4b:s0+s3], $0x80, $0x38;
	[tilespmem:$0x18000] =	vst v63  }
0x29e: {  	s0 =	sand.u32 $0x1FFFFFF0, s24  }
0x29f: {  	s0 =	sadd.s32 s2, s0  }
0x2a0: {  	[tilespmem:s25], [sflag:$0x2] =	stream.linear.gather [hbm4b:s0+s3], $0x80, $0x38;
	[tilespmem:$0x18000] =	vst v63  }
0x2a1: {  	s0 =	rddreg [dreg:$0x7]  }
0x2a2: {  	s0 =	sshll.u32 s0, $0x4  }
0x2a3: {  	s0 =	sand.u32 $0x1FFFFFF0, s0  }
0x2a4: {  	s25 =	sadd.s32 $0xFFFFFF80, s1;
	s0 =	sadd.s32 s2, s0  }
0x2a5: {  	[tilespmem:s25], [sflag:$0x2] =	stream.linear.gather [hbm4b:s0+s3], $0x80, $0x38;
	[tilespmem:$0x18000] =	vst v63  }
0x2a6: {  	s0 =	rddreg [dreg:$0x10];
	v34 =	vld [tilespmem:s14+$0x0]  }
0x2a7: {  	s28 =	sshll.u32 s7, $0x4;
	s0 =	sshll.u32 s0, $0x4  }
0x2a8: {  	s4 =	sand.u32 $0x1FFFFFF0, s28;
	s5 =	rddreg [dreg:$0x9];
	s0 =	sand.u32 $0x1FFFFFF0, s0  }
0x2a9: {  	s30 =	rddreg [dreg:$0x16];
	s5 =	sshll.u32 s5, $0x4;
	s0 =	sadd.s32 s2, s0  }
0x2aa: {  	[tilespmem:s30], [sflag:$0x2] =	stream.linear.gather [hbm4b:s0+s6], $0x80, $0x38;
	[tilespmem:$0x18000] =	vst v63  }
0x2ab: {  	s4 =	sadd.s32 s2, s4;
	s7 =	sand.u32 $0x1FFFFFF0, s5;
	s8 =	rddreg [dreg:$0x11];
	v1 =	vsel vm13, $0x0, v34  }
0x2ac: {  	[tilespmem:s8], [sflag:$0x2] =	stream.linear.gather [hbm4b:s4+s6], $0x80, $0x38;
	v1 =	vxor.u32 $0x80000000, v1;
	[tilespmem:$0x18000] =	vst v63  }
0x2ad: {  	s9 =	sadd.s32 s2, s7;
	v2 =	vsel vm12, $0x0, v34;
	(xrf0) =	vmax.scan.msk.u32 $0xffff, v1  }
0x2ae: {  	v3 =	vsel vm11, $0x0, v34;
	v2 =	vxor.u32 $0x80000000, v2;
	[tilespmem:s31], [sflag:$0x2] =	stream.linear.gather [hbm4b:s9+s6], $0x80, $0x38;
	[tilespmem:$0x18000] =	vst v63  }
0x2af: {  	v35 =	vsel vm10, $0x0, v34;
	v3 =	vxor.u32 $0x80000000, v3;
	(xrf0) =	vmax.scan.msk.u32 $0xffff, v2  }
0x2b0: {  	v36 =	vsel vm9, $0x0, v34;
	v1 =	vxor.u32 $0x80000000, v35;
	(xrf0) =	vmax.scan.msk.u32 $0xffff, v3  }
0x2b1: {  	v37 =	vsel vm8, $0x0, v34;
	v2 =	vxor.u32 $0x80000000, v36;
	(xrf0) =	vmax.scan.msk.u32 $0xffff, v1  }
0x2b2: {  	v38 =	vsel vm7, $0x0, v34;
	v3 =	vxor.u32 $0x80000000, v37;
	(xrf0) =	vmax.scan.msk.u32 $0xffff, v2  }
0x2b3: {  	v39 =	vsel vm6, $0x0, v34;
	v1 =	vxor.u32 $0x80000000, v38;
	(xrf0) =	vmax.scan.msk.u32 $0xffff, v3  }
0x2b4: {  	v40 =	vsel vm5, $0x0, v34;
	v2 =	vxor.u32 $0x80000000, v39;
	(xrf0) =	vmax.scan.msk.u32 $0xffff, v1;
	v41, _, _ =	vpop (xrf0)  }
0x2b5: {  	v4 =	vsel vm4, $0x0, v34;
	v3 =	vxor.u32 $0x80000000, v40;
	(xrf0) =	vmax.scan.msk.u32 $0xffff, v2;
	v42, _, _ =	vpop (xrf0);
	(v2sf) =	vpush v41, $0xF  }
0x2b6: {  	v43 =	vsel vm3, $0x0, v34;
	v4 =	vxor.u32 $0x80000000, v4;
	(xrf0) =	vmax.scan.msk.u32 $0xffff, v3;
	v44, _, _ =	vpop (xrf0);
	(v2sf) =	vpush v42, $0xF  }
0x2b7: {  	v45 =	vsel vm2, $0x0, v34;
	v1 =	vxor.u32 $0x80000000, v43;
	(xrf0) =	vmax.scan.msk.u32 $0xffff, v4;
	v46, _, _ =	vpop (xrf0);
	(v2sf) =	vpush v44, $0xF  }
0x2b8: {  	v47 =	vsel vm1, $0x0, v34;
	v2 =	vxor.u32 $0x80000000, v45;
	(xrf0) =	vmax.scan.msk.u32 $0xffff, v1;
	v48, _, _ =	vpop (xrf0);
	(v2sf) =	vpush v46, $0xF  }
0x2b9: {  	v49 =	vnsel vm14, $0x0, v34;
	v3 =	vxor.u32 $0x80000000, v47;
	(xrf0) =	vmax.scan.msk.u32 $0xffff, v2;
	v50, _, _ =	vpop (xrf0);
	(v2sf) =	vpush v48, $0xF  }
0x2ba: {  	s10 =	sshll.u32 s29, $0x4;
	v52 =	vsel vm15, $0x0, v34;
	v51 =	vxor.u32 $0x80000000, v49;
	(xrf0) =	vmax.scan.msk.u32 $0xffff, v3;
	v53, _, _ =	vpop (xrf0);
	(v2sf) =	vpush v50, $0xF  }
0x2bb: {  	s12 =	sshll.u32 s19, $0x4;
	s0 =	sand.u32 $0x1FFFFFF0, s10;
	v54 =	vxor.u32 $0x80000000, v52;
	v55, _, _ =	vpop (xrf0);
	(v2sf) =	vpush v53, $0xF;
	(xrf0) =	vmax.scan.msk.u32 $0xffff, v51  }
0x2bc: {  	s14 =	sshll.u32 s23, $0x4;
	s0 =	sadd.s32 s2, s0;
	s4 =	sand.u32 $0x1FFFFFF0, s12;
	v56, _, _ =	vpop (xrf0);
	(v2sf) =	vpush v55, $0xF;
	(xrf0) =	vmax.scan.msk.u32 $0xffff, v54  }
0x2bd: {  	[tilespmem:s26], [sflag:$0x2] =	stream.linear.gather [hbm4b:s0+s6], $0x80, $0x38;
	v57, _, _ =	vpop (xrf0);
	(v2sf) =	vpush v56, $0xF;
	[tilespmem:$0x18000] =	vst v63  }
0x2be: {  	s17 =	sshll.u32 s21, $0x4;
	s16 =	sand.u32 $0x1FFFFFF0, s14;
	s15 =	sadd.s32 s2, s4;
	v58, _, _ =	vpop (xrf0);
	(v2sf) =	vpush v57, $0xF  }
0x2bf: {  	[tilespmem:s22], [sflag:$0x2] =	stream.linear.gather [hbm4b:s15+s6], $0x80, $0x38;
	v59, _, _ =	vpop (xrf0);
	(v2sf) =	vpush v58, $0xF;
	[tilespmem:$0x18000] =	vst v63  }
0x2c0: {  	s19 =	sand.u32 $0x1FFFFFF0, s17;
	s18 =	sadd.s32 s2, s16;
	v0 =	vsel vm0, $0x0, v34;
	v60, _, _ =	vpop (xrf0);
	(v2sf) =	vpush v59, $0xF  }
0x2c1: {  	v0 =	vxor.u32 $0x80000000, v0;
	[tilespmem:s13], [sflag:$0x2] =	stream.linear.gather [hbm4b:s18+s6], $0x80, $0x38;
	(v2sf) =	vpush v60, $0xF;
	v61, _, _ =	vpop (xrf0);
	[tilespmem:$0x18000] =	vst v63  }
0x2c2: {  	s20 =	sadd.s32 s2, s19;
	(xrf0) =	vmax.scan.msk.u32 $0xffff, v0;
	(v2sf) =	vpush v61, $0xF;
	v62, _, _ =	vpop (xrf0)  }
0x2c3: {  	[tilespmem:s11], [sflag:$0x2] =	stream.linear.gather [hbm4b:s20+s6], $0x80, $0x38;
	(v2sf) =	vpush v62, $0xF;
	[tilespmem:$0x18000] =	vst v63  }
0x2c4: {  	s0 =	spop (v2sf)  }
0x2c5: {  	s4 =	spop (v2sf)  }
0x2c6: {  	s5 =	spop (v2sf)  }
0x2c7: {  	s6 =	spop (v2sf)  }
0x2c8: {  	v63, _, _ =	vpop (xrf0);
	s7 =	spop (v2sf)  }
0x2c9: {  	(v2sf) =	vpush v63, $0xF;
	s8 =	spop (v2sf)  }
0x2ca: {  	s9 =	spop (v2sf)  }
0x2cb: {  	s10 =	spop (v2sf)  }
0x2cc: {  	s19 =	sadd.s32 $0x280, s1;
	s21 =	spop (v2sf)  }
0x2cd: {  	s28 =	sadd.s32 $0x80, s1;
	s30 =	sadd.s32 $0x100, s1;
	s12 =	spop (v2sf)  }
0x2ce: {  	s31 =	simm.s32 $0x0;
	s18 =	sadd.s32 $0x200, s1;
	s22 =	spop (v2sf)  }
0x2cf: {  	s20 =	sadd.s32 $0x300, s1;
	s0 =	sshll.u32 s0, $0x4;
	s23 =	spop (v2sf)  }
0x2d0: {  	s4 =	sshll.u32 s4, $0x4;
	s0 =	sand.u32 $0x1FFFFFF0, s0;
	s24 =	spop (v2sf)  }
0x2d1: {  	s5 =	sshll.u32 s5, $0x4;
	s4 =	sand.u32 $0x1FFFFFF0, s4;
	s25 =	spop (v2sf)  }
0x2d2: {  	s0 =	sadd.s32 s2, s0;
	s16 =	sshll.u32 s25, $0x4;
	s26 =	spop (v2sf)  }
0x2d3: {  	s6 =	sshll.u32 s6, $0x4;
	s16 =	sand.u32 $0x1FFFFFF0, s16;
	s17 =	sshll.u32 s26, $0x4  }
0x2d4: {  	s5 =	sand.u32 $0x1FFFFFF0, s5;
	s16 =	sadd.s32 s2, s16;
	s17 =	sand.u32 $0x1FFFFFF0, s17  }
0x2d5: {  	[tilespmem:s1], [sflag:$0x2] =	stream.linear.gather [hbm4b:s16+s3], $0x80, $0x38;
	[tilespmem:$0x18000] =	vst v63  }
0x2d6: {  	s4 =	sadd.s32 s2, s4;
	s7 =	sshll.u32 s7, $0x4;
	s17 =	sadd.s32 s2, s17  }
0x2d7: {  	[tilespmem:s28], [sflag:$0x2] =	stream.linear.gather [hbm4b:s17+s3], $0x80, $0x38;
	[tilespmem:$0x18000] =	vst v63  }
0x2d8: {  	s6 =	sand.u32 $0x1FFFFFF0, s6;
	s5 =	sadd.s32 s2, s5;
	s29 =	spop (v2sf)  }
0x2d9: {  	s8 =	sshll.u32 s8, $0x4;
	s9 =	sshll.u32 s9, $0x4;
	s16 =	sshll.u32 s29, $0x4  }
0x2da: {  	s13 =	sshll.u32 s22, $0x4;
	s15 =	sshll.u32 s24, $0x4;
	s16 =	sand.u32 $0x1FFFFFF0, s16  }
0x2db: {  	s14 =	sshll.u32 s23, $0x4;
	s15 =	sand.u32 $0x1FFFFFF0, s15;
	s16 =	sadd.s32 s2, s16  }
0x2dc: {  	[tilespmem:s30], [sflag:$0x2] =	stream.linear.gather [hbm4b:s16+s3], $0x80, $0x38;
	[tilespmem:$0x18000] =	vst v63  }
0x2dd: {  	s14 =	sand.u32 $0x1FFFFFF0, s14;
	s15 =	sadd.s32 s2, s15;
	s17 =	sadd.s32 $0x180, s1  }
0x2de: {  	[tilespmem:s17], [sflag:$0x2] =	stream.linear.gather [hbm4b:s15+s3], $0x80, $0x38;
	[tilespmem:$0x18000] =	vst v63  }
0x2df: {  	s12 =	sshll.u32 s12, $0x4;
	s13 =	sand.u32 $0x1FFFFFF0, s13;
	s14 =	sadd.s32 s2, s14  }
0x2e0: {  	[tilespmem:s18], [sflag:$0x2] =	stream.linear.gather [hbm4b:s14+s3], $0x80, $0x38;
	[tilespmem:$0x18000] =	vst v63  }
0x2e1: {  	s11 =	sshll.u32 s21, $0x4;
	s12 =	sand.u32 $0x1FFFFFF0, s12;
	s13 =	sadd.s32 s2, s13  }
0x2e2: {  	[tilespmem:s19], [sflag:$0x2] =	stream.linear.gather [hbm4b:s13+s3], $0x80, $0x38;
	[tilespmem:$0x18000] =	vst v63  }
0x2e3: {  	s10 =	sshll.u32 s10, $0x4;
	s11 =	sand.u32 $0x1FFFFFF0, s11;
	s12 =	sadd.s32 s2, s12  }
0x2e4: {  	[tilespmem:s20], [sflag:$0x2] =	stream.linear.gather [hbm4b:s12+s3], $0x80, $0x38;
	[tilespmem:$0x18000] =	vst v63  }
0x2e5: {  	s21 =	sadd.s32 $0x380, s1;
	s10 =	sand.u32 $0x1FFFFFF0, s10;
	s11 =	sadd.s32 s2, s11  }
0x2e6: {  	[tilespmem:s21], [sflag:$0x2] =	stream.linear.gather [hbm4b:s11+s3], $0x80, $0x38;
	[tilespmem:$0x18000] =	vst v63  }
0x2e7: {  	s9 =	sand.u32 $0x1FFFFFF0, s9;
	s10 =	sadd.s32 s2, s10;
	s22 =	sadd.s32 $0x400, s1  }
0x2e8: {  	[tilespmem:s22], [sflag:$0x2] =	stream.linear.gather [hbm4b:s10+s3], $0x80, $0x38;
	[tilespmem:$0x18000] =	vst v63  }
0x2e9: {  	s8 =	sand.u32 $0x1FFFFFF0, s8;
	s9 =	sadd.s32 s2, s9;
	s23 =	sadd.s32 $0x480, s1  }
0x2ea: {  	[tilespmem:s23], [sflag:$0x2] =	stream.linear.gather [hbm4b:s9+s3], $0x80, $0x38;
	[tilespmem:$0x18000] =	vst v63  }
0x2eb: {  	s7 =	sand.u32 $0x1FFFFFF0, s7;
	s8 =	sadd.s32 s2, s8;
	s24 =	sadd.s32 $0x500, s1  }
0x2ec: {  	[tilespmem:s24], [sflag:$0x2] =	stream.linear.gather [hbm4b:s8+s3], $0x80, $0x38;
	[tilespmem:$0x18000] =	vst v63  }
0x2ed: {  	s6 =	sadd.s32 s2, s6;
	s7 =	sadd.s32 s2, s7;
	s26 =	sadd.s32 $0x580, s1  }
0x2ee: {  	[tilespmem:s26], [sflag:$0x2] =	stream.linear.gather [hbm4b:s7+s3], $0x80, $0x38;
	[tilespmem:$0x18000] =	vst v63  }
0x2ef: {  	s25 =	sadd.s32 $0x680, s1;
	s28 =	sadd.s32 $0x600, s1;
	s29 =	sadd.s32 $0x700, s1  }
0x2f0: {  	[tilespmem:s28], [sflag:$0x2] =	stream.linear.gather [hbm4b:s6+s3], $0x80, $0x38;
	[tilespmem:$0x18000] =	vst v63  }
0x2f1: {  	s30 =	sadd.s32 $0x780, s1;
	s16 =	smov.u32 s3;
	s15 =	simm.s32 $0x1CB0  }
0x2f2: {  	[tilespmem:s25], [sflag:$0x2] =	stream.linear.gather [hbm4b:s5+s3], $0x80, $0x38;
	[tilespmem:$0x18000] =	vst v63  }
.Ltmp4:
0x2f3: {  	s14 =	simm.s32 $0x80;
	s13 =	simm.s32 $0x5C20;
	(pc) =	sbr.rel .LBB2_6-.Ltmp4, $4  }
0x2f4: {  	s20 =	simm.s32 $0x190;
	s12 =	simm.s32 $0x81;
	s11 =	simm.s32 $0x5C80  }
0x2f5: {  	[tilespmem:s29], [sflag:$0x2] =	stream.linear.gather [hbm4b:s4+s3], $0x80, $0x38;
	[tilespmem:$0x18000] =	vst v63  }
0x2f6: {  	s22 =	simm.s32 $0x110;
	s9 =	simm.s32 $0x1;
	s8 =	simm.s32 $0x1C00  }
0x2f7: {  	[tilespmem:s30], [sflag:$0x2] =	stream.linear.gather [hbm4b:s0+s3], $0x80, $0x38;
	[tilespmem:$0x18000] =	vst v63  }
.LBB2_18:
0x2f8: {  	s0 =	sld [smem:$0x7FB]  }
0x2f9: {  	s1 =	sld [smem:$0x7F9]  }
0x2fa: {  	s30 =	sld [smem:$0x7E7]  }
0x2fb: {  	s29 =	simm.s32 $0x14000;
	s16 =	sadd.s32 $0x1, s16;
	s3 =	sld [smem:$0x7E6]  }
0x2fc: {  	s15 =	sadd.s32 $0x8000, s15;
	s9 =	sld [smem:$0x7E8];
	s22 =	sadd.s32 $0x100, s22  }
0x2fd: {  	s13 =	sadd.s32 $0x8000, s13;
	s14 =	sadd.s32 $0x100, s14;
	p0 =	sne.s32 s16, $0x19  }
.Ltmp5:
0x2fe: {  	s11 =	sld [smem:$0x7E9];
	s12 =	sadd.s32 $0x100, s12;
	(pc) =	sbr.rel @!p0 .LBB2_19-.Ltmp5, $4  }
0x2ff: {  	s20 =	sadd.s32 $0x100, s20;
	s2 =	sld [smem:$0x7FD];
	s0 =	sadd.s32 s0, s8  }
0x300: {  	s8 =	sadd.s32 $0x8000, s30;
	s3 =	sadd.s32 $0x100, s3;
	s0 =	sshll.u32 s0, $0x4  }
0x301: {  	s9 =	sadd.s32 $0x100, s9;
	s11 =	sadd.s32 $0x8000, s11;
	s0 =	sadd.s32 s1, s0  }
0x302: {  	[hbm4b:s0+s31] =	stream.linear.scatter [tilespmem:s29], [sflag:$0x4], $0x4000, $0x38;
	[tilespmem:$0x18000] =	vst v63  }
.LBB2_6:
0x303: {  	s0 =	smulhi.u32 $0x51EB851F, s3;
	_ =	sdelay $0x1  }
0x304: {  	s0 =	sshrl.u32 s0, $0x6  }
0x305: {  	s4 =	smul.u32 $0xC8, s0  }
0x306: {  	[smem:$0x7E6] =	sst s3;
	s24 =	simm.s32 $0x1  }
0x307: {  	_ =	swait.ge [sflag:s24], $0x4000;
	s7 =	ssub.s32 s3, s4  }
0x308: {  	p0 =	seq.s32 s16, $0x0;
	[sflag:s24] =	ssyncset.done $0x0;
	s1 =	smulhi.u32 $0x51EB851F, s7  }
0x309: {  	s5 =	simm.s32 @!p0 $0x3;
	[sflag:s24] =	ssyncadd.s32 $0xFFFFC000  }
0x30a: {  	s0 =	smul.u32 $0xFFFE7000, s0;
	_ =	swait.ge @!p0 [sflag:s5], $0x4000;
	s1 =	sshrl.u32 s1, $0x6  }
0x30b: {  	[sflag:s5] =	ssyncset.done @!p0 $0x0;
	s6 =	smul.u32 $0xFFFE7000, s1  }
0x30c: {  	s0 =	sshra.s32 s0, $0x2;
	[sflag:s5] =	ssyncadd.s32 @!p0 $0xFFFFC000;
	s1 =	simm.s32 $0x0  }
0x30d: {  	s5 =	sadd.s32 s0, s8;
	v0 =	vld [tilespmem:s1+$0x8000];
	s6 =	sshra.s32 s6, $0x2  }
0x30e: {  	[smem:$0x7E7] =	sst s8;
	s8 =	sadd.s32 s6, s5  }
0x30f: {  	v1 =	vld [tilespmem:s8+$0x0];
	_ =	sdelay $0x2  }
0x310: {  	v0 =	vmul.f32 $8.000000000e+00, v0;
	_ =	sdelay $0x1  }
0x311: {  	v0 =	vadd.f32 v1, v0  }
0x312: {  	v1 =	vld [tilespmem:s1+$0x8010]  }
0x313: {  	[tilespmem:s1+$0x10000] =	vst v0  }
0x314: {  	v0 =	vld [tilespmem:s8+$0x10];
	_ =	sdelay $0x2  }
0x315: {  	v1 =	vmul.f32 $8.000000000e+00, v1;
	_ =	sdelay $0x1  }
0x316: {  	v0 =	vadd.f32 v0, v1  }
0x317: {  	v1 =	vld [tilespmem:s1+$0x8020]  }
0x318: {  	[tilespmem:s1+$0x10010] =	vst v0  }
0x319: {  	v0 =	vld [tilespmem:s8+$0x20];
	_ =	sdelay $0x2  }
0x31a: {  	v1 =	vmul.f32 $8.000000000e+00, v1;
	_ =	sdelay $0x1  }
0x31b: {  	v0 =	vadd.f32 v0, v1  }
0x31c: {  	v1 =	vld [tilespmem:s1+$0x8030]  }
0x31d: {  	[tilespmem:s1+$0x10020] =	vst v0  }
0x31e: {  	s6 =	ssub.s32 s9, s4;
	v0 =	vld [tilespmem:s8+$0x30]  }
0x31f: {  	s4 =	smulhi.u32 $0x51EB851F, s6;
	_ =	sdelay $0x1  }
0x320: {  	s4 =	sshrl.u32 s4, $0x6;
	v1 =	vmul.f32 $8.000000000e+00, v1  }
0x321: {  	s25 =	smul.u32 $0xFFFE7000, s4  }
0x322: {  	v0 =	vadd.f32 v0, v1  }
0x323: {  	s4 =	sadd.s32 s0, s15;
	s26 =	sshra.s32 s25, $0x2;
	v1 =	vld [tilespmem:s1+$0x8080]  }
0x324: {  	s28 =	sadd.s32 s26, s4;
	[tilespmem:s1+$0x10030] =	vst v0  }
0x325: {  	v0 =	vld [tilespmem:s28+$0xFFFFFFD0];
	_ =	sdelay $0x2  }
0x326: {  	v1 =	vmul.f32 $8.000000000e+00, v1;
	_ =	sdelay $0x1  }
0x327: {  	v0 =	vadd.f32 v0, v1  }
0x328: {  	v1 =	vld [tilespmem:s1+$0x8090]  }
0x329: {  	[tilespmem:s1+$0x10080] =	vst v0  }
0x32a: {  	v0 =	vld [tilespmem:s28+$0xFFFFFFE0];
	_ =	sdelay $0x2  }
0x32b: {  	v1 =	vmul.f32 $8.000000000e+00, v1;
	_ =	sdelay $0x1  }
0x32c: {  	v0 =	vadd.f32 v0, v1  }
0x32d: {  	v1 =	vld [tilespmem:s1+$0x80A0]  }
0x32e: {  	[tilespmem:s1+$0x10090] =	vst v0  }
0x32f: {  	v0 =	vld [tilespmem:s28+$0xFFFFFFF0]  }
0x330: {  	s29 =	smulhi.u32 $0x51EB851F, s14;
	_ =	sdelay $0x1  }
0x331: {  	s0 =	sshrl.u32 s29, $0x6;
	v1 =	vmul.f32 $8.000000000e+00, v1  }
0x332: {  	s30 =	smul.u32 $0xFFFE7000, s0  }
0x333: {  	[smem:$0x7E8] =	sst s9;
	s10 =	smul.u32 $0xC8, s0;
	v1 =	vadd.f32 v0, v1  }
0x334: {  	s21 =	sshll.u32 s16, $0x8;
	[smem:$0x7E9] =	sst s11;
	v0 =	vld [tilespmem:s1+$0x80B0]  }
0x335: {  	s9 =	simm.s32 $0x800;
	s19 =	ssub.s32 s14, s10;
	s8 =	sshra.s32 s30, $0x2;
	[tilespmem:s1+$0x100A0] =	vst v1  }
0x336: {  	s3 =	sadd.s32 s8, s13;
	s17 =	sadd.s32 s8, s11;
	s8 =	sadd.s32 $0x2, s7;
	v1 =	vld [tilespmem:s28+$0x0]  }
0x337: {  	s18 =	ssub.s32 s12, s10;
	s7 =	simm.s32 $0x400;
	s10 =	smulhi.u32 $0x51EB851F, s8  }
.LBB2_7:
0x338: {  	p1 =	sne.s32 s9, $0xFC00  }
0x339: {  	s10 =	sshrl.u32 s10, $0x6;
	v0 =	vmul.f32 $8.000000000e+00, v0  }
0x33a: {  	s10 =	smul.u32 $0xFFFE7000, s10  }
0x33b: {  	s11 =	sshra.s32 s7, $0x2;
	s7 =	smov.u32 s9;
	v0 =	vadd.f32 v1, v0  }
0x33c: {  	s5 =	sadd.s32 $0x100, s5;
	s10 =	sshra.s32 s10, $0x2;
	v1 =	vld [tilespmem:s11+$0x8000]  }
0x33d: {  	s10 =	sadd.s32 s10, s5;
	[tilespmem:s1+$0x100B0] =	vst v0;
	s1 =	smov.u32 s11  }
0x33e: {  	v0 =	vld [tilespmem:s10+$0x0];
	_ =	sdelay $0x2  }
0x33f: {  	v1 =	vmul.f32 $8.000000000e+00, v1;
	_ =	sdelay $0x1  }
0x340: {  	v0 =	vadd.f32 v0, v1  }
0x341: {  	v1 =	vld [tilespmem:s1+$0x8010]  }
0x342: {  	[tilespmem:s1+$0x10000] =	vst v0  }
0x343: {  	v0 =	vld [tilespmem:s10+$0x10];
	_ =	sdelay $0x2  }
0x344: {  	v1 =	vmul.f32 $8.000000000e+00, v1;
	_ =	sdelay $0x1  }
0x345: {  	v0 =	vadd.f32 v0, v1  }
0x346: {  	v1 =	vld [tilespmem:s1+$0x8020]  }
0x347: {  	[tilespmem:s1+$0x10010] =	vst v0  }
0x348: {  	v0 =	vld [tilespmem:s10+$0x20];
	_ =	sdelay $0x2  }
0x349: {  	v1 =	vmul.f32 $8.000000000e+00, v1;
	_ =	sdelay $0x1  }
0x34a: {  	v0 =	vadd.f32 v0, v1  }
0x34b: {  	v1 =	vld [tilespmem:s1+$0x8030]  }
0x34c: {  	[tilespmem:s1+$0x10020] =	vst v0  }
0x34d: {  	s6 =	sadd.s32 $0x2, s6;
	v0 =	vld [tilespmem:s10+$0x30]  }
0x34e: {  	s10 =	smulhi.u32 $0x51EB851F, s6;
	_ =	sdelay $0x1  }
0x34f: {  	s10 =	sshrl.u32 s10, $0x6;
	v1 =	vmul.f32 $8.000000000e+00, v1  }
0x350: {  	s10 =	smul.u32 $0xFFFE7000, s10  }
0x351: {  	v0 =	vadd.f32 v0, v1  }
0x352: {  	s4 =	sadd.s32 $0x100, s4;
	s10 =	sshra.s32 s10, $0x2;
	v1 =	vld [tilespmem:s1+$0x8080]  }
0x353: {  	s10 =	sadd.s32 s10, s4;
	[tilespmem:s1+$0x10030] =	vst v0  }
0x354: {  	v0 =	vld [tilespmem:s10+$0xFFFFFFD0];
	_ =	sdelay $0x2  }
0x355: {  	v1 =	vmul.f32 $8.000000000e+00, v1;
	_ =	sdelay $0x1  }
0x356: {  	v0 =	vadd.f32 v0, v1  }
0x357: {  	v1 =	vld [tilespmem:s1+$0x8090]  }
0x358: {  	[tilespmem:s1+$0x10080] =	vst v0  }
0x359: {  	v0 =	vld [tilespmem:s10+$0xFFFFFFE0];
	_ =	sdelay $0x2  }
0x35a: {  	v1 =	vmul.f32 $8.000000000e+00, v1;
	_ =	sdelay $0x1  }
0x35b: {  	v0 =	vadd.f32 v0, v1  }
0x35c: {  	v1 =	vld [tilespmem:s1+$0x80A0]  }
0x35d: {  	[tilespmem:s1+$0x10090] =	vst v0  }
0x35e: {  	v0 =	vld [tilespmem:s10+$0xFFFFFFF0];
	_ =	sdelay $0x2  }
0x35f: {  	v1 =	vmul.f32 $8.000000000e+00, v1;
	_ =	sdelay $0x1  }
.Ltmp6:
0x360: {  	v1 =	vadd.f32 v0, v1;
	(pc) =	sbr.rel @p1 .LBB2_7-.Ltmp6, $4  }
0x361: {  	v0 =	vld [tilespmem:s1+$0x80B0]  }
0x362: {  	[tilespmem:s1+$0x100A0] =	vst v1  }
0x363: {  	s8 =	sadd.s32 $0x2, s8;
	v1 =	vld [tilespmem:s10+$0x0]  }
0x364: {  	s9 =	sadd.s32 $0x400, s9;
	s10 =	smulhi.u32 $0x51EB851F, s8  }
0x365: {  	_ = 	snop  }
0x366: {  	s8 =	sshrl.u32 s10, $0x6;
	v0 =	vmul.f32 $8.000000000e+00, v0  }
0x367: {  	s8 =	smul.u32 $0xFFFE7000, s8  }
0x368: {  	s7 =	sshra.s32 s7, $0x2;
	v0 =	vadd.f32 v1, v0  }
0x369: {  	s5 =	sadd.s32 $0x100, s5;
	v56 =	vld [tilespmem:s7+$0x8000];
	s8 =	sshra.s32 s8, $0x2  }
0x36a: {  	s5 =	sadd.s32 s8, s5;
	[tilespmem:s1+$0x100B0] =	vst v0  }
0x36b: {  	v0 =	vld [tilespmem:s5+$0x0];
	_ =	sdelay $0x2  }
0x36c: {  	v1 =	vmul.f32 $8.000000000e+00, v56;
	_ =	sdelay $0x1  }
0x36d: {  	v0 =	vadd.f32 v0, v1  }
0x36e: {  	v57 =	vld [tilespmem:s7+$0x8010]  }
0x36f: {  	[tilespmem:s7+$0x10000] =	vst v0  }
0x370: {  	v0 =	vld [tilespmem:s5+$0x10];
	_ =	sdelay $0x2  }
0x371: {  	v1 =	vmul.f32 $8.000000000e+00, v57;
	_ =	sdelay $0x1  }
0x372: {  	v0 =	vadd.f32 v0, v1  }
0x373: {  	v58 =	vld [tilespmem:s7+$0x8020]  }
0x374: {  	[tilespmem:s7+$0x10010] =	vst v0  }
0x375: {  	v0 =	vld [tilespmem:s5+$0x20];
	_ =	sdelay $0x2  }
0x376: {  	v1 =	vmul.f32 $8.000000000e+00, v58;
	_ =	sdelay $0x1  }
0x377: {  	v0 =	vadd.f32 v0, v1  }
0x378: {  	v59 =	vld [tilespmem:s7+$0x8030]  }
0x379: {  	[tilespmem:s7+$0x10020] =	vst v0  }
0x37a: {  	s30 =	sadd.s32 $0x2, s6;
	v0 =	vld [tilespmem:s5+$0x30]  }
0x37b: {  	s1 =	smulhi.u32 $0x51EB851F, s30;
	_ =	sdelay $0x1  }
0x37c: {  	s1 =	sshrl.u32 s1, $0x6;
	v1 =	vmul.f32 $8.000000000e+00, v59  }
0x37d: {  	s1 =	smul.u32 $0xFFFE7000, s1  }
0x37e: {  	v0 =	vadd.f32 v0, v1  }
0x37f: {  	s4 =	sadd.s32 $0x100, s4;
	v60 =	vld [tilespmem:s7+$0x8080];
	s1 =	sshra.s32 s1, $0x2  }
0x380: {  	s1 =	sadd.s32 s1, s4;
	[tilespmem:s7+$0x10030] =	vst v0  }
0x381: {  	v0 =	vld [tilespmem:s1+$0xFFFFFFD0];
	_ =	sdelay $0x2  }
0x382: {  	v1 =	vmul.f32 $8.000000000e+00, v60;
	_ =	sdelay $0x1  }
0x383: {  	v0 =	vadd.f32 v0, v1  }
0x384: {  	v61 =	vld [tilespmem:s7+$0x8090]  }
0x385: {  	[tilespmem:s7+$0x10080] =	vst v0  }
0x386: {  	v0 =	vld [tilespmem:s1+$0xFFFFFFE0];
	_ =	sdelay $0x2  }
0x387: {  	v1 =	vmul.f32 $8.000000000e+00, v61;
	_ =	sdelay $0x1  }
0x388: {  	v0 =	vadd.f32 v0, v1  }
0x389: {  	v62 =	vld [tilespmem:s7+$0x80A0]  }
0x38a: {  	[tilespmem:s7+$0x10090] =	vst v0  }
0x38b: {  	v0 =	vld [tilespmem:s1+$0xFFFFFFF0];
	_ =	sdelay $0x2  }
0x38c: {  	v1 =	vmul.f32 $8.000000000e+00, v62;
	_ =	sdelay $0x1  }
0x38d: {  	v0 =	vadd.f32 v0, v1  }
0x38e: {  	v63 =	vld [tilespmem:s7+$0x80B0]  }
0x38f: {  	[tilespmem:s7+$0x100A0] =	vst v0  }
0x390: {  	v0 =	vld [tilespmem:s1+$0x0]  }
0x391: {  	[smem:$0x7DF] =	sst s20  }
0x392: {  	p1 =	seq.s32 s16, $0x18;
	[smem:$0x7E0] =	sst s12  }
.Ltmp7:
0x393: {  	[smem:$0x7E1] =	sst s13;
	v1 =	vmul.f32 $8.000000000e+00, v63;
	(pc) =	sbr.rel @p1 .LBB2_12-.Ltmp7, $4  }
0x394: {  	[smem:$0x7E2] =	sst s14  }
0x395: {  	[smem:$0x7E3] =	sst s22;
	v0 =	vadd.f32 v0, v1  }
0x396: {  	[smem:$0x7E4] =	sst s15  }
0x397: {  	[smem:$0x7E5] =	sst s16;
	[tilespmem:s7+$0x100B0] =	vst v0  }
0x398: {  	[smem:$0x7DA] =	sst s21  }
0x399: {  	[smem:$0x7DB] =	sst s19  }
0x39a: {  	[smem:$0x7DC] =	sst s3  }
0x39b: {  	[smem:$0x7DD] =	sst s18  }
0x39c: {  	[smem:$0x7DE] =	sst s17  }
0x39d: {  	v0 =	vld [tilespmem:s22+$0xFFFFFFF0];
	_ =	sdelay $0x4  }
0x39e: {  	v1 =	vsel vm15, $0x0, v0  }
0x39f: {  	v2 =	vsel vm1, $0x0, v0;
	v1 =	vxor.u32 $0x80000000, v1  }
0x3a0: {  	v3 =	vsel vm2, $0x0, v0;
	(xrf0) =	vmax.scan.msk.u32 $0xffff, v1;
	v1 =	vxor.u32 $0x80000000, v2  }
0x3a1: {  	v2 =	vxor.u32 $0x80000000, v3;
	v3 =	vsel vm5, $0x0, v0;
	(xrf0) =	vmax.scan.msk.u32 $0xffff, v1  }
0x3a2: {  	v1 =	vsel vm3, $0x0, v0;
	v3 =	vxor.u32 $0x80000000, v3;
	(xrf0) =	vmax.scan.msk.u32 $0xffff, v2;
	v2 =	vsel vm4, $0x0, v0  }
0x3a3: {  	v1 =	vxor.u32 $0x80000000, v1;
	(xrf0) =	vmax.scan.msk.u32 $0xffff, v3;
	v2 =	vxor.u32 $0x80000000, v2  }
0x3a4: {  	v3 =	vsel vm7, $0x0, v0;
	(xrf0) =	vmax.scan.msk.u32 $0xffff, v1  }
0x3a5: {  	v4 =	vsel vm11, $0x0, v0;
	v1 =	vsel vm6, $0x0, v0;
	v3 =	vxor.u32 $0x80000000, v3;
	(xrf0) =	vmax.scan.msk.u32 $0xffff, v2  }
0x3a6: {  	v4 =	vxor.u32 $0x80000000, v4;
	v1 =	vxor.u32 $0x80000000, v1;
	v2, _, _ =	vpop (xrf0);
	(xrf0) =	vmax.scan.msk.u32 $0xffff, v3;
	v3 =	vnsel vm14, $0x0, v0  }
0x3a7: {  	v5, _, _ =	vpop (xrf0);
	(xrf0) =	vmax.scan.msk.u32 $0xffff, v1;
	v1 =	vxor.u32 $0x80000000, v3  }
0x3a8: {  	v3 =	vsel vm0, $0x0, v0;
	v6, _, _ =	vpop (xrf0);
	(xrf0) =	vmax.scan.msk.u32 $0xffff, v4  }
0x3a9: {  	(v2sf) =	vpush v5, $0xF;
	v3 =	vxor.u32 $0x80000000, v3;
	v4, _, _ =	vpop (xrf0);
	(xrf0) =	vmax.scan.msk.u32 $0xffff, v1  }
0x3aa: {  	(v2sf) =	vpush v6, $0xF;
	(xrf0) =	vmax.scan.msk.u32 $0xffff, v3;
	v1, _, _ =	vpop (xrf0)  }
0x3ab: {  	(v2sf) =	vpush v1, $0xF;
	v1, _, _ =	vpop (xrf0)  }
0x3ac: {  	v3, _, _ =	vpop (xrf0);
	(v2sf) =	vpush v2, $0xF  }
0x3ad: {  	v2, _, _ =	vpop (xrf0);
	(v2sf) =	vpush v3, $0xF  }
0x3ae: {  	v3, _, _ =	vpop (xrf0);
	(v2sf) =	vpush v1, $0xF  }
0x3af: {  	v1, _, _ =	vpop (xrf0);
	(v2sf) =	vpush v3, $0xF;
	v3 =	vsel vm9, $0x0, v0  }
0x3b0: {  	v5, _, _ =	vpop (xrf0);
	(v2sf) =	vpush v2, $0xF;
	v2 =	vsel vm10, $0x0, v0;
	v3 =	vxor.u32 $0x80000000, v3  }
0x3b1: {  	(v2sf) =	vpush v5, $0xF;
	v5 =	vsel vm8, $0x0, v0;
	v2 =	vxor.u32 $0x80000000, v2;
	(xrf0) =	vmax.scan.msk.u32 $0xffff, v3  }
0x3b2: {  	(v2sf) =	vpush v1, $0xF;
	v1 =	vxor.u32 $0x80000000, v5;
	(xrf0) =	vmax.scan.msk.u32 $0xffff, v2  }
0x3b3: {  	(xrf0) =	vmax.scan.msk.u32 $0xffff, v1;
	_ =	sdelay $0x1  }
0x3b4: {  	v1 =	vsel vm12, $0x0, v0  }
0x3b5: {  	v1 =	vxor.u32 $0x80000000, v1  }
0x3b6: {  	v2, _, _ =	vpop (xrf0)  }
0x3b7: {  	(xrf0) =	vmax.scan.msk.u32 $0xffff, v1;
	s1 =	spop (v2sf);
	v3, _, _ =	vpop (xrf0)  }
0x3b8: {  	s4 =	spop (v2sf);
	v1, _, _ =	vpop (xrf0)  }
0x3b9: {  	s5 =	spop (v2sf);
	(v2sf) =	vpush v1, $0xF  }
0x3ba: {  	s7 =	spop (v2sf)  }
0x3bb: {  	s8 =	spop (v2sf);
	(v2sf) =	vpush v2, $0xF  }
0x3bc: {  	s23 =	sadd.s32 $0x20, s22;
	s16 =	simm.s32 $0x8400  }
0x3bd: {  	s17 =	simm.s32 $0x8480;
	s18 =	simm.s32 $0x8200;
	v1, _, _ =	vpop (xrf0);
	s9 =	spop (v2sf);
	(v2sf) =	vpush v3, $0xF  }
0x3be: {  	s19 =	simm.s32 $0x8280;
	s20 =	simm.s32 $0x8000;
	s10 =	spop (v2sf);
	(v2sf) =	vpush v1, $0xF  }
0x3bf: {  	s25 =	simm.s32 $0x8180;
	s26 =	simm.s32 $0x8080;
	s13 =	spop (v2sf)  }
0x3c0: {  	s0 =	simm.s32 $0x8100;
	s11 =	sshll.u32 s1, $0x4;
	(v2sf) =	vpush v4, $0xF;
	s14 =	spop (v2sf)  }
0x3c1: {  	s1 =	simm.s32 $0x8680;
	s12 =	sshll.u32 s4, $0x4;
	s15 =	spop (v2sf)  }
0x3c2: {  	s4 =	simm.s32 $0x8580;
	s6 =	sand.u32 $0x1FFFFFF0, s11;
	s15 =	sshll.u32 s15, $0x4  }
0x3c3: {  	s12 =	sand.u32 $0x1FFFFFF0, s12;
	s7 =	sshll.u32 s7, $0x4;
	s15 =	sand.u32 $0x1FFFFFF0, s15  }
0x3c4: {  	v0 =	vsel vm13, $0x0, v0;
	s7 =	sand.u32 $0x1FFFFFF0, s7;
	s14 =	sshll.u32 s14, $0x4;
	s15 =	sadd.s32 s2, s15  }
0x3c5: {  	v0 =	vxor.u32 $0x80000000, v0;
	[tilespmem:s20], [sflag:$0x1] =	stream.linear.gather [hbm4b:s15+s31], $0x80, $0x38;
	[tilespmem:$0x18000] =	vst v63  }
0x3c6: {  	(xrf0) =	vmax.scan.msk.u32 $0xffff, v0;
	s5 =	sshll.u32 s5, $0x4;
	s7 =	sadd.s32 s2, s7;
	s14 =	sand.u32 $0x1FFFFFF0, s14  }
0x3c7: {  	[tilespmem:s26], [sflag:$0x1] =	stream.linear.gather [hbm4b:s7+s31], $0x80, $0x38;
	[tilespmem:$0x18000] =	vst v63  }
0x3c8: {  	s24 =	sadd.s32 s2, s12;
	s14 =	sadd.s32 s2, s14;
	s3 =	spop (v2sf)  }
0x3c9: {  	[tilespmem:s0], [sflag:$0x1] =	stream.linear.gather [hbm4b:s14+s31], $0x80, $0x38;
	[tilespmem:$0x18000] =	vst v63  }
0x3ca: {  	s5 =	sand.u32 $0x1FFFFFF0, s5;
	s7 =	sadd.s32 s2, s6;
	s14 =	spop (v2sf)  }
0x3cb: {  	[tilespmem:s25], [sflag:$0x1] =	stream.linear.gather [hbm4b:s7+s31], $0x80, $0x38;
	[tilespmem:$0x18000] =	vst v63  }
0x3cc: {  	v0, _, _ =	vpop (xrf0);
	s5 =	sadd.s32 s2, s5;
	s9 =	sshll.u32 s9, $0x4;
	s21 =	spop (v2sf)  }
0x3cd: {  	s10 =	sshll.u32 s10, $0x4;
	s9 =	sand.u32 $0x1FFFFFF0, s9;
	(v2sf) =	vpush v0, $0xF;
	s25 =	spop (v2sf)  }
0x3ce: {  	[tilespmem:s18], [sflag:$0x1] =	stream.linear.gather [hbm4b:s24+s31], $0x80, $0x38;
	[tilespmem:$0x18000] =	vst v63  }
0x3cf: {  	s10 =	sand.u32 $0x1FFFFFF0, s10;
	s9 =	sadd.s32 s2, s9;
	s26 =	spop (v2sf)  }
0x3d0: {  	s15 =	simm.s32 $0x8300;
	s11 =	sshll.u32 s3, $0x4;
	s0 =	sshll.u32 s26, $0x4  }
0x3d1: {  	v0 =	vld [tilespmem:s23+$0xFFFFFFF0];
	[tilespmem:s19], [sflag:$0x1] =	stream.linear.gather [hbm4b:s5+s31], $0x80, $0x38  }
0x3d2: {  	s3 =	sshll.u32 s13, $0x4;
	s7 =	sshll.u32 s8, $0x4;
	s8 =	sand.u32 $0x1FFFFFF0, s0  }
0x3d3: {  	[tilespmem:s15], [sflag:$0x1] =	stream.linear.gather [hbm4b:s9+s31], $0x80, $0x38;
	[tilespmem:$0x18000] =	vst v63  }
0x3d4: {  	s6 =	simm.s32 $0x8380;
	s5 =	sand.u32 $0x1FFFFFF0, s3;
	s8 =	sadd.s32 s2, s8  }
0x3d5: {  	[tilespmem:s6], [sflag:$0x1] =	stream.linear.gather [hbm4b:s8+s31], $0x80, $0x38;
	[tilespmem:$0x18000] =	vst v63  }
0x3d6: {  	v1 =	vsel vm15, $0x0, v0;
	s13 =	sshll.u32 s14, $0x4;
	s7 =	sand.u32 $0x1FFFFFF0, s7;
	s5 =	sadd.s32 s2, s5  }
0x3d7: {  	v1 =	vxor.u32 $0x80000000, v1;
	[tilespmem:s16], [sflag:$0x1] =	stream.linear.gather [hbm4b:s5+s31], $0x80, $0x38;
	[tilespmem:$0x18000] =	vst v63  }
0x3d8: {  	v2 =	vsel vm1, $0x0, v0;
	(xrf0) =	vmax.scan.msk.u32 $0xffff, v1;
	s14 =	sand.u32 $0x1FFFFFF0, s11;
	s7 =	sadd.s32 s2, s7;
	s15 =	sshll.u32 s21, $0x4  }
0x3d9: {  	v1 =	vxor.u32 $0x80000000, v2;
	[tilespmem:s17], [sflag:$0x1] =	stream.linear.gather [hbm4b:s7+s31], $0x80, $0x38;
	[tilespmem:$0x18000] =	vst v63  }
0x3da: {  	v3 =	vsel vm2, $0x0, v0;
	(xrf0) =	vmax.scan.msk.u32 $0xffff, v1;
	s8 =	sand.u32 $0x1FFFFFF0, s13;
	s16 =	simm.s32 $0x8500;
	s5 =	sadd.s32 s2, s14  }
0x3db: {  	v2 =	vxor.u32 $0x80000000, v3;
	[tilespmem:s16], [sflag:$0x1] =	stream.linear.gather [hbm4b:s5+s31], $0x80, $0x38;
	[tilespmem:$0x18000] =	vst v63  }
0x3dc: {  	v3 =	vsel vm5, $0x0, v0;
	(xrf0) =	vmax.scan.msk.u32 $0xffff, v2;
	s18 =	spop (v2sf);
	s8 =	sadd.s32 s2, s8;
	s7 =	sand.u32 $0x1FFFFFF0, s15  }
0x3dd: {  	v3 =	vxor.u32 $0x80000000, v3;
	[tilespmem:s4], [sflag:$0x1] =	stream.linear.gather [hbm4b:s8+s31], $0x80, $0x38;
	[tilespmem:$0x18000] =	vst v63  }
0x3de: {  	v1 =	vsel vm3, $0x0, v0;
	(xrf0) =	vmax.scan.msk.u32 $0xffff, v3;
	s19 =	simm.s32 $0x8600;
	s17 =	sshll.u32 s25, $0x4;
	s7 =	sadd.s32 s2, s7  }
0x3df: {  	v1 =	vxor.u32 $0x80000000, v1;
	[tilespmem:s19], [sflag:$0x1] =	stream.linear.gather [hbm4b:s7+s31], $0x80, $0x38;
	[tilespmem:$0x18000] =	vst v63  }
0x3e0: {  	s20 =	sadd.s32 s2, s10;
	v2 =	vsel vm4, $0x0, v0;
	(xrf0) =	vmax.scan.msk.u32 $0xffff, v1;
	s5 =	sand.u32 $0x1FFFFFF0, s17;
	s4 =	sshll.u32 s18, $0x4  }
0x3e1: {  	v2 =	vxor.u32 $0x80000000, v2;
	[tilespmem:s1], [sflag:$0x1] =	stream.linear.gather [hbm4b:s20+s31], $0x80, $0x38;
	[tilespmem:$0x18000] =	vst v63  }
0x3e2: {  	v3 =	vsel vm7, $0x0, v0;
	(xrf0) =	vmax.scan.msk.u32 $0xffff, v2;
	s21 =	simm.s32 $0x8700;
	s5 =	sadd.s32 s2, s5;
	s4 =	sand.u32 $0x1FFFFFF0, s4  }
0x3e3: {  	v3 =	vxor.u32 $0x80000000, v3;
	[tilespmem:s21], [sflag:$0x1] =	stream.linear.gather [hbm4b:s5+s31], $0x80, $0x38;
	[tilespmem:$0x18000] =	vst v63  }
0x3e4: {  	v1 =	vsel vm6, $0x0, v0;
	s24 =	simm.s32 $0x8780;
	(xrf0) =	vmax.scan.msk.u32 $0xffff, v3;
	s4 =	sadd.s32 s2, s4  }
0x3e5: {  	v1 =	vxor.u32 $0x80000000, v1;
	[tilespmem:s24], [sflag:$0x1] =	stream.linear.gather [hbm4b:s4+s31], $0x80, $0x38;
	[tilespmem:$0x18000] =	vst v63  }
0x3e6: {  	v4 =	vsel vm11, $0x0, v0;
	v2, _, _ =	vpop (xrf0);
	(xrf0) =	vmax.scan.msk.u32 $0xffff, v1;
	v1 =	vsel vm0, $0x0, v0;
	v5 =	vld [tilespmem:s22+$0x0]  }
0x3e7: {  	v4 =	vxor.u32 $0x80000000, v4;
	v3 =	vnsel vm14, $0x0, v0;
	v6, _, _ =	vpop (xrf0);
	v7 =	vxor.u32 $0x80000000, v1  }
0x3e8: {  	v3 =	vxor.u32 $0x80000000, v3;
	(v2sf) =	vpush v6, $0xF;
	v6, _, _ =	vpop (xrf0);
	(xrf0) =	vmax.scan.msk.u32 $0xffff, v4  }
0x3e9: {  	v8 =	vsel vm8, $0x0, v0;
	v4 =	vsel vm9, $0x0, v0;
	(xrf0) =	vmax.scan.msk.u32 $0xffff, v3;
	v1, _, _ =	vpop (xrf0)  }
0x3ea: {  	(v2sf) =	vpush v6, $0xF;
	v3 =	vsel vm10, $0x0, v0;
	v4 =	vxor.u32 $0x80000000, v4;
	(xrf0) =	vmax.scan.msk.u32 $0xffff, v7;
	v7, _, _ =	vpop (xrf0)  }
0x3eb: {  	(xrf0) =	vmax.scan.msk.u32 $0xffff, v4;
	v4 =	vxor.u32 $0x80000000, v8;
	(v2sf) =	vpush v7, $0xF;
	v7, _, _ =	vpop (xrf0);
	v8 =	vnsel vm14, $0x0, v5  }
0x3ec: {  	v3 =	vxor.u32 $0x80000000, v3;
	v9, _, _ =	vpop (xrf0);
	(v2sf) =	vpush v2, $0xF  }
0x3ed: {  	v6 =	vsel vm13, $0x0, v0;
	(xrf0) =	vmax.scan.msk.u32 $0xffff, v3;
	(v2sf) =	vpush v9, $0xF  }
0x3ee: {  	(xrf0) =	vmax.scan.msk.u32 $0xffff, v4;
	v3 =	vsel vm15, $0x0, v5;
	v4 =	vsel vm0, $0x0, v5;
	v2 =	vxor.u32 $0x80000000, v8;
	v8, _, _ =	vpop (xrf0)  }
0x3ef: {  	v3 =	vxor.u32 $0x80000000, v3;
	v58, _, _ =	vpop (xrf0);
	(xrf0) =	vmax.scan.msk.u32 $0xffff, v2;
	v2 =	vxor.u32 $0x80000000, v6;
	v6 =	vsel vm1, $0x0, v5  }
0x3f0: {  	v4 =	vxor.u32 $0x80000000, v4;
	v10, _, _ =	vpop (xrf0);
	(xrf0) =	vmax.scan.msk.u32 $0xffff, v3;
	v3 =	vxor.u32 $0x80000000, v6;
	v6 =	vsel vm2, $0x0, v5  }
0x3f1: {  	v0 =	vsel vm12, $0x0, v0;
	(v2sf) =	vpush v7, $0xF;
	v7, _, _ =	vpop (xrf0);
	(xrf0) =	vmax.scan.msk.u32 $0xffff, v4;
	v6 =	vxor.u32 $0x80000000, v6  }
0x3f2: {  	v0 =	vxor.u32 $0x80000000, v0;
	(v2sf) =	vpush v58, $0xF;
	v4 =	vsel vm3, $0x0, v5;
	v59, _, _ =	vpop (xrf0);
	(xrf0) =	vmax.scan.msk.u32 $0xffff, v3  }
0x3f3: {  	(v2sf) =	vpush v8, $0xF;
	v4 =	vxor.u32 $0x80000000, v4;
	v8, _, _ =	vpop (xrf0);
	(xrf0) =	vmax.scan.msk.u32 $0xffff, v6  }
0x3f4: {  	v3 =	vsel vm4, $0x0, v5;
	(v2sf) =	vpush v7, $0xF;
	v6, _, _ =	vpop (xrf0);
	(xrf0) =	vmax.scan.msk.u32 $0xffff, v4  }
0x3f5: {  	v3 =	vxor.u32 $0x80000000, v3;
	(v2sf) =	vpush v10, $0xF;
	v4 =	vsel vm5, $0x0, v5;
	(xrf0) =	vmax.scan.msk.u32 $0xffff, v0;
	v0, _, _ =	vpop (xrf0)  }
0x3f6: {  	v4 =	vxor.u32 $0x80000000, v4;
	(v2sf) =	vpush v6, $0xF;
	(xrf0) =	vmax.scan.msk.u32 $0xffff, v3;
	v6, _, _ =	vpop (xrf0);
	v3 =	vsel vm7, $0x0, v5  }
0x3f7: {  	s28 =	simm.s32 $0x8900;
	s30 =	simm.s32 $0x8880;
	v7 =	vsel vm6, $0x0, v5;
	v61, _, _ =	vpop (xrf0);
	(xrf0) =	vmax.scan.msk.u32 $0xffff, v4;
	v4 =	vxor.u32 $0x80000000, v3;
	v3 =	vsel vm9, $0x0, v5  }
0x3f8: {  	s29 =	simm.s32 $0x9580;
	s0 =	simm.s32 $0x9480;
	s13 =	simm.s32 $0x8800;
	v7 =	vxor.u32 $0x80000000, v7;
	(v2sf) =	vpush v59, $0xF;
	(xrf0) =	vmax.scan.msk.u32 $0xffff, v2;
	v2, _, _ =	vpop (xrf0)  }
0x3f9: {  	s14 =	simm.s32 $0x9780;
	s15 =	smov.u32 s2;
	s25 =	spop (v2sf);
	v60 =	vsel vm8, $0x0, v5;
	(v2sf) =	vpush v8, $0xF;
	v11, _, _ =	vpop (xrf0);
	(xrf0) =	vmax.scan.msk.u32 $0xffff, v7  }
0x3fa: {  	s16 =	simm.s32 $0x2;
	s7 =	simm.s32 $0x8980;
	s26 =	spop (v2sf);
	(v2sf) =	vpush v0, $0xF;
	v0 =	vxor.u32 $0x80000000, v3;
	v3, _, _ =	vpop (xrf0);
	(xrf0) =	vmax.scan.msk.u32 $0xffff, v4;
	v4 =	vsel vm11, $0x0, v5  }
0x3fb: {  	s1 =	simm.s32 $0x9400;
	s20 =	sshll.u32 s26, $0x4;
	s26 =	sadd.s32 $0x20, s23;
	v10 =	vxor.u32 $0x80000000, v60;
	v8 =	vsel vm10, $0x0, v5;
	(v2sf) =	vpush v11, $0xF  }
0x3fc: {  	s21 =	sshll.u32 s25, $0x4;
	s25 =	simm.s32 $0x9680;
	s31 =	spop (v2sf);
	v63 =	vsel vm13, $0x0, v5;
	v8 =	vxor.u32 $0x80000000, v8;
	v62, _, _ =	vpop (xrf0);
	(xrf0) =	vmax.scan.msk.u32 $0xffff, v10;
	(v2sf) =	vpush v6, $0xF  }
0x3fd: {  	s4 =	simm.s32 $0x9800;
	s24 =	simm.s32 $0x9700;
	s19 =	spop (v2sf);
	v7 =	vsel vm12, $0x0, v5;
	v6 =	vxor.u32 $0x80000000, v4;
	(v2sf) =	vpush v62, $0xF;
	v4, _, _ =	vpop (xrf0);
	(xrf0) =	vmax.scan.msk.u32 $0xffff, v0  }
0x3fe: {  	s18 =	sshll.u32 s31, $0x4;
	[dreg:$0xb] =	wrdreg s0;
	s22 =	spop (v2sf);
	v5 =	vxor.u32 $0x80000000, v7;
	v7 =	vxor.u32 $0x80000000, v63;
	(v2sf) =	vpush v61, $0xF;
	v0, _, _ =	vpop (xrf0);
	(xrf0) =	vmax.scan.msk.u32 $0xffff, v8  }
.LBB2_10:
0x3ff: {  	[smem:$0x7D7] =	sst s30  }
0x400: {  	[smem:$0x7D9] =	sst s7  }
0x401: {  	[smem:$0x7D8] =	sst s28  }
0x402: {  	[dreg:$0x1d] =	wrdreg s29  }
0x403: {  	[dreg:$0x1a] =	wrdreg s14  }
0x404: {  	[dreg:$0x18] =	wrdreg s25  }
0x405: {  	[dreg:$0x12] =	wrdreg s24  }
0x406: {  	[dreg:$0xd] =	wrdreg s23;
	s28 =	sadd.s32 $0xFFFFFA00, s4;
	s24 =	sadd.s32 $0xFFFFFA80, s4  }
0x407: {  	s0 =	sadd.s32 $0xFFFFFB00, s4;
	s10 =	sshll.u32 s19, $0x4;
	s19 =	sadd.s32 $0xFFFFF980, s4  }
0x408: {  	s29 =	sadd.s32 $0xFFFFF880, s4;
	s25 =	sadd.s32 $0xFFFFF900, s4;
	s31 =	sadd.s32 $0xFFFFF800, s4  }
0x409: {  	s21 =	sand.u32 $0x1FFFFFF0, s21;
	s20 =	sand.u32 $0x1FFFFFF0, s20;
	s7 =	smov.u32 s13  }
0x40a: {  	s18 =	sand.u32 $0x1FFFFFF0, s18;
	[smem:$0x7D6] =	sst s0;
	s23 =	spop (v2sf)  }
0x40b: {  	s2 =	sand.u32 $0x1FFFFFF0, s10;
	s10 =	simm.s32 $0x0;
	s11 =	sadd.s32 s15, s21  }
0x40c: {  	s20 =	sadd.s32 s15, s20;
	s6 =	spop (v2sf);
	s2 =	sadd.s32 s15, s2  }
0x40d: {  	s23 =	sshll.u32 s23, $0x4;
	s6 =	sshll.u32 s6, $0x4;
	s30 =	spop (v2sf)  }
0x40e: {  	s12 =	sand.u32 $0x1FFFFFF0, s6;
	s14 =	spop (v2sf);
	s30 =	sshll.u32 s30, $0x4  }
0x40f: {  	(v2sf) =	vpush v1, $0xF;
	[dreg:$0x1e] =	wrdreg s12;
	s17 =	spop (v2sf);
	s6 =	sshll.u32 s14, $0x4  }
0x410: {  	s12 =	sshll.u32 s22, $0x4;
	s0 =	sshll.u32 s17, $0x4;
	s9 =	spop (v2sf)  }
0x411: {  	s6 =	sand.u32 $0x1FFFFFF0, s6;
	s0 =	sand.u32 $0x1FFFFFF0, s0;
	s9 =	sshll.u32 s9, $0x4  }
0x412: {  	s6 =	sadd.s32 s15, s6;
	s17 =	spop (v2sf);
	s0 =	sadd.s32 s15, s0  }
0x413: {  	s21 =	sand.u32 $0x1FFFFFF0, s9;
	s17 =	sshll.u32 s17, $0x4;
	s14 =	spop (v2sf)  }
0x414: {  	[tilespmem:s31], [sflag:$0x1] =	stream.linear.gather [hbm4b:s0+s10], $0x80, $0x38;
	[tilespmem:$0x18000] =	vst v63  }
0x415: {  	s31 =	simm.s32 $0x0;
	s0 =	sadd.s32 s15, s18;
	s22 =	spop (v2sf)  }
0x416: {  	s10 =	sand.u32 $0x1FFFFFF0, s23;
	s14 =	sshll.u32 s14, $0x4;
	s3 =	spop (v2sf)  }
0x417: {  	[tilespmem:s29], [sflag:$0x1] =	stream.linear.gather [hbm4b:s2+s31], $0x80, $0x38;
	[tilespmem:$0x18000] =	vst v63  }
0x418: {  	s9 =	sshll.u32 s22, $0x4;
	s22 =	sand.u32 $0x1FFFFFF0, s17;
	s2 =	sadd.s32 s15, s10  }
0x419: {  	(v2sf) =	vpush v2, $0xF;
	s13 =	sshll.u32 s3, $0x4;
	s3 =	spop (v2sf);
	s9 =	sand.u32 $0x1FFFFFF0, s9  }
0x41a: {  	[tilespmem:s25], [sflag:$0x1] =	stream.linear.gather [hbm4b:s6+s31], $0x80, $0x38;
	[tilespmem:$0x18000] =	vst v63  }
0x41b: {  	s5 =	spop (v2sf);
	s3 =	sshll.u32 s3, $0x4;
	s25 =	sand.u32 $0x1FFFFFF0, s14  }
0x41c: {  	s6 =	sand.u32 $0x1FFFFFF0, s30;
	s9 =	sadd.s32 s15, s9;
	s8 =	spop (v2sf);
	(v2sf) =	vpush v3, $0xF  }
0x41d: {  	[tilespmem:s19], [sflag:$0x1] =	stream.linear.gather [hbm4b:s11+s31], $0x80, $0x38;
	[tilespmem:$0x18000] =	vst v63  }
0x41e: {  	s10 =	sand.u32 $0x1FFFFFF0, s13;
	s17 =	sshll.u32 s5, $0x4;
	s5 =	spop (v2sf);
	(v2sf) =	vpush v4, $0xF  }
0x41f: {  	[tilespmem:s28], [sflag:$0x1] =	stream.linear.gather [hbm4b:s20+s31], $0x80, $0x38;
	[tilespmem:$0x18000] =	vst v63  }
0x420: {  	v1, _, _ =	vpop (xrf0);
	s14 =	sld [smem:$0x7D6];
	s3 =	sand.u32 $0x1FFFFFF0, s3;
	s6 =	sadd.s32 s15, s6  }
0x421: {  	(v2sf) =	vpush v1, $0xF;
	[tilespmem:s24], [sflag:$0x1] =	stream.linear.gather [hbm4b:s0+s31], $0x80, $0x38;
	[tilespmem:$0x18000] =	vst v63  }
0x422: {  	(xrf0) =	vmax.scan.msk.u32 $0xffff, v6;
	v6, _, _ =	vpop (xrf0);
	s11 =	sand.u32 $0x1FFFFFF0, s12;
	s8 =	sshll.u32 s8, $0x4;
	s5 =	sshll.u32 s5, $0x4  }
0x423: {  	(v2sf) =	vpush v6, $0xF;
	[tilespmem:s14], [sflag:$0x1] =	stream.linear.gather [hbm4b:s2+s31], $0x80, $0x38;
	[tilespmem:$0x18000] =	vst v63  }
0x424: {  	(xrf0) =	vmax.scan.msk.u32 $0xffff, v5;
	v5, _, _ =	vpop (xrf0);
	s19 =	sand.u32 $0x1FFFFFF0, s17;
	s5 =	sand.u32 $0x1FFFFFF0, s5;
	s0 =	sand.u32 $0x1FFFFFF0, s8  }
0x425: {  	(v2sf) =	vpush v5, $0xF;
	[tilespmem:s7], [sflag:$0x1] =	stream.linear.gather [hbm4b:s9+s31], $0x80, $0x38;
	[tilespmem:$0x18000] =	vst v63  }
0x426: {  	s17 =	sadd.s32 $0xFFFFFB80, s4;
	s5 =	sadd.s32 s15, s5;
	s0 =	sadd.s32 s15, s0  }
0x427: {  	[tilespmem:s17], [sflag:$0x1] =	stream.linear.gather [hbm4b:s5+s31], $0x80, $0x38;
	[tilespmem:$0x18000] =	vst v63  }
0x428: {  	(xrf0) =	vmax.scan.msk.u32 $0xffff, v7;
	v7, _, _ =	vpop (xrf0);
	s14 =	sld [smem:$0x7D7];
	s17 =	sadd.s32 s15, s11;
	s13 =	spop (v2sf)  }
0x429: {  	(v2sf) =	vpush v7, $0xF;
	[tilespmem:s1], [sflag:$0x1] =	stream.linear.gather [hbm4b:s6+s31], $0x80, $0x38;
	[tilespmem:$0x18000] =	vst v63  }
0x42a: {  	v8, _, _ =	vpop (xrf0);
	s11 =	sadd.s32 s15, s21;
	s8 =	sshll.u32 s13, $0x4;
	s13 =	sadd.s32 s15, s3  }
0x42b: {  	s6 =	sld [smem:$0x7D8];
	s3 =	sadd.s32 $0xFFFFFE00, s4;
	s18 =	spop (v2sf);
	(v2sf) =	vpush v8, $0xF  }
0x42c: {  	v9, _, _ =	vpop (xrf0);
	[tilespmem:s14], [sflag:$0x1] =	stream.linear.gather [hbm4b:s13+s31], $0x80, $0x38;
	[tilespmem:$0x18000] =	vst v63  }
0x42d: {  	v10, _, _ =	vpop (xrf0);
	s23 =	sand.u32 $0x1FFFFFF0, s8;
	s20 =	sshll.u32 s18, $0x4;
	s24 =	spop (v2sf);
	(v2sf) =	vpush v9, $0xF  }
0x42e: {  	s28 =	sand.u32 $0x1FFFFFF0, s20;
	s9 =	sshll.u32 s24, $0x4;
	(v2sf) =	vpush v10, $0xF;
	s20 =	rddreg [dreg:$0xb]  }
0x42f: {  	[tilespmem:s20], [sflag:$0x1] =	stream.linear.gather [hbm4b:s17+s31], $0x80, $0x38;
	[tilespmem:$0x18000] =	vst v63  }
0x430: {  	s8 =	sadd.s32 $0xFFFFFD00, s4;
	s12 =	spop (v2sf);
	s24 =	sand.u32 $0x1FFFFFF0, s9  }
0x431: {  	[tilespmem:s6], [sflag:$0x1] =	stream.linear.gather [hbm4b:s0+s31], $0x80, $0x38;
	[tilespmem:$0x18000] =	vst v63  }
0x432: {  	v11, _, _ =	vpop (xrf0);
	s1 =	sshll.u32 s12, $0x4;
	s18 =	spop (v2sf);
	s17 =	sadd.s32 s15, s22  }
0x433: {  	v12, _, _ =	vpop (xrf0);
	(v2sf) =	vpush v11, $0xF;
	[tilespmem:s8], [sflag:$0x1] =	stream.linear.gather [hbm4b:s11+s31], $0x80, $0x38;
	[tilespmem:$0x18000] =	vst v63  }
0x434: {  	s22 =	rddreg [dreg:$0x1d];
	s2 =	sand.u32 $0x1FFFFFF0, s1;
	(v2sf) =	vpush v12, $0xF;
	s9 =	spop (v2sf)  }
0x435: {  	[tilespmem:s22], [sflag:$0x1] =	stream.linear.gather [hbm4b:s17+s31], $0x80, $0x38;
	[tilespmem:$0x18000] =	vst v63  }
0x436: {  	s5 =	sshll.u32 s18, $0x4;
	s1 =	sshll.u32 s9, $0x4;
	s6 =	sadd.s32 s15, s25  }
0x437: {  	[tilespmem:s3], [sflag:$0x1] =	stream.linear.gather [hbm4b:s6+s31], $0x80, $0x38;
	[tilespmem:$0x18000] =	vst v63  }
0x438: {  	s9 =	rddreg [dreg:$0x1e];
	s18 =	sand.u32 $0x1FFFFFF0, s1;
	s12 =	spop (v2sf)  }
0x439: {  	s1 =	sadd.s32 s15, s9;
	s22 =	sld [smem:$0x7D9];
	v1 =	vld [tilespmem:s26+$0xFFFFFFF0];
	s13 =	sshll.u32 s12, $0x4  }
0x43a: {  	s11 =	sand.u32 $0x1FFFFFF0, s13;
	s13 =	rddreg [dreg:$0x18];
	s14 =	spop (v2sf)  }
0x43b: {  	(v2sf) =	vpush v0, $0xF;
	[tilespmem:s13], [sflag:$0x1] =	stream.linear.gather [hbm4b:s1+s31], $0x80, $0x38;
	[tilespmem:$0x18000] =	vst v63  }
0x43c: {  	s20 =	sand.u32 $0x1FFFFFF0, s5;
	s2 =	sadd.s32 s15, s2;
	s5 =	spop (v2sf)  }
0x43d: {  	s17 =	sadd.s32 s15, s23;
	s23 =	sadd.s32 s15, s19;
	s8 =	spop (v2sf)  }
0x43e: {  	[tilespmem:s22], [sflag:$0x1] =	stream.linear.gather [hbm4b:s17+s31], $0x80, $0x38;
	v0 =	vnsel vm14, $0x0, v1;
	v3 =	vsel vm15, $0x0, v1;
	[tilespmem:$0x18000] =	vst v63  }
0x43f: {  	s19 =	rddreg [dreg:$0x1a];
	s13 =	sadd.s32 s15, s10;
	s12 =	sshll.u32 s8, $0x4;
	v5 =	vxor.u32 $0x80000000, v0;
	v0 =	vxor.u32 $0x80000000, v3  }
0x440: {  	s21 =	sshll.u32 s14, $0x4;
	v3 =	vsel vm1, $0x0, v1;
	s1 =	sand.u32 $0x1FFFFFF0, s12;
	s12 =	rddreg [dreg:$0x12];
	(xrf0) =	vmax.scan.msk.u32 $0xffff, v0  }
0x441: {  	v6 =	vsel vm2, $0x0, v1;
	v3 =	vxor.u32 $0x80000000, v3;
	[tilespmem:s12], [sflag:$0x1] =	stream.linear.gather [hbm4b:s23+s31], $0x80, $0x38;
	[tilespmem:$0x18000] =	vst v63  }
0x442: {  	s14 =	sand.u32 $0x1FFFFFF0, s21;
	s0 =	sshll.u32 s5, $0x4;
	s21 =	spop (v2sf);
	v6 =	vxor.u32 $0x80000000, v6;
	(xrf0) =	vmax.scan.msk.u32 $0xffff, v3  }
0x443: {  	v7 =	vsel vm3, $0x0, v1;
	v35 =	vsel vm5, $0x0, v1;
	s5 =	sand.u32 $0x1FFFFFF0, s0;
	s0 =	sshll.u32 s21, $0x4;
	s25 =	spop (v2sf);
	(xrf0) =	vmax.scan.msk.u32 $0xffff, v6  }
0x444: {  	v37 =	vxor.u32 $0x80000000, v35;
	v3 =	vxor.u32 $0x80000000, v7;
	[tilespmem:s19], [sflag:$0x1] =	stream.linear.gather [hbm4b:s2+s31], $0x80, $0x38;
	[tilespmem:$0x18000] =	vst v63  }
0x445: {  	v34 =	vsel vm4, $0x0, v1;
	s21 =	sadd.s32 s15, s24;
	s24 =	sadd.s32 $0x200, s7;
	s23 =	rddreg [dreg:$0xd];
	(xrf0) =	vmax.scan.msk.u32 $0xffff, v37  }
0x446: {  	v7 =	vxor.u32 $0x80000000, v34;
	(xrf0) =	vmax.scan.msk.u32 $0xffff, v3;
	v0 =	vld [tilespmem:s23+$0x0];
	[tilespmem:s24], [sflag:$0x1] =	stream.linear.gather [hbm4b:s13+s31], $0x80, $0x38  }
0x447: {  	v2 =	vsel vm6, $0x0, v1;
	s17 =	sadd.s32 s15, s28;
	v4 =	vsel vm10, $0x0, v1;
	v41 =	vsel vm7, $0x0, v1;
	s6 =	sshll.u32 s25, $0x4;
	s25 =	sadd.s32 $0x280, s7;
	v3, _, _ =	vpop (xrf0);
	(xrf0) =	vmax.scan.msk.u32 $0xffff, v7  }
0x448: {  	v8 =	vsel vm13, $0x0, v1;
	v36 =	vsel vm12, $0x0, v1;
	v12 =	vxor.u32 $0x80000000, v41;
	[tilespmem:s25], [sflag:$0x1] =	stream.linear.gather [hbm4b:s17+s31], $0x80, $0x38;
	[tilespmem:$0x18000] =	vst v63  }
0x449: {  	v39 =	vsel vm8, $0x0, v1;
	v40 =	vsel vm0, $0x0, v1;
	v38 =	vxor.u32 $0x80000000, v2;
	v14, _, _ =	vpop (xrf0);
	(xrf0) =	vmax.scan.msk.u32 $0xffff, v12  }
0x44a: {  	v2 =	vxor.u32 $0x80000000, v8;
	v8 =	vsel vm9, $0x0, v1;
	v1 =	vsel vm11, $0x0, v1;
	s10 =	sand.u32 $0x1FFFFFF0, s6;
	s6 =	sadd.s32 $0x300, s7;
	s22 =	spop (v2sf);
	(xrf0) =	vmax.scan.msk.u32 $0xffff, v38  }
0x44b: {  	v16 =	vxor.u32 $0x80000000, v1;
	[tilespmem:s6], [sflag:$0x1] =	stream.linear.gather [hbm4b:s21+s31], $0x80, $0x38;
	[tilespmem:$0x18000] =	vst v63  }
0x44c: {  	s9 =	sand.u32 $0x1FFFFFF0, s0;
	v43, _, _ =	vpop (xrf0);
	s0 =	sshll.u32 s22, $0x4;
	(xrf0) =	vmax.scan.msk.u32 $0xffff, v16  }
0x44d: {  	v45 =	vxor.u32 $0x80000000, v40;
	s12 =	smov.u32 s7;
	v1, _, _ =	vpop (xrf0);
	s0 =	sand.u32 $0x1FFFFFF0, s0;
	(xrf0) =	vmax.scan.msk.u32 $0xffff, v5  }
0x44e: {  	s7 =	sadd.s32 $0x380, s12;
	s0 =	sadd.s32 s15, s0;
	(xrf0) =	vmax.scan.msk.u32 $0xffff, v45  }
0x44f: {  	v8 =	vxor.u32 $0x80000000, v8;
	v46, _, _ =	vpop (xrf0);
	[tilespmem:s7], [sflag:$0x1] =	stream.linear.gather [hbm4b:s0+s31], $0x80, $0x38;
	[tilespmem:$0x18000] =	vst v63  }
0x450: {  	v4 =	vxor.u32 $0x80000000, v4;
	v50, _, _ =	vpop (xrf0);
	(xrf0) =	vmax.scan.msk.u32 $0xffff, v8  }
0x451: {  	s8 =	sadd.s32 $0x400, s12;
	s17 =	sadd.s32 s15, s20;
	v52, _, _ =	vpop (xrf0);
	(xrf0) =	vmax.scan.msk.u32 $0xffff, v4  }
0x452: {  	v6 =	vxor.u32 $0x80000000, v39;
	v7 =	vnsel vm14, $0x0, v0;
	[tilespmem:s8], [sflag:$0x1] =	stream.linear.gather [hbm4b:s17+s31], $0x80, $0x38;
	[tilespmem:$0x18000] =	vst v63  }
0x453: {  	(v2sf) =	vpush v14, $0xF;
	v7 =	vxor.u32 $0x80000000, v7;
	v53, _, _ =	vpop (xrf0);
	(xrf0) =	vmax.scan.msk.u32 $0xffff, v6  }
0x454: {  	s19 =	sadd.s32 $0x480, s12;
	s20 =	sadd.s32 s15, s18;
	v15 =	vsel vm15, $0x0, v0;
	(v2sf) =	vpush v43, $0xF;
	v6 =	vsel vm6, $0x0, v0;
	v54, _, _ =	vpop (xrf0);
	(xrf0) =	vmax.scan.msk.u32 $0xffff, v7  }
0x455: {  	v13 =	vsel vm0, $0x0, v0;
	v42 =	vxor.u32 $0x80000000, v15;
	[tilespmem:s19], [sflag:$0x1] =	stream.linear.gather [hbm4b:s20+s31], $0x80, $0x38;
	[tilespmem:$0x18000] =	vst v63  }
0x456: {  	v13 =	vxor.u32 $0x80000000, v13;
	(v2sf) =	vpush v46, $0xF;
	v7, _, _ =	vpop (xrf0);
	(xrf0) =	vmax.scan.msk.u32 $0xffff, v42  }
0x457: {  	s16 =	sadd.s32 $0x2, s16;
	v44 =	vsel vm1, $0x0, v0;
	s21 =	sadd.s32 $0x500, s12;
	s22 =	sadd.s32 s15, s11;
	(v2sf) =	vpush v3, $0xF;
	v55 =	vxor.u32 $0x80000000, v6;
	v6, _, _ =	vpop (xrf0);
	(xrf0) =	vmax.scan.msk.u32 $0xffff, v13  }
0x458: {  	v47 =	vsel vm2, $0x0, v0;
	v5 =	vxor.u32 $0x80000000, v44;
	(v2sf) =	vpush v52, $0xF;
	[tilespmem:s21], [sflag:$0x1] =	stream.linear.gather [hbm4b:s22+s31], $0x80, $0x38;
	[tilespmem:$0x18000] =	vst v63  }
0x459: {  	p2 =	slt.u32 s16, $0x6;
	v11 =	vxor.u32 $0x80000000, v36;
	v8 =	vxor.u32 $0x80000000, v47;
	(v2sf) =	vpush v50, $0xF;
	v59, _, _ =	vpop (xrf0);
	(xrf0) =	vmax.scan.msk.u32 $0xffff, v5  }
0x45a: {  	s28 =	sadd.s32 $0x100, s4;
	s24 =	sadd.s32 $0x580, s12;
	s25 =	sadd.s32 s15, s14;
	v48 =	vsel vm3, $0x0, v0;
	v49 =	vsel vm4, $0x0, v0;
	(v2sf) =	vpush v54, $0xF;
	v60, _, _ =	vpop (xrf0);
	(xrf0) =	vmax.scan.msk.u32 $0xffff, v8  }
0x45b: {  	v18 =	vsel vm7, $0x0, v0;
	v51 =	vxor.u32 $0x80000000, v48;
	(v2sf) =	vpush v53, $0xF;
	[tilespmem:s24], [sflag:$0x1] =	stream.linear.gather [hbm4b:s25+s31], $0x80, $0x38;
	[tilespmem:$0x18000] =	vst v63  }
0x45c: {  	s5 =	sadd.s32 s15, s5;
	s1 =	sadd.s32 s15, s1;
	s3 =	sadd.s32 $0x600, s12;
	v17 =	vsel vm8, $0x0, v0;
	v57 =	vsel vm9, $0x0, v0;
	(v2sf) =	vpush v6, $0xF;
	v8, _, _ =	vpop (xrf0);
	(xrf0) =	vmax.scan.msk.u32 $0xffff, v51  }
0x45d: {  	s23 =	smov.u32 s26;
	s13 =	smov.u32 s4;
	s4 =	sadd.s32 $0x1000, s4;
	v58 =	vsel vm10, $0x0, v0;
	v61 =	vsel vm12, $0x0, v0;
	(v2sf) =	vpush v7, $0xF;
	(xrf0) =	vmax.scan.msk.u32 $0xffff, v11  }
0x45e: {  	v3 =	vxor.u32 $0x80000000, v49;
	v4 =	vsel vm5, $0x0, v0;
	(v2sf) =	vpush v8, $0xF;
	v8, _, _ =	vpop (xrf0);
	[tilespmem:s3], [sflag:$0x1] =	stream.linear.gather [hbm4b:s5+s31], $0x80, $0x38;
	[tilespmem:$0x18000] =	vst v63  }
0x45f: {  	s26 =	sadd.s32 $0x20, s26;
	s30 =	sadd.s32 $0x80, s13;
	s29 =	sadd.s32 $0xFFFFFD80, s4;
	v62 =	vsel vm13, $0x0, v0;
	v4 =	vxor.u32 $0x80000000, v4;
	v5 =	vsel vm11, $0x0, v0;
	(xrf0) =	vmax.scan.msk.u32 $0xffff, v3;
	v0, _, _ =	vpop (xrf0)  }
0x460: {  	s14 =	sadd.s32 s15, s10;
	s11 =	sadd.s32 s15, s9;
	s7 =	sadd.s32 $0x680, s12;
	v63, _, _ =	vpop (xrf0);
	(xrf0) =	vmax.scan.msk.u32 $0xffff, v4  }
0x461: {  	[tilespmem:s7], [sflag:$0x1] =	stream.linear.gather [hbm4b:s1+s31], $0x80, $0x38;
	[tilespmem:$0x18000] =	vst v63  }
0x462: {  	s8 =	sadd.s32 $0x700, s12;
	s22 =	sadd.s32 $0xFFFFFC80, s4;
	(v2sf) =	vpush v59, $0xF;
	s17 =	spop (v2sf);
	(xrf0) =	vmax.scan.msk.u32 $0xffff, v2;
	v2, _, _ =	vpop (xrf0)  }
0x463: {  	s12 =	sadd.s32 $0x780, s12;
	[dreg:$0xb] =	wrdreg s22;
	(v2sf) =	vpush v60, $0xF;
	s18 =	spop (v2sf);
	v3, _, _ =	vpop (xrf0);
	(xrf0) =	vmax.scan.msk.u32 $0xffff, v55  }
0x464: {  	v56 =	vxor.u32 $0x80000000, v18;
	(v2sf) =	vpush v8, $0xF;
	[tilespmem:s8], [sflag:$0x1] =	stream.linear.gather [hbm4b:s11+s31], $0x80, $0x38;
	[tilespmem:$0x18000] =	vst v63  }
.Ltmp8:
0x465: {  	v17 =	vxor.u32 $0x80000000, v17;
	s24 =	sadd.s32 $0xFFFFFF00, s4;
	s25 =	sadd.s32 $0xFFFFFE80, s4;
	(v2sf) =	vpush v3, $0xF;
	v3, _, _ =	vpop (xrf0);
	(xrf0) =	vmax.scan.msk.u32 $0xffff, v56;
	(pc) =	sbr.rel @p2 .LBB2_10-.Ltmp8, $4  }
0x466: {  	s7 =	sadd.s32 $0x180, s13;
	s21 =	sshll.u32 s17, $0x4;
	s19 =	spop (v2sf);
	v4, _, _ =	vpop (xrf0);
	(xrf0) =	vmax.scan.msk.u32 $0xffff, v17  }
0x467: {  	v10 =	vxor.u32 $0x80000000, v57;
	(v2sf) =	vpush v0, $0xF;
	[tilespmem:s12], [sflag:$0x1] =	stream.linear.gather [hbm4b:s14+s31], $0x80, $0x38;
	[tilespmem:$0x18000] =	vst v63  }
0x468: {  	v14 =	vxor.u32 $0x80000000, v58;
	v6 =	vxor.u32 $0x80000000, v5;
	s20 =	sshll.u32 s18, $0x4;
	s18 =	sshll.u32 s19, $0x4;
	s19 =	spop (v2sf);
	(v2sf) =	vpush v4, $0xF;
	v4, _, _ =	vpop (xrf0);
	(xrf0) =	vmax.scan.msk.u32 $0xffff, v10  }
0x469: {  	v5 =	vxor.u32 $0x80000000, v61;
	v7 =	vxor.u32 $0x80000000, v62;
	s1 =	sadd.s32 $0xFFFFFC00, s4;
	s14 =	sadd.s32 $0xFFFFFF80, s4;
	s22 =	spop (v2sf);
	(v2sf) =	vpush v63, $0xF;
	v0, _, _ =	vpop (xrf0);
	(xrf0) =	vmax.scan.msk.u32 $0xffff, v14  }
0x46a: {  	s0 =	spop (v2sf)  }
0x46b: {  	s10 =	spop (v2sf)  }
0x46c: {  	s2 =	spop (v2sf)  }
0x46d: {  	s3 =	spop (v2sf)  }
0x46e: {  	s5 =	spop (v2sf)  }
0x46f: {  	s5 =	sshll.u32 s5, $0x4  }
0x470: {  	s8 =	sshll.u32 s19, $0x4;
	s9 =	sadd.s32 $0xFFFFF880, s4;
	s5 =	sand.u32 $0x1FFFFFF0, s5  }
0x471: {  	s11 =	sadd.s32 $0xFFFFF800, s4;
	s8 =	sand.u32 $0x1FFFFFF0, s8;
	(v2sf) =	vpush v1, $0xF;
	s5 =	sadd.s32 s15, s5  }
0x472: {  	[tilespmem:s11], [sflag:$0x1] =	stream.linear.gather [hbm4b:s5+s31], $0x80, $0x38;
	[tilespmem:$0x18000] =	vst v63  }
0x473: {  	s3 =	sshll.u32 s3, $0x4;
	s11 =	sadd.s32 s15, s8;
	s8 =	spop (v2sf)  }
0x474: {  	[tilespmem:s9], [sflag:$0x1] =	stream.linear.gather [hbm4b:s11+s31], $0x80, $0x38;
	[tilespmem:$0x18000] =	vst v63  }
0x475: {  	s12 =	sadd.s32 $0xFFFFF900, s4;
	s3 =	sand.u32 $0x1FFFFFF0, s3;
	s9 =	spop (v2sf)  }
0x476: {  	s17 =	sand.u32 $0x1FFFFFF0, s21;
	s3 =	sadd.s32 s15, s3;
	s19 =	spop (v2sf)  }
0x477: {  	[tilespmem:s12], [sflag:$0x1] =	stream.linear.gather [hbm4b:s3+s31], $0x80, $0x38;
	[tilespmem:$0x18000] =	vst v63  }
0x478: {  	s16 =	sadd.s32 $0xFFFFF980, s4;
	s5 =	sadd.s32 s15, s17;
	s12 =	spop (v2sf)  }
0x479: {  	[tilespmem:s16], [sflag:$0x1] =	stream.linear.gather [hbm4b:s5+s31], $0x80, $0x38;
	[tilespmem:$0x18000] =	vst v63  }
0x47a: {  	s6 =	sadd.s32 $0xFFFFFA00, s4;
	s21 =	sand.u32 $0x1FFFFFF0, s20;
	s16 =	spop (v2sf)  }
0x47b: {  	s26 =	sadd.s32 $0xFFFFFA80, s4;
	s11 =	sadd.s32 s15, s21;
	s5 =	spop (v2sf)  }
0x47c: {  	[tilespmem:s6], [sflag:$0x1] =	stream.linear.gather [hbm4b:s11+s31], $0x80, $0x38;
	[tilespmem:$0x18000] =	vst v63  }
0x47d: {  	s0 =	sshll.u32 s0, $0x4;
	s17 =	sand.u32 $0x1FFFFFF0, s18;
	s11 =	spop (v2sf)  }
0x47e: {  	s0 =	sand.u32 $0x1FFFFFF0, s0;
	s6 =	sadd.s32 s15, s17;
	s20 =	spop (v2sf)  }
0x47f: {  	[tilespmem:s26], [sflag:$0x1] =	stream.linear.gather [hbm4b:s6+s31], $0x80, $0x38;
	[tilespmem:$0x18000] =	vst v63  }
0x480: {  	s0 =	sadd.s32 s15, s0;
	s18 =	sadd.s32 $0xFFFFFB00, s4;
	s21 =	spop (v2sf)  }
0x481: {  	[tilespmem:s18], [sflag:$0x1] =	stream.linear.gather [hbm4b:s0+s31], $0x80, $0x38;
	[tilespmem:$0x18000] =	vst v63  }
0x482: {  	s0 =	sshll.u32 s21, $0x4  }
0x483: {  	(v2sf) =	vpush v2, $0xF;
	s0 =	sand.u32 $0x1FFFFFF0, s0  }
0x484: {  	s3 =	sshll.u32 s2, $0x4;
	s26 =	sadd.s32 $0xFFFFFB80, s4;
	s0 =	sadd.s32 s15, s0  }
0x485: {  	[tilespmem:s26], [sflag:$0x1] =	stream.linear.gather [hbm4b:s0+s31], $0x80, $0x38;
	[tilespmem:$0x18000] =	vst v63  }
0x486: {  	(v2sf) =	vpush v3, $0xF;
	s0 =	sand.u32 $0x1FFFFFF0, s3  }
0x487: {  	s12 =	sshll.u32 s12, $0x4;
	s0 =	sadd.s32 s15, s0  }
0x488: {  	[tilespmem:s1], [sflag:$0x1] =	stream.linear.gather [hbm4b:s0+s31], $0x80, $0x38;
	[tilespmem:$0x18000] =	vst v63  }
0x489: {  	s0 =	sand.u32 $0x1FFFFFF0, s12  }
0x48a: {  	s17 =	sshll.u32 s5, $0x4;
	s0 =	sadd.s32 s15, s0  }
0x48b: {  	[tilespmem:s13], [sflag:$0x1] =	stream.linear.gather [hbm4b:s0+s31], $0x80, $0x38;
	[tilespmem:$0x18000] =	vst v63  }
0x48c: {  	s0 =	sand.u32 $0x1FFFFFF0, s17  }
0x48d: {  	v14, _, _ =	vpop (xrf0);
	(v2sf) =	vpush v4, $0xF;
	s18 =	sshll.u32 s22, $0x4;
	s0 =	sadd.s32 s15, s0  }
0x48e: {  	(v2sf) =	vpush v14, $0xF;
	[tilespmem:s30], [sflag:$0x1] =	stream.linear.gather [hbm4b:s0+s31], $0x80, $0x38;
	[tilespmem:$0x18000] =	vst v63  }
0x48f: {  	v15, _, _ =	vpop (xrf0);
	s5 =	sshll.u32 s16, $0x4;
	s0 =	sand.u32 $0x1FFFFFF0, s18  }
0x490: {  	(v2sf) =	vpush v15, $0xF;
	s20 =	sshll.u32 s20, $0x4;
	s0 =	sadd.s32 s15, s0;
	s1 =	rddreg [dreg:$0xb]  }
0x491: {  	v16, _, _ =	vpop (xrf0);
	[tilespmem:s1], [sflag:$0x1] =	stream.linear.gather [hbm4b:s0+s31], $0x80, $0x38;
	[tilespmem:$0x18000] =	vst v63  }
0x492: {  	(xrf0) =	vmax.scan.msk.u32 $0xffff, v6;
	v17, _, _ =	vpop (xrf0);
	(v2sf) =	vpush v16, $0xF;
	s21 =	sshll.u32 s8, $0x4;
	s6 =	spop (v2sf);
	s0 =	sand.u32 $0x1FFFFFF0, s20  }
0x493: {  	(xrf0) =	vmax.scan.msk.u32 $0xffff, v5;
	s22 =	sadd.s32 $0xFFFFFD00, s4;
	(v2sf) =	vpush v17, $0xF;
	s2 =	sshll.u32 s6, $0x4;
	s0 =	sadd.s32 s15, s0  }
0x494: {  	v18, _, _ =	vpop (xrf0);
	[tilespmem:s28], [sflag:$0x1] =	stream.linear.gather [hbm4b:s0+s31], $0x80, $0x38;
	[tilespmem:$0x18000] =	vst v63  }
0x495: {  	(xrf0) =	vmax.scan.msk.u32 $0xffff, v7;
	(v2sf) =	vpush v18, $0xF;
	s8 =	spop (v2sf);
	s2 =	sand.u32 $0x1FFFFFF0, s2;
	s0 =	sand.u32 $0x1FFFFFF0, s21  }
0x496: {  	v19, _, _ =	vpop (xrf0);
	s26 =	sshll.u32 s9, $0x4;
	s9 =	sshll.u32 s11, $0x4;
	s0 =	sadd.s32 s15, s0  }
0x497: {  	(v2sf) =	vpush v19, $0xF;
	[tilespmem:s22], [sflag:$0x1] =	stream.linear.gather [hbm4b:s0+s31], $0x80, $0x38;
	[tilespmem:$0x18000] =	vst v63  }
0x498: {  	v20, _, _ =	vpop (xrf0);
	s2 =	sadd.s32 s15, s2;
	s12 =	sshll.u32 s8, $0x4;
	s0 =	sand.u32 $0x1FFFFFF0, s26  }
0x499: {  	v21, _, _ =	vpop (xrf0);
	(v2sf) =	vpush v20, $0xF;
	[tilespmem:s7], [sflag:$0x1] =	stream.linear.gather [hbm4b:s2+s31], $0x80, $0x38;
	[tilespmem:$0x18000] =	vst v63  }
0x49a: {  	(v2sf) =	vpush v21, $0xF;
	s30 =	sadd.s32 $0xFFFFFE00, s4;
	s28 =	sshll.u32 s19, $0x4;
	s0 =	sadd.s32 s15, s0  }
0x49b: {  	v22, _, _ =	vpop (xrf0);
	[tilespmem:s29], [sflag:$0x1] =	stream.linear.gather [hbm4b:s0+s31], $0x80, $0x38;
	[tilespmem:$0x18000] =	vst v63  }
0x49c: {  	(v2sf) =	vpush v22, $0xF;
	s0 =	sand.u32 $0x1FFFFFF0, s28;
	s29 =	sshll.u32 s10, $0x4;
	s10 =	spop (v2sf)  }
0x49d: {  	s0 =	sadd.s32 s15, s0;
	s3 =	sand.u32 $0x1FFFFFF0, s29;
	s11 =	spop (v2sf)  }
0x49e: {  	(v2sf) =	vpush v0, $0xF;
	[tilespmem:s30], [sflag:$0x1] =	stream.linear.gather [hbm4b:s0+s31], $0x80, $0x38;
	[tilespmem:$0x18000] =	vst v63  }
0x49f: {  	s1 =	sand.u32 $0x1FFFFFF0, s5;
	s0 =	sadd.s32 s15, s3;
	s16 =	spop (v2sf)  }
0x4a0: {  	[tilespmem:s25], [sflag:$0x1] =	stream.linear.gather [hbm4b:s0+s31], $0x80, $0x38;
	[tilespmem:$0x18000] =	vst v63  }
0x4a1: {  	s6 =	sshll.u32 s11, $0x4;
	s17 =	spop (v2sf);
	s0 =	sand.u32 $0x1FFFFFF0, s9  }
0x4a2: {  	s19 =	sand.u32 $0x1FFFFFF0, s6;
	s20 =	spop (v2sf);
	s0 =	sadd.s32 s15, s0  }
0x4a3: {  	[tilespmem:s24], [sflag:$0x1] =	stream.linear.gather [hbm4b:s0+s31], $0x80, $0x38;
	[tilespmem:$0x18000] =	vst v63  }
0x4a4: {  	s1 =	sadd.s32 s15, s1;
	s2 =	sadd.s32 s15, s19;
	s22 =	spop (v2sf)  }
0x4a5: {  	[tilespmem:s14], [sflag:$0x1] =	stream.linear.gather [hbm4b:s2+s31], $0x80, $0x38;
	[tilespmem:$0x18000] =	vst v63  }
0x4a6: {  	s21 =	sshll.u32 s10, $0x4;
	s5 =	spop (v2sf);
	s24 =	sadd.s32 $0x200, s13  }
0x4a7: {  	[tilespmem:s24], [sflag:$0x1] =	stream.linear.gather [hbm4b:s1+s31], $0x80, $0x38;
	v23 =	vld [tilespmem:s23+$0x0]  }
0x4a8: {  	s18 =	sand.u32 $0x1FFFFFF0, s12;
	s26 =	sand.u32 $0x1FFFFFF0, s21;
	s9 =	spop (v2sf)  }
0x4a9: {  	s25 =	sadd.s32 $0x280, s13;
	s0 =	sadd.s32 s15, s18;
	s28 =	spop (v2sf)  }
0x4aa: {  	[tilespmem:s25], [sflag:$0x1] =	stream.linear.gather [hbm4b:s0+s31], $0x80, $0x38;
	[tilespmem:$0x18000] =	vst v63  }
0x4ab: {  	s30 =	sadd.s32 $0x300, s13;
	s29 =	spop (v2sf);
	s0 =	sadd.s32 s15, s26  }
0x4ac: {  	[tilespmem:s30], [sflag:$0x1] =	stream.linear.gather [hbm4b:s0+s31], $0x80, $0x38;
	v24 =	vnsel vm14, $0x0, v23;
	[tilespmem:$0x18000] =	vst v63  }
0x4ad: {  	v25 =	vsel vm15, $0x0, v23;
	v1 =	vxor.u32 $0x80000000, v24;
	s11 =	spop (v2sf)  }
0x4ae: {  	v26 =	vsel vm0, $0x0, v23;
	v2 =	vxor.u32 $0x80000000, v25;
	(xrf0) =	vmax.scan.msk.u32 $0xffff, v1;
	s0 =	sshll.u32 s11, $0x4  }
0x4af: {  	v27 =	vxor.u32 $0x80000000, v26;
	(xrf0) =	vmax.scan.msk.u32 $0xffff, v2;
	s0 =	sand.u32 $0x1FFFFFF0, s0  }
0x4b0: {  	s12 =	sadd.s32 $0x380, s13;
	s14 =	sshll.u32 s16, $0x4;
	v28 =	vsel vm1, $0x0, v23;
	(xrf0) =	vmax.scan.msk.u32 $0xffff, v27;
	s0 =	sadd.s32 s15, s0  }
0x4b1: {  	v30 =	vsel vm2, $0x0, v23;
	v29 =	vxor.u32 $0x80000000, v28;
	[tilespmem:s12], [sflag:$0x1] =	stream.linear.gather [hbm4b:s0+s31], $0x80, $0x38;
	[tilespmem:$0x18000] =	vst v63  }
0x4b2: {  	s18 =	sadd.s32 $0x400, s13;
	s16 =	sshll.u32 s17, $0x4;
	v31 =	vxor.u32 $0x80000000, v30;
	(xrf0) =	vmax.scan.msk.u32 $0xffff, v29;
	s0 =	sand.u32 $0x1FFFFFF0, s14  }
0x4b3: {  	s17 =	sshll.u32 s20, $0x4;
	s2 =	sand.u32 $0x1FFFFFF0, s16;
	v32 =	vsel vm3, $0x0, v23;
	(xrf0) =	vmax.scan.msk.u32 $0xffff, v31;
	s0 =	sadd.s32 s15, s0  }
0x4b4: {  	v1 =	vxor.u32 $0x80000000, v32;
	[tilespmem:s18], [sflag:$0x1] =	stream.linear.gather [hbm4b:s0+s31], $0x80, $0x38;
	[tilespmem:$0x18000] =	vst v63  }
0x4b5: {  	s20 =	sadd.s32 $0x480, s13;
	s19 =	sand.u32 $0x1FFFFFF0, s17;
	s2 =	sadd.s32 s15, s2;
	v35 =	vsel vm4, $0x0, v23;
	v33, _, _ =	vpop (xrf0);
	(xrf0) =	vmax.scan.msk.u32 $0xffff, v1  }
0x4b6: {  	v4 =	vxor.u32 $0x80000000, v35;
	v34, _, _ =	vpop (xrf0);
	[tilespmem:s20], [sflag:$0x1] =	stream.linear.gather [hbm4b:s2+s31], $0x80, $0x38;
	[tilespmem:$0x18000] =	vst v63  }
0x4b7: {  	s21 =	sadd.s32 $0x500, s13;
	s22 =	sshll.u32 s22, $0x4;
	v37 =	vsel vm5, $0x0, v23;
	s0 =	sadd.s32 s15, s19;
	(xrf0) =	vmax.scan.msk.u32 $0xffff, v4;
	(v2sf) =	vpush v33, $0xF;
	v36, _, _ =	vpop (xrf0)  }
0x4b8: {  	v39 =	vsel vm6, $0x0, v23;
	v5 =	vxor.u32 $0x80000000, v37;
	v38, _, _ =	vpop (xrf0);
	[tilespmem:s21], [sflag:$0x1] =	stream.linear.gather [hbm4b:s0+s31], $0x80, $0x38;
	[tilespmem:$0x18000] =	vst v63  }
0x4b9: {  	v41 =	vxor.u32 $0x80000000, v39;
	(xrf0) =	vmax.scan.msk.u32 $0xffff, v5;
	v40, _, _ =	vpop (xrf0);
	s0 =	sand.u32 $0x1FFFFFF0, s22  }
0x4ba: {  	s23 =	sadd.s32 $0x580, s13;
	v42 =	vsel vm7, $0x0, v23;
	(xrf0) =	vmax.scan.msk.u32 $0xffff, v41;
	(v2sf) =	vpush v40, $0xF;
	s0 =	sadd.s32 s15, s0  }
0x4bb: {  	v43 =	vsel vm8, $0x0, v23;
	v44 =	vxor.u32 $0x80000000, v42;
	[tilespmem:s23], [sflag:$0x1] =	stream.linear.gather [hbm4b:s0+s31], $0x80, $0x38;
	[tilespmem:$0x18000] =	vst v63  }
0x4bc: {  	s24 =	sshll.u32 s5, $0x4;
	s25 =	sshll.u32 s9, $0x4;
	v46 =	vsel vm9, $0x0, v23;
	v45 =	vxor.u32 $0x80000000, v43;
	(v2sf) =	vpush v34, $0xF;
	v47, _, _ =	vpop (xrf0);
	(xrf0) =	vmax.scan.msk.u32 $0xffff, v44  }
0x4bd: {  	s26 =	sshll.u32 s28, $0x4;
	s28 =	sadd.s32 $0x600, s13;
	v2 =	vxor.u32 $0x80000000, v46;
	s0 =	sand.u32 $0x1FFFFFF0, s24;
	(v2sf) =	vpush v36, $0xF;
	(xrf0) =	vmax.scan.msk.u32 $0xffff, v45  }
0x4be: {  	s3 =	sand.u32 $0x1FFFFFF0, s26;
	v48 =	vsel vm10, $0x0, v23;
	s2 =	sand.u32 $0x1FFFFFF0, s25;
	v50, _, _ =	vpop (xrf0);
	s0 =	sadd.s32 s15, s0;
	(v2sf) =	vpush v38, $0xF;
	(xrf0) =	vmax.scan.msk.u32 $0xffff, v2  }
0x4bf: {  	v49 =	vxor.u32 $0x80000000, v48;
	[tilespmem:s28], [sflag:$0x1] =	stream.linear.gather [hbm4b:s0+s31], $0x80, $0x38;
	(v2sf) =	vpush v47, $0xF;
	[tilespmem:$0x18000] =	vst v63  }
0x4c0: {  	s29 =	sshll.u32 s29, $0x4;
	s30 =	sadd.s32 $0x680, s13;
	v51 =	vsel vm11, $0x0, v23;
	s2 =	sadd.s32 s15, s2;
	v52, _, _ =	vpop (xrf0);
	(xrf0) =	vmax.scan.msk.u32 $0xffff, v49;
	(v2sf) =	vpush v50, $0xF  }
0x4c1: {  	v53 =	vxor.u32 $0x80000000, v51;
	v54, _, _ =	vpop (xrf0);
	[tilespmem:s30], [sflag:$0x1] =	stream.linear.gather [hbm4b:s2+s31], $0x80, $0x38;
	[tilespmem:$0x18000] =	vst v63  }
0x4c2: {  	s5 =	sadd.s32 s15, s3;
	v55 =	vsel vm12, $0x0, v23;
	s0 =	sand.u32 $0x1FFFFFF0, s29;
	(xrf0) =	vmax.scan.msk.u32 $0xffff, v53;
	s2 =	sadd.s32 $0x700, s13;
	(v2sf) =	vpush v54, $0xF  }
0x4c3: {  	v56 =	vxor.u32 $0x80000000, v55;
	v57, _, _ =	vpop (xrf0);
	[tilespmem:s2], [sflag:$0x1] =	stream.linear.gather [hbm4b:s5+s31], $0x80, $0x38;
	[tilespmem:$0x18000] =	vst v63  }
0x4c4: {  	s6 =	sadd.s32 $0x780, s13;
	s0 =	sadd.s32 s15, s0;
	(xrf0) =	vmax.scan.msk.u32 $0xffff, v56;
	v58, _, _ =	vpop (xrf0);
	(v2sf) =	vpush v57, $0xF  }
0x4c5: {  	v0 =	vsel vm13, $0x0, v23;
	(v2sf) =	vpush v58, $0xF;
	[tilespmem:s6], [sflag:$0x1] =	stream.linear.gather [hbm4b:s0+s31], $0x80, $0x38;
	[tilespmem:$0x18000] =	vst v63  }
0x4c6: {  	v0 =	vxor.u32 $0x80000000, v0;
	v59, _, _ =	vpop (xrf0);
	s7 =	spop (v2sf)  }
0x4c7: {  	(xrf0) =	vmax.scan.msk.u32 $0xffff, v0;
	v60, _, _ =	vpop (xrf0);
	(v2sf) =	vpush v59, $0xF;
	s0 =	sshll.u32 s7, $0x4  }
0x4c8: {  	(v2sf) =	vpush v60, $0xF;
	s0 =	sand.u32 $0x1FFFFFF0, s0  }
0x4c9: {  	v61, _, _ =	vpop (xrf0);
	s0 =	sadd.s32 s15, s0;
	s9 =	spop (v2sf)  }
0x4ca: {  	(v2sf) =	vpush v61, $0xF;
	[tilespmem:s4], [sflag:$0x1] =	stream.linear.gather [hbm4b:s0+s31], $0x80, $0x38;
	[tilespmem:$0x18000] =	vst v63  }
0x4cb: {  	s8 =	sadd.s32 $0x100, s4;
	s10 =	sadd.s32 $0x180, s4;
	v62, _, _ =	vpop (xrf0);
	s11 =	spop (v2sf)  }
0x4cc: {  	s12 =	sadd.s32 $0x80, s4;
	s29 =	sadd.s32 $0x200, s4;
	(v2sf) =	vpush v62, $0xF;
	s13 =	spop (v2sf)  }
0x4cd: {  	v63, _, _ =	vpop (xrf0);
	s2 =	sshll.u32 s9, $0x4;
	s5 =	sshll.u32 s11, $0x4;
	s14 =	spop (v2sf)  }
0x4ce: {  	(v2sf) =	vpush v63, $0xF;
	s5 =	sand.u32 $0x1FFFFFF0, s5;
	s7 =	sshll.u32 s13, $0x4;
	s16 =	spop (v2sf)  }
0x4cf: {  	(v2sf) =	vpush v52, $0xF;
	s17 =	sand.u32 $0x1FFFFFF0, s7;
	s5 =	sadd.s32 s15, s5;
	s18 =	spop (v2sf)  }
0x4d0: {  	[tilespmem:s12], [sflag:$0x1] =	stream.linear.gather [hbm4b:s5+s31], $0x80, $0x38;
	[tilespmem:$0x18000] =	vst v63  }
0x4d1: {  	s21 =	sshll.u32 s14, $0x4;
	s0 =	sadd.s32 s15, s17;
	s19 =	spop (v2sf)  }
0x4d2: {  	[tilespmem:s8], [sflag:$0x1] =	stream.linear.gather [hbm4b:s0+s31], $0x80, $0x38;
	[tilespmem:$0x18000] =	vst v63  }
0x4d3: {  	s20 =	sand.u32 $0x1FFFFFF0, s2;
	s1 =	sand.u32 $0x1FFFFFF0, s21;
	s22 =	spop (v2sf)  }
0x4d4: {  	s23 =	sshll.u32 s16, $0x4;
	s1 =	sadd.s32 s15, s1;
	s24 =	spop (v2sf)  }
0x4d5: {  	[tilespmem:s10], [sflag:$0x1] =	stream.linear.gather [hbm4b:s1+s31], $0x80, $0x38;
	[tilespmem:$0x18000] =	vst v63  }
0x4d6: {  	s11 =	sadd.s32 $0x280, s4;
	s6 =	sand.u32 $0x1FFFFFF0, s23;
	s25 =	spop (v2sf)  }
0x4d7: {  	s7 =	sshll.u32 s18, $0x4;
	s0 =	sadd.s32 s15, s20;
	s26 =	spop (v2sf)  }
0x4d8: {  	[tilespmem:s29], [sflag:$0x1] =	stream.linear.gather [hbm4b:s0+s31], $0x80, $0x38;
	[tilespmem:$0x18000] =	vst v63  }
0x4d9: {  	s7 =	sand.u32 $0x1FFFFFF0, s7;
	s6 =	sadd.s32 s15, s6;
	s28 =	spop (v2sf)  }
0x4da: {  	[tilespmem:s11], [sflag:$0x1] =	stream.linear.gather [hbm4b:s6+s31], $0x80, $0x38;
	[tilespmem:$0x18000] =	vst v63  }
0x4db: {  	s14 =	sadd.s32 $0x300, s4;
	s13 =	sadd.s32 s15, s7;
	s30 =	spop (v2sf)  }
0x4dc: {  	[tilespmem:s14], [sflag:$0x1] =	stream.linear.gather [hbm4b:s13+s31], $0x80, $0x38;
	[tilespmem:$0x18000] =	vst v63  }
0x4dd: {  	s12 =	spop (v2sf)  }
0x4de: {  	s16 =	spop (v2sf)  }
0x4df: {  	s6 =	sshll.u32 s16, $0x4  }
0x4e0: {  	s17 =	sadd.s32 $0x380, s4;
	s5 =	sshll.u32 s19, $0x4;
	s6 =	sand.u32 $0x1FFFFFF0, s6  }
0x4e1: {  	s5 =	sand.u32 $0x1FFFFFF0, s5;
	s2 =	sshll.u32 s22, $0x4;
	s6 =	sadd.s32 s15, s6  }
0x4e2: {  	[tilespmem:s17], [sflag:$0x1] =	stream.linear.gather [hbm4b:s6+s31], $0x80, $0x38;
	[tilespmem:$0x18000] =	vst v63  }
0x4e3: {  	s18 =	sadd.s32 $0x400, s4;
	s5 =	sadd.s32 s15, s5;
	s2 =	sand.u32 $0x1FFFFFF0, s2  }
0x4e4: {  	[tilespmem:s18], [sflag:$0x1] =	stream.linear.gather [hbm4b:s5+s31], $0x80, $0x38;
	[tilespmem:$0x18000] =	vst v63  }
0x4e5: {  	s19 =	sadd.s32 $0x480, s4;
	s20 =	sshll.u32 s24, $0x4;
	s2 =	sadd.s32 s15, s2  }
0x4e6: {  	[tilespmem:s19], [sflag:$0x1] =	stream.linear.gather [hbm4b:s2+s31], $0x80, $0x38;
	[tilespmem:$0x18000] =	vst v63  }
0x4e7: {  	s2 =	sand.u32 $0x1FFFFFF0, s20  }
0x4e8: {  	s21 =	sadd.s32 $0x500, s4;
	s22 =	sshll.u32 s25, $0x4;
	s2 =	sadd.s32 s15, s2  }
0x4e9: {  	[tilespmem:s21], [sflag:$0x1] =	stream.linear.gather [hbm4b:s2+s31], $0x80, $0x38;
	[tilespmem:$0x18000] =	vst v63  }
0x4ea: {  	s2 =	sand.u32 $0x1FFFFFF0, s22  }
0x4eb: {  	s23 =	sadd.s32 $0x580, s4;
	s24 =	sshll.u32 s26, $0x4;
	s2 =	sadd.s32 s15, s2  }
0x4ec: {  	[tilespmem:s23], [sflag:$0x1] =	stream.linear.gather [hbm4b:s2+s31], $0x80, $0x38;
	[tilespmem:$0x18000] =	vst v63  }
0x4ed: {  	s25 =	sadd.s32 $0x600, s4;
	s1 =	sshll.u32 s28, $0x4;
	s2 =	sand.u32 $0x1FFFFFF0, s24  }
0x4ee: {  	s1 =	sand.u32 $0x1FFFFFF0, s1;
	s0 =	sshll.u32 s30, $0x4;
	s2 =	sadd.s32 s15, s2  }
0x4ef: {  	[tilespmem:s25], [sflag:$0x1] =	stream.linear.gather [hbm4b:s2+s31], $0x80, $0x38;
	[tilespmem:$0x18000] =	vst v63  }
0x4f0: {  	s26 =	sadd.s32 $0x680, s4;
	s1 =	sadd.s32 s15, s1;
	s0 =	sand.u32 $0x1FFFFFF0, s0  }
0x4f1: {  	[tilespmem:s26], [sflag:$0x1] =	stream.linear.gather [hbm4b:s1+s31], $0x80, $0x38;
	[tilespmem:$0x18000] =	vst v63  }
0x4f2: {  	s28 =	sadd.s32 $0x700, s4;
	s29 =	sshll.u32 s12, $0x4;
	s0 =	sadd.s32 s15, s0  }
0x4f3: {  	[tilespmem:s28], [sflag:$0x1] =	stream.linear.gather [hbm4b:s0+s31], $0x80, $0x38;
	[tilespmem:$0x18000] =	vst v63  }
0x4f4: {  	s0 =	sand.u32 $0x1FFFFFF0, s29  }
0x4f5: {  	s30 =	sadd.s32 $0x780, s4;
	s0 =	sadd.s32 s15, s0  }
0x4f6: {  	[tilespmem:s30], [sflag:$0x1] =	stream.linear.gather [hbm4b:s0+s31], $0x80, $0x38;
	[tilespmem:$0x18000] =	vst v63  }
0x4f7: {  	s20 =	sld [smem:$0x7DF]  }
0x4f8: {  	s12 =	sld [smem:$0x7E0]  }
0x4f9: {  	s13 =	sld [smem:$0x7E1]  }
0x4fa: {  	s14 =	sld [smem:$0x7E2]  }
0x4fb: {  	s22 =	sld [smem:$0x7E3]  }
0x4fc: {  	s15 =	sld [smem:$0x7E4]  }
0x4fd: {  	s16 =	sld [smem:$0x7E5]  }
0x4fe: {  	s17 =	sld [smem:$0x7DE]  }
0x4ff: {  	s18 =	sld [smem:$0x7DD]  }
0x500: {  	s3 =	sld [smem:$0x7DC]  }
0x501: {  	s19 =	sld [smem:$0x7DB]  }
0x502: {  	s21 =	sld [smem:$0x7DA]  }
.LBB2_12:
0x503: {  	s0 =	sld [smem:$0x7FB];
	_ =	sdelay $0x1  }
0x504: {  	s1 =	sld [smem:$0x7F9]  }
0x505: {  	s0 =	sadd.s32 s0, s21  }
0x506: {  	s0 =	sshll.u32 s0, $0x4  }
0x507: {  	s26 =	simm.s32 $0x10000;
	s28 =	simm.s32 $0x2;
	s0 =	sadd.s32 s1, s0  }
0x508: {  	[hbm4b:s0+s31] =	stream.linear.scatter [tilespmem:s26], [sflag:$0x3], $0x4000, $0x38;
	[tilespmem:$0x18000] =	vst v63  }
0x509: {  	_ =	swait.ge [sflag:s28], $0x4000  }
0x50a: {  	s29 =	smulhi.u32 $0x51EB851F, s19;
	[sflag:s28] =	ssyncset.done $0x0  }
0x50b: {  	s1 =	simm.s32 @!p0 $0x4;
	[sflag:s28] =	ssyncadd.s32 $0xFFFFC000  }
0x50c: {  	s0 =	sshrl.u32 s29, $0x6;
	_ =	swait.ge @!p0 [sflag:s1], $0x4000  }
0x50d: {  	s0 =	smul.u32 $0xFFFE7000, s0;
	[sflag:s1] =	ssyncset.done @!p0 $0x0  }
0x50e: {  	[sflag:s1] =	ssyncadd.s32 @!p0 $0xFFFFC000;
	s1 =	simm.s32 $0x0  }
0x50f: {  	s0 =	sshra.s32 s0, $0x2;
	v0 =	vld [tilespmem:s1+$0xC000]  }
0x510: {  	s0 =	sadd.s32 s0, s3  }
0x511: {  	v1 =	vld [tilespmem:s0+$0xFFFFFFE0];
	_ =	sdelay $0x2  }
0x512: {  	v0 =	vmul.f32 $8.000000000e+00, v0;
	_ =	sdelay $0x1  }
0x513: {  	v0 =	vadd.f32 v1, v0  }
0x514: {  	v1 =	vld [tilespmem:s1+$0xC010]  }
0x515: {  	[tilespmem:s1+$0x14000] =	vst v0  }
0x516: {  	v0 =	vld [tilespmem:s0+$0xFFFFFFF0];
	_ =	sdelay $0x2  }
0x517: {  	v1 =	vmul.f32 $8.000000000e+00, v1;
	_ =	sdelay $0x1  }
0x518: {  	v0 =	vadd.f32 v0, v1  }
0x519: {  	v1 =	vld [tilespmem:s1+$0xC020]  }
0x51a: {  	[tilespmem:s1+$0x14010] =	vst v0  }
0x51b: {  	v0 =	vld [tilespmem:s0+$0x0];
	_ =	sdelay $0x2  }
0x51c: {  	v1 =	vmul.f32 $8.000000000e+00, v1;
	_ =	sdelay $0x1  }
0x51d: {  	v0 =	vadd.f32 v0, v1  }
0x51e: {  	v1 =	vld [tilespmem:s1+$0xC030]  }
0x51f: {  	[tilespmem:s1+$0x14020] =	vst v0  }
0x520: {  	v0 =	vld [tilespmem:s0+$0x10]  }
0x521: {  	s30 =	smulhi.u32 $0x51EB851F, s18;
	_ =	sdelay $0x1  }
0x522: {  	s0 =	sshrl.u32 s30, $0x6;
	v1 =	vmul.f32 $8.000000000e+00, v1  }
0x523: {  	s0 =	smul.u32 $0xFFFE7000, s0  }
0x524: {  	v0 =	vadd.f32 v0, v1  }
0x525: {  	s0 =	sshra.s32 s0, $0x2;
	v1 =	vld [tilespmem:s1+$0xC080]  }
0x526: {  	s0 =	sadd.s32 s0, s17;
	[tilespmem:s1+$0x14030] =	vst v0  }
0x527: {  	v0 =	vld [tilespmem:s0+$0x0];
	_ =	sdelay $0x2  }
0x528: {  	v1 =	vmul.f32 $8.000000000e+00, v1;
	_ =	sdelay $0x1  }
0x529: {  	v0 =	vadd.f32 v0, v1  }
0x52a: {  	v1 =	vld [tilespmem:s1+$0xC090]  }
0x52b: {  	[tilespmem:s1+$0x14080] =	vst v0  }
0x52c: {  	v0 =	vld [tilespmem:s0+$0x10];
	_ =	sdelay $0x2  }
0x52d: {  	v1 =	vmul.f32 $8.000000000e+00, v1;
	_ =	sdelay $0x1  }
0x52e: {  	v0 =	vadd.f32 v0, v1  }
0x52f: {  	v1 =	vld [tilespmem:s1+$0xC0A0]  }
0x530: {  	[tilespmem:s1+$0x14090] =	vst v0  }
0x531: {  	v0 =	vld [tilespmem:s0+$0x20];
	_ =	sdelay $0x2  }
0x532: {  	v1 =	vmul.f32 $8.000000000e+00, v1;
	_ =	sdelay $0x1  }
0x533: {  	v1 =	vadd.f32 v0, v1  }
0x534: {  	v0 =	vld [tilespmem:s1+$0xC0B0]  }
0x535: {  	[tilespmem:s1+$0x140A0] =	vst v1  }
0x536: {  	s4 =	simm.s32 $0x400;
	s5 =	sadd.s32 $0x2, s19;
	v1 =	vld [tilespmem:s0+$0x30]  }
0x537: {  	s6 =	simm.s32 $0x800;
	s8 =	sor.u32 $0x80, s21;
	s7 =	smulhi.u32 $0x51EB851F, s5  }
.LBB2_13:
0x538: {  	p0 =	sne.s32 s6, $0xFC00  }
0x539: {  	s0 =	sshrl.u32 s7, $0x6;
	v0 =	vmul.f32 $8.000000000e+00, v0  }
0x53a: {  	s0 =	smul.u32 $0xFFFE7000, s0  }
0x53b: {  	s2 =	sshra.s32 s4, $0x2;
	s4 =	smov.u32 s6;
	v0 =	vadd.f32 v1, v0  }
0x53c: {  	s3 =	sadd.s32 $0x100, s3;
	s0 =	sshra.s32 s0, $0x2;
	v1 =	vld [tilespmem:s2+$0xC000]  }
0x53d: {  	s0 =	sadd.s32 s0, s3;
	[tilespmem:s1+$0x140B0] =	vst v0;
	s1 =	smov.u32 s2  }
0x53e: {  	v0 =	vld [tilespmem:s0+$0xFFFFFFE0];
	_ =	sdelay $0x2  }
0x53f: {  	v1 =	vmul.f32 $8.000000000e+00, v1;
	_ =	sdelay $0x1  }
0x540: {  	v0 =	vadd.f32 v0, v1  }
0x541: {  	v1 =	vld [tilespmem:s1+$0xC010]  }
0x542: {  	[tilespmem:s1+$0x14000] =	vst v0  }
0x543: {  	v0 =	vld [tilespmem:s0+$0xFFFFFFF0];
	_ =	sdelay $0x2  }
0x544: {  	v1 =	vmul.f32 $8.000000000e+00, v1;
	_ =	sdelay $0x1  }
0x545: {  	v0 =	vadd.f32 v0, v1  }
0x546: {  	v1 =	vld [tilespmem:s1+$0xC020]  }
0x547: {  	[tilespmem:s1+$0x14010] =	vst v0  }
0x548: {  	v0 =	vld [tilespmem:s0+$0x0];
	_ =	sdelay $0x2  }
0x549: {  	v1 =	vmul.f32 $8.000000000e+00, v1;
	_ =	sdelay $0x1  }
0x54a: {  	v0 =	vadd.f32 v0, v1  }
0x54b: {  	v1 =	vld [tilespmem:s1+$0xC030]  }
0x54c: {  	[tilespmem:s1+$0x14020] =	vst v0  }
0x54d: {  	s18 =	sadd.s32 $0x2, s18;
	v0 =	vld [tilespmem:s0+$0x10]  }
0x54e: {  	s0 =	smulhi.u32 $0x51EB851F, s18;
	_ =	sdelay $0x1  }
0x54f: {  	s0 =	sshrl.u32 s0, $0x6;
	v1 =	vmul.f32 $8.000000000e+00, v1  }
0x550: {  	s0 =	smul.u32 $0xFFFE7000, s0  }
0x551: {  	v0 =	vadd.f32 v0, v1  }
0x552: {  	s17 =	sadd.s32 $0x100, s17;
	s0 =	sshra.s32 s0, $0x2;
	v1 =	vld [tilespmem:s1+$0xC080]  }
0x553: {  	s0 =	sadd.s32 s0, s17;
	[tilespmem:s1+$0x14030] =	vst v0  }
0x554: {  	v0 =	vld [tilespmem:s0+$0x0];
	_ =	sdelay $0x2  }
0x555: {  	v1 =	vmul.f32 $8.000000000e+00, v1;
	_ =	sdelay $0x1  }
0x556: {  	v0 =	vadd.f32 v0, v1  }
0x557: {  	v1 =	vld [tilespmem:s1+$0xC090]  }
0x558: {  	[tilespmem:s1+$0x14080] =	vst v0  }
0x559: {  	v0 =	vld [tilespmem:s0+$0x10];
	_ =	sdelay $0x2  }
0x55a: {  	v1 =	vmul.f32 $8.000000000e+00, v1;
	_ =	sdelay $0x1  }
0x55b: {  	v0 =	vadd.f32 v0, v1  }
0x55c: {  	v1 =	vld [tilespmem:s1+$0xC0A0]  }
0x55d: {  	[tilespmem:s1+$0x14090] =	vst v0  }
0x55e: {  	v0 =	vld [tilespmem:s0+$0x20];
	_ =	sdelay $0x2  }
0x55f: {  	v1 =	vmul.f32 $8.000000000e+00, v1;
	_ =	sdelay $0x1  }
.Ltmp9:
0x560: {  	v1 =	vadd.f32 v0, v1;
	(pc) =	sbr.rel @p0 .LBB2_13-.Ltmp9, $4  }
0x561: {  	v0 =	vld [tilespmem:s1+$0xC0B0]  }
0x562: {  	[tilespmem:s1+$0x140A0] =	vst v1  }
0x563: {  	s5 =	sadd.s32 $0x2, s5;
	v1 =	vld [tilespmem:s0+$0x30]  }
0x564: {  	s6 =	sadd.s32 $0x400, s6;
	s7 =	smulhi.u32 $0x51EB851F, s5  }
0x565: {  	_ = 	snop  }
0x566: {  	s0 =	sshrl.u32 s7, $0x6;
	v0 =	vmul.f32 $8.000000000e+00, v0  }
0x567: {  	s0 =	smul.u32 $0xFFFE7000, s0  }
0x568: {  	s2 =	sshra.s32 s4, $0x2;
	v0 =	vadd.f32 v1, v0  }
0x569: {  	s3 =	sadd.s32 $0x100, s3;
	v56 =	vld [tilespmem:s2+$0xC000];
	s0 =	sshra.s32 s0, $0x2  }
0x56a: {  	s0 =	sadd.s32 s0, s3;
	[tilespmem:s1+$0x140B0] =	vst v0  }
0x56b: {  	v0 =	vld [tilespmem:s0+$0xFFFFFFE0];
	_ =	sdelay $0x2  }
0x56c: {  	v1 =	vmul.f32 $8.000000000e+00, v56;
	_ =	sdelay $0x1  }
0x56d: {  	v0 =	vadd.f32 v0, v1  }
0x56e: {  	v57 =	vld [tilespmem:s2+$0xC010]  }
0x56f: {  	[tilespmem:s2+$0x14000] =	vst v0  }
0x570: {  	v0 =	vld [tilespmem:s0+$0xFFFFFFF0];
	_ =	sdelay $0x2  }
0x571: {  	v1 =	vmul.f32 $8.000000000e+00, v57;
	_ =	sdelay $0x1  }
0x572: {  	v0 =	vadd.f32 v0, v1  }
0x573: {  	v58 =	vld [tilespmem:s2+$0xC020]  }
0x574: {  	[tilespmem:s2+$0x14010] =	vst v0  }
0x575: {  	v0 =	vld [tilespmem:s0+$0x0];
	_ =	sdelay $0x2  }
0x576: {  	v1 =	vmul.f32 $8.000000000e+00, v58;
	_ =	sdelay $0x1  }
0x577: {  	v0 =	vadd.f32 v0, v1  }
0x578: {  	v59 =	vld [tilespmem:s2+$0xC030]  }
0x579: {  	[tilespmem:s2+$0x14020] =	vst v0  }
0x57a: {  	s29 =	sadd.s32 $0x2, s18;
	v0 =	vld [tilespmem:s0+$0x10]  }
0x57b: {  	s0 =	smulhi.u32 $0x51EB851F, s29;
	_ =	sdelay $0x1  }
0x57c: {  	v1 =	vmul.f32 $8.000000000e+00, v59;
	s0 =	sshrl.u32 s0, $0x6  }
0x57d: {  	s0 =	smul.u32 $0xFFFE7000, s0  }
0x57e: {  	v0 =	vadd.f32 v0, v1  }
0x57f: {  	s30 =	sadd.s32 $0x100, s17;
	v60 =	vld [tilespmem:s2+$0xC080];
	s0 =	sshra.s32 s0, $0x2  }
0x580: {  	s0 =	sadd.s32 s0, s30;
	[tilespmem:s2+$0x14030] =	vst v0  }
0x581: {  	v0 =	vld [tilespmem:s0+$0x0];
	_ =	sdelay $0x2  }
0x582: {  	v1 =	vmul.f32 $8.000000000e+00, v60;
	_ =	sdelay $0x1  }
0x583: {  	v0 =	vadd.f32 v0, v1  }
0x584: {  	v61 =	vld [tilespmem:s2+$0xC090]  }
0x585: {  	[tilespmem:s2+$0x14080] =	vst v0  }
0x586: {  	v0 =	vld [tilespmem:s0+$0x10];
	_ =	sdelay $0x2  }
0x587: {  	v1 =	vmul.f32 $8.000000000e+00, v61;
	_ =	sdelay $0x1  }
0x588: {  	v0 =	vadd.f32 v0, v1  }
0x589: {  	v62 =	vld [tilespmem:s2+$0xC0A0]  }
0x58a: {  	[tilespmem:s2+$0x14090] =	vst v0  }
0x58b: {  	v0 =	vld [tilespmem:s0+$0x20];
	_ =	sdelay $0x2  }
0x58c: {  	v1 =	vmul.f32 $8.000000000e+00, v62;
	_ =	sdelay $0x1  }
0x58d: {  	v0 =	vadd.f32 v0, v1  }
0x58e: {  	v63 =	vld [tilespmem:s2+$0xC0B0]  }
0x58f: {  	[tilespmem:s2+$0x140A0] =	vst v0  }
0x590: {  	v0 =	vld [tilespmem:s0+$0x30];
	_ =	sdelay $0x2  }
.Ltmp10:
0x591: {  	v1 =	vmul.f32 $8.000000000e+00, v63;
	(pc) =	sbr.rel @p1 .LBB2_18-.Ltmp10, $3  }
0x592: {  	_ = 	snop  }
0x593: {  	v0 =	vadd.f32 v0, v1;
	_ =	sdelay $0x1  }
0x594: {  	[tilespmem:s2+$0x140B0] =	vst v0  }
0x595: {  	[smem:$0x7D5] =	sst s8  }
0x596: {  	v0 =	vld [tilespmem:s20+$0xFFFFFFF0];
	_ =	sdelay $0x4  }
0x597: {  	v1 =	vsel vm15, $0x0, v0  }
0x598: {  	v2 =	vsel vm1, $0x0, v0;
	v1 =	vxor.u32 $0x80000000, v1  }
0x599: {  	v3 =	vsel vm2, $0x0, v0;
	(xrf0) =	vmax.scan.msk.u32 $0xffff, v1;
	v1 =	vxor.u32 $0x80000000, v2  }
0x59a: {  	v2 =	vxor.u32 $0x80000000, v3;
	v3 =	vsel vm5, $0x0, v0;
	(xrf0) =	vmax.scan.msk.u32 $0xffff, v1  }
0x59b: {  	v1 =	vsel vm3, $0x0, v0;
	v3 =	vxor.u32 $0x80000000, v3;
	(xrf0) =	vmax.scan.msk.u32 $0xffff, v2;
	v2 =	vsel vm4, $0x0, v0  }
0x59c: {  	v1 =	vxor.u32 $0x80000000, v1;
	(xrf0) =	vmax.scan.msk.u32 $0xffff, v3;
	v2 =	vxor.u32 $0x80000000, v2  }
0x59d: {  	v3 =	vsel vm7, $0x0, v0;
	(xrf0) =	vmax.scan.msk.u32 $0xffff, v1  }
0x59e: {  	v4 =	vsel vm11, $0x0, v0;
	v1 =	vsel vm6, $0x0, v0;
	v3 =	vxor.u32 $0x80000000, v3;
	(xrf0) =	vmax.scan.msk.u32 $0xffff, v2  }
0x59f: {  	v4 =	vxor.u32 $0x80000000, v4;
	v1 =	vxor.u32 $0x80000000, v1;
	v2, _, _ =	vpop (xrf0);
	(xrf0) =	vmax.scan.msk.u32 $0xffff, v3;
	v3 =	vnsel vm14, $0x0, v0  }
0x5a0: {  	v5, _, _ =	vpop (xrf0);
	(xrf0) =	vmax.scan.msk.u32 $0xffff, v1;
	v1 =	vxor.u32 $0x80000000, v3  }
0x5a1: {  	v3 =	vsel vm0, $0x0, v0;
	v6, _, _ =	vpop (xrf0);
	(xrf0) =	vmax.scan.msk.u32 $0xffff, v4  }
0x5a2: {  	(v2sf) =	vpush v5, $0xF;
	v3 =	vxor.u32 $0x80000000, v3;
	v4, _, _ =	vpop (xrf0);
	(xrf0) =	vmax.scan.msk.u32 $0xffff, v1  }
0x5a3: {  	(v2sf) =	vpush v6, $0xF;
	(xrf0) =	vmax.scan.msk.u32 $0xffff, v3;
	v1, _, _ =	vpop (xrf0)  }
0x5a4: {  	(v2sf) =	vpush v1, $0xF;
	v1, _, _ =	vpop (xrf0)  }
0x5a5: {  	v3, _, _ =	vpop (xrf0);
	(v2sf) =	vpush v2, $0xF  }
0x5a6: {  	v2, _, _ =	vpop (xrf0);
	(v2sf) =	vpush v3, $0xF  }
0x5a7: {  	v3, _, _ =	vpop (xrf0);
	(v2sf) =	vpush v1, $0xF  }
0x5a8: {  	v1, _, _ =	vpop (xrf0);
	(v2sf) =	vpush v3, $0xF;
	v3 =	vsel vm9, $0x0, v0  }
0x5a9: {  	v5, _, _ =	vpop (xrf0);
	(v2sf) =	vpush v2, $0xF;
	v2 =	vsel vm10, $0x0, v0;
	v3 =	vxor.u32 $0x80000000, v3  }
0x5aa: {  	(v2sf) =	vpush v5, $0xF;
	v5 =	vsel vm8, $0x0, v0;
	v2 =	vxor.u32 $0x80000000, v2;
	(xrf0) =	vmax.scan.msk.u32 $0xffff, v3  }
0x5ab: {  	(v2sf) =	vpush v1, $0xF;
	v1 =	vxor.u32 $0x80000000, v5;
	(xrf0) =	vmax.scan.msk.u32 $0xffff, v2  }
0x5ac: {  	(xrf0) =	vmax.scan.msk.u32 $0xffff, v1;
	_ =	sdelay $0x1  }
0x5ad: {  	v1 =	vsel vm12, $0x0, v0  }
0x5ae: {  	v1 =	vxor.u32 $0x80000000, v1  }
0x5af: {  	v2, _, _ =	vpop (xrf0)  }
0x5b0: {  	(xrf0) =	vmax.scan.msk.u32 $0xffff, v1;
	s0 =	spop (v2sf);
	v3, _, _ =	vpop (xrf0)  }
0x5b1: {  	s1 =	spop (v2sf);
	v1, _, _ =	vpop (xrf0)  }
0x5b2: {  	s2 =	spop (v2sf);
	(v2sf) =	vpush v1, $0xF  }
0x5b3: {  	s3 =	spop (v2sf)  }
0x5b4: {  	s5 =	spop (v2sf);
	(v2sf) =	vpush v2, $0xF  }
0x5b5: {  	s23 =	sadd.s32 $0x20, s20;
	s4 =	simm.s32 $0xC580;
	s14 =	simm.s32 $0xC400  }
0x5b6: {  	s15 =	simm.s32 $0xC480;
	s16 =	simm.s32 $0xC200;
	v1, _, _ =	vpop (xrf0);
	s6 =	spop (v2sf);
	(v2sf) =	vpush v3, $0xF  }
0x5b7: {  	s17 =	simm.s32 $0xC280;
	s18 =	simm.s32 $0xC000;
	s7 =	spop (v2sf);
	(v2sf) =	vpush v1, $0xF  }
0x5b8: {  	s26 =	sld [smem:$0x7FD];
	s25 =	simm.s32 $0xC180;
	s11 =	spop (v2sf)  }
0x5b9: {  	s19 =	simm.s32 $0xC080;
	s30 =	simm.s32 $0xC100;
	(v2sf) =	vpush v4, $0xF;
	s12 =	spop (v2sf)  }
0x5ba: {  	s24 =	sshll.u32 s0, $0x4;
	s0 =	simm.s32 $0xC680;
	s13 =	spop (v2sf)  }
0x5bb: {  	s9 =	sshll.u32 s1, $0x4;
	s10 =	sand.u32 $0x1FFFFFF0, s24;
	s13 =	sshll.u32 s13, $0x4  }
0x5bc: {  	s9 =	sand.u32 $0x1FFFFFF0, s9;
	s3 =	sshll.u32 s3, $0x4;
	s13 =	sand.u32 $0x1FFFFFF0, s13  }
0x5bd: {  	v0 =	vsel vm13, $0x0, v0;
	s3 =	sand.u32 $0x1FFFFFF0, s3;
	s12 =	sshll.u32 s12, $0x4;
	s13 =	sadd.s32 s26, s13  }
0x5be: {  	v0 =	vxor.u32 $0x80000000, v0;
	[tilespmem:s18], [sflag:$0x2] =	stream.linear.gather [hbm4b:s13+s31], $0x80, $0x38;
	[tilespmem:$0x18000] =	vst v63  }
0x5bf: {  	(xrf0) =	vmax.scan.msk.u32 $0xffff, v0;
	s2 =	sshll.u32 s2, $0x4;
	s3 =	sadd.s32 s26, s3;
	s12 =	sand.u32 $0x1FFFFFF0, s12  }
0x5c0: {  	[tilespmem:s19], [sflag:$0x2] =	stream.linear.gather [hbm4b:s3+s31], $0x80, $0x38;
	[tilespmem:$0x18000] =	vst v63  }
0x5c1: {  	s22 =	sadd.s32 s26, s9;
	s12 =	sadd.s32 s26, s12;
	s1 =	spop (v2sf)  }
0x5c2: {  	[tilespmem:s30], [sflag:$0x2] =	stream.linear.gather [hbm4b:s12+s31], $0x80, $0x38;
	[tilespmem:$0x18000] =	vst v63  }
0x5c3: {  	s2 =	sand.u32 $0x1FFFFFF0, s2;
	s3 =	sadd.s32 s26, s10;
	s12 =	spop (v2sf)  }
0x5c4: {  	[tilespmem:s25], [sflag:$0x2] =	stream.linear.gather [hbm4b:s3+s31], $0x80, $0x38;
	[tilespmem:$0x18000] =	vst v63  }
0x5c5: {  	v0, _, _ =	vpop (xrf0);
	s21 =	sshll.u32 s5, $0x4;
	s2 =	sadd.s32 s26, s2;
	s19 =	spop (v2sf)  }
0x5c6: {  	s6 =	sshll.u32 s6, $0x4;
	s7 =	sshll.u32 s7, $0x4;
	(v2sf) =	vpush v0, $0xF;
	s24 =	spop (v2sf)  }
0x5c7: {  	[tilespmem:s16], [sflag:$0x2] =	stream.linear.gather [hbm4b:s22+s31], $0x80, $0x38;
	[tilespmem:$0x18000] =	vst v63  }
0x5c8: {  	s6 =	sand.u32 $0x1FFFFFF0, s6;
	s7 =	sand.u32 $0x1FFFFFF0, s7;
	s25 =	spop (v2sf)  }
0x5c9: {  	s6 =	sadd.s32 s26, s6;
	s13 =	simm.s32 $0xC300;
	s30 =	sshll.u32 s25, $0x4  }
0x5ca: {  	v0 =	vld [tilespmem:s23+$0xFFFFFFF0];
	[tilespmem:s17], [sflag:$0x2] =	stream.linear.gather [hbm4b:s2+s31], $0x80, $0x38  }
0x5cb: {  	s8 =	sshll.u32 s1, $0x4;
	s1 =	sshll.u32 s11, $0x4;
	s5 =	sand.u32 $0x1FFFFFF0, s30  }
0x5cc: {  	[tilespmem:s13], [sflag:$0x2] =	stream.linear.gather [hbm4b:s6+s31], $0x80, $0x38;
	[tilespmem:$0x18000] =	vst v63  }
0x5cd: {  	s10 =	simm.s32 $0xC380;
	s2 =	sand.u32 $0x1FFFFFF0, s1;
	s5 =	sadd.s32 s26, s5  }
0x5ce: {  	[tilespmem:s10], [sflag:$0x2] =	stream.linear.gather [hbm4b:s5+s31], $0x80, $0x38;
	[tilespmem:$0x18000] =	vst v63  }
0x5cf: {  	v1 =	vsel vm15, $0x0, v0;
	s3 =	sand.u32 $0x1FFFFFF0, s21;
	s11 =	sshll.u32 s12, $0x4;
	s2 =	sadd.s32 s26, s2  }
0x5d0: {  	v1 =	vxor.u32 $0x80000000, v1;
	[tilespmem:s14], [sflag:$0x2] =	stream.linear.gather [hbm4b:s2+s31], $0x80, $0x38;
	[tilespmem:$0x18000] =	vst v63  }
0x5d1: {  	v2 =	vsel vm1, $0x0, v0;
	(xrf0) =	vmax.scan.msk.u32 $0xffff, v1;
	s12 =	sand.u32 $0x1FFFFFF0, s8;
	s3 =	sadd.s32 s26, s3;
	s13 =	sshll.u32 s19, $0x4  }
0x5d2: {  	v1 =	vxor.u32 $0x80000000, v2;
	[tilespmem:s15], [sflag:$0x2] =	stream.linear.gather [hbm4b:s3+s31], $0x80, $0x38;
	[tilespmem:$0x18000] =	vst v63  }
0x5d3: {  	v3 =	vsel vm2, $0x0, v0;
	(xrf0) =	vmax.scan.msk.u32 $0xffff, v1;
	s5 =	sand.u32 $0x1FFFFFF0, s11;
	s14 =	simm.s32 $0xC500;
	s2 =	sadd.s32 s26, s12  }
0x5d4: {  	v2 =	vxor.u32 $0x80000000, v3;
	[tilespmem:s14], [sflag:$0x2] =	stream.linear.gather [hbm4b:s2+s31], $0x80, $0x38;
	[tilespmem:$0x18000] =	vst v63  }
0x5d5: {  	v3 =	vsel vm5, $0x0, v0;
	(xrf0) =	vmax.scan.msk.u32 $0xffff, v2;
	s16 =	spop (v2sf);
	s5 =	sadd.s32 s26, s5;
	s3 =	sand.u32 $0x1FFFFFF0, s13  }
0x5d6: {  	v3 =	vxor.u32 $0x80000000, v3;
	[tilespmem:s4], [sflag:$0x2] =	stream.linear.gather [hbm4b:s5+s31], $0x80, $0x38;
	[tilespmem:$0x18000] =	vst v63  }
0x5d7: {  	v1 =	vsel vm3, $0x0, v0;
	(xrf0) =	vmax.scan.msk.u32 $0xffff, v3;
	s17 =	simm.s32 $0xC600;
	s15 =	sshll.u32 s24, $0x4;
	s3 =	sadd.s32 s26, s3  }
0x5d8: {  	v1 =	vxor.u32 $0x80000000, v1;
	[tilespmem:s17], [sflag:$0x2] =	stream.linear.gather [hbm4b:s3+s31], $0x80, $0x38;
	[tilespmem:$0x18000] =	vst v63  }
0x5d9: {  	v2 =	vsel vm4, $0x0, v0;
	(xrf0) =	vmax.scan.msk.u32 $0xffff, v1;
	s18 =	sshll.u32 s16, $0x4;
	s19 =	sadd.s32 s26, s7;
	s2 =	sand.u32 $0x1FFFFFF0, s15  }
0x5da: {  	v2 =	vxor.u32 $0x80000000, v2;
	[tilespmem:s0], [sflag:$0x2] =	stream.linear.gather [hbm4b:s19+s31], $0x80, $0x38;
	[tilespmem:$0x18000] =	vst v63  }
0x5db: {  	v3 =	vsel vm7, $0x0, v0;
	s21 =	simm.s32 $0xC700;
	(xrf0) =	vmax.scan.msk.u32 $0xffff, v2;
	s2 =	sadd.s32 s26, s2;
	s3 =	sand.u32 $0x1FFFFFF0, s18  }
0x5dc: {  	v3 =	vxor.u32 $0x80000000, v3;
	[tilespmem:s21], [sflag:$0x2] =	stream.linear.gather [hbm4b:s2+s31], $0x80, $0x38;
	[tilespmem:$0x18000] =	vst v63  }
0x5dd: {  	v1 =	vsel vm6, $0x0, v0;
	s22 =	simm.s32 $0xC780;
	(xrf0) =	vmax.scan.msk.u32 $0xffff, v3;
	s24 =	sadd.s32 s26, s3  }
0x5de: {  	v1 =	vxor.u32 $0x80000000, v1;
	[tilespmem:s22], [sflag:$0x2] =	stream.linear.gather [hbm4b:s24+s31], $0x80, $0x38;
	[tilespmem:$0x18000] =	vst v63  }
0x5df: {  	v4 =	vsel vm11, $0x0, v0;
	v2, _, _ =	vpop (xrf0);
	(xrf0) =	vmax.scan.msk.u32 $0xffff, v1;
	v1 =	vsel vm0, $0x0, v0;
	v5 =	vld [tilespmem:s20+$0x0]  }
0x5e0: {  	v4 =	vxor.u32 $0x80000000, v4;
	v3 =	vnsel vm14, $0x0, v0;
	v6, _, _ =	vpop (xrf0);
	v7 =	vxor.u32 $0x80000000, v1  }
0x5e1: {  	v3 =	vxor.u32 $0x80000000, v3;
	(v2sf) =	vpush v6, $0xF;
	v6, _, _ =	vpop (xrf0);
	(xrf0) =	vmax.scan.msk.u32 $0xffff, v4  }
0x5e2: {  	v8 =	vsel vm8, $0x0, v0;
	v4 =	vsel vm9, $0x0, v0;
	(xrf0) =	vmax.scan.msk.u32 $0xffff, v3;
	v1, _, _ =	vpop (xrf0)  }
0x5e3: {  	(v2sf) =	vpush v6, $0xF;
	v3 =	vsel vm10, $0x0, v0;
	v4 =	vxor.u32 $0x80000000, v4;
	(xrf0) =	vmax.scan.msk.u32 $0xffff, v7;
	v7, _, _ =	vpop (xrf0)  }
0x5e4: {  	(xrf0) =	vmax.scan.msk.u32 $0xffff, v4;
	v4 =	vxor.u32 $0x80000000, v8;
	(v2sf) =	vpush v7, $0xF;
	v7, _, _ =	vpop (xrf0);
	v8 =	vnsel vm14, $0x0, v5  }
0x5e5: {  	v3 =	vxor.u32 $0x80000000, v3;
	v9, _, _ =	vpop (xrf0);
	(v2sf) =	vpush v2, $0xF  }
0x5e6: {  	v6 =	vsel vm13, $0x0, v0;
	(xrf0) =	vmax.scan.msk.u32 $0xffff, v3;
	(v2sf) =	vpush v9, $0xF  }
0x5e7: {  	(xrf0) =	vmax.scan.msk.u32 $0xffff, v4;
	v3 =	vsel vm15, $0x0, v5;
	v4 =	vsel vm0, $0x0, v5;
	v2 =	vxor.u32 $0x80000000, v8;
	v8, _, _ =	vpop (xrf0)  }
0x5e8: {  	v3 =	vxor.u32 $0x80000000, v3;
	v58, _, _ =	vpop (xrf0);
	(xrf0) =	vmax.scan.msk.u32 $0xffff, v2;
	v2 =	vxor.u32 $0x80000000, v6;
	v6 =	vsel vm1, $0x0, v5  }
0x5e9: {  	v4 =	vxor.u32 $0x80000000, v4;
	v10, _, _ =	vpop (xrf0);
	(xrf0) =	vmax.scan.msk.u32 $0xffff, v3;
	v3 =	vxor.u32 $0x80000000, v6;
	v6 =	vsel vm2, $0x0, v5  }
0x5ea: {  	v0 =	vsel vm12, $0x0, v0;
	(v2sf) =	vpush v7, $0xF;
	v7, _, _ =	vpop (xrf0);
	(xrf0) =	vmax.scan.msk.u32 $0xffff, v4;
	v6 =	vxor.u32 $0x80000000, v6  }
0x5eb: {  	v0 =	vxor.u32 $0x80000000, v0;
	(v2sf) =	vpush v58, $0xF;
	v4 =	vsel vm3, $0x0, v5;
	v59, _, _ =	vpop (xrf0);
	(xrf0) =	vmax.scan.msk.u32 $0xffff, v3  }
0x5ec: {  	(v2sf) =	vpush v8, $0xF;
	v4 =	vxor.u32 $0x80000000, v4;
	v8, _, _ =	vpop (xrf0);
	(xrf0) =	vmax.scan.msk.u32 $0xffff, v6  }
0x5ed: {  	v3 =	vsel vm4, $0x0, v5;
	(v2sf) =	vpush v7, $0xF;
	v6, _, _ =	vpop (xrf0);
	(xrf0) =	vmax.scan.msk.u32 $0xffff, v4  }
0x5ee: {  	v3 =	vxor.u32 $0x80000000, v3;
	(v2sf) =	vpush v10, $0xF;
	v4 =	vsel vm5, $0x0, v5;
	(xrf0) =	vmax.scan.msk.u32 $0xffff, v0;
	v0, _, _ =	vpop (xrf0)  }
0x5ef: {  	v4 =	vxor.u32 $0x80000000, v4;
	(v2sf) =	vpush v6, $0xF;
	(xrf0) =	vmax.scan.msk.u32 $0xffff, v3;
	v6, _, _ =	vpop (xrf0);
	v3 =	vsel vm7, $0x0, v5  }
0x5f0: {  	v7 =	vsel vm6, $0x0, v5;
	v61, _, _ =	vpop (xrf0);
	(xrf0) =	vmax.scan.msk.u32 $0xffff, v4;
	v4 =	vxor.u32 $0x80000000, v3;
	v3 =	vsel vm9, $0x0, v5  }
0x5f1: {  	s28 =	simm.s32 $0xC880;
	s29 =	simm.s32 $0xD480;
	s8 =	sadd.s32 $0x20, s23;
	v7 =	vxor.u32 $0x80000000, v7;
	(v2sf) =	vpush v59, $0xF;
	(xrf0) =	vmax.scan.msk.u32 $0xffff, v2;
	v2, _, _ =	vpop (xrf0)  }
0x5f2: {  	s16 =	simm.s32 $0xD400;
	s6 =	simm.s32 $0x2;
	s7 =	simm.s32 $0xC980;
	v60 =	vsel vm8, $0x0, v5;
	(v2sf) =	vpush v8, $0xF;
	v11, _, _ =	vpop (xrf0);
	(xrf0) =	vmax.scan.msk.u32 $0xffff, v7  }
0x5f3: {  	s12 =	simm.s32 $0xD780;
	s13 =	simm.s32 $0xD700;
	s25 =	spop (v2sf);
	(v2sf) =	vpush v0, $0xF;
	v0 =	vxor.u32 $0x80000000, v3;
	v3, _, _ =	vpop (xrf0);
	(xrf0) =	vmax.scan.msk.u32 $0xffff, v4;
	v4 =	vsel vm11, $0x0, v5  }
0x5f4: {  	s14 =	simm.s32 $0xC800;
	s15 =	simm.s32 $0xD680;
	s30 =	spop (v2sf);
	v10 =	vxor.u32 $0x80000000, v60;
	v8 =	vsel vm10, $0x0, v5;
	(v2sf) =	vpush v11, $0xF  }
0x5f5: {  	s0 =	simm.s32 $0xD800;
	s21 =	sshll.u32 s25, $0x4;
	s31 =	spop (v2sf);
	v63 =	vsel vm13, $0x0, v5;
	v8 =	vxor.u32 $0x80000000, v8;
	v62, _, _ =	vpop (xrf0);
	(xrf0) =	vmax.scan.msk.u32 $0xffff, v10;
	(v2sf) =	vpush v6, $0xF  }
0x5f6: {  	s25 =	simm.s32 $0xD580;
	s24 =	simm.s32 $0xC900;
	s17 =	spop (v2sf);
	v7 =	vsel vm12, $0x0, v5;
	v6 =	vxor.u32 $0x80000000, v4;
	(v2sf) =	vpush v62, $0xF;
	v4, _, _ =	vpop (xrf0);
	(xrf0) =	vmax.scan.msk.u32 $0xffff, v0  }
0x5f7: {  	s20 =	sshll.u32 s30, $0x4;
	s18 =	sshll.u32 s31, $0x4;
	s22 =	spop (v2sf);
	v5 =	vxor.u32 $0x80000000, v7;
	v7 =	vxor.u32 $0x80000000, v63;
	(v2sf) =	vpush v61, $0xF;
	v0, _, _ =	vpop (xrf0);
	(xrf0) =	vmax.scan.msk.u32 $0xffff, v8  }
.LBB2_16:
0x5f8: {  	[smem:$0x7CF] =	sst s29  }
0x5f9: {  	[smem:$0x7CE] =	sst s28  }
0x5fa: {  	[smem:$0x7D4] =	sst s13  }
0x5fb: {  	[smem:$0x7D3] =	sst s7  }
0x5fc: {  	[smem:$0x7D2] =	sst s15  }
0x5fd: {  	[smem:$0x7D0] =	sst s24  }
0x5fe: {  	[smem:$0x7D1] =	sst s25  }
0x5ff: {  	[dreg:$0x1b] =	wrdreg s12  }
0x600: {  	[dreg:$0xe] =	wrdreg s23  }
0x601: {  	[dreg:$0x3] =	wrdreg s6;
	s28 =	sadd.s32 $0xFFFFFA00, s0;
	s6 =	sadd.s32 $0xFFFFFA80, s0  }
0x602: {  	s24 =	sadd.s32 $0xFFFFFB00, s0;
	s2 =	sshll.u32 s17, $0x4;
	s19 =	sadd.s32 $0xFFFFF980, s0  }
0x603: {  	s29 =	sadd.s32 $0xFFFFF880, s0;
	s25 =	sadd.s32 $0xFFFFF900, s0;
	s17 =	simm.s32 $0x0  }
0x604: {  	s31 =	sadd.s32 $0xFFFFF800, s0;
	s21 =	sand.u32 $0x1FFFFFF0, s21;
	s15 =	sshll.u32 s22, $0x4  }
0x605: {  	s20 =	sand.u32 $0x1FFFFFF0, s20;
	s18 =	sand.u32 $0x1FFFFFF0, s18;
	s23 =	spop (v2sf)  }
0x606: {  	s2 =	sand.u32 $0x1FFFFFF0, s2;
	s20 =	sadd.s32 s26, s20;
	s3 =	spop (v2sf)  }
0x607: {  	s2 =	sadd.s32 s26, s2;
	s3 =	sshll.u32 s3, $0x4;
	s30 =	spop (v2sf)  }
0x608: {  	s1 =	sand.u32 $0x1FFFFFF0, s3;
	s7 =	spop (v2sf);
	s30 =	sshll.u32 s30, $0x4  }
0x609: {  	(v2sf) =	vpush v1, $0xF;
	[dreg:$0x1f] =	wrdreg s1;
	s10 =	spop (v2sf);
	s3 =	sshll.u32 s7, $0x4  }
0x60a: {  	s7 =	smov.u32 s14;
	s14 =	sadd.s32 s26, s21;
	s10 =	sshll.u32 s10, $0x4  }
0x60b: {  	s9 =	spop (v2sf);
	s3 =	sand.u32 $0x1FFFFFF0, s3;
	s10 =	sand.u32 $0x1FFFFFF0, s10  }
0x60c: {  	s1 =	sshll.u32 s9, $0x4;
	s3 =	sadd.s32 s26, s3;
	s9 =	spop (v2sf)  }
0x60d: {  	s10 =	sadd.s32 s26, s10;
	s21 =	sand.u32 $0x1FFFFFF0, s1;
	s9 =	sshll.u32 s9, $0x4  }
0x60e: {  	[tilespmem:s31], [sflag:$0x2] =	stream.linear.gather [hbm4b:s10+s17], $0x80, $0x38;
	[tilespmem:$0x18000] =	vst v63  }
0x60f: {  	s12 =	spop (v2sf);
	s31 =	simm.s32 $0x0;
	s17 =	sshll.u32 s23, $0x4  }
0x610: {  	s10 =	sld [smem:$0x7CF];
	s11 =	spop (v2sf);
	s22 =	sand.u32 $0x1FFFFFF0, s9  }
0x611: {  	s12 =	sshll.u32 s12, $0x4;
	s23 =	sand.u32 $0x1FFFFFF0, s17;
	s13 =	spop (v2sf)  }
0x612: {  	[tilespmem:s29], [sflag:$0x2] =	stream.linear.gather [hbm4b:s2+s31], $0x80, $0x38;
	[tilespmem:$0x18000] =	vst v63  }
0x613: {  	s1 =	sshll.u32 s11, $0x4;
	(v2sf) =	vpush v2, $0xF;
	s2 =	sadd.s32 s26, s18;
	s4 =	spop (v2sf)  }
0x614: {  	s17 =	sadd.s32 s26, s23;
	s18 =	sand.u32 $0x1FFFFFF0, s30;
	s5 =	spop (v2sf)  }
0x615: {  	[tilespmem:s25], [sflag:$0x2] =	stream.linear.gather [hbm4b:s3+s31], $0x80, $0x38;
	[tilespmem:$0x18000] =	vst v63  }
0x616: {  	s11 =	sshll.u32 s13, $0x4;
	s13 =	sshll.u32 s4, $0x4;
	s4 =	spop (v2sf);
	(v2sf) =	vpush v3, $0xF  }
0x617: {  	[tilespmem:s19], [sflag:$0x2] =	stream.linear.gather [hbm4b:s14+s31], $0x80, $0x38;
	[tilespmem:$0x18000] =	vst v63  }
0x618: {  	v1, _, _ =	vpop (xrf0);
	(xrf0) =	vmax.scan.msk.u32 $0xffff, v6;
	s1 =	sand.u32 $0x1FFFFFF0, s1;
	s9 =	sshll.u32 s5, $0x4;
	s5 =	spop (v2sf);
	(v2sf) =	vpush v4, $0xF  }
0x619: {  	v6, _, _ =	vpop (xrf0);
	(v2sf) =	vpush v1, $0xF;
	[tilespmem:s28], [sflag:$0x2] =	stream.linear.gather [hbm4b:s20+s31], $0x80, $0x38;
	[tilespmem:$0x18000] =	vst v63  }
0x61a: {  	s25 =	sand.u32 $0x1FFFFFF0, s12;
	s12 =	sand.u32 $0x1FFFFFF0, s15;
	s1 =	sadd.s32 s26, s1;
	(v2sf) =	vpush v6, $0xF  }
0x61b: {  	[tilespmem:s6], [sflag:$0x2] =	stream.linear.gather [hbm4b:s2+s31], $0x80, $0x38;
	[tilespmem:$0x18000] =	vst v63  }
0x61c: {  	(xrf0) =	vmax.scan.msk.u32 $0xffff, v5;
	s15 =	sadd.s32 s26, s18;
	s19 =	sand.u32 $0x1FFFFFF0, s9;
	s5 =	sshll.u32 s5, $0x4  }
0x61d: {  	v5, _, _ =	vpop (xrf0);
	[tilespmem:s24], [sflag:$0x2] =	stream.linear.gather [hbm4b:s17+s31], $0x80, $0x38;
	[tilespmem:$0x18000] =	vst v63  }
0x61e: {  	s4 =	sshll.u32 s4, $0x4;
	s5 =	sand.u32 $0x1FFFFFF0, s5;
	s20 =	sand.u32 $0x1FFFFFF0, s13;
	(v2sf) =	vpush v5, $0xF  }
0x61f: {  	[tilespmem:s7], [sflag:$0x2] =	stream.linear.gather [hbm4b:s1+s31], $0x80, $0x38;
	[tilespmem:$0x18000] =	vst v63  }
0x620: {  	(xrf0) =	vmax.scan.msk.u32 $0xffff, v7;
	s5 =	sadd.s32 s26, s5;
	s20 =	sadd.s32 s26, s20;
	s24 =	sadd.s32 $0xFFFFFB80, s0  }
0x621: {  	v7, _, _ =	vpop (xrf0);
	[tilespmem:s24], [sflag:$0x2] =	stream.linear.gather [hbm4b:s5+s31], $0x80, $0x38;
	[tilespmem:$0x18000] =	vst v63  }
0x622: {  	s2 =	sand.u32 $0x1FFFFFF0, s4;
	s6 =	sand.u32 $0x1FFFFFF0, s11;
	s23 =	spop (v2sf);
	(v2sf) =	vpush v7, $0xF  }
0x623: {  	s2 =	sadd.s32 s26, s2;
	s5 =	sadd.s32 s26, s12;
	s4 =	sshll.u32 s23, $0x4  }
0x624: {  	[tilespmem:s16], [sflag:$0x2] =	stream.linear.gather [hbm4b:s15+s31], $0x80, $0x38;
	[tilespmem:$0x18000] =	vst v63  }
0x625: {  	s12 =	sld [smem:$0x7D0];
	s23 =	sand.u32 $0x1FFFFFF0, s4;
	s30 =	spop (v2sf)  }
0x626: {  	v8, _, _ =	vpop (xrf0);
	s15 =	sadd.s32 s26, s21;
	s23 =	sadd.s32 s26, s23;
	s13 =	sshll.u32 s30, $0x4  }
0x627: {  	(v2sf) =	vpush v8, $0xF;
	s14 =	spop (v2sf);
	s30 =	sld [smem:$0x7CE];
	s28 =	sand.u32 $0x1FFFFFF0, s13  }
0x628: {  	v9, _, _ =	vpop (xrf0);
	s17 =	sshll.u32 s14, $0x4;
	s18 =	spop (v2sf);
	s13 =	sadd.s32 $0xFFFFFD00, s0  }
0x629: {  	v10, _, _ =	vpop (xrf0);
	(v2sf) =	vpush v9, $0xF;
	s24 =	sand.u32 $0x1FFFFFF0, s17;
	s3 =	sshll.u32 s18, $0x4;
	s9 =	spop (v2sf)  }
0x62a: {  	(v2sf) =	vpush v10, $0xF;
	[tilespmem:s30], [sflag:$0x2] =	stream.linear.gather [hbm4b:s20+s31], $0x80, $0x38;
	[tilespmem:$0x18000] =	vst v63  }
0x62b: {  	s1 =	sand.u32 $0x1FFFFFF0, s3;
	s11 =	sshll.u32 s9, $0x4;
	s9 =	sld [smem:$0x7D1]  }
0x62c: {  	[tilespmem:s10], [sflag:$0x2] =	stream.linear.gather [hbm4b:s5+s31], $0x80, $0x38;
	[tilespmem:$0x18000] =	vst v63  }
0x62d: {  	v11, _, _ =	vpop (xrf0);
	s14 =	spop (v2sf);
	s30 =	sadd.s32 s26, s22;
	s22 =	sld [smem:$0x7D2]  }
0x62e: {  	(v2sf) =	vpush v11, $0xF;
	[tilespmem:s12], [sflag:$0x2] =	stream.linear.gather [hbm4b:s2+s31], $0x80, $0x38;
	[tilespmem:$0x18000] =	vst v63  }
0x62f: {  	s20 =	sand.u32 $0x1FFFFFF0, s11;
	s3 =	sshll.u32 s14, $0x4;
	s1 =	sadd.s32 s26, s1  }
0x630: {  	[tilespmem:s13], [sflag:$0x2] =	stream.linear.gather [hbm4b:s15+s31], $0x80, $0x38;
	[tilespmem:$0x18000] =	vst v63  }
0x631: {  	s18 =	sand.u32 $0x1FFFFFF0, s3;
	s10 =	sadd.s32 $0xFFFFFE00, s0;
	s16 =	spop (v2sf)  }
0x632: {  	v12, _, _ =	vpop (xrf0);
	[tilespmem:s9], [sflag:$0x2] =	stream.linear.gather [hbm4b:s30+s31], $0x80, $0x38;
	[tilespmem:$0x18000] =	vst v63  }
0x633: {  	(v2sf) =	vpush v12, $0xF;
	s13 =	sadd.s32 s26, s25;
	s30 =	sld [smem:$0x7D3];
	s17 =	sshll.u32 s16, $0x4  }
0x634: {  	[tilespmem:s10], [sflag:$0x2] =	stream.linear.gather [hbm4b:s13+s31], $0x80, $0x38;
	[tilespmem:$0x18000] =	vst v63  }
0x635: {  	(v2sf) =	vpush v0, $0xF;
	s9 =	sadd.s32 s26, s19;
	s16 =	sand.u32 $0x1FFFFFF0, s17;
	s17 =	rddreg [dreg:$0x1f]  }
0x636: {  	s13 =	sld [smem:$0x7D4];
	s21 =	spop (v2sf);
	s3 =	sadd.s32 s26, s17  }
0x637: {  	v1 =	vld [tilespmem:s8+$0xFFFFFFF0];
	[tilespmem:s22], [sflag:$0x2] =	stream.linear.gather [hbm4b:s3+s31], $0x80, $0x38  }
0x638: {  	s5 =	sshll.u32 s21, $0x4;
	s12 =	spop (v2sf);
	s22 =	sadd.s32 s26, s24  }
0x639: {  	s24 =	rddreg [dreg:$0xe];
	s2 =	sshll.u32 s12, $0x4;
	s14 =	spop (v2sf)  }
0x63a: {  	[tilespmem:s30], [sflag:$0x2] =	stream.linear.gather [hbm4b:s23+s31], $0x80, $0x38;
	[tilespmem:$0x18000] =	vst v63  }
0x63b: {  	s11 =	sand.u32 $0x1FFFFFF0, s5;
	s15 =	sand.u32 $0x1FFFFFF0, s2;
	s21 =	sshll.u32 s14, $0x4  }
0x63c: {  	[tilespmem:s13], [sflag:$0x2] =	stream.linear.gather [hbm4b:s9+s31], $0x80, $0x38;
	[tilespmem:$0x18000] =	vst v63  }
0x63d: {  	s25 =	spop (v2sf);
	s5 =	sand.u32 $0x1FFFFFF0, s21;
	s21 =	rddreg [dreg:$0x1b];
	v0 =	vnsel vm14, $0x0, v1;
	v3 =	vsel vm15, $0x0, v1  }
0x63e: {  	v5 =	vxor.u32 $0x80000000, v0;
	v0 =	vxor.u32 $0x80000000, v3;
	v3 =	vsel vm1, $0x0, v1;
	[tilespmem:s21], [sflag:$0x2] =	stream.linear.gather [hbm4b:s1+s31], $0x80, $0x38;
	[tilespmem:$0x18000] =	vst v63  }
0x63f: {  	s14 =	sadd.s32 s26, s6;
	s2 =	sshll.u32 s25, $0x4;
	s25 =	sadd.s32 $0x200, s7;
	v6 =	vsel vm2, $0x0, v1;
	(xrf0) =	vmax.scan.msk.u32 $0xffff, v0;
	v3 =	vxor.u32 $0x80000000, v3  }
0x640: {  	v35 =	vsel vm5, $0x0, v1;
	v6 =	vxor.u32 $0x80000000, v6;
	(xrf0) =	vmax.scan.msk.u32 $0xffff, v3;
	v0 =	vld [tilespmem:s24+$0x0];
	[tilespmem:s25], [sflag:$0x2] =	stream.linear.gather [hbm4b:s14+s31], $0x80, $0x38  }
0x641: {  	v7 =	vsel vm3, $0x0, v1;
	v37 =	vxor.u32 $0x80000000, v35;
	(xrf0) =	vmax.scan.msk.u32 $0xffff, v6  }
0x642: {  	s19 =	sadd.s32 s26, s28;
	s30 =	sadd.s32 $0x280, s7;
	s10 =	spop (v2sf);
	v3 =	vxor.u32 $0x80000000, v7;
	(xrf0) =	vmax.scan.msk.u32 $0xffff, v37  }
0x643: {  	v34 =	vsel vm4, $0x0, v1;
	[tilespmem:s30], [sflag:$0x2] =	stream.linear.gather [hbm4b:s19+s31], $0x80, $0x38;
	[tilespmem:$0x18000] =	vst v63  }
0x644: {  	s9 =	sand.u32 $0x1FFFFFF0, s2;
	s4 =	sshll.u32 s10, $0x4;
	v7 =	vxor.u32 $0x80000000, v34;
	(xrf0) =	vmax.scan.msk.u32 $0xffff, v3;
	s23 =	spop (v2sf)  }
0x645: {  	v2 =	vsel vm6, $0x0, v1;
	v4 =	vsel vm10, $0x0, v1;
	v41 =	vsel vm7, $0x0, v1;
	s12 =	sand.u32 $0x1FFFFFF0, s4;
	s4 =	sadd.s32 $0x300, s7;
	s2 =	sshll.u32 s23, $0x4;
	v3, _, _ =	vpop (xrf0);
	(xrf0) =	vmax.scan.msk.u32 $0xffff, v7  }
0x646: {  	v8 =	vsel vm13, $0x0, v1;
	v36 =	vsel vm12, $0x0, v1;
	v12 =	vxor.u32 $0x80000000, v41;
	[tilespmem:s4], [sflag:$0x2] =	stream.linear.gather [hbm4b:s22+s31], $0x80, $0x38;
	[tilespmem:$0x18000] =	vst v63  }
0x647: {  	s17 =	rddreg [dreg:$0x3];
	v39 =	vsel vm8, $0x0, v1;
	s13 =	smov.u32 s7;
	v40 =	vsel vm0, $0x0, v1;
	v38 =	vxor.u32 $0x80000000, v2;
	s2 =	sand.u32 $0x1FFFFFF0, s2;
	v14, _, _ =	vpop (xrf0);
	(xrf0) =	vmax.scan.msk.u32 $0xffff, v12  }
0x648: {  	s6 =	sadd.s32 $0x2, s17;
	v2 =	vxor.u32 $0x80000000, v8;
	v8 =	vsel vm9, $0x0, v1;
	s17 =	sadd.s32 $0x380, s13;
	v1 =	vsel vm11, $0x0, v1;
	s2 =	sadd.s32 s26, s2;
	(xrf0) =	vmax.scan.msk.u32 $0xffff, v38  }
0x649: {  	v16 =	vxor.u32 $0x80000000, v1;
	[tilespmem:s17], [sflag:$0x2] =	stream.linear.gather [hbm4b:s2+s31], $0x80, $0x38;
	[tilespmem:$0x18000] =	vst v63  }
0x64a: {  	v43, _, _ =	vpop (xrf0);
	(xrf0) =	vmax.scan.msk.u32 $0xffff, v16  }
0x64b: {  	s21 =	sadd.s32 s26, s20;
	s19 =	sadd.s32 $0x400, s13;
	v1, _, _ =	vpop (xrf0);
	(xrf0) =	vmax.scan.msk.u32 $0xffff, v5  }
0x64c: {  	v45 =	vxor.u32 $0x80000000, v40;
	[tilespmem:s19], [sflag:$0x2] =	stream.linear.gather [hbm4b:s21+s31], $0x80, $0x38;
	[tilespmem:$0x18000] =	vst v63  }
0x64d: {  	v8 =	vxor.u32 $0x80000000, v8;
	v46, _, _ =	vpop (xrf0);
	(xrf0) =	vmax.scan.msk.u32 $0xffff, v45  }
0x64e: {  	s24 =	sadd.s32 s26, s18;
	s22 =	sadd.s32 $0x480, s13;
	v50, _, _ =	vpop (xrf0);
	(xrf0) =	vmax.scan.msk.u32 $0xffff, v8  }
0x64f: {  	v4 =	vxor.u32 $0x80000000, v4;
	[tilespmem:s22], [sflag:$0x2] =	stream.linear.gather [hbm4b:s24+s31], $0x80, $0x38;
	[tilespmem:$0x18000] =	vst v63  }
0x650: {  	v6 =	vxor.u32 $0x80000000, v39;
	v7 =	vnsel vm14, $0x0, v0;
	v52, _, _ =	vpop (xrf0);
	(xrf0) =	vmax.scan.msk.u32 $0xffff, v4  }
0x651: {  	s25 =	sadd.s32 $0x500, s13;
	s30 =	sadd.s32 s26, s16;
	v7 =	vxor.u32 $0x80000000, v7;
	(v2sf) =	vpush v14, $0xF;
	v53, _, _ =	vpop (xrf0);
	(xrf0) =	vmax.scan.msk.u32 $0xffff, v6  }
0x652: {  	v15 =	vsel vm15, $0x0, v0;
	[tilespmem:s25], [sflag:$0x2] =	stream.linear.gather [hbm4b:s30+s31], $0x80, $0x38;
	[tilespmem:$0x18000] =	vst v63  }
0x653: {  	v42 =	vxor.u32 $0x80000000, v15;
	(v2sf) =	vpush v43, $0xF;
	v6 =	vsel vm6, $0x0, v0;
	v54, _, _ =	vpop (xrf0);
	(xrf0) =	vmax.scan.msk.u32 $0xffff, v7  }
0x654: {  	s10 =	sadd.s32 s26, s11;
	s7 =	sadd.s32 $0x580, s13;
	v13 =	vsel vm0, $0x0, v0;
	v44 =	vsel vm1, $0x0, v0;
	v7, _, _ =	vpop (xrf0);
	(xrf0) =	vmax.scan.msk.u32 $0xffff, v42  }
0x655: {  	v47 =	vsel vm2, $0x0, v0;
	v13 =	vxor.u32 $0x80000000, v13;
	(v2sf) =	vpush v46, $0xF;
	[tilespmem:s7], [sflag:$0x2] =	stream.linear.gather [hbm4b:s10+s31], $0x80, $0x38;
	[tilespmem:$0x18000] =	vst v63  }
0x656: {  	v5 =	vxor.u32 $0x80000000, v44;
	(v2sf) =	vpush v3, $0xF;
	v55 =	vxor.u32 $0x80000000, v6;
	v6, _, _ =	vpop (xrf0);
	(xrf0) =	vmax.scan.msk.u32 $0xffff, v13  }
0x657: {  	s15 =	sadd.s32 s26, s15;
	s11 =	sadd.s32 $0x600, s13;
	v8 =	vxor.u32 $0x80000000, v47;
	(v2sf) =	vpush v52, $0xF;
	v59, _, _ =	vpop (xrf0);
	(xrf0) =	vmax.scan.msk.u32 $0xffff, v5  }
0x658: {  	v48 =	vsel vm3, $0x0, v0;
	(v2sf) =	vpush v50, $0xF;
	[tilespmem:s11], [sflag:$0x2] =	stream.linear.gather [hbm4b:s15+s31], $0x80, $0x38;
	[tilespmem:$0x18000] =	vst v63  }
0x659: {  	v11 =	vxor.u32 $0x80000000, v36;
	v51 =	vxor.u32 $0x80000000, v48;
	(v2sf) =	vpush v54, $0xF;
	v60, _, _ =	vpop (xrf0);
	(xrf0) =	vmax.scan.msk.u32 $0xffff, v8  }
0x65a: {  	s16 =	sadd.s32 $0x680, s13;
	v49 =	vsel vm4, $0x0, v0;
	v18 =	vsel vm7, $0x0, v0;
	s17 =	sadd.s32 s26, s5;
	(v2sf) =	vpush v53, $0xF;
	v8, _, _ =	vpop (xrf0);
	(xrf0) =	vmax.scan.msk.u32 $0xffff, v51  }
0x65b: {  	v17 =	vsel vm8, $0x0, v0;
	v57 =	vsel vm9, $0x0, v0;
	(v2sf) =	vpush v6, $0xF;
	[tilespmem:s16], [sflag:$0x2] =	stream.linear.gather [hbm4b:s17+s31], $0x80, $0x38;
	[tilespmem:$0x18000] =	vst v63  }
0x65c: {  	p0 =	slt.u32 s6, $0x6;
	s20 =	sadd.s32 $0x780, s13;
	s14 =	smov.u32 s0;
	v58 =	vsel vm10, $0x0, v0;
	v3 =	vxor.u32 $0x80000000, v49;
	(v2sf) =	vpush v7, $0xF;
	(xrf0) =	vmax.scan.msk.u32 $0xffff, v11  }
0x65d: {  	s18 =	sadd.s32 $0x700, s13;
	s28 =	sadd.s32 $0x80, s14;
	v61 =	vsel vm12, $0x0, v0;
	s19 =	sadd.s32 s26, s9;
	v4 =	vsel vm5, $0x0, v0;
	(v2sf) =	vpush v8, $0xF;
	v8, _, _ =	vpop (xrf0);
	(xrf0) =	vmax.scan.msk.u32 $0xffff, v3  }
0x65e: {  	v62 =	vsel vm13, $0x0, v0;
	v4 =	vxor.u32 $0x80000000, v4;
	v5 =	vsel vm11, $0x0, v0;
	v0, _, _ =	vpop (xrf0);
	[tilespmem:s18], [sflag:$0x2] =	stream.linear.gather [hbm4b:s19+s31], $0x80, $0x38;
	[tilespmem:$0x18000] =	vst v63  }
0x65f: {  	s23 =	smov.u32 s8;
	s8 =	sadd.s32 $0x20, s8;
	s21 =	sadd.s32 s26, s12;
	v63, _, _ =	vpop (xrf0);
	(xrf0) =	vmax.scan.msk.u32 $0xffff, v4  }
0x660: {  	s24 =	sadd.s32 $0x100, s0;
	s0 =	sadd.s32 $0x1000, s0;
	(v2sf) =	vpush v59, $0xF;
	s22 =	spop (v2sf);
	(xrf0) =	vmax.scan.msk.u32 $0xffff, v2  }
0x661: {  	(v2sf) =	vpush v60, $0xF;
	v2, _, _ =	vpop (xrf0);
	[tilespmem:s20], [sflag:$0x2] =	stream.linear.gather [hbm4b:s21+s31], $0x80, $0x38;
	[tilespmem:$0x18000] =	vst v63  }
.Ltmp11:
0x662: {  	v56 =	vxor.u32 $0x80000000, v18;
	s13 =	sadd.s32 $0xFFFFFF00, s0;
	s25 =	spop (v2sf);
	(v2sf) =	vpush v8, $0xF;
	v3, _, _ =	vpop (xrf0);
	(xrf0) =	vmax.scan.msk.u32 $0xffff, v55;
	(pc) =	sbr.rel @p0 .LBB2_16-.Ltmp11, $4  }
0x663: {  	v17 =	vxor.u32 $0x80000000, v17;
	s12 =	sadd.s32 $0xFFFFFF80, s0;
	s29 =	sadd.s32 $0xFFFFFC80, s0;
	s7 =	sadd.s32 $0x180, s14;
	(v2sf) =	vpush v3, $0xF;
	v3, _, _ =	vpop (xrf0);
	(xrf0) =	vmax.scan.msk.u32 $0xffff, v56  }
0x664: {  	v10 =	vxor.u32 $0x80000000, v57;
	s15 =	sadd.s32 $0xFFFFFE80, s0;
	s16 =	sadd.s32 $0xFFFFFC00, s0;
	s30 =	spop (v2sf);
	v4, _, _ =	vpop (xrf0);
	(xrf0) =	vmax.scan.msk.u32 $0xffff, v17;
	(v2sf) =	vpush v0, $0xF  }
0x665: {  	v14 =	vxor.u32 $0x80000000, v58;
	v6 =	vxor.u32 $0x80000000, v5;
	s21 =	sshll.u32 s22, $0x4;
	s20 =	sshll.u32 s25, $0x4;
	s17 =	spop (v2sf);
	(v2sf) =	vpush v4, $0xF;
	v4, _, _ =	vpop (xrf0);
	(xrf0) =	vmax.scan.msk.u32 $0xffff, v10  }
0x666: {  	v5 =	vxor.u32 $0x80000000, v61;
	v7 =	vxor.u32 $0x80000000, v62;
	s25 =	sadd.s32 $0xFFFFFD80, s0;
	s18 =	sshll.u32 s30, $0x4;
	s22 =	spop (v2sf);
	(v2sf) =	vpush v63, $0xF;
	v0, _, _ =	vpop (xrf0);
	(xrf0) =	vmax.scan.msk.u32 $0xffff, v14  }
0x667: {  	s1 =	spop (v2sf)  }
0x668: {  	s6 =	spop (v2sf)  }
0x669: {  	s2 =	spop (v2sf)  }
0x66a: {  	s3 =	spop (v2sf)  }
0x66b: {  	s4 =	spop (v2sf)  }
0x66c: {  	s5 =	sadd.s32 $0xFFFFFA00, s0;
	s4 =	sshll.u32 s4, $0x4  }
0x66d: {  	s8 =	sshll.u32 s17, $0x4;
	s9 =	sadd.s32 $0xFFFFF880, s0;
	s4 =	sand.u32 $0x1FFFFFF0, s4  }
0x66e: {  	s10 =	sadd.s32 $0xFFFFF800, s0;
	s8 =	sand.u32 $0x1FFFFFF0, s8;
	(v2sf) =	vpush v1, $0xF;
	s4 =	sadd.s32 s26, s4  }
0x66f: {  	[tilespmem:s10], [sflag:$0x2] =	stream.linear.gather [hbm4b:s4+s31], $0x80, $0x38;
	[tilespmem:$0x18000] =	vst v63  }
0x670: {  	s19 =	sadd.s32 s26, s8;
	s3 =	sshll.u32 s3, $0x4;
	s10 =	spop (v2sf)  }
0x671: {  	[tilespmem:s9], [sflag:$0x2] =	stream.linear.gather [hbm4b:s19+s31], $0x80, $0x38;
	[tilespmem:$0x18000] =	vst v63  }
0x672: {  	s30 =	sadd.s32 $0xFFFFF900, s0;
	s3 =	sand.u32 $0x1FFFFFF0, s3;
	s9 =	spop (v2sf)  }
0x673: {  	s17 =	sand.u32 $0x1FFFFFF0, s21;
	s3 =	sadd.s32 s26, s3;
	s19 =	spop (v2sf)  }
0x674: {  	[tilespmem:s30], [sflag:$0x2] =	stream.linear.gather [hbm4b:s3+s31], $0x80, $0x38;
	[tilespmem:$0x18000] =	vst v63  }
0x675: {  	s21 =	sand.u32 $0x1FFFFFF0, s20;
	s18 =	sand.u32 $0x1FFFFFF0, s18;
	s11 =	spop (v2sf)  }
0x676: {  	s8 =	sadd.s32 $0xFFFFF980, s0;
	s4 =	sadd.s32 s26, s17;
	s17 =	spop (v2sf)  }
0x677: {  	[tilespmem:s8], [sflag:$0x2] =	stream.linear.gather [hbm4b:s4+s31], $0x80, $0x38;
	[tilespmem:$0x18000] =	vst v63  }
0x678: {  	s1 =	sshll.u32 s1, $0x4;
	s8 =	sadd.s32 s26, s21;
	s4 =	spop (v2sf)  }
0x679: {  	[tilespmem:s5], [sflag:$0x2] =	stream.linear.gather [hbm4b:s8+s31], $0x80, $0x38;
	[tilespmem:$0x18000] =	vst v63  }
0x67a: {  	s30 =	sadd.s32 $0xFFFFFA80, s0;
	s8 =	spop (v2sf);
	s5 =	sadd.s32 s26, s18  }
0x67b: {  	[tilespmem:s30], [sflag:$0x2] =	stream.linear.gather [hbm4b:s5+s31], $0x80, $0x38;
	[tilespmem:$0x18000] =	vst v63  }
0x67c: {  	s1 =	sand.u32 $0x1FFFFFF0, s1;
	s5 =	spop (v2sf)  }
0x67d: {  	s20 =	sadd.s32 $0xFFFFFB00, s0;
	s1 =	sadd.s32 s26, s1;
	s21 =	spop (v2sf)  }
0x67e: {  	[tilespmem:s20], [sflag:$0x2] =	stream.linear.gather [hbm4b:s1+s31], $0x80, $0x38;
	[tilespmem:$0x18000] =	vst v63  }
0x67f: {  	s1 =	sshll.u32 s21, $0x4  }
0x680: {  	s1 =	sand.u32 $0x1FFFFFF0, s1  }
0x681: {  	s3 =	sshll.u32 s2, $0x4;
	s30 =	sadd.s32 $0xFFFFFB80, s0;
	s1 =	sadd.s32 s26, s1  }
0x682: {  	(v2sf) =	vpush v2, $0xF;
	[tilespmem:s30], [sflag:$0x2] =	stream.linear.gather [hbm4b:s1+s31], $0x80, $0x38;
	[tilespmem:$0x18000] =	vst v63  }
0x683: {  	s1 =	sand.u32 $0x1FFFFFF0, s3  }
0x684: {  	s1 =	sadd.s32 s26, s1  }
0x685: {  	[tilespmem:s16], [sflag:$0x2] =	stream.linear.gather [hbm4b:s1+s31], $0x80, $0x38;
	[tilespmem:$0x18000] =	vst v63  }
0x686: {  	s16 =	sshll.u32 s11, $0x4  }
0x687: {  	s1 =	sand.u32 $0x1FFFFFF0, s16  }
0x688: {  	s18 =	sshll.u32 s4, $0x4;
	s1 =	sadd.s32 s26, s1  }
0x689: {  	[tilespmem:s14], [sflag:$0x2] =	stream.linear.gather [hbm4b:s1+s31], $0x80, $0x38;
	[tilespmem:$0x18000] =	vst v63  }
0x68a: {  	s1 =	sand.u32 $0x1FFFFFF0, s18  }
0x68b: {  	s20 =	sshll.u32 s22, $0x4;
	s1 =	sadd.s32 s26, s1  }
0x68c: {  	[tilespmem:s28], [sflag:$0x2] =	stream.linear.gather [hbm4b:s1+s31], $0x80, $0x38;
	[tilespmem:$0x18000] =	vst v63  }
0x68d: {  	s1 =	sand.u32 $0x1FFFFFF0, s20  }
0x68e: {  	s21 =	sshll.u32 s5, $0x4;
	s1 =	sadd.s32 s26, s1  }
0x68f: {  	(v2sf) =	vpush v3, $0xF;
	[tilespmem:s29], [sflag:$0x2] =	stream.linear.gather [hbm4b:s1+s31], $0x80, $0x38;
	[tilespmem:$0x18000] =	vst v63  }
0x690: {  	s22 =	sshll.u32 s10, $0x4;
	s30 =	sshll.u32 s6, $0x4;
	s1 =	sand.u32 $0x1FFFFFF0, s21  }
0x691: {  	v14, _, _ =	vpop (xrf0);
	(v2sf) =	vpush v4, $0xF;
	s28 =	sshll.u32 s9, $0x4;
	s9 =	spop (v2sf);
	s1 =	sadd.s32 s26, s1  }
0x692: {  	(v2sf) =	vpush v14, $0xF;
	[tilespmem:s24], [sflag:$0x2] =	stream.linear.gather [hbm4b:s1+s31], $0x80, $0x38;
	[tilespmem:$0x18000] =	vst v63  }
0x693: {  	v15, _, _ =	vpop (xrf0);
	s6 =	sshll.u32 s17, $0x4;
	s3 =	sshll.u32 s9, $0x4;
	s1 =	sand.u32 $0x1FFFFFF0, s22  }
0x694: {  	v16, _, _ =	vpop (xrf0);
	(xrf0) =	vmax.scan.msk.u32 $0xffff, v6;
	s3 =	sand.u32 $0x1FFFFFF0, s3;
	s24 =	sadd.s32 $0xFFFFFD00, s0;
	s1 =	sadd.s32 s26, s1  }
0x695: {  	[tilespmem:s24], [sflag:$0x2] =	stream.linear.gather [hbm4b:s1+s31], $0x80, $0x38;
	[tilespmem:$0x18000] =	vst v63  }
0x696: {  	v17, _, _ =	vpop (xrf0);
	(xrf0) =	vmax.scan.msk.u32 $0xffff, v5;
	(v2sf) =	vpush v15, $0xF;
	s5 =	sand.u32 $0x1FFFFFF0, s30;
	s3 =	sadd.s32 s26, s3;
	s1 =	sand.u32 $0x1FFFFFF0, s28  }
0x697: {  	[tilespmem:s7], [sflag:$0x2] =	stream.linear.gather [hbm4b:s3+s31], $0x80, $0x38;
	[tilespmem:$0x18000] =	vst v63  }
0x698: {  	v18, _, _ =	vpop (xrf0);
	(xrf0) =	vmax.scan.msk.u32 $0xffff, v7;
	(v2sf) =	vpush v16, $0xF;
	s2 =	sand.u32 $0x1FFFFFF0, s6;
	s29 =	sshll.u32 s19, $0x4;
	s1 =	sadd.s32 s26, s1  }
0x699: {  	[tilespmem:s25], [sflag:$0x2] =	stream.linear.gather [hbm4b:s1+s31], $0x80, $0x38;
	[tilespmem:$0x18000] =	vst v63  }
0x69a: {  	(v2sf) =	vpush v17, $0xF;
	s30 =	sadd.s32 $0x200, s14;
	s2 =	sadd.s32 s26, s2;
	s1 =	sand.u32 $0x1FFFFFF0, s29  }
0x69b: {  	(v2sf) =	vpush v18, $0xF;
	[tilespmem:s30], [sflag:$0x2] =	stream.linear.gather [hbm4b:s2+s31], $0x80, $0x38;
	[tilespmem:$0x18000] =	vst v63  }
0x69c: {  	v19, _, _ =	vpop (xrf0);
	s4 =	sadd.s32 $0xFFFFFE00, s0;
	s1 =	sadd.s32 s26, s1  }
0x69d: {  	v20, _, _ =	vpop (xrf0);
	(v2sf) =	vpush v19, $0xF;
	[tilespmem:s4], [sflag:$0x2] =	stream.linear.gather [hbm4b:s1+s31], $0x80, $0x38;
	[tilespmem:$0x18000] =	vst v63  }
0x69e: {  	v21, _, _ =	vpop (xrf0);
	(v2sf) =	vpush v20, $0xF;
	s10 =	spop (v2sf);
	s1 =	sadd.s32 s26, s5  }
0x69f: {  	v22, _, _ =	vpop (xrf0);
	(v2sf) =	vpush v21, $0xF;
	[tilespmem:s15], [sflag:$0x2] =	stream.linear.gather [hbm4b:s1+s31], $0x80, $0x38;
	[tilespmem:$0x18000] =	vst v63  }
0x6a0: {  	s11 =	sshll.u32 s8, $0x4;
	(v2sf) =	vpush v22, $0xF;
	s15 =	spop (v2sf)  }
0x6a1: {  	s1 =	sand.u32 $0x1FFFFFF0, s11;
	s16 =	spop (v2sf);
	(v2sf) =	vpush v0, $0xF  }
0x6a2: {  	s17 =	sshll.u32 s10, $0x4;
	s1 =	sadd.s32 s26, s1;
	s6 =	sshll.u32 s16, $0x4  }
0x6a3: {  	[tilespmem:s13], [sflag:$0x2] =	stream.linear.gather [hbm4b:s1+s31], $0x80, $0x38;
	[tilespmem:$0x18000] =	vst v63  }
0x6a4: {  	s20 =	sand.u32 $0x1FFFFFF0, s17;
	s21 =	sand.u32 $0x1FFFFFF0, s6  }
0x6a5: {  	s24 =	sadd.s32 $0x280, s14;
	s18 =	spop (v2sf);
	s3 =	sadd.s32 s26, s21  }
0x6a6: {  	[tilespmem:s12], [sflag:$0x2] =	stream.linear.gather [hbm4b:s3+s31], $0x80, $0x38;
	[tilespmem:$0x18000] =	vst v63  }
0x6a7: {  	s5 =	sshll.u32 s15, $0x4;
	s1 =	sadd.s32 s26, s20;
	s19 =	spop (v2sf)  }
0x6a8: {  	[tilespmem:s24], [sflag:$0x2] =	stream.linear.gather [hbm4b:s1+s31], $0x80, $0x38;
	v23 =	vld [tilespmem:s23+$0x0]  }
0x6a9: {  	s25 =	sand.u32 $0x1FFFFFF0, s5;
	s22 =	spop (v2sf)  }
0x6aa: {  	s30 =	sadd.s32 $0x300, s14;
	s1 =	sadd.s32 s26, s25;
	s6 =	spop (v2sf)  }
0x6ab: {  	[tilespmem:s30], [sflag:$0x2] =	stream.linear.gather [hbm4b:s1+s31], $0x80, $0x38;
	[tilespmem:$0x18000] =	vst v63  }
0x6ac: {  	s8 =	spop (v2sf)  }
0x6ad: {  	s7 =	spop (v2sf);
	v24 =	vnsel vm14, $0x0, v23  }
0x6ae: {  	s28 =	spop (v2sf);
	v25 =	vsel vm15, $0x0, v23;
	v1 =	vxor.u32 $0x80000000, v24  }
0x6af: {  	s29 =	spop (v2sf);
	v26 =	vsel vm0, $0x0, v23;
	v2 =	vxor.u32 $0x80000000, v25;
	(xrf0) =	vmax.scan.msk.u32 $0xffff, v1  }
0x6b0: {  	v28 =	vsel vm1, $0x0, v23;
	v27 =	vxor.u32 $0x80000000, v26;
	(xrf0) =	vmax.scan.msk.u32 $0xffff, v2;
	s3 =	spop (v2sf)  }
0x6b1: {  	v30 =	vsel vm2, $0x0, v23;
	v29 =	vxor.u32 $0x80000000, v28;
	(xrf0) =	vmax.scan.msk.u32 $0xffff, v27;
	s1 =	sshll.u32 s3, $0x4  }
0x6b2: {  	v31 =	vxor.u32 $0x80000000, v30;
	(xrf0) =	vmax.scan.msk.u32 $0xffff, v29;
	s1 =	sand.u32 $0x1FFFFFF0, s1  }
0x6b3: {  	s13 =	sshll.u32 s18, $0x4;
	s12 =	sadd.s32 $0x380, s14;
	(xrf0) =	vmax.scan.msk.u32 $0xffff, v31;
	s1 =	sadd.s32 s26, s1  }
0x6b4: {  	v32 =	vsel vm3, $0x0, v23;
	[tilespmem:s12], [sflag:$0x2] =	stream.linear.gather [hbm4b:s1+s31], $0x80, $0x38;
	[tilespmem:$0x18000] =	vst v63  }
0x6b5: {  	s17 =	sadd.s32 $0x400, s14;
	s15 =	sshll.u32 s19, $0x4;
	v1 =	vxor.u32 $0x80000000, v32;
	s1 =	sand.u32 $0x1FFFFFF0, s13  }
0x6b6: {  	s2 =	sand.u32 $0x1FFFFFF0, s15;
	s16 =	sshll.u32 s22, $0x4;
	v35 =	vsel vm4, $0x0, v23;
	v33, _, _ =	vpop (xrf0);
	(xrf0) =	vmax.scan.msk.u32 $0xffff, v1;
	s1 =	sadd.s32 s26, s1  }
0x6b7: {  	v4 =	vxor.u32 $0x80000000, v35;
	v34, _, _ =	vpop (xrf0);
	(v2sf) =	vpush v33, $0xF;
	[tilespmem:s17], [sflag:$0x2] =	stream.linear.gather [hbm4b:s1+s31], $0x80, $0x38;
	[tilespmem:$0x18000] =	vst v63  }
0x6b8: {  	s19 =	sadd.s32 $0x480, s14;
	s18 =	sand.u32 $0x1FFFFFF0, s16;
	s2 =	sadd.s32 s26, s2;
	v37 =	vsel vm5, $0x0, v23;
	(xrf0) =	vmax.scan.msk.u32 $0xffff, v4;
	v36, _, _ =	vpop (xrf0)  }
0x6b9: {  	v5 =	vxor.u32 $0x80000000, v37;
	v38, _, _ =	vpop (xrf0);
	[tilespmem:s19], [sflag:$0x2] =	stream.linear.gather [hbm4b:s2+s31], $0x80, $0x38;
	[tilespmem:$0x18000] =	vst v63  }
0x6ba: {  	s20 =	sadd.s32 $0x500, s14;
	s21 =	sshll.u32 s6, $0x4;
	v39 =	vsel vm6, $0x0, v23;
	(xrf0) =	vmax.scan.msk.u32 $0xffff, v5;
	s1 =	sadd.s32 s26, s18;
	v40, _, _ =	vpop (xrf0)  }
0x6bb: {  	v42 =	vsel vm7, $0x0, v23;
	v41 =	vxor.u32 $0x80000000, v39;
	(v2sf) =	vpush v40, $0xF;
	[tilespmem:s20], [sflag:$0x2] =	stream.linear.gather [hbm4b:s1+s31], $0x80, $0x38;
	[tilespmem:$0x18000] =	vst v63  }
0x6bc: {  	s22 =	sadd.s32 $0x580, s14;
	v44 =	vxor.u32 $0x80000000, v42;
	(xrf0) =	vmax.scan.msk.u32 $0xffff, v41;
	s1 =	sand.u32 $0x1FFFFFF0, s21  }
0x6bd: {  	s30 =	sadd.s32 $0x680, s14;
	s23 =	sshll.u32 s8, $0x4;
	v43 =	vsel vm8, $0x0, v23;
	(v2sf) =	vpush v34, $0xF;
	v47, _, _ =	vpop (xrf0);
	(xrf0) =	vmax.scan.msk.u32 $0xffff, v44;
	s1 =	sadd.s32 s26, s1  }
0x6be: {  	v46 =	vsel vm9, $0x0, v23;
	v45 =	vxor.u32 $0x80000000, v43;
	(v2sf) =	vpush v36, $0xF;
	[tilespmem:s22], [sflag:$0x2] =	stream.linear.gather [hbm4b:s1+s31], $0x80, $0x38;
	[tilespmem:$0x18000] =	vst v63  }
0x6bf: {  	s24 =	sshll.u32 s7, $0x4;
	s25 =	sshll.u32 s28, $0x4;
	v2 =	vxor.u32 $0x80000000, v46;
	(xrf0) =	vmax.scan.msk.u32 $0xffff, v45;
	(v2sf) =	vpush v38, $0xF;
	s1 =	sand.u32 $0x1FFFFFF0, s23  }
0x6c0: {  	s28 =	sadd.s32 $0x600, s14;
	v48 =	vsel vm10, $0x0, v23;
	s2 =	sand.u32 $0x1FFFFFF0, s24;
	v50, _, _ =	vpop (xrf0);
	(xrf0) =	vmax.scan.msk.u32 $0xffff, v2;
	(v2sf) =	vpush v47, $0xF;
	s1 =	sadd.s32 s26, s1  }
0x6c1: {  	v49 =	vxor.u32 $0x80000000, v48;
	v52, _, _ =	vpop (xrf0);
	(v2sf) =	vpush v50, $0xF;
	[tilespmem:s28], [sflag:$0x2] =	stream.linear.gather [hbm4b:s1+s31], $0x80, $0x38;
	[tilespmem:$0x18000] =	vst v63  }
0x6c2: {  	s29 =	sshll.u32 s29, $0x4;
	v51 =	vsel vm11, $0x0, v23;
	s3 =	sand.u32 $0x1FFFFFF0, s25;
	s2 =	sadd.s32 s26, s2;
	(xrf0) =	vmax.scan.msk.u32 $0xffff, v49;
	v54, _, _ =	vpop (xrf0)  }
0x6c3: {  	v53 =	vxor.u32 $0x80000000, v51;
	(v2sf) =	vpush v54, $0xF;
	[tilespmem:s30], [sflag:$0x2] =	stream.linear.gather [hbm4b:s2+s31], $0x80, $0x38;
	[tilespmem:$0x18000] =	vst v63  }
0x6c4: {  	s5 =	sadd.s32 $0x700, s14;
	v55 =	vsel vm12, $0x0, v23;
	s3 =	sadd.s32 s26, s3;
	(xrf0) =	vmax.scan.msk.u32 $0xffff, v53;
	s1 =	sand.u32 $0x1FFFFFF0, s29;
	v57, _, _ =	vpop (xrf0)  }
0x6c5: {  	v56 =	vxor.u32 $0x80000000, v55;
	v58, _, _ =	vpop (xrf0);
	(v2sf) =	vpush v57, $0xF;
	[tilespmem:s5], [sflag:$0x2] =	stream.linear.gather [hbm4b:s3+s31], $0x80, $0x38;
	[tilespmem:$0x18000] =	vst v63  }
0x6c6: {  	s6 =	sadd.s32 $0x780, s14;
	v0 =	vsel vm13, $0x0, v23;
	(xrf0) =	vmax.scan.msk.u32 $0xffff, v56;
	s1 =	sadd.s32 s26, s1;
	(v2sf) =	vpush v58, $0xF;
	s7 =	spop (v2sf)  }
0x6c7: {  	v0 =	vxor.u32 $0x80000000, v0;
	v59, _, _ =	vpop (xrf0);
	[tilespmem:s6], [sflag:$0x2] =	stream.linear.gather [hbm4b:s1+s31], $0x80, $0x38;
	[tilespmem:$0x18000] =	vst v63  }
0x6c8: {  	(xrf0) =	vmax.scan.msk.u32 $0xffff, v0;
	v60, _, _ =	vpop (xrf0);
	(v2sf) =	vpush v59, $0xF;
	s1 =	sshll.u32 s7, $0x4  }
0x6c9: {  	(v2sf) =	vpush v60, $0xF;
	s1 =	sand.u32 $0x1FFFFFF0, s1  }
0x6ca: {  	v61, _, _ =	vpop (xrf0);
	s1 =	sadd.s32 s26, s1;
	s9 =	spop (v2sf)  }
0x6cb: {  	(v2sf) =	vpush v61, $0xF;
	[tilespmem:s0], [sflag:$0x2] =	stream.linear.gather [hbm4b:s1+s31], $0x80, $0x38;
	[tilespmem:$0x18000] =	vst v63  }
0x6cc: {  	s10 =	sadd.s32 $0x180, s0;
	s8 =	sadd.s32 $0x100, s0;
	v62, _, _ =	vpop (xrf0);
	s11 =	spop (v2sf)  }
0x6cd: {  	s12 =	sadd.s32 $0x80, s0;
	s29 =	sadd.s32 $0x200, s0;
	(v2sf) =	vpush v62, $0xF;
	s13 =	spop (v2sf)  }
0x6ce: {  	v63, _, _ =	vpop (xrf0);
	s3 =	sshll.u32 s9, $0x4;
	s5 =	sshll.u32 s11, $0x4;
	s14 =	spop (v2sf)  }
0x6cf: {  	(v2sf) =	vpush v63, $0xF;
	s5 =	sand.u32 $0x1FFFFFF0, s5;
	s7 =	sshll.u32 s13, $0x4;
	s15 =	spop (v2sf)  }
0x6d0: {  	(v2sf) =	vpush v52, $0xF;
	s16 =	sand.u32 $0x1FFFFFF0, s7;
	s5 =	sadd.s32 s26, s5;
	s17 =	spop (v2sf)  }
0x6d1: {  	[tilespmem:s12], [sflag:$0x2] =	stream.linear.gather [hbm4b:s5+s31], $0x80, $0x38;
	[tilespmem:$0x18000] =	vst v63  }
0x6d2: {  	s20 =	sshll.u32 s14, $0x4;
	s1 =	sadd.s32 s26, s16;
	s18 =	spop (v2sf)  }
0x6d3: {  	[tilespmem:s8], [sflag:$0x2] =	stream.linear.gather [hbm4b:s1+s31], $0x80, $0x38;
	[tilespmem:$0x18000] =	vst v63  }
0x6d4: {  	s19 =	sand.u32 $0x1FFFFFF0, s3;
	s2 =	sand.u32 $0x1FFFFFF0, s20;
	s21 =	spop (v2sf)  }
0x6d5: {  	s22 =	sshll.u32 s15, $0x4;
	s2 =	sadd.s32 s26, s2;
	s23 =	spop (v2sf)  }
0x6d6: {  	[tilespmem:s10], [sflag:$0x2] =	stream.linear.gather [hbm4b:s2+s31], $0x80, $0x38;
	[tilespmem:$0x18000] =	vst v63  }
0x6d7: {  	s11 =	sadd.s32 $0x280, s0;
	s6 =	sand.u32 $0x1FFFFFF0, s22;
	s24 =	spop (v2sf)  }
0x6d8: {  	s7 =	sshll.u32 s17, $0x4;
	s1 =	sadd.s32 s26, s19;
	s25 =	spop (v2sf)  }
0x6d9: {  	[tilespmem:s29], [sflag:$0x2] =	stream.linear.gather [hbm4b:s1+s31], $0x80, $0x38;
	[tilespmem:$0x18000] =	vst v63  }
0x6da: {  	s7 =	sand.u32 $0x1FFFFFF0, s7;
	s6 =	sadd.s32 s26, s6;
	s28 =	spop (v2sf)  }
0x6db: {  	[tilespmem:s11], [sflag:$0x2] =	stream.linear.gather [hbm4b:s6+s31], $0x80, $0x38;
	[tilespmem:$0x18000] =	vst v63  }
0x6dc: {  	s14 =	sadd.s32 $0x300, s0;
	s13 =	sadd.s32 s26, s7;
	s30 =	spop (v2sf)  }
0x6dd: {  	[tilespmem:s14], [sflag:$0x2] =	stream.linear.gather [hbm4b:s13+s31], $0x80, $0x38;
	[tilespmem:$0x18000] =	vst v63  }
0x6de: {  	s12 =	spop (v2sf)  }
0x6df: {  	s15 =	spop (v2sf)  }
0x6e0: {  	s6 =	sshll.u32 s15, $0x4  }
0x6e1: {  	s16 =	sadd.s32 $0x380, s0;
	s5 =	sshll.u32 s18, $0x4;
	s6 =	sand.u32 $0x1FFFFFF0, s6  }
0x6e2: {  	s5 =	sand.u32 $0x1FFFFFF0, s5;
	s3 =	sshll.u32 s21, $0x4;
	s6 =	sadd.s32 s26, s6  }
0x6e3: {  	[tilespmem:s16], [sflag:$0x2] =	stream.linear.gather [hbm4b:s6+s31], $0x80, $0x38;
	[tilespmem:$0x18000] =	vst v63  }
0x6e4: {  	s17 =	sadd.s32 $0x400, s0;
	s5 =	sadd.s32 s26, s5;
	s3 =	sand.u32 $0x1FFFFFF0, s3  }
0x6e5: {  	[tilespmem:s17], [sflag:$0x2] =	stream.linear.gather [hbm4b:s5+s31], $0x80, $0x38;
	[tilespmem:$0x18000] =	vst v63  }
0x6e6: {  	s18 =	sadd.s32 $0x480, s0;
	s19 =	sshll.u32 s23, $0x4;
	s3 =	sadd.s32 s26, s3  }
0x6e7: {  	[tilespmem:s18], [sflag:$0x2] =	stream.linear.gather [hbm4b:s3+s31], $0x80, $0x38;
	[tilespmem:$0x18000] =	vst v63  }
0x6e8: {  	s3 =	sand.u32 $0x1FFFFFF0, s19  }
0x6e9: {  	s20 =	sadd.s32 $0x500, s0;
	s21 =	sshll.u32 s24, $0x4;
	s3 =	sadd.s32 s26, s3  }
0x6ea: {  	[tilespmem:s20], [sflag:$0x2] =	stream.linear.gather [hbm4b:s3+s31], $0x80, $0x38;
	[tilespmem:$0x18000] =	vst v63  }
0x6eb: {  	s3 =	sand.u32 $0x1FFFFFF0, s21  }
0x6ec: {  	s22 =	sadd.s32 $0x580, s0;
	s23 =	sshll.u32 s25, $0x4;
	s3 =	sadd.s32 s26, s3  }
0x6ed: {  	[tilespmem:s22], [sflag:$0x2] =	stream.linear.gather [hbm4b:s3+s31], $0x80, $0x38;
	[tilespmem:$0x18000] =	vst v63  }
0x6ee: {  	s24 =	sadd.s32 $0x600, s0;
	s2 =	sshll.u32 s28, $0x4;
	s3 =	sand.u32 $0x1FFFFFF0, s23  }
0x6ef: {  	s2 =	sand.u32 $0x1FFFFFF0, s2;
	s1 =	sshll.u32 s30, $0x4;
	s3 =	sadd.s32 s26, s3  }
0x6f0: {  	[tilespmem:s24], [sflag:$0x2] =	stream.linear.gather [hbm4b:s3+s31], $0x80, $0x38;
	[tilespmem:$0x18000] =	vst v63  }
0x6f1: {  	s25 =	sadd.s32 $0x680, s0;
	s2 =	sadd.s32 s26, s2;
	s1 =	sand.u32 $0x1FFFFFF0, s1  }
0x6f2: {  	[tilespmem:s25], [sflag:$0x2] =	stream.linear.gather [hbm4b:s2+s31], $0x80, $0x38;
	[tilespmem:$0x18000] =	vst v63  }
0x6f3: {  	s28 =	sadd.s32 $0x700, s0;
	s29 =	sshll.u32 s12, $0x4;
	s1 =	sadd.s32 s26, s1  }
0x6f4: {  	[tilespmem:s28], [sflag:$0x2] =	stream.linear.gather [hbm4b:s1+s31], $0x80, $0x38;
	[tilespmem:$0x18000] =	vst v63  }
0x6f5: {  	s1 =	sand.u32 $0x1FFFFFF0, s29  }
0x6f6: {  	s30 =	sadd.s32 $0x780, s0;
	s1 =	sadd.s32 s26, s1  }
0x6f7: {  	[tilespmem:s30], [sflag:$0x2] =	stream.linear.gather [hbm4b:s1+s31], $0x80, $0x38;
	[tilespmem:$0x18000] =	vst v63  }
0x6f8: {  	s20 =	sld [smem:$0x7DF]  }
0x6f9: {  	s12 =	sld [smem:$0x7E0]  }
0x6fa: {  	s13 =	sld [smem:$0x7E1]  }
.Ltmp12:
0x6fb: {  	s14 =	sld [smem:$0x7E2];
	(pc) =	sbr.rel .LBB2_18-.Ltmp12, $4  }
0x6fc: {  	s22 =	sld [smem:$0x7E3]  }
0x6fd: {  	s15 =	sld [smem:$0x7E4]  }
0x6fe: {  	s16 =	sld [smem:$0x7E5]  }
0x6ff: {  	s8 =	sld [smem:$0x7D5]  }
.LBB2_20:
0x700: {  	_ =	sfence.sel $0x180000  }
0x701: {  	[bflag:$0x0] =	sbarrier.arrive $0xFFFF  }
0x702: {  	_ =	strace $0x90000047  }
0x703: {  	s0 =	stileid.u32;
	[bflag:$0x2] =	sbarrier.arrive $0xFFFF  }
0x704: {  	p0 =	sne.s32 s0, $0x0;
	s0 =	rddreg [dreg:$0x2]  }
0x705: {  	s0 =	sadd.s32 @!p0 $0x100000, s0  }
0x706: {  	[sflag:s0] =	ssyncadd.tile.s32 @!p0 $0x1;
	_ =	shalt  }
.Lfunc_end2:
_tile_overlayer_lowered:
.L_overlay_start_2:
0x707: {  	(tag) =	ssettag $0x2  }
0x708: {  	s0 =	rddreg [dreg:$0x0];
	s2 =	stileid.u32  }
0x709: {  	s1 =	rddreg [dreg:$0x1];
	p0 =	sne.s32 s2, $0x0  }
0x70a: {  	s3 =	rddreg [dreg:$0x2];
	[bflag:$0x3] =	sbarrier.arrive $0xFFFF;
	s2 =	simm.s32 @!p0 $0x1C05  }
0x70b: {  	[timem:s3], [sflag:s2] =	dma.local @!p0 [hbm:s0], s1  }
0x70c: {  	s0 =	simm.s32 @!p0 $0x5  }
0x70d: {  	_ =	swait.ge @!p0 [sflag:s0], s1  }
0x70e: {  	s1 =	ssub.s32 @!p0 $0x0, s1;
	[sflag:s0] =	ssyncset.done @!p0 $0x0  }
0x70f: {  	[sflag:s0] =	ssyncadd.s32 @!p0 s1  }
0x710: {  	[bflag:$0x3] =	sbarrier.arrive $0xFFFF  }
0x711: {  	_ =	shalt  }

</sc_bundles>
